<compile_context>
chip_gen: v7x
topology: tpu7x:2x2x1
jax: 0.10.2.dev20260603
libtpu: 0.0.44.dev20260713+nightly
codegen_flags: <defaults>
</compile_context>

<pallas_src>
import functools

import jax
import jax.numpy as jnp
from jax import lax
from jax.experimental import pallas as pl
from jax.experimental.pallas import tpu as pltpu
from jax.experimental.pallas import tpu_sc as plsc

B = 16384
D = 128
NC = 2
NS = 16
NW = NC * NS
RPW = B // NW
CH = 64
NCHUNK = RPW // CH


def _rsqrt_newton(x):
    i = plsc.bitcast(x, jnp.int32)
    i = jnp.int32(0x5F3759DF) - (i >> 1)
    y = plsc.bitcast(i, jnp.float32)
    for _ in range(3):
        y = y * (1.5 - 0.5 * x * y * y)
    return y


def _make_kernel():
    mesh = plsc.VectorSubcoreMesh(core_axis_name="c", subcore_axis_name="s")

    @functools.partial(
        pl.kernel,
        mesh=mesh,
        out_type=jax.ShapeDtypeStruct((NW, 16), jnp.float32),
        compiler_params=pltpu.CompilerParams(needs_layout_passes=False),
        scratch_types=[
            pltpu.VMEM((NCHUNK, CH), jnp.int32),
            pltpu.VMEM((CH, D), jnp.float32),
            pltpu.VMEM((CH, D), jnp.float32),
            pltpu.VMEM((CH, D), jnp.float32),
            pltpu.VMEM((CH, D), jnp.float32),
            pltpu.VMEM((16,), jnp.float32),
            pltpu.SemaphoreType.DMA,
            pltpu.SemaphoreType.DMA,
            pltpu.SemaphoreType.DMA,
            pltpu.SemaphoreType.DMA,
            pltpu.SemaphoreType.DMA,
        ],
    )
    def center_loss(feat_h, lab_h, cen_h, out_h,
                    idx_all, f0, f1, r0, r1, acc_v,
                    sg0, sg1, sf0, sf1, sl):
        wid = lax.axis_index("s") * NC + lax.axis_index("c")
        base = wid * RPW
        zero16 = jnp.zeros((16,), jnp.float32)
        lane = lax.iota(jnp.int32, 16)

        def start(ci, feat_v, rows_v, sg, sf):
            rbase = base + ci * CH
            pltpu.async_copy(cen_h.at[idx_all.at[ci]], rows_v, sg)
            pltpu.async_copy(feat_h.at[pl.ds(rbase, CH)], feat_v, sf)

        def wait_chunk(feat_v, rows_v, sg, sf):
            pltpu.make_async_copy(cen_h.at[idx_all.at[0]], rows_v, sg).wait()
            pltpu.make_async_copy(feat_h.at[pl.ds(base, CH)], feat_v, sf).wait()

        def compute(feat_v, rows_v, loss16, cc16):
            def grp(gi, carry):
                l16, cc = carry
                row0 = gi * 16
                ff16 = zero16
                fc16 = zero16
                ccp = [None, None, None, None]
                for p in range(16):
                    rr = row0 + p
                    ff = None
                    fc = None
                    for k in range(D // 16):
                        fv = feat_v[rr, pl.ds(k * 16, 16)]
                        cv = rows_v[rr, pl.ds(k * 16, 16)]
                        ff = fv * fv if ff is None else ff + fv * fv
                        fc = fv * cv if fc is None else fc + fv * cv
                        q = k % 4
                        ccp[q] = (cv * cv if ccp[q] is None
                                  else ccp[q] + cv * cv)
                    sel = lane == p
                    ff16 = jnp.where(sel, jnp.sum(ff), ff16)
                    fc16 = jnp.where(sel, jnp.sum(fc), fc16)
                cc = cc + (ccp[0] + ccp[1]) + (ccp[2] + ccp[3])
                inv = jnp.minimum(_rsqrt_newton(ff16), 1e12)
                return l16 + ff16 * inv * inv - 2.0 * fc16 * inv, cc

            return lax.fori_loop(0, CH // 16, grp, (loss16, cc16))

        for ci in range(NCHUNK):
            pltpu.async_copy(
                lab_h.at[pl.ds(base + ci * CH, CH)], idx_all.at[ci], sl)
        for ci in range(NCHUNK):
            pltpu.make_async_copy(
                lab_h.at[pl.ds(base, CH)], idx_all.at[0], sl).wait()
        start(0, f0, r0, sg0, sf0)

        def pair(j, carry):
            l16, cc = carry
            start(2 * j + 1, f1, r1, sg1, sf1)
            wait_chunk(f0, r0, sg0, sf0)
            l16, cc = compute(f0, r0, l16, cc)

            @pl.when(j < (NCHUNK // 2) - 1)
            def _():
                start(2 * j + 2, f0, r0, sg0, sf0)

            wait_chunk(f1, r1, sg1, sf1)
            l16, cc = compute(f1, r1, l16, cc)
            return l16, cc

        loss16, cc16 = lax.fori_loop(0, NCHUNK // 2, pair, (zero16, zero16))
        acc_v[...] = (loss16 + cc16) * (0.5 / B)
        pltpu.sync_copy(acc_v, out_h.at[wid])

    return center_loss


_center_loss = _make_kernel()


@jax.jit
def kernel(features, labels, centers):
    partials = _center_loss(features, labels.astype(jnp.int32), centers)
    return jnp.sum(partials)

# --- scband reference (transcript-rebuilt; emitter-appended) ---
"""Pipeline reference for scband-center-loss-net-49228915147112 (READ-ONLY COPY).

The authoritative reference and input builder live on the scoring server;
editing this copy changes nothing except your own understanding.
"""

import jax, jax.numpy as jnp
import numpy as np

B = 16384
CLS = 100000
D = 128

def setup_inputs(seed: int = 0) -> dict:
    key = jax.random.key(seed)
    k1, k2, k3 = jax.random.split(key, 3)
    features = jax.random.normal(k1, (B, D), dtype=jnp.float32)
    labels = jax.random.randint(k2, (B,), 0, CLS, dtype=jnp.int64 if jax.config.jax_enable_x64 else jnp.int32)
    centers = jax.random.normal(k3, (CLS, D), dtype=jnp.float32)
    return {"features": features, "labels": labels, "centers": centers}

def reference(features, labels, centers):
    # torch F.normalize: x / max(||x||_2, eps), eps=1e-12, along dim=1
    norm = jnp.linalg.norm(features, axis=1, keepdims=True)
    _features = features / jnp.maximum(norm, 1e-12)
    # centers.index_select(0, labels) -> gather rows (SparseCore-friendly)
    centers_batch = jnp.take(centers, labels, axis=0)
    # reduction='mean'
    return jnp.sum(jnp.square(_features - centers_batch)) / 2.0 / features.shape[0]

if __name__ == "__main__":
    import jax
    _d = setup_inputs()
    print(jax.jit(kernel)(*tuple(_d.values())))

</pallas_src>

<mosaic_0001>
#map = affine_map<(d0, d1) -> (0, 0)>
#map1 = affine_map<(d0, d1) -> (0)>
module attributes {stable_mosaic.version = 14 : i64} {
  func.func @center_loss(%arg0: i32, %arg1: i32, %arg2: memref<16384x128xf32, #tpu.memory_space<hbm>>, %arg3: memref<16384xi32, #tpu.memory_space<hbm>>, %arg4: memref<100000x128xf32, #tpu.memory_space<hbm>>, %arg5: memref<32x16xf32, #tpu.memory_space<hbm>>, %arg6: memref<8x64xi32, #tpu.memory_space<vmem>>, %arg7: memref<64x128xf32, #tpu.memory_space<vmem>>, %arg8: memref<64x128xf32, #tpu.memory_space<vmem>>, %arg9: memref<64x128xf32, #tpu.memory_space<vmem>>, %arg10: memref<64x128xf32, #tpu.memory_space<vmem>>, %arg11: memref<16xf32, #tpu.memory_space<vmem>>, %arg12: memref<!tpu.dma_semaphore, #tpu.memory_space<semaphore_mem>>, %arg13: memref<!tpu.dma_semaphore, #tpu.memory_space<semaphore_mem>>, %arg14: memref<!tpu.dma_semaphore, #tpu.memory_space<semaphore_mem>>, %arg15: memref<!tpu.dma_semaphore, #tpu.memory_space<semaphore_mem>>, %arg16: memref<!tpu.dma_semaphore, #tpu.memory_space<semaphore_mem>>) attributes {dimension_semantics = [#tpu.dimension_semantics<core_parallel>, #tpu.dimension_semantics<subcore_parallel>], iteration_bounds = array<i64: 2, 16>, scalar_prefetch = 0 : i64, scratch_operands = 11 : i64, tpu.core_type = #tpu.core_type<sc_vector_subcore>, window_params = [{transform_indices = #map}, {transform_indices = #map1}, {transform_indices = #map}, {transform_indices = #map}]} {
    %mul3A = arith.constant 2 : i32
    %mul3A_0 = arith.muli %arg1, %mul3A : i32
    %add3A = arith.addi %mul3A_0, %arg0 : i32
    %mul3A_1 = arith.constant 512 : i32
    %mul3A_2 = arith.muli %add3A, %mul3A_1 : i32
    %broadcast_in_dim3A = arith.constant 0.000000e+00 : f32
    %broadcast_in_dim3A_3 = vector.broadcast %broadcast_in_dim3A : f32 to vector<16xf32>
    %iota3A = tpu.iota {dimensions = array<i32: 0>} : vector<16xi32>
    %add3A_4 = arith.constant 0 : i32
    %add3A_5 = arith.addi %mul3A_2, %add3A_4 : i32
    %dma_start3A = arith.constant 0 : i32
    %dma_start3A_6 = arith.constant 0 : i32
    %dma_start3A_7 = tpu.memref_slice %arg6[%dma_start3A, %dma_start3A_6] : memref<8x64xi32, #tpu.memory_space<vmem>> -> memref<1x64xi32, #tpu.memory_space<vmem>>
    %dma_start3A_8 = tpu.memref_squeeze %dma_start3A_7 : memref<1x64xi32, #tpu.memory_space<vmem>> -> memref<64xi32, #tpu.memory_space<vmem>>
    %dma_start3A_9 = tpu.memref_slice %arg3[%add3A_5] : memref<16384xi32, #tpu.memory_space<hbm>> -> memref<64xi32, #tpu.memory_space<hbm>>
    %dma_start3A_10 = arith.constant 0 : i32
    %dma_start3A_11 = tpu.memref_slice %arg6[%dma_start3A, %dma_start3A_10] : memref<8x64xi32, #tpu.memory_space<vmem>> -> memref<1x64xi32, #tpu.memory_space<vmem>>
    %dma_start3A_12 = tpu.memref_squeeze %dma_start3A_11 : memref<1x64xi32, #tpu.memory_space<vmem>> -> memref<64xi32, #tpu.memory_space<vmem>>
    %dma_start3A_13 = tpu.memref_slice %arg3[%add3A_5] : memref<16384xi32, #tpu.memory_space<hbm>> -> memref<64xi32, #tpu.memory_space<hbm>>
    tpu.enqueue_dma source(%dma_start3A_13 : memref<64xi32, #tpu.memory_space<hbm>>) target(%dma_start3A_12 : memref<64xi32, #tpu.memory_space<vmem>>) target_semaphore(%arg16 : memref<!tpu.dma_semaphore, #tpu.memory_space<semaphore_mem>>)
    %add3A_14 = arith.constant 64 : i32
    %add3A_15 = arith.addi %mul3A_2, %add3A_14 : i32
    %dma_start3A_16 = arith.constant 1 : i32
    %dma_start3A_17 = arith.constant 0 : i32
    %dma_start3A_18 = tpu.memref_slice %arg6[%dma_start3A_16, %dma_start3A_17] : memref<8x64xi32, #tpu.memory_space<vmem>> -> memref<1x64xi32, #tpu.memory_space<vmem>>
    %dma_start3A_19 = tpu.memref_squeeze %dma_start3A_18 : memref<1x64xi32, #tpu.memory_space<vmem>> -> memref<64xi32, #tpu.memory_space<vmem>>
    %dma_start3A_20 = tpu.memref_slice %arg3[%add3A_15] : memref<16384xi32, #tpu.memory_space<hbm>> -> memref<64xi32, #tpu.memory_space<hbm>>
    %dma_start3A_21 = arith.constant 0 : i32
    %dma_start3A_22 = tpu.memref_slice %arg6[%dma_start3A_16, %dma_start3A_21] : memref<8x64xi32, #tpu.memory_space<vmem>> -> memref<1x64xi32, #tpu.memory_space<vmem>>
    %dma_start3A_23 = tpu.memref_squeeze %dma_start3A_22 : memref<1x64xi32, #tpu.memory_space<vmem>> -> memref<64xi32, #tpu.memory_space<vmem>>
    %dma_start3A_24 = tpu.memref_slice %arg3[%add3A_15] : memref<16384xi32, #tpu.memory_space<hbm>> -> memref<64xi32, #tpu.memory_space<hbm>>
    tpu.enqueue_dma source(%dma_start3A_24 : memref<64xi32, #tpu.memory_space<hbm>>) target(%dma_start3A_23 : memref<64xi32, #tpu.memory_space<vmem>>) target_semaphore(%arg16 : memref<!tpu.dma_semaphore, #tpu.memory_space<semaphore_mem>>)
    %add3A_25 = arith.constant 128 : i32
    %add3A_26 = arith.addi %mul3A_2, %add3A_25 : i32
    %dma_start3A_27 = arith.constant 2 : i32
    %dma_start3A_28 = arith.constant 0 : i32
    %dma_start3A_29 = tpu.memref_slice %arg6[%dma_start3A_27, %dma_start3A_28] : memref<8x64xi32, #tpu.memory_space<vmem>> -> memref<1x64xi32, #tpu.memory_space<vmem>>
    %dma_start3A_30 = tpu.memref_squeeze %dma_start3A_29 : memref<1x64xi32, #tpu.memory_space<vmem>> -> memref<64xi32, #tpu.memory_space<vmem>>
    %dma_start3A_31 = tpu.memref_slice %arg3[%add3A_26] : memref<16384xi32, #tpu.memory_space<hbm>> -> memref<64xi32, #tpu.memory_space<hbm>>
    %dma_start3A_32 = arith.constant 0 : i32
    %dma_start3A_33 = tpu.memref_slice %arg6[%dma_start3A_27, %dma_start3A_32] : memref<8x64xi32, #tpu.memory_space<vmem>> -> memref<1x64xi32, #tpu.memory_space<vmem>>
    %dma_start3A_34 = tpu.memref_squeeze %dma_start3A_33 : memref<1x64xi32, #tpu.memory_space<vmem>> -> memref<64xi32, #tpu.memory_space<vmem>>
    %dma_start3A_35 = tpu.memref_slice %arg3[%add3A_26] : memref<16384xi32, #tpu.memory_space<hbm>> -> memref<64xi32, #tpu.memory_space<hbm>>
    tpu.enqueue_dma source(%dma_start3A_35 : memref<64xi32, #tpu.memory_space<hbm>>) target(%dma_start3A_34 : memref<64xi32, #tpu.memory_space<vmem>>) target_semaphore(%arg16 : memref<!tpu.dma_semaphore, #tpu.memory_space<semaphore_mem>>)
    %add3A_36 = arith.constant 192 : i32
    %add3A_37 = arith.addi %mul3A_2, %add3A_36 : i32
    %dma_start3A_38 = arith.constant 3 : i32
    %dma_start3A_39 = arith.constant 0 : i32
    %dma_start3A_40 = tpu.memref_slice %arg6[%dma_start3A_38, %dma_start3A_39] : memref<8x64xi32, #tpu.memory_space<vmem>> -> memref<1x64xi32, #tpu.memory_space<vmem>>
    %dma_start3A_41 = tpu.memref_squeeze %dma_start3A_40 : memref<1x64xi32, #tpu.memory_space<vmem>> -> memref<64xi32, #tpu.memory_space<vmem>>
    %dma_start3A_42 = tpu.memref_slice %arg3[%add3A_37] : memref<16384xi32, #tpu.memory_space<hbm>> -> memref<64xi32, #tpu.memory_space<hbm>>
    %dma_start3A_43 = arith.constant 0 : i32
    %dma_start3A_44 = tpu.memref_slice %arg6[%dma_start3A_38, %dma_start3A_43] : memref<8x64xi32, #tpu.memory_space<vmem>> -> memref<1x64xi32, #tpu.memory_space<vmem>>
    %dma_start3A_45 = tpu.memref_squeeze %dma_start3A_44 : memref<1x64xi32, #tpu.memory_space<vmem>> -> memref<64xi32, #tpu.memory_space<vmem>>
    %dma_start3A_46 = tpu.memref_slice %arg3[%add3A_37] : memref<16384xi32, #tpu.memory_space<hbm>> -> memref<64xi32, #tpu.memory_space<hbm>>
    tpu.enqueue_dma source(%dma_start3A_46 : memref<64xi32, #tpu.memory_space<hbm>>) target(%dma_start3A_45 : memref<64xi32, #tpu.memory_space<vmem>>) target_semaphore(%arg16 : memref<!tpu.dma_semaphore, #tpu.memory_space<semaphore_mem>>)
    %add3A_47 = arith.constant 256 : i32
    %add3A_48 = arith.addi %mul3A_2, %add3A_47 : i32
    %dma_start3A_49 = arith.constant 4 : i32
    %dma_start3A_50 = arith.constant 0 : i32
    %dma_start3A_51 = tpu.memref_slice %arg6[%dma_start3A_49, %dma_start3A_50] : memref<8x64xi32, #tpu.memory_space<vmem>> -> memref<1x64xi32, #tpu.memory_space<vmem>>
    %dma_start3A_52 = tpu.memref_squeeze %dma_start3A_51 : memref<1x64xi32, #tpu.memory_space<vmem>> -> memref<64xi32, #tpu.memory_space<vmem>>
    %dma_start3A_53 = tpu.memref_slice %arg3[%add3A_48] : memref<16384xi32, #tpu.memory_space<hbm>> -> memref<64xi32, #tpu.memory_space<hbm>>
    %dma_start3A_54 = arith.constant 0 : i32
    %dma_start3A_55 = tpu.memref_slice %arg6[%dma_start3A_49, %dma_start3A_54] : memref<8x64xi32, #tpu.memory_space<vmem>> -> memref<1x64xi32, #tpu.memory_space<vmem>>
    %dma_start3A_56 = tpu.memref_squeeze %dma_start3A_55 : memref<1x64xi32, #tpu.memory_space<vmem>> -> memref<64xi32, #tpu.memory_space<vmem>>
    %dma_start3A_57 = tpu.memref_slice %arg3[%add3A_48] : memref<16384xi32, #tpu.memory_space<hbm>> -> memref<64xi32, #tpu.memory_space<hbm>>
    tpu.enqueue_dma source(%dma_start3A_57 : memref<64xi32, #tpu.memory_space<hbm>>) target(%dma_start3A_56 : memref<64xi32, #tpu.memory_space<vmem>>) target_semaphore(%arg16 : memref<!tpu.dma_semaphore, #tpu.memory_space<semaphore_mem>>)
    %add3A_58 = arith.constant 320 : i32
    %add3A_59 = arith.addi %mul3A_2, %add3A_58 : i32
    %dma_start3A_60 = arith.constant 5 : i32
    %dma_start3A_61 = arith.constant 0 : i32
    %dma_start3A_62 = tpu.memref_slice %arg6[%dma_start3A_60, %dma_start3A_61] : memref<8x64xi32, #tpu.memory_space<vmem>> -> memref<1x64xi32, #tpu.memory_space<vmem>>
    %dma_start3A_63 = tpu.memref_squeeze %dma_start3A_62 : memref<1x64xi32, #tpu.memory_space<vmem>> -> memref<64xi32, #tpu.memory_space<vmem>>
    %dma_start3A_64 = tpu.memref_slice %arg3[%add3A_59] : memref<16384xi32, #tpu.memory_space<hbm>> -> memref<64xi32, #tpu.memory_space<hbm>>
    %dma_start3A_65 = arith.constant 0 : i32
    %dma_start3A_66 = tpu.memref_slice %arg6[%dma_start3A_60, %dma_start3A_65] : memref<8x64xi32, #tpu.memory_space<vmem>> -> memref<1x64xi32, #tpu.memory_space<vmem>>
    %dma_start3A_67 = tpu.memref_squeeze %dma_start3A_66 : memref<1x64xi32, #tpu.memory_space<vmem>> -> memref<64xi32, #tpu.memory_space<vmem>>
    %dma_start3A_68 = tpu.memref_slice %arg3[%add3A_59] : memref<16384xi32, #tpu.memory_space<hbm>> -> memref<64xi32, #tpu.memory_space<hbm>>
    tpu.enqueue_dma source(%dma_start3A_68 : memref<64xi32, #tpu.memory_space<hbm>>) target(%dma_start3A_67 : memref<64xi32, #tpu.memory_space<vmem>>) target_semaphore(%arg16 : memref<!tpu.dma_semaphore, #tpu.memory_space<semaphore_mem>>)
    %add3A_69 = arith.constant 384 : i32
    %add3A_70 = arith.addi %mul3A_2, %add3A_69 : i32
    %dma_start3A_71 = arith.constant 6 : i32
    %dma_start3A_72 = arith.constant 0 : i32
    %dma_start3A_73 = tpu.memref_slice %arg6[%dma_start3A_71, %dma_start3A_72] : memref<8x64xi32, #tpu.memory_space<vmem>> -> memref<1x64xi32, #tpu.memory_space<vmem>>
    %dma_start3A_74 = tpu.memref_squeeze %dma_start3A_73 : memref<1x64xi32, #tpu.memory_space<vmem>> -> memref<64xi32, #tpu.memory_space<vmem>>
    %dma_start3A_75 = tpu.memref_slice %arg3[%add3A_70] : memref<16384xi32, #tpu.memory_space<hbm>> -> memref<64xi32, #tpu.memory_space<hbm>>
    %dma_start3A_76 = arith.constant 0 : i32
    %dma_start3A_77 = tpu.memref_slice %arg6[%dma_start3A_71, %dma_start3A_76] : memref<8x64xi32, #tpu.memory_space<vmem>> -> memref<1x64xi32, #tpu.memory_space<vmem>>
    %dma_start3A_78 = tpu.memref_squeeze %dma_start3A_77 : memref<1x64xi32, #tpu.memory_space<vmem>> -> memref<64xi32, #tpu.memory_space<vmem>>
    %dma_start3A_79 = tpu.memref_slice %arg3[%add3A_70] : memref<16384xi32, #tpu.memory_space<hbm>> -> memref<64xi32, #tpu.memory_space<hbm>>
    tpu.enqueue_dma source(%dma_start3A_79 : memref<64xi32, #tpu.memory_space<hbm>>) target(%dma_start3A_78 : memref<64xi32, #tpu.memory_space<vmem>>) target_semaphore(%arg16 : memref<!tpu.dma_semaphore, #tpu.memory_space<semaphore_mem>>)
    %add3A_80 = arith.constant 448 : i32
    %add3A_81 = arith.addi %mul3A_2, %add3A_80 : i32
    %dma_start3A_82 = arith.constant 7 : i32
    %dma_start3A_83 = arith.constant 0 : i32
    %dma_start3A_84 = tpu.memref_slice %arg6[%dma_start3A_82, %dma_start3A_83] : memref<8x64xi32, #tpu.memory_space<vmem>> -> memref<1x64xi32, #tpu.memory_space<vmem>>
    %dma_start3A_85 = tpu.memref_squeeze %dma_start3A_84 : memref<1x64xi32, #tpu.memory_space<vmem>> -> memref<64xi32, #tpu.memory_space<vmem>>
    %dma_start3A_86 = tpu.memref_slice %arg3[%add3A_81] : memref<16384xi32, #tpu.memory_space<hbm>> -> memref<64xi32, #tpu.memory_space<hbm>>
    %dma_start3A_87 = arith.constant 0 : i32
    %dma_start3A_88 = tpu.memref_slice %arg6[%dma_start3A_82, %dma_start3A_87] : memref<8x64xi32, #tpu.memory_space<vmem>> -> memref<1x64xi32, #tpu.memory_space<vmem>>
    %dma_start3A_89 = tpu.memref_squeeze %dma_start3A_88 : memref<1x64xi32, #tpu.memory_space<vmem>> -> memref<64xi32, #tpu.memory_space<vmem>>
    %dma_start3A_90 = tpu.memref_slice %arg3[%add3A_81] : memref<16384xi32, #tpu.memory_space<hbm>> -> memref<64xi32, #tpu.memory_space<hbm>>
    tpu.enqueue_dma source(%dma_start3A_90 : memref<64xi32, #tpu.memory_space<hbm>>) target(%dma_start3A_89 : memref<64xi32, #tpu.memory_space<vmem>>) target_semaphore(%arg16 : memref<!tpu.dma_semaphore, #tpu.memory_space<semaphore_mem>>)
    %dma_wait3A = arith.constant 0 : i32
    %dma_wait3A_91 = arith.constant 0 : i32
    %dma_wait3A_92 = tpu.memref_slice %arg6[%dma_wait3A, %dma_wait3A_91] : memref<8x64xi32, #tpu.memory_space<vmem>> -> memref<1x64xi32, #tpu.memory_space<vmem>>
    %dma_wait3A_93 = tpu.memref_squeeze %dma_wait3A_92 : memref<1x64xi32, #tpu.memory_space<vmem>> -> memref<64xi32, #tpu.memory_space<vmem>>
    %dma_wait3A_94 = tpu.memref_slice %arg3[%mul3A_2] : memref<16384xi32, #tpu.memory_space<hbm>> -> memref<64xi32, #tpu.memory_space<hbm>>
    %dma_wait3A_95 = arith.constant 0 : i32
    %dma_wait3A_96 = tpu.memref_slice %arg6[%dma_wait3A, %dma_wait3A_95] : memref<8x64xi32, #tpu.memory_space<vmem>> -> memref<1x64xi32, #tpu.memory_space<vmem>>
    %dma_wait3A_97 = tpu.memref_squeeze %dma_wait3A_96 : memref<1x64xi32, #tpu.memory_space<vmem>> -> memref<64xi32, #tpu.memory_space<vmem>>
    %dma_wait3A_98 = tpu.memref_slice %arg3[%mul3A_2] : memref<16384xi32, #tpu.memory_space<hbm>> -> memref<64xi32, #tpu.memory_space<hbm>>
    tpu.wait_dma2 semaphore(%arg16 : memref<!tpu.dma_semaphore, #tpu.memory_space<semaphore_mem>>) src(%dma_wait3A_98 : memref<64xi32, #tpu.memory_space<hbm>>) dst(%dma_wait3A_97 : memref<64xi32, #tpu.memory_space<vmem>>)
    %dma_wait3A_99 = arith.constant 0 : i32
    %dma_wait3A_100 = arith.constant 0 : i32
    %dma_wait3A_101 = tpu.memref_slice %arg6[%dma_wait3A_99, %dma_wait3A_100] : memref<8x64xi32, #tpu.memory_space<vmem>> -> memref<1x64xi32, #tpu.memory_space<vmem>>
    %dma_wait3A_102 = tpu.memref_squeeze %dma_wait3A_101 : memref<1x64xi32, #tpu.memory_space<vmem>> -> memref<64xi32, #tpu.memory_space<vmem>>
    %dma_wait3A_103 = tpu.memref_slice %arg3[%mul3A_2] : memref<16384xi32, #tpu.memory_space<hbm>> -> memref<64xi32, #tpu.memory_space<hbm>>
    %dma_wait3A_104 = arith.constant 0 : i32
    %dma_wait3A_105 = tpu.memref_slice %arg6[%dma_wait3A_99, %dma_wait3A_104] : memref<8x64xi32, #tpu.memory_space<vmem>> -> memref<1x64xi32, #tpu.memory_space<vmem>>
    %dma_wait3A_106 = tpu.memref_squeeze %dma_wait3A_105 : memref<1x64xi32, #tpu.memory_space<vmem>> -> memref<64xi32, #tpu.memory_space<vmem>>
    %dma_wait3A_107 = tpu.memref_slice %arg3[%mul3A_2] : memref<16384xi32, #tpu.memory_space<hbm>> -> memref<64xi32, #tpu.memory_space<hbm>>
    tpu.wait_dma2 semaphore(%arg16 : memref<!tpu.dma_semaphore, #tpu.memory_space<semaphore_mem>>) src(%dma_wait3A_107 : memref<64xi32, #tpu.memory_space<hbm>>) dst(%dma_wait3A_106 : memref<64xi32, #tpu.memory_space<vmem>>)
    %dma_wait3A_108 = arith.constant 0 : i32
    %dma_wait3A_109 = arith.constant 0 : i32
    %dma_wait3A_110 = tpu.memref_slice %arg6[%dma_wait3A_108, %dma_wait3A_109] : memref<8x64xi32, #tpu.memory_space<vmem>> -> memref<1x64xi32, #tpu.memory_space<vmem>>
    %dma_wait3A_111 = tpu.memref_squeeze %dma_wait3A_110 : memref<1x64xi32, #tpu.memory_space<vmem>> -> memref<64xi32, #tpu.memory_space<vmem>>
    %dma_wait3A_112 = tpu.memref_slice %arg3[%mul3A_2] : memref<16384xi32, #tpu.memory_space<hbm>> -> memref<64xi32, #tpu.memory_space<hbm>>
    %dma_wait3A_113 = arith.constant 0 : i32
    %dma_wait3A_114 = tpu.memref_slice %arg6[%dma_wait3A_108, %dma_wait3A_113] : memref<8x64xi32, #tpu.memory_space<vmem>> -> memref<1x64xi32, #tpu.memory_space<vmem>>
    %dma_wait3A_115 = tpu.memref_squeeze %dma_wait3A_114 : memref<1x64xi32, #tpu.memory_space<vmem>> -> memref<64xi32, #tpu.memory_space<vmem>>
    %dma_wait3A_116 = tpu.memref_slice %arg3[%mul3A_2] : memref<16384xi32, #tpu.memory_space<hbm>> -> memref<64xi32, #tpu.memory_space<hbm>>
    tpu.wait_dma2 semaphore(%arg16 : memref<!tpu.dma_semaphore, #tpu.memory_space<semaphore_mem>>) src(%dma_wait3A_116 : memref<64xi32, #tpu.memory_space<hbm>>) dst(%dma_wait3A_115 : memref<64xi32, #tpu.memory_space<vmem>>)
    %dma_wait3A_117 = arith.constant 0 : i32
    %dma_wait3A_118 = arith.constant 0 : i32
    %dma_wait3A_119 = tpu.memref_slice %arg6[%dma_wait3A_117, %dma_wait3A_118] : memref<8x64xi32, #tpu.memory_space<vmem>> -> memref<1x64xi32, #tpu.memory_space<vmem>>
    %dma_wait3A_120 = tpu.memref_squeeze %dma_wait3A_119 : memref<1x64xi32, #tpu.memory_space<vmem>> -> memref<64xi32, #tpu.memory_space<vmem>>
    %dma_wait3A_121 = tpu.memref_slice %arg3[%mul3A_2] : memref<16384xi32, #tpu.memory_space<hbm>> -> memref<64xi32, #tpu.memory_space<hbm>>
    %dma_wait3A_122 = arith.constant 0 : i32
    %dma_wait3A_123 = tpu.memref_slice %arg6[%dma_wait3A_117, %dma_wait3A_122] : memref<8x64xi32, #tpu.memory_space<vmem>> -> memref<1x64xi32, #tpu.memory_space<vmem>>
    %dma_wait3A_124 = tpu.memref_squeeze %dma_wait3A_123 : memref<1x64xi32, #tpu.memory_space<vmem>> -> memref<64xi32, #tpu.memory_space<vmem>>
    %dma_wait3A_125 = tpu.memref_slice %arg3[%mul3A_2] : memref<16384xi32, #tpu.memory_space<hbm>> -> memref<64xi32, #tpu.memory_space<hbm>>
    tpu.wait_dma2 semaphore(%arg16 : memref<!tpu.dma_semaphore, #tpu.memory_space<semaphore_mem>>) src(%dma_wait3A_125 : memref<64xi32, #tpu.memory_space<hbm>>) dst(%dma_wait3A_124 : memref<64xi32, #tpu.memory_space<vmem>>)
    %dma_wait3A_126 = arith.constant 0 : i32
    %dma_wait3A_127 = arith.constant 0 : i32
    %dma_wait3A_128 = tpu.memref_slice %arg6[%dma_wait3A_126, %dma_wait3A_127] : memref<8x64xi32, #tpu.memory_space<vmem>> -> memref<1x64xi32, #tpu.memory_space<vmem>>
    %dma_wait3A_129 = tpu.memref_squeeze %dma_wait3A_128 : memref<1x64xi32, #tpu.memory_space<vmem>> -> memref<64xi32, #tpu.memory_space<vmem>>
    %dma_wait3A_130 = tpu.memref_slice %arg3[%mul3A_2] : memref<16384xi32, #tpu.memory_space<hbm>> -> memref<64xi32, #tpu.memory_space<hbm>>
    %dma_wait3A_131 = arith.constant 0 : i32
    %dma_wait3A_132 = tpu.memref_slice %arg6[%dma_wait3A_126, %dma_wait3A_131] : memref<8x64xi32, #tpu.memory_space<vmem>> -> memref<1x64xi32, #tpu.memory_space<vmem>>
    %dma_wait3A_133 = tpu.memref_squeeze %dma_wait3A_132 : memref<1x64xi32, #tpu.memory_space<vmem>> -> memref<64xi32, #tpu.memory_space<vmem>>
    %dma_wait3A_134 = tpu.memref_slice %arg3[%mul3A_2] : memref<16384xi32, #tpu.memory_space<hbm>> -> memref<64xi32, #tpu.memory_space<hbm>>
    tpu.wait_dma2 semaphore(%arg16 : memref<!tpu.dma_semaphore, #tpu.memory_space<semaphore_mem>>) src(%dma_wait3A_134 : memref<64xi32, #tpu.memory_space<hbm>>) dst(%dma_wait3A_133 : memref<64xi32, #tpu.memory_space<vmem>>)
    %dma_wait3A_135 = arith.constant 0 : i32
    %dma_wait3A_136 = arith.constant 0 : i32
    %dma_wait3A_137 = tpu.memref_slice %arg6[%dma_wait3A_135, %dma_wait3A_136] : memref<8x64xi32, #tpu.memory_space<vmem>> -> memref<1x64xi32, #tpu.memory_space<vmem>>
    %dma_wait3A_138 = tpu.memref_squeeze %dma_wait3A_137 : memref<1x64xi32, #tpu.memory_space<vmem>> -> memref<64xi32, #tpu.memory_space<vmem>>
    %dma_wait3A_139 = tpu.memref_slice %arg3[%mul3A_2] : memref<16384xi32, #tpu.memory_space<hbm>> -> memref<64xi32, #tpu.memory_space<hbm>>
    %dma_wait3A_140 = arith.constant 0 : i32
    %dma_wait3A_141 = tpu.memref_slice %arg6[%dma_wait3A_135, %dma_wait3A_140] : memref<8x64xi32, #tpu.memory_space<vmem>> -> memref<1x64xi32, #tpu.memory_space<vmem>>
    %dma_wait3A_142 = tpu.memref_squeeze %dma_wait3A_141 : memref<1x64xi32, #tpu.memory_space<vmem>> -> memref<64xi32, #tpu.memory_space<vmem>>
    %dma_wait3A_143 = tpu.memref_slice %arg3[%mul3A_2] : memref<16384xi32, #tpu.memory_space<hbm>> -> memref<64xi32, #tpu.memory_space<hbm>>
    tpu.wait_dma2 semaphore(%arg16 : memref<!tpu.dma_semaphore, #tpu.memory_space<semaphore_mem>>) src(%dma_wait3A_143 : memref<64xi32, #tpu.memory_space<hbm>>) dst(%dma_wait3A_142 : memref<64xi32, #tpu.memory_space<vmem>>)
    %dma_wait3A_144 = arith.constant 0 : i32
    %dma_wait3A_145 = arith.constant 0 : i32
    %dma_wait3A_146 = tpu.memref_slice %arg6[%dma_wait3A_144, %dma_wait3A_145] : memref<8x64xi32, #tpu.memory_space<vmem>> -> memref<1x64xi32, #tpu.memory_space<vmem>>
    %dma_wait3A_147 = tpu.memref_squeeze %dma_wait3A_146 : memref<1x64xi32, #tpu.memory_space<vmem>> -> memref<64xi32, #tpu.memory_space<vmem>>
    %dma_wait3A_148 = tpu.memref_slice %arg3[%mul3A_2] : memref<16384xi32, #tpu.memory_space<hbm>> -> memref<64xi32, #tpu.memory_space<hbm>>
    %dma_wait3A_149 = arith.constant 0 : i32
    %dma_wait3A_150 = tpu.memref_slice %arg6[%dma_wait3A_144, %dma_wait3A_149] : memref<8x64xi32, #tpu.memory_space<vmem>> -> memref<1x64xi32, #tpu.memory_space<vmem>>
    %dma_wait3A_151 = tpu.memref_squeeze %dma_wait3A_150 : memref<1x64xi32, #tpu.memory_space<vmem>> -> memref<64xi32, #tpu.memory_space<vmem>>
    %dma_wait3A_152 = tpu.memref_slice %arg3[%mul3A_2] : memref<16384xi32, #tpu.memory_space<hbm>> -> memref<64xi32, #tpu.memory_space<hbm>>
    tpu.wait_dma2 semaphore(%arg16 : memref<!tpu.dma_semaphore, #tpu.memory_space<semaphore_mem>>) src(%dma_wait3A_152 : memref<64xi32, #tpu.memory_space<hbm>>) dst(%dma_wait3A_151 : memref<64xi32, #tpu.memory_space<vmem>>)
    %dma_wait3A_153 = arith.constant 0 : i32
    %dma_wait3A_154 = arith.constant 0 : i32
    %dma_wait3A_155 = tpu.memref_slice %arg6[%dma_wait3A_153, %dma_wait3A_154] : memref<8x64xi32, #tpu.memory_space<vmem>> -> memref<1x64xi32, #tpu.memory_space<vmem>>
    %dma_wait3A_156 = tpu.memref_squeeze %dma_wait3A_155 : memref<1x64xi32, #tpu.memory_space<vmem>> -> memref<64xi32, #tpu.memory_space<vmem>>
    %dma_wait3A_157 = tpu.memref_slice %arg3[%mul3A_2] : memref<16384xi32, #tpu.memory_space<hbm>> -> memref<64xi32, #tpu.memory_space<hbm>>
    %dma_wait3A_158 = arith.constant 0 : i32
    %dma_wait3A_159 = tpu.memref_slice %arg6[%dma_wait3A_153, %dma_wait3A_158] : memref<8x64xi32, #tpu.memory_space<vmem>> -> memref<1x64xi32, #tpu.memory_space<vmem>>
    %dma_wait3A_160 = tpu.memref_squeeze %dma_wait3A_159 : memref<1x64xi32, #tpu.memory_space<vmem>> -> memref<64xi32, #tpu.memory_space<vmem>>
    %dma_wait3A_161 = tpu.memref_slice %arg3[%mul3A_2] : memref<16384xi32, #tpu.memory_space<hbm>> -> memref<64xi32, #tpu.memory_space<hbm>>
    tpu.wait_dma2 semaphore(%arg16 : memref<!tpu.dma_semaphore, #tpu.memory_space<semaphore_mem>>) src(%dma_wait3A_161 : memref<64xi32, #tpu.memory_space<hbm>>) dst(%dma_wait3A_160 : memref<64xi32, #tpu.memory_space<vmem>>)
    %add3A_162 = arith.constant 0 : i32
    %add3A_163 = arith.addi %mul3A_2, %add3A_162 : i32
    %dma_start3A_164 = arith.constant 0 : i32
    %dma_start3A_165 = arith.constant 0 : i32
    %dma_start3A_166 = tpu.memref_slice %arg6[%dma_start3A_164, %dma_start3A_165] : memref<8x64xi32, #tpu.memory_space<vmem>> -> memref<1x64xi32, #tpu.memory_space<vmem>>
    %dma_start3A_167 = tpu.memref_squeeze %dma_start3A_166 : memref<1x64xi32, #tpu.memory_space<vmem>> -> memref<64xi32, #tpu.memory_space<vmem>>
    %dma_start3A_168 = arith.constant 0 : i32
    %dma_start3A_169 = arith.constant 0 : i32
    %dma_start3A_170 = tpu.memref_slice %arg4[%dma_start3A_168, %dma_start3A_169] : memref<100000x128xf32, #tpu.memory_space<hbm>> -> memref<100000x128xf32, #tpu.memory_space<hbm>>
    tpu.enqueue_indirect_dma source(%dma_start3A_170 : memref<100000x128xf32, #tpu.memory_space<hbm>>) target(%arg9 : memref<64x128xf32, #tpu.memory_space<vmem>>) offsets(%dma_start3A_167 : memref<64xi32, #tpu.memory_space<vmem>>) semaphore(%arg12 : memref<!tpu.dma_semaphore, #tpu.memory_space<semaphore_mem>>)
    %dma_start3A_171 = arith.constant 0 : i32
    %dma_start3A_172 = tpu.memref_slice %arg2[%add3A_163, %dma_start3A_171] : memref<16384x128xf32, #tpu.memory_space<hbm>> -> memref<64x128xf32, #tpu.memory_space<hbm>>
    %dma_start3A_173 = arith.constant 0 : i32
    %dma_start3A_174 = tpu.memref_slice %arg2[%add3A_163, %dma_start3A_173] : memref<16384x128xf32, #tpu.memory_space<hbm>> -> memref<64x128xf32, #tpu.memory_space<hbm>>
    tpu.enqueue_dma source(%dma_start3A_174 : memref<64x128xf32, #tpu.memory_space<hbm>>) target(%arg7 : memref<64x128xf32, #tpu.memory_space<vmem>>) target_semaphore(%arg14 : memref<!tpu.dma_semaphore, #tpu.memory_space<semaphore_mem>>)
    %scan3A = arith.constant 0 : i32
    %scan3A_175 = arith.constant 4 : i32
    %scan3A_176 = arith.addi %scan3A, %scan3A_175 : i32
    %scan3A_177 = arith.constant 1 : i32
    %scan3A_178:2 = scf.for %scan3A_185 = %scan3A to %scan3A_176 step %scan3A_177 iter_args(%scan3A_186 = %broadcast_in_dim3A_3, %scan3A_187 = %broadcast_in_dim3A_3) -> (vector<16xf32>, vector<16xf32>)  : i32 {
      %mul3A_188 = arith.constant 2 : i32
      %mul3A_189 = arith.muli %mul3A_188, %scan3A_185 : i32
      %add3A_190 = arith.constant 1 : i32
      %add3A_191 = arith.addi %mul3A_189, %add3A_190 : i32
      %mul3A_192 = arith.constant 64 : i32
      %mul3A_193 = arith.muli %add3A_191, %mul3A_192 : i32
      %add3A_194 = arith.addi %mul3A_2, %mul3A_193 : i32
      %dma_start3A_195 = arith.constant 0 : i32
      %dma_start3A_196 = tpu.memref_slice %arg6[%add3A_191, %dma_start3A_195] : memref<8x64xi32, #tpu.memory_space<vmem>> -> memref<1x64xi32, #tpu.memory_space<vmem>>
      %dma_start3A_197 = tpu.memref_squeeze %dma_start3A_196 : memref<1x64xi32, #tpu.memory_space<vmem>> -> memref<64xi32, #tpu.memory_space<vmem>>
      %dma_start3A_198 = arith.constant 0 : i32
      %dma_start3A_199 = arith.constant 0 : i32
      %dma_start3A_200 = tpu.memref_slice %arg4[%dma_start3A_198, %dma_start3A_199] : memref<100000x128xf32, #tpu.memory_space<hbm>> -> memref<100000x128xf32, #tpu.memory_space<hbm>>
      tpu.enqueue_indirect_dma source(%dma_start3A_200 : memref<100000x128xf32, #tpu.memory_space<hbm>>) target(%arg10 : memref<64x128xf32, #tpu.memory_space<vmem>>) offsets(%dma_start3A_197 : memref<64xi32, #tpu.memory_space<vmem>>) semaphore(%arg13 : memref<!tpu.dma_semaphore, #tpu.memory_space<semaphore_mem>>)
      %dma_start3A_201 = arith.constant 0 : i32
      %dma_start3A_202 = tpu.memref_slice %arg2[%add3A_194, %dma_start3A_201] : memref<16384x128xf32, #tpu.memory_space<hbm>> -> memref<64x128xf32, #tpu.memory_space<hbm>>
      %dma_start3A_203 = arith.constant 0 : i32
      %dma_start3A_204 = tpu.memref_slice %arg2[%add3A_194, %dma_start3A_203] : memref<16384x128xf32, #tpu.memory_space<hbm>> -> memref<64x128xf32, #tpu.memory_space<hbm>>
      tpu.enqueue_dma source(%dma_start3A_204 : memref<64x128xf32, #tpu.memory_space<hbm>>) target(%arg8 : memref<64x128xf32, #tpu.memory_space<vmem>>) target_semaphore(%arg15 : memref<!tpu.dma_semaphore, #tpu.memory_space<semaphore_mem>>)
      %dma_wait3A_205 = arith.constant 0 : i32
      %dma_wait3A_206 = arith.constant 0 : i32
      %dma_wait3A_207 = tpu.memref_slice %arg6[%dma_wait3A_205, %dma_wait3A_206] : memref<8x64xi32, #tpu.memory_space<vmem>> -> memref<1x64xi32, #tpu.memory_space<vmem>>
      %dma_wait3A_208 = tpu.memref_squeeze %dma_wait3A_207 : memref<1x64xi32, #tpu.memory_space<vmem>> -> memref<64xi32, #tpu.memory_space<vmem>>
      %dma_wait3A_209 = arith.constant 0 : i32
      %dma_wait3A_210 = arith.constant 0 : i32
      %dma_wait3A_211 = tpu.memref_slice %arg4[%dma_wait3A_209, %dma_wait3A_210] : memref<100000x128xf32, #tpu.memory_space<hbm>> -> memref<100000x128xf32, #tpu.memory_space<hbm>>
      tpu.wait_indirect_dma semaphore(%arg12 : memref<!tpu.dma_semaphore, #tpu.memory_space<semaphore_mem>>) src(%dma_wait3A_211 : memref<100000x128xf32, #tpu.memory_space<hbm>>) dst(%arg9 : memref<64x128xf32, #tpu.memory_space<vmem>>)
      %dma_wait3A_212 = arith.constant 0 : i32
      %dma_wait3A_213 = tpu.memref_slice %arg2[%mul3A_2, %dma_wait3A_212] : memref<16384x128xf32, #tpu.memory_space<hbm>> -> memref<64x128xf32, #tpu.memory_space<hbm>>
      %dma_wait3A_214 = arith.constant 0 : i32
      %dma_wait3A_215 = tpu.memref_slice %arg2[%mul3A_2, %dma_wait3A_214] : memref<16384x128xf32, #tpu.memory_space<hbm>> -> memref<64x128xf32, #tpu.memory_space<hbm>>
      tpu.wait_dma2 semaphore(%arg14 : memref<!tpu.dma_semaphore, #tpu.memory_space<semaphore_mem>>) src(%dma_wait3A_215 : memref<64x128xf32, #tpu.memory_space<hbm>>) dst(%arg7 : memref<64x128xf32, #tpu.memory_space<vmem>>)
      %scan3A_216 = arith.constant 0 : i32
      %scan3A_217 = arith.constant 4 : i32
      %scan3A_218 = arith.addi %scan3A_216, %scan3A_217 : i32
      %scan3A_219 = arith.constant 1 : i32
      %scan3A_220:2 = scf.for %scan3A_241 = %scan3A_216 to %scan3A_218 step %scan3A_219 iter_args(%scan3A_242 = %scan3A_186, %scan3A_243 = %scan3A_187) -> (vector<16xf32>, vector<16xf32>)  : i32 {
        %mul3A_244 = arith.constant 16 : i32
        %mul3A_245 = arith.muli %scan3A_241, %mul3A_244 : i32
        %add3A_246 = arith.constant 0 : i32
        %add3A_247 = arith.addi %mul3A_245, %add3A_246 : i32
        %get3A = arith.index_cast %add3A_247 : i32 to index
        %get3A_248 = arith.constant 0 : index
        %get3A_249 = tpu.vector_load %arg7[%get3A, %get3A_248] {strides = array<i32>} : memref<64x128xf32, #tpu.memory_space<vmem>>, vector<16xf32>,
        %get3A_250 = arith.index_cast %add3A_247 : i32 to index
        %get3A_251 = arith.constant 0 : index
        %get3A_252 = tpu.vector_load %arg9[%get3A_250, %get3A_251] {strides = array<i32>} : memref<64x128xf32, #tpu.memory_space<vmem>>, vector<16xf32>,
        %mul3A_253 = arith.mulf %get3A_249, %get3A_249 : vector<16xf32>
        %mul3A_254 = arith.mulf %get3A_249, %get3A_252 : vector<16xf32>
        %mul3A_255 = arith.mulf %get3A_252, %get3A_252 : vector<16xf32>
        %get3A_256 = arith.index_cast %add3A_247 : i32 to index
        %get3A_257 = arith.constant 16 : index
        %get3A_258 = tpu.vector_load %arg7[%get3A_256, %get3A_257] {strides = array<i32>} : memref<64x128xf32, #tpu.memory_space<vmem>>, vector<16xf32>,
        %get3A_259 = arith.index_cast %add3A_247 : i32 to index
        %get3A_260 = arith.constant 16 : index
        %get3A_261 = tpu.vector_load %arg9[%get3A_259, %get3A_260] {strides = array<i32>} : memref<64x128xf32, #tpu.memory_space<vmem>>, vector<16xf32>,
        %mul3A_262 = arith.mulf %get3A_258, %get3A_258 : vector<16xf32>
        %add3A_263 = arith.addf %mul3A_253, %mul3A_262 : vector<16xf32>
        %mul3A_264 = arith.mulf %get3A_258, %get3A_261 : vector<16xf32>
        %add3A_265 = arith.addf %mul3A_254, %mul3A_264 : vector<16xf32>
        %mul3A_266 = arith.mulf %get3A_261, %get3A_261 : vector<16xf32>
        %get3A_267 = arith.index_cast %add3A_247 : i32 to index
        %get3A_268 = arith.constant 32 : index
        %get3A_269 = tpu.vector_load %arg7[%get3A_267, %get3A_268] {strides = array<i32>} : memref<64x128xf32, #tpu.memory_space<vmem>>, vector<16xf32>,
        %get3A_270 = arith.index_cast %add3A_247 : i32 to index
        %get3A_271 = arith.constant 32 : index
        %get3A_272 = tpu.vector_load %arg9[%get3A_270, %get3A_271] {strides = array<i32>} : memref<64x128xf32, #tpu.memory_space<vmem>>, vector<16xf32>,
        %mul3A_273 = arith.mulf %get3A_269, %get3A_269 : vector<16xf32>
        %add3A_274 = arith.addf %add3A_263, %mul3A_273 : vector<16xf32>
        %mul3A_275 = arith.mulf %get3A_269, %get3A_272 : vector<16xf32>
        %add3A_276 = arith.addf %add3A_265, %mul3A_275 : vector<16xf32>
        %mul3A_277 = arith.mulf %get3A_272, %get3A_272 : vector<16xf32>
        %get3A_278 = arith.index_cast %add3A_247 : i32 to index
        %get3A_279 = arith.constant 48 : index
        %get3A_280 = tpu.vector_load %arg7[%get3A_278, %get3A_279] {strides = array<i32>} : memref<64x128xf32, #tpu.memory_space<vmem>>, vector<16xf32>,
        %get3A_281 = arith.index_cast %add3A_247 : i32 to index
        %get3A_282 = arith.constant 48 : index
        %get3A_283 = tpu.vector_load %arg9[%get3A_281, %get3A_282] {strides = array<i32>} : memref<64x128xf32, #tpu.memory_space<vmem>>, vector<16xf32>,
        %mul3A_284 = arith.mulf %get3A_280, %get3A_280 : vector<16xf32>
        %add3A_285 = arith.addf %add3A_274, %mul3A_284 : vector<16xf32>
        %mul3A_286 = arith.mulf %get3A_280, %get3A_283 : vector<16xf32>
        %add3A_287 = arith.addf %add3A_276, %mul3A_286 : vector<16xf32>
        %mul3A_288 = arith.mulf %get3A_283, %get3A_283 : vector<16xf32>
        %get3A_289 = arith.index_cast %add3A_247 : i32 to index
        %get3A_290 = arith.constant 64 : index
        %get3A_291 = tpu.vector_load %arg7[%get3A_289, %get3A_290] {strides = array<i32>} : memref<64x128xf32, #tpu.memory_space<vmem>>, vector<16xf32>,
        %get3A_292 = arith.index_cast %add3A_247 : i32 to index
        %get3A_293 = arith.constant 64 : index
        %get3A_294 = tpu.vector_load %arg9[%get3A_292, %get3A_293] {strides = array<i32>} : memref<64x128xf32, #tpu.memory_space<vmem>>, vector<16xf32>,
        %mul3A_295 = arith.mulf %get3A_291, %get3A_291 : vector<16xf32>
        %add3A_296 = arith.addf %add3A_285, %mul3A_295 : vector<16xf32>
        %mul3A_297 = arith.mulf %get3A_291, %get3A_294 : vector<16xf32>
        %add3A_298 = arith.addf %add3A_287, %mul3A_297 : vector<16xf32>
        %mul3A_299 = arith.mulf %get3A_294, %get3A_294 : vector<16xf32>
        %add3A_300 = arith.addf %mul3A_255, %mul3A_299 : vector<16xf32>
        %get3A_301 = arith.index_cast %add3A_247 : i32 to index
        %get3A_302 = arith.constant 80 : index
        %get3A_303 = tpu.vector_load %arg7[%get3A_301, %get3A_302] {strides = array<i32>} : memref<64x128xf32, #tpu.memory_space<vmem>>, vector<16xf32>,
        %get3A_304 = arith.index_cast %add3A_247 : i32 to index
        %get3A_305 = arith.constant 80 : index
        %get3A_306 = tpu.vector_load %arg9[%get3A_304, %get3A_305] {strides = array<i32>} : memref<64x128xf32, #tpu.memory_space<vmem>>, vector<16xf32>,
        %mul3A_307 = arith.mulf %get3A_303, %get3A_303 : vector<16xf32>
        %add3A_308 = arith.addf %add3A_296, %mul3A_307 : vector<16xf32>
        %mul3A_309 = arith.mulf %get3A_303, %get3A_306 : vector<16xf32>
        %add3A_310 = arith.addf %add3A_298, %mul3A_309 : vector<16xf32>
        %mul3A_311 = arith.mulf %get3A_306, %get3A_306 : vector<16xf32>
        %add3A_312 = arith.addf %mul3A_266, %mul3A_311 : vector<16xf32>
        %get3A_313 = arith.index_cast %add3A_247 : i32 to index
        %get3A_314 = arith.constant 96 : index
        %get3A_315 = tpu.vector_load %arg7[%get3A_313, %get3A_314] {strides = array<i32>} : memref<64x128xf32, #tpu.memory_space<vmem>>, vector<16xf32>,
        %get3A_316 = arith.index_cast %add3A_247 : i32 to index
        %get3A_317 = arith.constant 96 : index
        %get3A_318 = tpu.vector_load %arg9[%get3A_316, %get3A_317] {strides = array<i32>} : memref<64x128xf32, #tpu.memory_space<vmem>>, vector<16xf32>,
        %mul3A_319 = arith.mulf %get3A_315, %get3A_315 : vector<16xf32>
        %add3A_320 = arith.addf %add3A_308, %mul3A_319 : vector<16xf32>
        %mul3A_321 = arith.mulf %get3A_315, %get3A_318 : vector<16xf32>
        %add3A_322 = arith.addf %add3A_310, %mul3A_321 : vector<16xf32>
        %mul3A_323 = arith.mulf %get3A_318, %get3A_318 : vector<16xf32>
        %add3A_324 = arith.addf %mul3A_277, %mul3A_323 : vector<16xf32>
        %get3A_325 = arith.index_cast %add3A_247 : i32 to index
        %get3A_326 = arith.constant 112 : index
        %get3A_327 = tpu.vector_load %arg7[%get3A_325, %get3A_326] {strides = array<i32>} : memref<64x128xf32, #tpu.memory_space<vmem>>, vector<16xf32>,
        %get3A_328 = arith.index_cast %add3A_247 : i32 to index
        %get3A_329 = arith.constant 112 : index
        %get3A_330 = tpu.vector_load %arg9[%get3A_328, %get3A_329] {strides = array<i32>} : memref<64x128xf32, #tpu.memory_space<vmem>>, vector<16xf32>,
        %mul3A_331 = arith.mulf %get3A_327, %get3A_327 : vector<16xf32>
        %add3A_332 = arith.addf %add3A_320, %mul3A_331 : vector<16xf32>
        %mul3A_333 = arith.mulf %get3A_327, %get3A_330 : vector<16xf32>
        %add3A_334 = arith.addf %add3A_322, %mul3A_333 : vector<16xf32>
        %mul3A_335 = arith.mulf %get3A_330, %get3A_330 : vector<16xf32>
        %add3A_336 = arith.addf %mul3A_288, %mul3A_335 : vector<16xf32>
        %eq3A = arith.constant 0 : i32
        %eq3A_337 = vector.broadcast %eq3A : i32 to vector<16xi32>
        %eq3A_338 = arith.cmpi eq, %iota3A, %eq3A_337 : vector<16xi32>
        %reduce_sum3A = arith.constant true
        %reduce_sum3A_339 = vector.broadcast %reduce_sum3A : i1 to vector<16xi1>
        %reduce_sum3A_340 = tpu.scan <sum>, %add3A_332 masked %reduce_sum3A_339 : vector<16xf32>, vector<16xi1> -> vector<16xf32>
        %reduce_sum3A_341 = vector.extract %reduce_sum3A_340[15] : f32 from vector<16xf32>
        %broadcast_in_dim3A_342 = vector.broadcast %reduce_sum3A_341 : f32 to vector<16xf32>
        %select_n3A = arith.select %eq3A_338, %broadcast_in_dim3A_342, %broadcast_in_dim3A_3 : vector<16xi1>, vector<16xf32>
        %reduce_sum3A_343 = arith.constant true
        %reduce_sum3A_344 = vector.broadcast %reduce_sum3A_343 : i1 to vector<16xi1>
        %reduce_sum3A_345 = tpu.scan <sum>, %add3A_334 masked %reduce_sum3A_344 : vector<16xf32>, vector<16xi1> -> vector<16xf32>
        %reduce_sum3A_346 = vector.extract %reduce_sum3A_345[15] : f32 from vector<16xf32>
        %broadcast_in_dim3A_347 = vector.broadcast %reduce_sum3A_346 : f32 to vector<16xf32>
        %select_n3A_348 = arith.select %eq3A_338, %broadcast_in_dim3A_347, %broadcast_in_dim3A_3 : vector<16xi1>, vector<16xf32>
        %add3A_349 = arith.constant 1 : i32
        %add3A_350 = arith.addi %mul3A_245, %add3A_349 : i32
        %get3A_351 = arith.index_cast %add3A_350 : i32 to index
        %get3A_352 = arith.constant 0 : index
        %get3A_353 = tpu.vector_load %arg7[%get3A_351, %get3A_352] {strides = array<i32>} : memref<64x128xf32, #tpu.memory_space<vmem>>, vector<16xf32>,
        %get3A_354 = arith.index_cast %add3A_350 : i32 to index
        %get3A_355 = arith.constant 0 : index
        %get3A_356 = tpu.vector_load %arg9[%get3A_354, %get3A_355] {strides = array<i32>} : memref<64x128xf32, #tpu.memory_space<vmem>>, vector<16xf32>,
        %mul3A_357 = arith.mulf %get3A_353, %get3A_353 : vector<16xf32>
        %mul3A_358 = arith.mulf %get3A_353, %get3A_356 : vector<16xf32>
        %mul3A_359 = arith.mulf %get3A_356, %get3A_356 : vector<16xf32>
        %add3A_360 = arith.addf %add3A_300, %mul3A_359 : vector<16xf32>
        %get3A_361 = arith.index_cast %add3A_350 : i32 to index
        %get3A_362 = arith.constant 16 : index
        %get3A_363 = tpu.vector_load %arg7[%get3A_361, %get3A_362] {strides = array<i32>} : memref<64x128xf32, #tpu.memory_space<vmem>>, vector<16xf32>,
        %get3A_364 = arith.index_cast %add3A_350 : i32 to index
        %get3A_365 = arith.constant 16 : index
        %get3A_366 = tpu.vector_load %arg9[%get3A_364, %get3A_365] {strides = array<i32>} : memref<64x128xf32, #tpu.memory_space<vmem>>, vector<16xf32>,
        %mul3A_367 = arith.mulf %get3A_363, %get3A_363 : vector<16xf32>
        %add3A_368 = arith.addf %mul3A_357, %mul3A_367 : vector<16xf32>
        %mul3A_369 = arith.mulf %get3A_363, %get3A_366 : vector<16xf32>
        %add3A_370 = arith.addf %mul3A_358, %mul3A_369 : vector<16xf32>
        %mul3A_371 = arith.mulf %get3A_366, %get3A_366 : vector<16xf32>
        %add3A_372 = arith.addf %add3A_312, %mul3A_371 : vector<16xf32>
        %get3A_373 = arith.index_cast %add3A_350 : i32 to index
        %get3A_374 = arith.constant 32 : index
        %get3A_375 = tpu.vector_load %arg7[%get3A_373, %get3A_374] {strides = array<i32>} : memref<64x128xf32, #tpu.memory_space<vmem>>, vector<16xf32>,
        %get3A_376 = arith.index_cast %add3A_350 : i32 to index
        %get3A_377 = arith.constant 32 : index
        %get3A_378 = tpu.vector_load %arg9[%get3A_376, %get3A_377] {strides = array<i32>} : memref<64x128xf32, #tpu.memory_space<vmem>>, vector<16xf32>,
        %mul3A_379 = arith.mulf %get3A_375, %get3A_375 : vector<16xf32>
        %add3A_380 = arith.addf %add3A_368, %mul3A_379 : vector<16xf32>
        %mul3A_381 = arith.mulf %get3A_375, %get3A_378 : vector<16xf32>
        %add3A_382 = arith.addf %add3A_370, %mul3A_381 : vector<16xf32>
        %mul3A_383 = arith.mulf %get3A_378, %get3A_378 : vector<16xf32>
        %add3A_384 = arith.addf %add3A_324, %mul3A_383 : vector<16xf32>
        %get3A_385 = arith.index_cast %add3A_350 : i32 to index
        %get3A_386 = arith.constant 48 : index
        %get3A_387 = tpu.vector_load %arg7[%get3A_385, %get3A_386] {strides = array<i32>} : memref<64x128xf32, #tpu.memory_space<vmem>>, vector<16xf32>,
        %get3A_388 = arith.index_cast %add3A_350 : i32 to index
        %get3A_389 = arith.constant 48 : index
        %get3A_390 = tpu.vector_load %arg9[%get3A_388, %get3A_389] {strides = array<i32>} : memref<64x128xf32, #tpu.memory_space<vmem>>, vector<16xf32>,
        %mul3A_391 = arith.mulf %get3A_387, %get3A_387 : vector<16xf32>
        %add3A_392 = arith.addf %add3A_380, %mul3A_391 : vector<16xf32>
        %mul3A_393 = arith.mulf %get3A_387, %get3A_390 : vector<16xf32>
        %add3A_394 = arith.addf %add3A_382, %mul3A_393 : vector<16xf32>
        %mul3A_395 = arith.mulf %get3A_390, %get3A_390 : vector<16xf32>
        %add3A_396 = arith.addf %add3A_336, %mul3A_395 : vector<16xf32>
        %get3A_397 = arith.index_cast %add3A_350 : i32 to index
        %get3A_398 = arith.constant 64 : index
        %get3A_399 = tpu.vector_load %arg7[%get3A_397, %get3A_398] {strides = array<i32>} : memref<64x128xf32, #tpu.memory_space<vmem>>, vector<16xf32>,
        %get3A_400 = arith.index_cast %add3A_350 : i32 to index
        %get3A_401 = arith.constant 64 : index
        %get3A_402 = tpu.vector_load %arg9[%get3A_400, %get3A_401] {strides = array<i32>} : memref<64x128xf32, #tpu.memory_space<vmem>>, vector<16xf32>,
        %mul3A_403 = arith.mulf %get3A_399, %get3A_399 : vector<16xf32>
        %add3A_404 = arith.addf %add3A_392, %mul3A_403 : vector<16xf32>
        %mul3A_405 = arith.mulf %get3A_399, %get3A_402 : vector<16xf32>
        %add3A_406 = arith.addf %add3A_394, %mul3A_405 : vector<16xf32>
        %mul3A_407 = arith.mulf %get3A_402, %get3A_402 : vector<16xf32>
        %add3A_408 = arith.addf %add3A_360, %mul3A_407 : vector<16xf32>
        %get3A_409 = arith.index_cast %add3A_350 : i32 to index
        %get3A_410 = arith.constant 80 : index
        %get3A_411 = tpu.vector_load %arg7[%get3A_409, %get3A_410] {strides = array<i32>} : memref<64x128xf32, #tpu.memory_space<vmem>>, vector<16xf32>,
        %get3A_412 = arith.index_cast %add3A_350 : i32 to index
        %get3A_413 = arith.constant 80 : index
        %get3A_414 = tpu.vector_load %arg9[%get3A_412, %get3A_413] {strides = array<i32>} : memref<64x128xf32, #tpu.memory_space<vmem>>, vector<16xf32>,
        %mul3A_415 = arith.mulf %get3A_411, %get3A_411 : vector<16xf32>
        %add3A_416 = arith.addf %add3A_404, %mul3A_415 : vector<16xf32>
        %mul3A_417 = arith.mulf %get3A_411, %get3A_414 : vector<16xf32>
        %add3A_418 = arith.addf %add3A_406, %mul3A_417 : vector<16xf32>
        %mul3A_419 = arith.mulf %get3A_414, %get3A_414 : vector<16xf32>
        %add3A_420 = arith.addf %add3A_372, %mul3A_419 : vector<16xf32>
        %get3A_421 = arith.index_cast %add3A_350 : i32 to index
        %get3A_422 = arith.constant 96 : index
        %get3A_423 = tpu.vector_load %arg7[%get3A_421, %get3A_422] {strides = array<i32>} : memref<64x128xf32, #tpu.memory_space<vmem>>, vector<16xf32>,
        %get3A_424 = arith.index_cast %add3A_350 : i32 to index
        %get3A_425 = arith.constant 96 : index
        %get3A_426 = tpu.vector_load %arg9[%get3A_424, %get3A_425] {strides = array<i32>} : memref<64x128xf32, #tpu.memory_space<vmem>>, vector<16xf32>,
        %mul3A_427 = arith.mulf %get3A_423, %get3A_423 : vector<16xf32>
        %add3A_428 = arith.addf %add3A_416, %mul3A_427 : vector<16xf32>
        %mul3A_429 = arith.mulf %get3A_423, %get3A_426 : vector<16xf32>
        %add3A_430 = arith.addf %add3A_418, %mul3A_429 : vector<16xf32>
        %mul3A_431 = arith.mulf %get3A_426, %get3A_426 : vector<16xf32>
        %add3A_432 = arith.addf %add3A_384, %mul3A_431 : vector<16xf32>
        %get3A_433 = arith.index_cast %add3A_350 : i32 to index
        %get3A_434 = arith.constant 112 : index
        %get3A_435 = tpu.vector_load %arg7[%get3A_433, %get3A_434] {strides = array<i32>} : memref<64x128xf32, #tpu.memory_space<vmem>>, vector<16xf32>,
        %get3A_436 = arith.index_cast %add3A_350 : i32 to index
        %get3A_437 = arith.constant 112 : index
        %get3A_438 = tpu.vector_load %arg9[%get3A_436, %get3A_437] {strides = array<i32>} : memref<64x128xf32, #tpu.memory_space<vmem>>, vector<16xf32>,
        %mul3A_439 = arith.mulf %get3A_435, %get3A_435 : vector<16xf32>
        %add3A_440 = arith.addf %add3A_428, %mul3A_439 : vector<16xf32>
        %mul3A_441 = arith.mulf %get3A_435, %get3A_438 : vector<16xf32>
        %add3A_442 = arith.addf %add3A_430, %mul3A_441 : vector<16xf32>
        %mul3A_443 = arith.mulf %get3A_438, %get3A_438 : vector<16xf32>
        %add3A_444 = arith.addf %add3A_396, %mul3A_443 : vector<16xf32>
        %eq3A_445 = arith.constant 1 : i32
        %eq3A_446 = vector.broadcast %eq3A_445 : i32 to vector<16xi32>
        %eq3A_447 = arith.cmpi eq, %iota3A, %eq3A_446 : vector<16xi32>
        %reduce_sum3A_448 = arith.constant true
        %reduce_sum3A_449 = vector.broadcast %reduce_sum3A_448 : i1 to vector<16xi1>
        %reduce_sum3A_450 = tpu.scan <sum>, %add3A_440 masked %reduce_sum3A_449 : vector<16xf32>, vector<16xi1> -> vector<16xf32>
        %reduce_sum3A_451 = vector.extract %reduce_sum3A_450[15] : f32 from vector<16xf32>
        %broadcast_in_dim3A_452 = vector.broadcast %reduce_sum3A_451 : f32 to vector<16xf32>
        %select_n3A_453 = arith.select %eq3A_447, %broadcast_in_dim3A_452, %select_n3A : vector<16xi1>, vector<16xf32>
        %reduce_sum3A_454 = arith.constant true
        %reduce_sum3A_455 = vector.broadcast %reduce_sum3A_454 : i1 to vector<16xi1>
        %reduce_sum3A_456 = tpu.scan <sum>, %add3A_442 masked %reduce_sum3A_455 : vector<16xf32>, vector<16xi1> -> vector<16xf32>
        %reduce_sum3A_457 = vector.extract %reduce_sum3A_456[15] : f32 from vector<16xf32>
        %broadcast_in_dim3A_458 = vector.broadcast %reduce_sum3A_457 : f32 to vector<16xf32>
        %select_n3A_459 = arith.select %eq3A_447, %broadcast_in_dim3A_458, %select_n3A_348 : vector<16xi1>, vector<16xf32>
        %add3A_460 = arith.constant 2 : i32
        %add3A_461 = arith.addi %mul3A_245, %add3A_460 : i32
        %get3A_462 = arith.index_cast %add3A_461 : i32 to index
        %get3A_463 = arith.constant 0 : index
        %get3A_464 = tpu.vector_load %arg7[%get3A_462, %get3A_463] {strides = array<i32>} : memref<64x128xf32, #tpu.memory_space<vmem>>, vector<16xf32>,
        %get3A_465 = arith.index_cast %add3A_461 : i32 to index
        %get3A_466 = arith.constant 0 : index
        %get3A_467 = tpu.vector_load %arg9[%get3A_465, %get3A_466] {strides = array<i32>} : memref<64x128xf32, #tpu.memory_space<vmem>>, vector<16xf32>,
        %mul3A_468 = arith.mulf %get3A_464, %get3A_464 : vector<16xf32>
        %mul3A_469 = arith.mulf %get3A_464, %get3A_467 : vector<16xf32>
        %mul3A_470 = arith.mulf %get3A_467, %get3A_467 : vector<16xf32>
        %add3A_471 = arith.addf %add3A_408, %mul3A_470 : vector<16xf32>
        %get3A_472 = arith.index_cast %add3A_461 : i32 to index
        %get3A_473 = arith.constant 16 : index
        %get3A_474 = tpu.vector_load %arg7[%get3A_472, %get3A_473] {strides = array<i32>} : memref<64x128xf32, #tpu.memory_space<vmem>>, vector<16xf32>,
        %get3A_475 = arith.index_cast %add3A_461 : i32 to index
        %get3A_476 = arith.constant 16 : index
        %get3A_477 = tpu.vector_load %arg9[%get3A_475, %get3A_476] {strides = array<i32>} : memref<64x128xf32, #tpu.memory_space<vmem>>, vector<16xf32>,
        %mul3A_478 = arith.mulf %get3A_474, %get3A_474 : vector<16xf32>
        %add3A_479 = arith.addf %mul3A_468, %mul3A_478 : vector<16xf32>
        %mul3A_480 = arith.mulf %get3A_474, %get3A_477 : vector<16xf32>
        %add3A_481 = arith.addf %mul3A_469, %mul3A_480 : vector<16xf32>
        %mul3A_482 = arith.mulf %get3A_477, %get3A_477 : vector<16xf32>
        %add3A_483 = arith.addf %add3A_420, %mul3A_482 : vector<16xf32>
        %get3A_484 = arith.index_cast %add3A_461 : i32 to index
        %get3A_485 = arith.constant 32 : index
        %get3A_486 = tpu.vector_load %arg7[%get3A_484, %get3A_485] {strides = array<i32>} : memref<64x128xf32, #tpu.memory_space<vmem>>, vector<16xf32>,
        %get3A_487 = arith.index_cast %add3A_461 : i32 to index
        %get3A_488 = arith.constant 32 : index
        %get3A_489 = tpu.vector_load %arg9[%get3A_487, %get3A_488] {strides = array<i32>} : memref<64x128xf32, #tpu.memory_space<vmem>>, vector<16xf32>,
        %mul3A_490 = arith.mulf %get3A_486, %get3A_486 : vector<16xf32>
        %add3A_491 = arith.addf %add3A_479, %mul3A_490 : vector<16xf32>
        %mul3A_492 = arith.mulf %get3A_486, %get3A_489 : vector<16xf32>
        %add3A_493 = arith.addf %add3A_481, %mul3A_492 : vector<16xf32>
        %mul3A_494 = arith.mulf %get3A_489, %get3A_489 : vector<16xf32>
        %add3A_495 = arith.addf %add3A_432, %mul3A_494 : vector<16xf32>
        %get3A_496 = arith.index_cast %add3A_461 : i32 to index
        %get3A_497 = arith.constant 48 : index
        %get3A_498 = tpu.vector_load %arg7[%get3A_496, %get3A_497] {strides = array<i32>} : memref<64x128xf32, #tpu.memory_space<vmem>>, vector<16xf32>,
        %get3A_499 = arith.index_cast %add3A_461 : i32 to index
        %get3A_500 = arith.constant 48 : index
        %get3A_501 = tpu.vector_load %arg9[%get3A_499, %get3A_500] {strides = array<i32>} : memref<64x128xf32, #tpu.memory_space<vmem>>, vector<16xf32>,
        %mul3A_502 = arith.mulf %get3A_498, %get3A_498 : vector<16xf32>
        %add3A_503 = arith.addf %add3A_491, %mul3A_502 : vector<16xf32>
        %mul3A_504 = arith.mulf %get3A_498, %get3A_501 : vector<16xf32>
        %add3A_505 = arith.addf %add3A_493, %mul3A_504 : vector<16xf32>
        %mul3A_506 = arith.mulf %get3A_501, %get3A_501 : vector<16xf32>
        %add3A_507 = arith.addf %add3A_444, %mul3A_506 : vector<16xf32>
        %get3A_508 = arith.index_cast %add3A_461 : i32 to index
        %get3A_509 = arith.constant 64 : index
        %get3A_510 = tpu.vector_load %arg7[%get3A_508, %get3A_509] {strides = array<i32>} : memref<64x128xf32, #tpu.memory_space<vmem>>, vector<16xf32>,
        %get3A_511 = arith.index_cast %add3A_461 : i32 to index
        %get3A_512 = arith.constant 64 : index
        %get3A_513 = tpu.vector_load %arg9[%get3A_511, %get3A_512] {strides = array<i32>} : memref<64x128xf32, #tpu.memory_space<vmem>>, vector<16xf32>,
        %mul3A_514 = arith.mulf %get3A_510, %get3A_510 : vector<16xf32>
        %add3A_515 = arith.addf %add3A_503, %mul3A_514 : vector<16xf32>
        %mul3A_516 = arith.mulf %get3A_510, %get3A_513 : vector<16xf32>
        %add3A_517 = arith.addf %add3A_505, %mul3A_516 : vector<16xf32>
        %mul3A_518 = arith.mulf %get3A_513, %get3A_513 : vector<16xf32>
        %add3A_519 = arith.addf %add3A_471, %mul3A_518 : vector<16xf32>
        %get3A_520 = arith.index_cast %add3A_461 : i32 to index
        %get3A_521 = arith.constant 80 : index
        %get3A_522 = tpu.vector_load %arg7[%get3A_520, %get3A_521] {strides = array<i32>} : memref<64x128xf32, #tpu.memory_space<vmem>>, vector<16xf32>,
        %get3A_523 = arith.index_cast %add3A_461 : i32 to index
        %get3A_524 = arith.constant 80 : index
        %get3A_525 = tpu.vector_load %arg9[%get3A_523, %get3A_524] {strides = array<i32>} : memref<64x128xf32, #tpu.memory_space<vmem>>, vector<16xf32>,
        %mul3A_526 = arith.mulf %get3A_522, %get3A_522 : vector<16xf32>
        %add3A_527 = arith.addf %add3A_515, %mul3A_526 : vector<16xf32>
        %mul3A_528 = arith.mulf %get3A_522, %get3A_525 : vector<16xf32>
        %add3A_529 = arith.addf %add3A_517, %mul3A_528 : vector<16xf32>
        %mul3A_530 = arith.mulf %get3A_525, %get3A_525 : vector<16xf32>
        %add3A_531 = arith.addf %add3A_483, %mul3A_530 : vector<16xf32>
        %get3A_532 = arith.index_cast %add3A_461 : i32 to index
        %get3A_533 = arith.constant 96 : index
        %get3A_534 = tpu.vector_load %arg7[%get3A_532, %get3A_533] {strides = array<i32>} : memref<64x128xf32, #tpu.memory_space<vmem>>, vector<16xf32>,
        %get3A_535 = arith.index_cast %add3A_461 : i32 to index
        %get3A_536 = arith.constant 96 : index
        %get3A_537 = tpu.vector_load %arg9[%get3A_535, %get3A_536] {strides = array<i32>} : memref<64x128xf32, #tpu.memory_space<vmem>>, vector<16xf32>,
        %mul3A_538 = arith.mulf %get3A_534, %get3A_534 : vector<16xf32>
        %add3A_539 = arith.addf %add3A_527, %mul3A_538 : vector<16xf32>
        %mul3A_540 = arith.mulf %get3A_534, %get3A_537 : vector<16xf32>
        %add3A_541 = arith.addf %add3A_529, %mul3A_540 : vector<16xf32>
        %mul3A_542 = arith.mulf %get3A_537, %get3A_537 : vector<16xf32>
        %add3A_543 = arith.addf %add3A_495, %mul3A_542 : vector<16xf32>
        %get3A_544 = arith.index_cast %add3A_461 : i32 to index
        %get3A_545 = arith.constant 112 : index
        %get3A_546 = tpu.vector_load %arg7[%get3A_544, %get3A_545] {strides = array<i32>} : memref<64x128xf32, #tpu.memory_space<vmem>>, vector<16xf32>,
        %get3A_547 = arith.index_cast %add3A_461 : i32 to index
        %get3A_548 = arith.constant 112 : index
        %get3A_549 = tpu.vector_load %arg9[%get3A_547, %get3A_548] {strides = array<i32>} : memref<64x128xf32, #tpu.memory_space<vmem>>, vector<16xf32>,
        %mul3A_550 = arith.mulf %get3A_546, %get3A_546 : vector<16xf32>
        %add3A_551 = arith.addf %add3A_539, %mul3A_550 : vector<16xf32>
        %mul3A_552 = arith.mulf %get3A_546, %get3A_549 : vector<16xf32>
        %add3A_553 = arith.addf %add3A_541, %mul3A_552 : vector<16xf32>
        %mul3A_554 = arith.mulf %get3A_549, %get3A_549 : vector<16xf32>
        %add3A_555 = arith.addf %add3A_507, %mul3A_554 : vector<16xf32>
        %eq3A_556 = arith.constant 2 : i32
        %eq3A_557 = vector.broadcast %eq3A_556 : i32 to vector<16xi32>
        %eq3A_558 = arith.cmpi eq, %iota3A, %eq3A_557 : vector<16xi32>
        %reduce_sum3A_559 = arith.constant true
        %reduce_sum3A_560 = vector.broadcast %reduce_sum3A_559 : i1 to vector<16xi1>
        %reduce_sum3A_561 = tpu.scan <sum>, %add3A_551 masked %reduce_sum3A_560 : vector<16xf32>, vector<16xi1> -> vector<16xf32>
        %reduce_sum3A_562 = vector.extract %reduce_sum3A_561[15] : f32 from vector<16xf32>
        %broadcast_in_dim3A_563 = vector.broadcast %reduce_sum3A_562 : f32 to vector<16xf32>
        %select_n3A_564 = arith.select %eq3A_558, %broadcast_in_dim3A_563, %select_n3A_453 : vector<16xi1>, vector<16xf32>
        %reduce_sum3A_565 = arith.constant true
        %reduce_sum3A_566 = vector.broadcast %reduce_sum3A_565 : i1 to vector<16xi1>
        %reduce_sum3A_567 = tpu.scan <sum>, %add3A_553 masked %reduce_sum3A_566 : vector<16xf32>, vector<16xi1> -> vector<16xf32>
        %reduce_sum3A_568 = vector.extract %reduce_sum3A_567[15] : f32 from vector<16xf32>
        %broadcast_in_dim3A_569 = vector.broadcast %reduce_sum3A_568 : f32 to vector<16xf32>
        %select_n3A_570 = arith.select %eq3A_558, %broadcast_in_dim3A_569, %select_n3A_459 : vector<16xi1>, vector<16xf32>
        %add3A_571 = arith.constant 3 : i32
        %add3A_572 = arith.addi %mul3A_245, %add3A_571 : i32
        %get3A_573 = arith.index_cast %add3A_572 : i32 to index
        %get3A_574 = arith.constant 0 : index
        %get3A_575 = tpu.vector_load %arg7[%get3A_573, %get3A_574] {strides = array<i32>} : memref<64x128xf32, #tpu.memory_space<vmem>>, vector<16xf32>,
        %get3A_576 = arith.index_cast %add3A_572 : i32 to index
        %get3A_577 = arith.constant 0 : index
        %get3A_578 = tpu.vector_load %arg9[%get3A_576, %get3A_577] {strides = array<i32>} : memref<64x128xf32, #tpu.memory_space<vmem>>, vector<16xf32>,
        %mul3A_579 = arith.mulf %get3A_575, %get3A_575 : vector<16xf32>
        %mul3A_580 = arith.mulf %get3A_575, %get3A_578 : vector<16xf32>
        %mul3A_581 = arith.mulf %get3A_578, %get3A_578 : vector<16xf32>
        %add3A_582 = arith.addf %add3A_519, %mul3A_581 : vector<16xf32>
        %get3A_583 = arith.index_cast %add3A_572 : i32 to index
        %get3A_584 = arith.constant 16 : index
        %get3A_585 = tpu.vector_load %arg7[%get3A_583, %get3A_584] {strides = array<i32>} : memref<64x128xf32, #tpu.memory_space<vmem>>, vector<16xf32>,
        %get3A_586 = arith.index_cast %add3A_572 : i32 to index
        %get3A_587 = arith.constant 16 : index
        %get3A_588 = tpu.vector_load %arg9[%get3A_586, %get3A_587] {strides = array<i32>} : memref<64x128xf32, #tpu.memory_space<vmem>>, vector<16xf32>,
        %mul3A_589 = arith.mulf %get3A_585, %get3A_585 : vector<16xf32>
        %add3A_590 = arith.addf %mul3A_579, %mul3A_589 : vector<16xf32>
        %mul3A_591 = arith.mulf %get3A_585, %get3A_588 : vector<16xf32>
        %add3A_592 = arith.addf %mul3A_580, %mul3A_591 : vector<16xf32>
        %mul3A_593 = arith.mulf %get3A_588, %get3A_588 : vector<16xf32>
        %add3A_594 = arith.addf %add3A_531, %mul3A_593 : vector<16xf32>
        %get3A_595 = arith.index_cast %add3A_572 : i32 to index
        %get3A_596 = arith.constant 32 : index
        %get3A_597 = tpu.vector_load %arg7[%get3A_595, %get3A_596] {strides = array<i32>} : memref<64x128xf32, #tpu.memory_space<vmem>>, vector<16xf32>,
        %get3A_598 = arith.index_cast %add3A_572 : i32 to index
        %get3A_599 = arith.constant 32 : index
        %get3A_600 = tpu.vector_load %arg9[%get3A_598, %get3A_599] {strides = array<i32>} : memref<64x128xf32, #tpu.memory_space<vmem>>, vector<16xf32>,
        %mul3A_601 = arith.mulf %get3A_597, %get3A_597 : vector<16xf32>
        %add3A_602 = arith.addf %add3A_590, %mul3A_601 : vector<16xf32>
        %mul3A_603 = arith.mulf %get3A_597, %get3A_600 : vector<16xf32>
        %add3A_604 = arith.addf %add3A_592, %mul3A_603 : vector<16xf32>
        %mul3A_605 = arith.mulf %get3A_600, %get3A_600 : vector<16xf32>
        %add3A_606 = arith.addf %add3A_543, %mul3A_605 : vector<16xf32>
        %get3A_607 = arith.index_cast %add3A_572 : i32 to index
        %get3A_608 = arith.constant 48 : index
        %get3A_609 = tpu.vector_load %arg7[%get3A_607, %get3A_608] {strides = array<i32>} : memref<64x128xf32, #tpu.memory_space<vmem>>, vector<16xf32>,
        %get3A_610 = arith.index_cast %add3A_572 : i32 to index
        %get3A_611 = arith.constant 48 : index
        %get3A_612 = tpu.vector_load %arg9[%get3A_610, %get3A_611] {strides = array<i32>} : memref<64x128xf32, #tpu.memory_space<vmem>>, vector<16xf32>,
        %mul3A_613 = arith.mulf %get3A_609, %get3A_609 : vector<16xf32>
        %add3A_614 = arith.addf %add3A_602, %mul3A_613 : vector<16xf32>
        %mul3A_615 = arith.mulf %get3A_609, %get3A_612 : vector<16xf32>
        %add3A_616 = arith.addf %add3A_604, %mul3A_615 : vector<16xf32>
        %mul3A_617 = arith.mulf %get3A_612, %get3A_612 : vector<16xf32>
        %add3A_618 = arith.addf %add3A_555, %mul3A_617 : vector<16xf32>
        %get3A_619 = arith.index_cast %add3A_572 : i32 to index
        %get3A_620 = arith.constant 64 : index
        %get3A_621 = tpu.vector_load %arg7[%get3A_619, %get3A_620] {strides = array<i32>} : memref<64x128xf32, #tpu.memory_space<vmem>>, vector<16xf32>,
        %get3A_622 = arith.index_cast %add3A_572 : i32 to index
        %get3A_623 = arith.constant 64 : index
        %get3A_624 = tpu.vector_load %arg9[%get3A_622, %get3A_623] {strides = array<i32>} : memref<64x128xf32, #tpu.memory_space<vmem>>, vector<16xf32>,
        %mul3A_625 = arith.mulf %get3A_621, %get3A_621 : vector<16xf32>
        %add3A_626 = arith.addf %add3A_614, %mul3A_625 : vector<16xf32>
        %mul3A_627 = arith.mulf %get3A_621, %get3A_624 : vector<16xf32>
        %add3A_628 = arith.addf %add3A_616, %mul3A_627 : vector<16xf32>
        %mul3A_629 = arith.mulf %get3A_624, %get3A_624 : vector<16xf32>
        %add3A_630 = arith.addf %add3A_582, %mul3A_629 : vector<16xf32>
        %get3A_631 = arith.index_cast %add3A_572 : i32 to index
        %get3A_632 = arith.constant 80 : index
        %get3A_633 = tpu.vector_load %arg7[%get3A_631, %get3A_632] {strides = array<i32>} : memref<64x128xf32, #tpu.memory_space<vmem>>, vector<16xf32>,
        %get3A_634 = arith.index_cast %add3A_572 : i32 to index
        %get3A_635 = arith.constant 80 : index
        %get3A_636 = tpu.vector_load %arg9[%get3A_634, %get3A_635] {strides = array<i32>} : memref<64x128xf32, #tpu.memory_space<vmem>>, vector<16xf32>,
        %mul3A_637 = arith.mulf %get3A_633, %get3A_633 : vector<16xf32>
        %add3A_638 = arith.addf %add3A_626, %mul3A_637 : vector<16xf32>
        %mul3A_639 = arith.mulf %get3A_633, %get3A_636 : vector<16xf32>
        %add3A_640 = arith.addf %add3A_628, %mul3A_639 : vector<16xf32>
        %mul3A_641 = arith.mulf %get3A_636, %get3A_636 : vector<16xf32>
        %add3A_642 = arith.addf %add3A_594, %mul3A_641 : vector<16xf32>
        %get3A_643 = arith.index_cast %add3A_572 : i32 to index
        %get3A_644 = arith.constant 96 : index
        %get3A_645 = tpu.vector_load %arg7[%get3A_643, %get3A_644] {strides = array<i32>} : memref<64x128xf32, #tpu.memory_space<vmem>>, vector<16xf32>,
        %get3A_646 = arith.index_cast %add3A_572 : i32 to index
        %get3A_647 = arith.constant 96 : index
        %get3A_648 = tpu.vector_load %arg9[%get3A_646, %get3A_647] {strides = array<i32>} : memref<64x128xf32, #tpu.memory_space<vmem>>, vector<16xf32>,
        %mul3A_649 = arith.mulf %get3A_645, %get3A_645 : vector<16xf32>
        %add3A_650 = arith.addf %add3A_638, %mul3A_649 : vector<16xf32>
        %mul3A_651 = arith.mulf %get3A_645, %get3A_648 : vector<16xf32>
        %add3A_652 = arith.addf %add3A_640, %mul3A_651 : vector<16xf32>
        %mul3A_653 = arith.mulf %get3A_648, %get3A_648 : vector<16xf32>
        %add3A_654 = arith.addf %add3A_606, %mul3A_653 : vector<16xf32>
        %get3A_655 = arith.index_cast %add3A_572 : i32 to index
        %get3A_656 = arith.constant 112 : index
        %get3A_657 = tpu.vector_load %arg7[%get3A_655, %get3A_656] {strides = array<i32>} : memref<64x128xf32, #tpu.memory_space<vmem>>, vector<16xf32>,
        %get3A_658 = arith.index_cast %add3A_572 : i32 to index
        %get3A_659 = arith.constant 112 : index
        %get3A_660 = tpu.vector_load %arg9[%get3A_658, %get3A_659] {strides = array<i32>} : memref<64x128xf32, #tpu.memory_space<vmem>>, vector<16xf32>,
        %mul3A_661 = arith.mulf %get3A_657, %get3A_657 : vector<16xf32>
        %add3A_662 = arith.addf %add3A_650, %mul3A_661 : vector<16xf32>
        %mul3A_663 = arith.mulf %get3A_657, %get3A_660 : vector<16xf32>
        %add3A_664 = arith.addf %add3A_652, %mul3A_663 : vector<16xf32>
        %mul3A_665 = arith.mulf %get3A_660, %get3A_660 : vector<16xf32>
        %add3A_666 = arith.addf %add3A_618, %mul3A_665 : vector<16xf32>
        %eq3A_667 = arith.constant 3 : i32
        %eq3A_668 = vector.broadcast %eq3A_667 : i32 to vector<16xi32>
        %eq3A_669 = arith.cmpi eq, %iota3A, %eq3A_668 : vector<16xi32>
        %reduce_sum3A_670 = arith.constant true
        %reduce_sum3A_671 = vector.broadcast %reduce_sum3A_670 : i1 to vector<16xi1>
        %reduce_sum3A_672 = tpu.scan <sum>, %add3A_662 masked %reduce_sum3A_671 : vector<16xf32>, vector<16xi1> -> vector<16xf32>
        %reduce_sum3A_673 = vector.extract %reduce_sum3A_672[15] : f32 from vector<16xf32>
        %broadcast_in_dim3A_674 = vector.broadcast %reduce_sum3A_673 : f32 to vector<16xf32>
        %select_n3A_675 = arith.select %eq3A_669, %broadcast_in_dim3A_674, %select_n3A_564 : vector<16xi1>, vector<16xf32>
        %reduce_sum3A_676 = arith.constant true
        %reduce_sum3A_677 = vector.broadcast %reduce_sum3A_676 : i1 to vector<16xi1>
        %reduce_sum3A_678 = tpu.scan <sum>, %add3A_664 masked %reduce_sum3A_677 : vector<16xf32>, vector<16xi1> -> vector<16xf32>
        %reduce_sum3A_679 = vector.extract %reduce_sum3A_678[15] : f32 from vector<16xf32>
        %broadcast_in_dim3A_680 = vector.broadcast %reduce_sum3A_679 : f32 to vector<16xf32>
        %select_n3A_681 = arith.select %eq3A_669, %broadcast_in_dim3A_680, %select_n3A_570 : vector<16xi1>, vector<16xf32>
        %add3A_682 = arith.constant 4 : i32
        %add3A_683 = arith.addi %mul3A_245, %add3A_682 : i32
        %get3A_684 = arith.index_cast %add3A_683 : i32 to index
        %get3A_685 = arith.constant 0 : index
        %get3A_686 = tpu.vector_load %arg7[%get3A_684, %get3A_685] {strides = array<i32>} : memref<64x128xf32, #tpu.memory_space<vmem>>, vector<16xf32>,
        %get3A_687 = arith.index_cast %add3A_683 : i32 to index
        %get3A_688 = arith.constant 0 : index
        %get3A_689 = tpu.vector_load %arg9[%get3A_687, %get3A_688] {strides = array<i32>} : memref<64x128xf32, #tpu.memory_space<vmem>>, vector<16xf32>,
        %mul3A_690 = arith.mulf %get3A_686, %get3A_686 : vector<16xf32>
        %mul3A_691 = arith.mulf %get3A_686, %get3A_689 : vector<16xf32>
        %mul3A_692 = arith.mulf %get3A_689, %get3A_689 : vector<16xf32>
        %add3A_693 = arith.addf %add3A_630, %mul3A_692 : vector<16xf32>
        %get3A_694 = arith.index_cast %add3A_683 : i32 to index
        %get3A_695 = arith.constant 16 : index
        %get3A_696 = tpu.vector_load %arg7[%get3A_694, %get3A_695] {strides = array<i32>} : memref<64x128xf32, #tpu.memory_space<vmem>>, vector<16xf32>,
        %get3A_697 = arith.index_cast %add3A_683 : i32 to index
        %get3A_698 = arith.constant 16 : index
        %get3A_699 = tpu.vector_load %arg9[%get3A_697, %get3A_698] {strides = array<i32>} : memref<64x128xf32, #tpu.memory_space<vmem>>, vector<16xf32>,
        %mul3A_700 = arith.mulf %get3A_696, %get3A_696 : vector<16xf32>
        %add3A_701 = arith.addf %mul3A_690, %mul3A_700 : vector<16xf32>
        %mul3A_702 = arith.mulf %get3A_696, %get3A_699 : vector<16xf32>
        %add3A_703 = arith.addf %mul3A_691, %mul3A_702 : vector<16xf32>
        %mul3A_704 = arith.mulf %get3A_699, %get3A_699 : vector<16xf32>
        %add3A_705 = arith.addf %add3A_642, %mul3A_704 : vector<16xf32>
        %get3A_706 = arith.index_cast %add3A_683 : i32 to index
        %get3A_707 = arith.constant 32 : index
        %get3A_708 = tpu.vector_load %arg7[%get3A_706, %get3A_707] {strides = array<i32>} : memref<64x128xf32, #tpu.memory_space<vmem>>, vector<16xf32>,
        %get3A_709 = arith.index_cast %add3A_683 : i32 to index
        %get3A_710 = arith.constant 32 : index
        %get3A_711 = tpu.vector_load %arg9[%get3A_709, %get3A_710] {strides = array<i32>} : memref<64x128xf32, #tpu.memory_space<vmem>>, vector<16xf32>,
        %mul3A_712 = arith.mulf %get3A_708, %get3A_708 : vector<16xf32>
        %add3A_713 = arith.addf %add3A_701, %mul3A_712 : vector<16xf32>
        %mul3A_714 = arith.mulf %get3A_708, %get3A_711 : vector<16xf32>
        %add3A_715 = arith.addf %add3A_703, %mul3A_714 : vector<16xf32>
        %mul3A_716 = arith.mulf %get3A_711, %get3A_711 : vector<16xf32>
        %add3A_717 = arith.addf %add3A_654, %mul3A_716 : vector<16xf32>
        %get3A_718 = arith.index_cast %add3A_683 : i32 to index
        %get3A_719 = arith.constant 48 : index
        %get3A_720 = tpu.vector_load %arg7[%get3A_718, %get3A_719] {strides = array<i32>} : memref<64x128xf32, #tpu.memory_space<vmem>>, vector<16xf32>,
        %get3A_721 = arith.index_cast %add3A_683 : i32 to index
        %get3A_722 = arith.constant 48 : index
        %get3A_723 = tpu.vector_load %arg9[%get3A_721, %get3A_722] {strides = array<i32>} : memref<64x128xf32, #tpu.memory_space<vmem>>, vector<16xf32>,
        %mul3A_724 = arith.mulf %get3A_720, %get3A_720 : vector<16xf32>
        %add3A_725 = arith.addf %add3A_713, %mul3A_724 : vector<16xf32>
        %mul3A_726 = arith.mulf %get3A_720, %get3A_723 : vector<16xf32>
        %add3A_727 = arith.addf %add3A_715, %mul3A_726 : vector<16xf32>
        %mul3A_728 = arith.mulf %get3A_723, %get3A_723 : vector<16xf32>
        %add3A_729 = arith.addf %add3A_666, %mul3A_728 : vector<16xf32>
        %get3A_730 = arith.index_cast %add3A_683 : i32 to index
        %get3A_731 = arith.constant 64 : index
        %get3A_732 = tpu.vector_load %arg7[%get3A_730, %get3A_731] {strides = array<i32>} : memref<64x128xf32, #tpu.memory_space<vmem>>, vector<16xf32>,
        %get3A_733 = arith.index_cast %add3A_683 : i32 to index
        %get3A_734 = arith.constant 64 : index
        %get3A_735 = tpu.vector_load %arg9[%get3A_733, %get3A_734] {strides = array<i32>} : memref<64x128xf32, #tpu.memory_space<vmem>>, vector<16xf32>,
        %mul3A_736 = arith.mulf %get3A_732, %get3A_732 : vector<16xf32>
        %add3A_737 = arith.addf %add3A_725, %mul3A_736 : vector<16xf32>
        %mul3A_738 = arith.mulf %get3A_732, %get3A_735 : vector<16xf32>
        %add3A_739 = arith.addf %add3A_727, %mul3A_738 : vector<16xf32>
        %mul3A_740 = arith.mulf %get3A_735, %get3A_735 : vector<16xf32>
        %add3A_741 = arith.addf %add3A_693, %mul3A_740 : vector<16xf32>
        %get3A_742 = arith.index_cast %add3A_683 : i32 to index
        %get3A_743 = arith.constant 80 : index
        %get3A_744 = tpu.vector_load %arg7[%get3A_742, %get3A_743] {strides = array<i32>} : memref<64x128xf32, #tpu.memory_space<vmem>>, vector<16xf32>,
        %get3A_745 = arith.index_cast %add3A_683 : i32 to index
        %get3A_746 = arith.constant 80 : index
        %get3A_747 = tpu.vector_load %arg9[%get3A_745, %get3A_746] {strides = array<i32>} : memref<64x128xf32, #tpu.memory_space<vmem>>, vector<16xf32>,
        %mul3A_748 = arith.mulf %get3A_744, %get3A_744 : vector<16xf32>
        %add3A_749 = arith.addf %add3A_737, %mul3A_748 : vector<16xf32>
        %mul3A_750 = arith.mulf %get3A_744, %get3A_747 : vector<16xf32>
        %add3A_751 = arith.addf %add3A_739, %mul3A_750 : vector<16xf32>
        %mul3A_752 = arith.mulf %get3A_747, %get3A_747 : vector<16xf32>
        %add3A_753 = arith.addf %add3A_705, %mul3A_752 : vector<16xf32>
        %get3A_754 = arith.index_cast %add3A_683 : i32 to index
        %get3A_755 = arith.constant 96 : index
        %get3A_756 = tpu.vector_load %arg7[%get3A_754, %get3A_755] {strides = array<i32>} : memref<64x128xf32, #tpu.memory_space<vmem>>, vector<16xf32>,
        %get3A_757 = arith.index_cast %add3A_683 : i32 to index
        %get3A_758 = arith.constant 96 : index
        %get3A_759 = tpu.vector_load %arg9[%get3A_757, %get3A_758] {strides = array<i32>} : memref<64x128xf32, #tpu.memory_space<vmem>>, vector<16xf32>,
        %mul3A_760 = arith.mulf %get3A_756, %get3A_756 : vector<16xf32>
        %add3A_761 = arith.addf %add3A_749, %mul3A_760 : vector<16xf32>
        %mul3A_762 = arith.mulf %get3A_756, %get3A_759 : vector<16xf32>
        %add3A_763 = arith.addf %add3A_751, %mul3A_762 : vector<16xf32>
        %mul3A_764 = arith.mulf %get3A_759, %get3A_759 : vector<16xf32>
        %add3A_765 = arith.addf %add3A_717, %mul3A_764 : vector<16xf32>
        %get3A_766 = arith.index_cast %add3A_683 : i32 to index
        %get3A_767 = arith.constant 112 : index
        %get3A_768 = tpu.vector_load %arg7[%get3A_766, %get3A_767] {strides = array<i32>} : memref<64x128xf32, #tpu.memory_space<vmem>>, vector<16xf32>,
        %get3A_769 = arith.index_cast %add3A_683 : i32 to index
        %get3A_770 = arith.constant 112 : index
        %get3A_771 = tpu.vector_load %arg9[%get3A_769, %get3A_770] {strides = array<i32>} : memref<64x128xf32, #tpu.memory_space<vmem>>, vector<16xf32>,
        %mul3A_772 = arith.mulf %get3A_768, %get3A_768 : vector<16xf32>
        %add3A_773 = arith.addf %add3A_761, %mul3A_772 : vector<16xf32>
        %mul3A_774 = arith.mulf %get3A_768, %get3A_771 : vector<16xf32>
        %add3A_775 = arith.addf %add3A_763, %mul3A_774 : vector<16xf32>
        %mul3A_776 = arith.mulf %get3A_771, %get3A_771 : vector<16xf32>
        %add3A_777 = arith.addf %add3A_729, %mul3A_776 : vector<16xf32>
        %eq3A_778 = arith.constant 4 : i32
        %eq3A_779 = vector.broadcast %eq3A_778 : i32 to vector<16xi32>
        %eq3A_780 = arith.cmpi eq, %iota3A, %eq3A_779 : vector<16xi32>
        %reduce_sum3A_781 = arith.constant true
        %reduce_sum3A_782 = vector.broadcast %reduce_sum3A_781 : i1 to vector<16xi1>
        %reduce_sum3A_783 = tpu.scan <sum>, %add3A_773 masked %reduce_sum3A_782 : vector<16xf32>, vector<16xi1> -> vector<16xf32>
        %reduce_sum3A_784 = vector.extract %reduce_sum3A_783[15] : f32 from vector<16xf32>
        %broadcast_in_dim3A_785 = vector.broadcast %reduce_sum3A_784 : f32 to vector<16xf32>
        %select_n3A_786 = arith.select %eq3A_780, %broadcast_in_dim3A_785, %select_n3A_675 : vector<16xi1>, vector<16xf32>
        %reduce_sum3A_787 = arith.constant true
        %reduce_sum3A_788 = vector.broadcast %reduce_sum3A_787 : i1 to vector<16xi1>
        %reduce_sum3A_789 = tpu.scan <sum>, %add3A_775 masked %reduce_sum3A_788 : vector<16xf32>, vector<16xi1> -> vector<16xf32>
        %reduce_sum3A_790 = vector.extract %reduce_sum3A_789[15] : f32 from vector<16xf32>
        %broadcast_in_dim3A_791 = vector.broadcast %reduce_sum3A_790 : f32 to vector<16xf32>
        %select_n3A_792 = arith.select %eq3A_780, %broadcast_in_dim3A_791, %select_n3A_681 : vector<16xi1>, vector<16xf32>
        %add3A_793 = arith.constant 5 : i32
        %add3A_794 = arith.addi %mul3A_245, %add3A_793 : i32
        %get3A_795 = arith.index_cast %add3A_794 : i32 to index
        %get3A_796 = arith.constant 0 : index
        %get3A_797 = tpu.vector_load %arg7[%get3A_795, %get3A_796] {strides = array<i32>} : memref<64x128xf32, #tpu.memory_space<vmem>>, vector<16xf32>,
        %get3A_798 = arith.index_cast %add3A_794 : i32 to index
        %get3A_799 = arith.constant 0 : index
        %get3A_800 = tpu.vector_load %arg9[%get3A_798, %get3A_799] {strides = array<i32>} : memref<64x128xf32, #tpu.memory_space<vmem>>, vector<16xf32>,
        %mul3A_801 = arith.mulf %get3A_797, %get3A_797 : vector<16xf32>
        %mul3A_802 = arith.mulf %get3A_797, %get3A_800 : vector<16xf32>
        %mul3A_803 = arith.mulf %get3A_800, %get3A_800 : vector<16xf32>
        %add3A_804 = arith.addf %add3A_741, %mul3A_803 : vector<16xf32>
        %get3A_805 = arith.index_cast %add3A_794 : i32 to index
        %get3A_806 = arith.constant 16 : index
        %get3A_807 = tpu.vector_load %arg7[%get3A_805, %get3A_806] {strides = array<i32>} : memref<64x128xf32, #tpu.memory_space<vmem>>, vector<16xf32>,
        %get3A_808 = arith.index_cast %add3A_794 : i32 to index
        %get3A_809 = arith.constant 16 : index
        %get3A_810 = tpu.vector_load %arg9[%get3A_808, %get3A_809] {strides = array<i32>} : memref<64x128xf32, #tpu.memory_space<vmem>>, vector<16xf32>,
        %mul3A_811 = arith.mulf %get3A_807, %get3A_807 : vector<16xf32>
        %add3A_812 = arith.addf %mul3A_801, %mul3A_811 : vector<16xf32>
        %mul3A_813 = arith.mulf %get3A_807, %get3A_810 : vector<16xf32>
        %add3A_814 = arith.addf %mul3A_802, %mul3A_813 : vector<16xf32>
        %mul3A_815 = arith.mulf %get3A_810, %get3A_810 : vector<16xf32>
        %add3A_816 = arith.addf %add3A_753, %mul3A_815 : vector<16xf32>
        %get3A_817 = arith.index_cast %add3A_794 : i32 to index
        %get3A_818 = arith.constant 32 : index
        %get3A_819 = tpu.vector_load %arg7[%get3A_817, %get3A_818] {strides = array<i32>} : memref<64x128xf32, #tpu.memory_space<vmem>>, vector<16xf32>,
        %get3A_820 = arith.index_cast %add3A_794 : i32 to index
        %get3A_821 = arith.constant 32 : index
        %get3A_822 = tpu.vector_load %arg9[%get3A_820, %get3A_821] {strides = array<i32>} : memref<64x128xf32, #tpu.memory_space<vmem>>, vector<16xf32>,
        %mul3A_823 = arith.mulf %get3A_819, %get3A_819 : vector<16xf32>
        %add3A_824 = arith.addf %add3A_812, %mul3A_823 : vector<16xf32>
        %mul3A_825 = arith.mulf %get3A_819, %get3A_822 : vector<16xf32>
        %add3A_826 = arith.addf %add3A_814, %mul3A_825 : vector<16xf32>
        %mul3A_827 = arith.mulf %get3A_822, %get3A_822 : vector<16xf32>
        %add3A_828 = arith.addf %add3A_765, %mul3A_827 : vector<16xf32>
        %get3A_829 = arith.index_cast %add3A_794 : i32 to index
        %get3A_830 = arith.constant 48 : index
        %get3A_831 = tpu.vector_load %arg7[%get3A_829, %get3A_830] {strides = array<i32>} : memref<64x128xf32, #tpu.memory_space<vmem>>, vector<16xf32>,
        %get3A_832 = arith.index_cast %add3A_794 : i32 to index
        %get3A_833 = arith.constant 48 : index
        %get3A_834 = tpu.vector_load %arg9[%get3A_832, %get3A_833] {strides = array<i32>} : memref<64x128xf32, #tpu.memory_space<vmem>>, vector<16xf32>,
        %mul3A_835 = arith.mulf %get3A_831, %get3A_831 : vector<16xf32>
        %add3A_836 = arith.addf %add3A_824, %mul3A_835 : vector<16xf32>
        %mul3A_837 = arith.mulf %get3A_831, %get3A_834 : vector<16xf32>
        %add3A_838 = arith.addf %add3A_826, %mul3A_837 : vector<16xf32>
        %mul3A_839 = arith.mulf %get3A_834, %get3A_834 : vector<16xf32>
        %add3A_840 = arith.addf %add3A_777, %mul3A_839 : vector<16xf32>
        %get3A_841 = arith.index_cast %add3A_794 : i32 to index
        %get3A_842 = arith.constant 64 : index
        %get3A_843 = tpu.vector_load %arg7[%get3A_841, %get3A_842] {strides = array<i32>} : memref<64x128xf32, #tpu.memory_space<vmem>>, vector<16xf32>,
        %get3A_844 = arith.index_cast %add3A_794 : i32 to index
        %get3A_845 = arith.constant 64 : index
        %get3A_846 = tpu.vector_load %arg9[%get3A_844, %get3A_845] {strides = array<i32>} : memref<64x128xf32, #tpu.memory_space<vmem>>, vector<16xf32>,
        %mul3A_847 = arith.mulf %get3A_843, %get3A_843 : vector<16xf32>
        %add3A_848 = arith.addf %add3A_836, %mul3A_847 : vector<16xf32>
        %mul3A_849 = arith.mulf %get3A_843, %get3A_846 : vector<16xf32>
        %add3A_850 = arith.addf %add3A_838, %mul3A_849 : vector<16xf32>
        %mul3A_851 = arith.mulf %get3A_846, %get3A_846 : vector<16xf32>
        %add3A_852 = arith.addf %add3A_804, %mul3A_851 : vector<16xf32>
        %get3A_853 = arith.index_cast %add3A_794 : i32 to index
        %get3A_854 = arith.constant 80 : index
        %get3A_855 = tpu.vector_load %arg7[%get3A_853, %get3A_854] {strides = array<i32>} : memref<64x128xf32, #tpu.memory_space<vmem>>, vector<16xf32>,
        %get3A_856 = arith.index_cast %add3A_794 : i32 to index
        %get3A_857 = arith.constant 80 : index
        %get3A_858 = tpu.vector_load %arg9[%get3A_856, %get3A_857] {strides = array<i32>} : memref<64x128xf32, #tpu.memory_space<vmem>>, vector<16xf32>,
        %mul3A_859 = arith.mulf %get3A_855, %get3A_855 : vector<16xf32>
        %add3A_860 = arith.addf %add3A_848, %mul3A_859 : vector<16xf32>
        %mul3A_861 = arith.mulf %get3A_855, %get3A_858 : vector<16xf32>
        %add3A_862 = arith.addf %add3A_850, %mul3A_861 : vector<16xf32>
        %mul3A_863 = arith.mulf %get3A_858, %get3A_858 : vector<16xf32>
        %add3A_864 = arith.addf %add3A_816, %mul3A_863 : vector<16xf32>
        %get3A_865 = arith.index_cast %add3A_794 : i32 to index
        %get3A_866 = arith.constant 96 : index
        %get3A_867 = tpu.vector_load %arg7[%get3A_865, %get3A_866] {strides = array<i32>} : memref<64x128xf32, #tpu.memory_space<vmem>>, vector<16xf32>,
        %get3A_868 = arith.index_cast %add3A_794 : i32 to index
        %get3A_869 = arith.constant 96 : index
        %get3A_870 = tpu.vector_load %arg9[%get3A_868, %get3A_869] {strides = array<i32>} : memref<64x128xf32, #tpu.memory_space<vmem>>, vector<16xf32>,
        %mul3A_871 = arith.mulf %get3A_867, %get3A_867 : vector<16xf32>
        %add3A_872 = arith.addf %add3A_860, %mul3A_871 : vector<16xf32>
        %mul3A_873 = arith.mulf %get3A_867, %get3A_870 : vector<16xf32>
        %add3A_874 = arith.addf %add3A_862, %mul3A_873 : vector<16xf32>
        %mul3A_875 = arith.mulf %get3A_870, %get3A_870 : vector<16xf32>
        %add3A_876 = arith.addf %add3A_828, %mul3A_875 : vector<16xf32>
        %get3A_877 = arith.index_cast %add3A_794 : i32 to index
        %get3A_878 = arith.constant 112 : index
        %get3A_879 = tpu.vector_load %arg7[%get3A_877, %get3A_878] {strides = array<i32>} : memref<64x128xf32, #tpu.memory_space<vmem>>, vector<16xf32>,
        %get3A_880 = arith.index_cast %add3A_794 : i32 to index
        %get3A_881 = arith.constant 112 : index
        %get3A_882 = tpu.vector_load %arg9[%get3A_880, %get3A_881] {strides = array<i32>} : memref<64x128xf32, #tpu.memory_space<vmem>>, vector<16xf32>,
        %mul3A_883 = arith.mulf %get3A_879, %get3A_879 : vector<16xf32>
        %add3A_884 = arith.addf %add3A_872, %mul3A_883 : vector<16xf32>
        %mul3A_885 = arith.mulf %get3A_879, %get3A_882 : vector<16xf32>
        %add3A_886 = arith.addf %add3A_874, %mul3A_885 : vector<16xf32>
        %mul3A_887 = arith.mulf %get3A_882, %get3A_882 : vector<16xf32>
        %add3A_888 = arith.addf %add3A_840, %mul3A_887 : vector<16xf32>
        %eq3A_889 = arith.constant 5 : i32
        %eq3A_890 = vector.broadcast %eq3A_889 : i32 to vector<16xi32>
        %eq3A_891 = arith.cmpi eq, %iota3A, %eq3A_890 : vector<16xi32>
        %reduce_sum3A_892 = arith.constant true
        %reduce_sum3A_893 = vector.broadcast %reduce_sum3A_892 : i1 to vector<16xi1>
        %reduce_sum3A_894 = tpu.scan <sum>, %add3A_884 masked %reduce_sum3A_893 : vector<16xf32>, vector<16xi1> -> vector<16xf32>
        %reduce_sum3A_895 = vector.extract %reduce_sum3A_894[15] : f32 from vector<16xf32>
        %broadcast_in_dim3A_896 = vector.broadcast %reduce_sum3A_895 : f32 to vector<16xf32>
        %select_n3A_897 = arith.select %eq3A_891, %broadcast_in_dim3A_896, %select_n3A_786 : vector<16xi1>, vector<16xf32>
        %reduce_sum3A_898 = arith.constant true
        %reduce_sum3A_899 = vector.broadcast %reduce_sum3A_898 : i1 to vector<16xi1>
        %reduce_sum3A_900 = tpu.scan <sum>, %add3A_886 masked %reduce_sum3A_899 : vector<16xf32>, vector<16xi1> -> vector<16xf32>
        %reduce_sum3A_901 = vector.extract %reduce_sum3A_900[15] : f32 from vector<16xf32>
        %broadcast_in_dim3A_902 = vector.broadcast %reduce_sum3A_901 : f32 to vector<16xf32>
        %select_n3A_903 = arith.select %eq3A_891, %broadcast_in_dim3A_902, %select_n3A_792 : vector<16xi1>, vector<16xf32>
        %add3A_904 = arith.constant 6 : i32
        %add3A_905 = arith.addi %mul3A_245, %add3A_904 : i32
        %get3A_906 = arith.index_cast %add3A_905 : i32 to index
        %get3A_907 = arith.constant 0 : index
        %get3A_908 = tpu.vector_load %arg7[%get3A_906, %get3A_907] {strides = array<i32>} : memref<64x128xf32, #tpu.memory_space<vmem>>, vector<16xf32>,
        %get3A_909 = arith.index_cast %add3A_905 : i32 to index
        %get3A_910 = arith.constant 0 : index
        %get3A_911 = tpu.vector_load %arg9[%get3A_909, %get3A_910] {strides = array<i32>} : memref<64x128xf32, #tpu.memory_space<vmem>>, vector<16xf32>,
        %mul3A_912 = arith.mulf %get3A_908, %get3A_908 : vector<16xf32>
        %mul3A_913 = arith.mulf %get3A_908, %get3A_911 : vector<16xf32>
        %mul3A_914 = arith.mulf %get3A_911, %get3A_911 : vector<16xf32>
        %add3A_915 = arith.addf %add3A_852, %mul3A_914 : vector<16xf32>
        %get3A_916 = arith.index_cast %add3A_905 : i32 to index
        %get3A_917 = arith.constant 16 : index
        %get3A_918 = tpu.vector_load %arg7[%get3A_916, %get3A_917] {strides = array<i32>} : memref<64x128xf32, #tpu.memory_space<vmem>>, vector<16xf32>,
        %get3A_919 = arith.index_cast %add3A_905 : i32 to index
        %get3A_920 = arith.constant 16 : index
        %get3A_921 = tpu.vector_load %arg9[%get3A_919, %get3A_920] {strides = array<i32>} : memref<64x128xf32, #tpu.memory_space<vmem>>, vector<16xf32>,
        %mul3A_922 = arith.mulf %get3A_918, %get3A_918 : vector<16xf32>
        %add3A_923 = arith.addf %mul3A_912, %mul3A_922 : vector<16xf32>
        %mul3A_924 = arith.mulf %get3A_918, %get3A_921 : vector<16xf32>
        %add3A_925 = arith.addf %mul3A_913, %mul3A_924 : vector<16xf32>
        %mul3A_926 = arith.mulf %get3A_921, %get3A_921 : vector<16xf32>
        %add3A_927 = arith.addf %add3A_864, %mul3A_926 : vector<16xf32>
        %get3A_928 = arith.index_cast %add3A_905 : i32 to index
        %get3A_929 = arith.constant 32 : index
        %get3A_930 = tpu.vector_load %arg7[%get3A_928, %get3A_929] {strides = array<i32>} : memref<64x128xf32, #tpu.memory_space<vmem>>, vector<16xf32>,
        %get3A_931 = arith.index_cast %add3A_905 : i32 to index
        %get3A_932 = arith.constant 32 : index
        %get3A_933 = tpu.vector_load %arg9[%get3A_931, %get3A_932] {strides = array<i32>} : memref<64x128xf32, #tpu.memory_space<vmem>>, vector<16xf32>,
        %mul3A_934 = arith.mulf %get3A_930, %get3A_930 : vector<16xf32>
        %add3A_935 = arith.addf %add3A_923, %mul3A_934 : vector<16xf32>
        %mul3A_936 = arith.mulf %get3A_930, %get3A_933 : vector<16xf32>
        %add3A_937 = arith.addf %add3A_925, %mul3A_936 : vector<16xf32>
        %mul3A_938 = arith.mulf %get3A_933, %get3A_933 : vector<16xf32>
        %add3A_939 = arith.addf %add3A_876, %mul3A_938 : vector<16xf32>
        %get3A_940 = arith.index_cast %add3A_905 : i32 to index
        %get3A_941 = arith.constant 48 : index
        %get3A_942 = tpu.vector_load %arg7[%get3A_940, %get3A_941] {strides = array<i32>} : memref<64x128xf32, #tpu.memory_space<vmem>>, vector<16xf32>,
        %get3A_943 = arith.index_cast %add3A_905 : i32 to index
        %get3A_944 = arith.constant 48 : index
        %get3A_945 = tpu.vector_load %arg9[%get3A_943, %get3A_944] {strides = array<i32>} : memref<64x128xf32, #tpu.memory_space<vmem>>, vector<16xf32>,
        %mul3A_946 = arith.mulf %get3A_942, %get3A_942 : vector<16xf32>
        %add3A_947 = arith.addf %add3A_935, %mul3A_946 : vector<16xf32>
        %mul3A_948 = arith.mulf %get3A_942, %get3A_945 : vector<16xf32>
        %add3A_949 = arith.addf %add3A_937, %mul3A_948 : vector<16xf32>
        %mul3A_950 = arith.mulf %get3A_945, %get3A_945 : vector<16xf32>
        %add3A_951 = arith.addf %add3A_888, %mul3A_950 : vector<16xf32>
        %get3A_952 = arith.index_cast %add3A_905 : i32 to index
        %get3A_953 = arith.constant 64 : index
        %get3A_954 = tpu.vector_load %arg7[%get3A_952, %get3A_953] {strides = array<i32>} : memref<64x128xf32, #tpu.memory_space<vmem>>, vector<16xf32>,
        %get3A_955 = arith.index_cast %add3A_905 : i32 to index
        %get3A_956 = arith.constant 64 : index
        %get3A_957 = tpu.vector_load %arg9[%get3A_955, %get3A_956] {strides = array<i32>} : memref<64x128xf32, #tpu.memory_space<vmem>>, vector<16xf32>,
        %mul3A_958 = arith.mulf %get3A_954, %get3A_954 : vector<16xf32>
        %add3A_959 = arith.addf %add3A_947, %mul3A_958 : vector<16xf32>
        %mul3A_960 = arith.mulf %get3A_954, %get3A_957 : vector<16xf32>
        %add3A_961 = arith.addf %add3A_949, %mul3A_960 : vector<16xf32>
        %mul3A_962 = arith.mulf %get3A_957, %get3A_957 : vector<16xf32>
        %add3A_963 = arith.addf %add3A_915, %mul3A_962 : vector<16xf32>
        %get3A_964 = arith.index_cast %add3A_905 : i32 to index
        %get3A_965 = arith.constant 80 : index
        %get3A_966 = tpu.vector_load %arg7[%get3A_964, %get3A_965] {strides = array<i32>} : memref<64x128xf32, #tpu.memory_space<vmem>>, vector<16xf32>,
        %get3A_967 = arith.index_cast %add3A_905 : i32 to index
        %get3A_968 = arith.constant 80 : index
        %get3A_969 = tpu.vector_load %arg9[%get3A_967, %get3A_968] {strides = array<i32>} : memref<64x128xf32, #tpu.memory_space<vmem>>, vector<16xf32>,
        %mul3A_970 = arith.mulf %get3A_966, %get3A_966 : vector<16xf32>
        %add3A_971 = arith.addf %add3A_959, %mul3A_970 : vector<16xf32>
        %mul3A_972 = arith.mulf %get3A_966, %get3A_969 : vector<16xf32>
        %add3A_973 = arith.addf %add3A_961, %mul3A_972 : vector<16xf32>
        %mul3A_974 = arith.mulf %get3A_969, %get3A_969 : vector<16xf32>
        %add3A_975 = arith.addf %add3A_927, %mul3A_974 : vector<16xf32>
        %get3A_976 = arith.index_cast %add3A_905 : i32 to index
        %get3A_977 = arith.constant 96 : index
        %get3A_978 = tpu.vector_load %arg7[%get3A_976, %get3A_977] {strides = array<i32>} : memref<64x128xf32, #tpu.memory_space<vmem>>, vector<16xf32>,
        %get3A_979 = arith.index_cast %add3A_905 : i32 to index
        %get3A_980 = arith.constant 96 : index
        %get3A_981 = tpu.vector_load %arg9[%get3A_979, %get3A_980] {strides = array<i32>} : memref<64x128xf32, #tpu.memory_space<vmem>>, vector<16xf32>,
        %mul3A_982 = arith.mulf %get3A_978, %get3A_978 : vector<16xf32>
        %add3A_983 = arith.addf %add3A_971, %mul3A_982 : vector<16xf32>
        %mul3A_984 = arith.mulf %get3A_978, %get3A_981 : vector<16xf32>
        %add3A_985 = arith.addf %add3A_973, %mul3A_984 : vector<16xf32>
        %mul3A_986 = arith.mulf %get3A_981, %get3A_981 : vector<16xf32>
        %add3A_987 = arith.addf %add3A_939, %mul3A_986 : vector<16xf32>
        %get3A_988 = arith.index_cast %add3A_905 : i32 to index
        %get3A_989 = arith.constant 112 : index
        %get3A_990 = tpu.vector_load %arg7[%get3A_988, %get3A_989] {strides = array<i32>} : memref<64x128xf32, #tpu.memory_space<vmem>>, vector<16xf32>,
        %get3A_991 = arith.index_cast %add3A_905 : i32 to index
        %get3A_992 = arith.constant 112 : index
        %get3A_993 = tpu.vector_load %arg9[%get3A_991, %get3A_992] {strides = array<i32>} : memref<64x128xf32, #tpu.memory_space<vmem>>, vector<16xf32>,
        %mul3A_994 = arith.mulf %get3A_990, %get3A_990 : vector<16xf32>
        %add3A_995 = arith.addf %add3A_983, %mul3A_994 : vector<16xf32>
        %mul3A_996 = arith.mulf %get3A_990, %get3A_993 : vector<16xf32>
        %add3A_997 = arith.addf %add3A_985, %mul3A_996 : vector<16xf32>
        %mul3A_998 = arith.mulf %get3A_993, %get3A_993 : vector<16xf32>
        %add3A_999 = arith.addf %add3A_951, %mul3A_998 : vector<16xf32>
        %eq3A_1000 = arith.constant 6 : i32
        %eq3A_1001 = vector.broadcast %eq3A_1000 : i32 to vector<16xi32>
        %eq3A_1002 = arith.cmpi eq, %iota3A, %eq3A_1001 : vector<16xi32>
        %reduce_sum3A_1003 = arith.constant true
        %reduce_sum3A_1004 = vector.broadcast %reduce_sum3A_1003 : i1 to vector<16xi1>
        %reduce_sum3A_1005 = tpu.scan <sum>, %add3A_995 masked %reduce_sum3A_1004 : vector<16xf32>, vector<16xi1> -> vector<16xf32>
        %reduce_sum3A_1006 = vector.extract %reduce_sum3A_1005[15] : f32 from vector<16xf32>
        %broadcast_in_dim3A_1007 = vector.broadcast %reduce_sum3A_1006 : f32 to vector<16xf32>
        %select_n3A_1008 = arith.select %eq3A_1002, %broadcast_in_dim3A_1007, %select_n3A_897 : vector<16xi1>, vector<16xf32>
        %reduce_sum3A_1009 = arith.constant true
        %reduce_sum3A_1010 = vector.broadcast %reduce_sum3A_1009 : i1 to vector<16xi1>
        %reduce_sum3A_1011 = tpu.scan <sum>, %add3A_997 masked %reduce_sum3A_1010 : vector<16xf32>, vector<16xi1> -> vector<16xf32>
        %reduce_sum3A_1012 = vector.extract %reduce_sum3A_1011[15] : f32 from vector<16xf32>
        %broadcast_in_dim3A_1013 = vector.broadcast %reduce_sum3A_1012 : f32 to vector<16xf32>
        %select_n3A_1014 = arith.select %eq3A_1002, %broadcast_in_dim3A_1013, %select_n3A_903 : vector<16xi1>, vector<16xf32>
        %add3A_1015 = arith.constant 7 : i32
        %add3A_1016 = arith.addi %mul3A_245, %add3A_1015 : i32
        %get3A_1017 = arith.index_cast %add3A_1016 : i32 to index
        %get3A_1018 = arith.constant 0 : index
        %get3A_1019 = tpu.vector_load %arg7[%get3A_1017, %get3A_1018] {strides = array<i32>} : memref<64x128xf32, #tpu.memory_space<vmem>>, vector<16xf32>,
        %get3A_1020 = arith.index_cast %add3A_1016 : i32 to index
        %get3A_1021 = arith.constant 0 : index
        %get3A_1022 = tpu.vector_load %arg9[%get3A_1020, %get3A_1021] {strides = array<i32>} : memref<64x128xf32, #tpu.memory_space<vmem>>, vector<16xf32>,
        %mul3A_1023 = arith.mulf %get3A_1019, %get3A_1019 : vector<16xf32>
        %mul3A_1024 = arith.mulf %get3A_1019, %get3A_1022 : vector<16xf32>
        %mul3A_1025 = arith.mulf %get3A_1022, %get3A_1022 : vector<16xf32>
        %add3A_1026 = arith.addf %add3A_963, %mul3A_1025 : vector<16xf32>
        %get3A_1027 = arith.index_cast %add3A_1016 : i32 to index
        %get3A_1028 = arith.constant 16 : index
        %get3A_1029 = tpu.vector_load %arg7[%get3A_1027, %get3A_1028] {strides = array<i32>} : memref<64x128xf32, #tpu.memory_space<vmem>>, vector<16xf32>,
        %get3A_1030 = arith.index_cast %add3A_1016 : i32 to index
        %get3A_1031 = arith.constant 16 : index
        %get3A_1032 = tpu.vector_load %arg9[%get3A_1030, %get3A_1031] {strides = array<i32>} : memref<64x128xf32, #tpu.memory_space<vmem>>, vector<16xf32>,
        %mul3A_1033 = arith.mulf %get3A_1029, %get3A_1029 : vector<16xf32>
        %add3A_1034 = arith.addf %mul3A_1023, %mul3A_1033 : vector<16xf32>
        %mul3A_1035 = arith.mulf %get3A_1029, %get3A_1032 : vector<16xf32>
        %add3A_1036 = arith.addf %mul3A_1024, %mul3A_1035 : vector<16xf32>
        %mul3A_1037 = arith.mulf %get3A_1032, %get3A_1032 : vector<16xf32>
        %add3A_1038 = arith.addf %add3A_975, %mul3A_1037 : vector<16xf32>
        %get3A_1039 = arith.index_cast %add3A_1016 : i32 to index
        %get3A_1040 = arith.constant 32 : index
        %get3A_1041 = tpu.vector_load %arg7[%get3A_1039, %get3A_1040] {strides = array<i32>} : memref<64x128xf32, #tpu.memory_space<vmem>>, vector<16xf32>,
        %get3A_1042 = arith.index_cast %add3A_1016 : i32 to index
        %get3A_1043 = arith.constant 32 : index
        %get3A_1044 = tpu.vector_load %arg9[%get3A_1042, %get3A_1043] {strides = array<i32>} : memref<64x128xf32, #tpu.memory_space<vmem>>, vector<16xf32>,
        %mul3A_1045 = arith.mulf %get3A_1041, %get3A_1041 : vector<16xf32>
        %add3A_1046 = arith.addf %add3A_1034, %mul3A_1045 : vector<16xf32>
        %mul3A_1047 = arith.mulf %get3A_1041, %get3A_1044 : vector<16xf32>
        %add3A_1048 = arith.addf %add3A_1036, %mul3A_1047 : vector<16xf32>
        %mul3A_1049 = arith.mulf %get3A_1044, %get3A_1044 : vector<16xf32>
        %add3A_1050 = arith.addf %add3A_987, %mul3A_1049 : vector<16xf32>
        %get3A_1051 = arith.index_cast %add3A_1016 : i32 to index
        %get3A_1052 = arith.constant 48 : index
        %get3A_1053 = tpu.vector_load %arg7[%get3A_1051, %get3A_1052] {strides = array<i32>} : memref<64x128xf32, #tpu.memory_space<vmem>>, vector<16xf32>,
        %get3A_1054 = arith.index_cast %add3A_1016 : i32 to index
        %get3A_1055 = arith.constant 48 : index
        %get3A_1056 = tpu.vector_load %arg9[%get3A_1054, %get3A_1055] {strides = array<i32>} : memref<64x128xf32, #tpu.memory_space<vmem>>, vector<16xf32>,
        %mul3A_1057 = arith.mulf %get3A_1053, %get3A_1053 : vector<16xf32>
        %add3A_1058 = arith.addf %add3A_1046, %mul3A_1057 : vector<16xf32>
        %mul3A_1059 = arith.mulf %get3A_1053, %get3A_1056 : vector<16xf32>
        %add3A_1060 = arith.addf %add3A_1048, %mul3A_1059 : vector<16xf32>
        %mul3A_1061 = arith.mulf %get3A_1056, %get3A_1056 : vector<16xf32>
        %add3A_1062 = arith.addf %add3A_999, %mul3A_1061 : vector<16xf32>
        %get3A_1063 = arith.index_cast %add3A_1016 : i32 to index
        %get3A_1064 = arith.constant 64 : index
        %get3A_1065 = tpu.vector_load %arg7[%get3A_1063, %get3A_1064] {strides = array<i32>} : memref<64x128xf32, #tpu.memory_space<vmem>>, vector<16xf32>,
        %get3A_1066 = arith.index_cast %add3A_1016 : i32 to index
        %get3A_1067 = arith.constant 64 : index
        %get3A_1068 = tpu.vector_load %arg9[%get3A_1066, %get3A_1067] {strides = array<i32>} : memref<64x128xf32, #tpu.memory_space<vmem>>, vector<16xf32>,
        %mul3A_1069 = arith.mulf %get3A_1065, %get3A_1065 : vector<16xf32>
        %add3A_1070 = arith.addf %add3A_1058, %mul3A_1069 : vector<16xf32>
        %mul3A_1071 = arith.mulf %get3A_1065, %get3A_1068 : vector<16xf32>
        %add3A_1072 = arith.addf %add3A_1060, %mul3A_1071 : vector<16xf32>
        %mul3A_1073 = arith.mulf %get3A_1068, %get3A_1068 : vector<16xf32>
        %add3A_1074 = arith.addf %add3A_1026, %mul3A_1073 : vector<16xf32>
        %get3A_1075 = arith.index_cast %add3A_1016 : i32 to index
        %get3A_1076 = arith.constant 80 : index
        %get3A_1077 = tpu.vector_load %arg7[%get3A_1075, %get3A_1076] {strides = array<i32>} : memref<64x128xf32, #tpu.memory_space<vmem>>, vector<16xf32>,
        %get3A_1078 = arith.index_cast %add3A_1016 : i32 to index
        %get3A_1079 = arith.constant 80 : index
        %get3A_1080 = tpu.vector_load %arg9[%get3A_1078, %get3A_1079] {strides = array<i32>} : memref<64x128xf32, #tpu.memory_space<vmem>>, vector<16xf32>,
        %mul3A_1081 = arith.mulf %get3A_1077, %get3A_1077 : vector<16xf32>
        %add3A_1082 = arith.addf %add3A_1070, %mul3A_1081 : vector<16xf32>
        %mul3A_1083 = arith.mulf %get3A_1077, %get3A_1080 : vector<16xf32>
        %add3A_1084 = arith.addf %add3A_1072, %mul3A_1083 : vector<16xf32>
        %mul3A_1085 = arith.mulf %get3A_1080, %get3A_1080 : vector<16xf32>
        %add3A_1086 = arith.addf %add3A_1038, %mul3A_1085 : vector<16xf32>
        %get3A_1087 = arith.index_cast %add3A_1016 : i32 to index
        %get3A_1088 = arith.constant 96 : index
        %get3A_1089 = tpu.vector_load %arg7[%get3A_1087, %get3A_1088] {strides = array<i32>} : memref<64x128xf32, #tpu.memory_space<vmem>>, vector<16xf32>,
        %get3A_1090 = arith.index_cast %add3A_1016 : i32 to index
        %get3A_1091 = arith.constant 96 : index
        %get3A_1092 = tpu.vector_load %arg9[%get3A_1090, %get3A_1091] {strides = array<i32>} : memref<64x128xf32, #tpu.memory_space<vmem>>, vector<16xf32>,
        %mul3A_1093 = arith.mulf %get3A_1089, %get3A_1089 : vector<16xf32>
        %add3A_1094 = arith.addf %add3A_1082, %mul3A_1093 : vector<16xf32>
        %mul3A_1095 = arith.mulf %get3A_1089, %get3A_1092 : vector<16xf32>
        %add3A_1096 = arith.addf %add3A_1084, %mul3A_1095 : vector<16xf32>
        %mul3A_1097 = arith.mulf %get3A_1092, %get3A_1092 : vector<16xf32>
        %add3A_1098 = arith.addf %add3A_1050, %mul3A_1097 : vector<16xf32>
        %get3A_1099 = arith.index_cast %add3A_1016 : i32 to index
        %get3A_1100 = arith.constant 112 : index
        %get3A_1101 = tpu.vector_load %arg7[%get3A_1099, %get3A_1100] {strides = array<i32>} : memref<64x128xf32, #tpu.memory_space<vmem>>, vector<16xf32>,
        %get3A_1102 = arith.index_cast %add3A_1016 : i32 to index
        %get3A_1103 = arith.constant 112 : index
        %get3A_1104 = tpu.vector_load %arg9[%get3A_1102, %get3A_1103] {strides = array<i32>} : memref<64x128xf32, #tpu.memory_space<vmem>>, vector<16xf32>,
        %mul3A_1105 = arith.mulf %get3A_1101, %get3A_1101 : vector<16xf32>
        %add3A_1106 = arith.addf %add3A_1094, %mul3A_1105 : vector<16xf32>
        %mul3A_1107 = arith.mulf %get3A_1101, %get3A_1104 : vector<16xf32>
        %add3A_1108 = arith.addf %add3A_1096, %mul3A_1107 : vector<16xf32>
        %mul3A_1109 = arith.mulf %get3A_1104, %get3A_1104 : vector<16xf32>
        %add3A_1110 = arith.addf %add3A_1062, %mul3A_1109 : vector<16xf32>
        %eq3A_1111 = arith.constant 7 : i32
        %eq3A_1112 = vector.broadcast %eq3A_1111 : i32 to vector<16xi32>
        %eq3A_1113 = arith.cmpi eq, %iota3A, %eq3A_1112 : vector<16xi32>
        %reduce_sum3A_1114 = arith.constant true
        %reduce_sum3A_1115 = vector.broadcast %reduce_sum3A_1114 : i1 to vector<16xi1>
        %reduce_sum3A_1116 = tpu.scan <sum>, %add3A_1106 masked %reduce_sum3A_1115 : vector<16xf32>, vector<16xi1> -> vector<16xf32>
        %reduce_sum3A_1117 = vector.extract %reduce_sum3A_1116[15] : f32 from vector<16xf32>
        %broadcast_in_dim3A_1118 = vector.broadcast %reduce_sum3A_1117 : f32 to vector<16xf32>
        %select_n3A_1119 = arith.select %eq3A_1113, %broadcast_in_dim3A_1118, %select_n3A_1008 : vector<16xi1>, vector<16xf32>
        %reduce_sum3A_1120 = arith.constant true
        %reduce_sum3A_1121 = vector.broadcast %reduce_sum3A_1120 : i1 to vector<16xi1>
        %reduce_sum3A_1122 = tpu.scan <sum>, %add3A_1108 masked %reduce_sum3A_1121 : vector<16xf32>, vector<16xi1> -> vector<16xf32>
        %reduce_sum3A_1123 = vector.extract %reduce_sum3A_1122[15] : f32 from vector<16xf32>
        %broadcast_in_dim3A_1124 = vector.broadcast %reduce_sum3A_1123 : f32 to vector<16xf32>
        %select_n3A_1125 = arith.select %eq3A_1113, %broadcast_in_dim3A_1124, %select_n3A_1014 : vector<16xi1>, vector<16xf32>
        %add3A_1126 = arith.constant 8 : i32
        %add3A_1127 = arith.addi %mul3A_245, %add3A_1126 : i32
        %get3A_1128 = arith.index_cast %add3A_1127 : i32 to index
        %get3A_1129 = arith.constant 0 : index
        %get3A_1130 = tpu.vector_load %arg7[%get3A_1128, %get3A_1129] {strides = array<i32>} : memref<64x128xf32, #tpu.memory_space<vmem>>, vector<16xf32>,
        %get3A_1131 = arith.index_cast %add3A_1127 : i32 to index
        %get3A_1132 = arith.constant 0 : index
        %get3A_1133 = tpu.vector_load %arg9[%get3A_1131, %get3A_1132] {strides = array<i32>} : memref<64x128xf32, #tpu.memory_space<vmem>>, vector<16xf32>,
        %mul3A_1134 = arith.mulf %get3A_1130, %get3A_1130 : vector<16xf32>
        %mul3A_1135 = arith.mulf %get3A_1130, %get3A_1133 : vector<16xf32>
        %mul3A_1136 = arith.mulf %get3A_1133, %get3A_1133 : vector<16xf32>
        %add3A_1137 = arith.addf %add3A_1074, %mul3A_1136 : vector<16xf32>
        %get3A_1138 = arith.index_cast %add3A_1127 : i32 to index
        %get3A_1139 = arith.constant 16 : index
        %get3A_1140 = tpu.vector_load %arg7[%get3A_1138, %get3A_1139] {strides = array<i32>} : memref<64x128xf32, #tpu.memory_space<vmem>>, vector<16xf32>,
        %get3A_1141 = arith.index_cast %add3A_1127 : i32 to index
        %get3A_1142 = arith.constant 16 : index
        %get3A_1143 = tpu.vector_load %arg9[%get3A_1141, %get3A_1142] {strides = array<i32>} : memref<64x128xf32, #tpu.memory_space<vmem>>, vector<16xf32>,
        %mul3A_1144 = arith.mulf %get3A_1140, %get3A_1140 : vector<16xf32>
        %add3A_1145 = arith.addf %mul3A_1134, %mul3A_1144 : vector<16xf32>
        %mul3A_1146 = arith.mulf %get3A_1140, %get3A_1143 : vector<16xf32>
        %add3A_1147 = arith.addf %mul3A_1135, %mul3A_1146 : vector<16xf32>
        %mul3A_1148 = arith.mulf %get3A_1143, %get3A_1143 : vector<16xf32>
        %add3A_1149 = arith.addf %add3A_1086, %mul3A_1148 : vector<16xf32>
        %get3A_1150 = arith.index_cast %add3A_1127 : i32 to index
        %get3A_1151 = arith.constant 32 : index
        %get3A_1152 = tpu.vector_load %arg7[%get3A_1150, %get3A_1151] {strides = array<i32>} : memref<64x128xf32, #tpu.memory_space<vmem>>, vector<16xf32>,
        %get3A_1153 = arith.index_cast %add3A_1127 : i32 to index
        %get3A_1154 = arith.constant 32 : index
        %get3A_1155 = tpu.vector_load %arg9[%get3A_1153, %get3A_1154] {strides = array<i32>} : memref<64x128xf32, #tpu.memory_space<vmem>>, vector<16xf32>,
        %mul3A_1156 = arith.mulf %get3A_1152, %get3A_1152 : vector<16xf32>
        %add3A_1157 = arith.addf %add3A_1145, %mul3A_1156 : vector<16xf32>
        %mul3A_1158 = arith.mulf %get3A_1152, %get3A_1155 : vector<16xf32>
        %add3A_1159 = arith.addf %add3A_1147, %mul3A_1158 : vector<16xf32>
        %mul3A_1160 = arith.mulf %get3A_1155, %get3A_1155 : vector<16xf32>
        %add3A_1161 = arith.addf %add3A_1098, %mul3A_1160 : vector<16xf32>
        %get3A_1162 = arith.index_cast %add3A_1127 : i32 to index
        %get3A_1163 = arith.constant 48 : index
        %get3A_1164 = tpu.vector_load %arg7[%get3A_1162, %get3A_1163] {strides = array<i32>} : memref<64x128xf32, #tpu.memory_space<vmem>>, vector<16xf32>,
        %get3A_1165 = arith.index_cast %add3A_1127 : i32 to index
        %get3A_1166 = arith.constant 48 : index
        %get3A_1167 = tpu.vector_load %arg9[%get3A_1165, %get3A_1166] {strides = array<i32>} : memref<64x128xf32, #tpu.memory_space<vmem>>, vector<16xf32>,
        %mul3A_1168 = arith.mulf %get3A_1164, %get3A_1164 : vector<16xf32>
        %add3A_1169 = arith.addf %add3A_1157, %mul3A_1168 : vector<16xf32>
        %mul3A_1170 = arith.mulf %get3A_1164, %get3A_1167 : vector<16xf32>
        %add3A_1171 = arith.addf %add3A_1159, %mul3A_1170 : vector<16xf32>
        %mul3A_1172 = arith.mulf %get3A_1167, %get3A_1167 : vector<16xf32>
        %add3A_1173 = arith.addf %add3A_1110, %mul3A_1172 : vector<16xf32>
        %get3A_1174 = arith.index_cast %add3A_1127 : i32 to index
        %get3A_1175 = arith.constant 64 : index
        %get3A_1176 = tpu.vector_load %arg7[%get3A_1174, %get3A_1175] {strides = array<i32>} : memref<64x128xf32, #tpu.memory_space<vmem>>, vector<16xf32>,
        %get3A_1177 = arith.index_cast %add3A_1127 : i32 to index
        %get3A_1178 = arith.constant 64 : index
        %get3A_1179 = tpu.vector_load %arg9[%get3A_1177, %get3A_1178] {strides = array<i32>} : memref<64x128xf32, #tpu.memory_space<vmem>>, vector<16xf32>,
        %mul3A_1180 = arith.mulf %get3A_1176, %get3A_1176 : vector<16xf32>
        %add3A_1181 = arith.addf %add3A_1169, %mul3A_1180 : vector<16xf32>
        %mul3A_1182 = arith.mulf %get3A_1176, %get3A_1179 : vector<16xf32>
        %add3A_1183 = arith.addf %add3A_1171, %mul3A_1182 : vector<16xf32>
        %mul3A_1184 = arith.mulf %get3A_1179, %get3A_1179 : vector<16xf32>
        %add3A_1185 = arith.addf %add3A_1137, %mul3A_1184 : vector<16xf32>
        %get3A_1186 = arith.index_cast %add3A_1127 : i32 to index
        %get3A_1187 = arith.constant 80 : index
        %get3A_1188 = tpu.vector_load %arg7[%get3A_1186, %get3A_1187] {strides = array<i32>} : memref<64x128xf32, #tpu.memory_space<vmem>>, vector<16xf32>,
        %get3A_1189 = arith.index_cast %add3A_1127 : i32 to index
        %get3A_1190 = arith.constant 80 : index
        %get3A_1191 = tpu.vector_load %arg9[%get3A_1189, %get3A_1190] {strides = array<i32>} : memref<64x128xf32, #tpu.memory_space<vmem>>, vector<16xf32>,
        %mul3A_1192 = arith.mulf %get3A_1188, %get3A_1188 : vector<16xf32>
        %add3A_1193 = arith.addf %add3A_1181, %mul3A_1192 : vector<16xf32>
        %mul3A_1194 = arith.mulf %get3A_1188, %get3A_1191 : vector<16xf32>
        %add3A_1195 = arith.addf %add3A_1183, %mul3A_1194 : vector<16xf32>
        %mul3A_1196 = arith.mulf %get3A_1191, %get3A_1191 : vector<16xf32>
        %add3A_1197 = arith.addf %add3A_1149, %mul3A_1196 : vector<16xf32>
        %get3A_1198 = arith.index_cast %add3A_1127 : i32 to index
        %get3A_1199 = arith.constant 96 : index
        %get3A_1200 = tpu.vector_load %arg7[%get3A_1198, %get3A_1199] {strides = array<i32>} : memref<64x128xf32, #tpu.memory_space<vmem>>, vector<16xf32>,
        %get3A_1201 = arith.index_cast %add3A_1127 : i32 to index
        %get3A_1202 = arith.constant 96 : index
        %get3A_1203 = tpu.vector_load %arg9[%get3A_1201, %get3A_1202] {strides = array<i32>} : memref<64x128xf32, #tpu.memory_space<vmem>>, vector<16xf32>,
        %mul3A_1204 = arith.mulf %get3A_1200, %get3A_1200 : vector<16xf32>
        %add3A_1205 = arith.addf %add3A_1193, %mul3A_1204 : vector<16xf32>
        %mul3A_1206 = arith.mulf %get3A_1200, %get3A_1203 : vector<16xf32>
        %add3A_1207 = arith.addf %add3A_1195, %mul3A_1206 : vector<16xf32>
        %mul3A_1208 = arith.mulf %get3A_1203, %get3A_1203 : vector<16xf32>
        %add3A_1209 = arith.addf %add3A_1161, %mul3A_1208 : vector<16xf32>
        %get3A_1210 = arith.index_cast %add3A_1127 : i32 to index
        %get3A_1211 = arith.constant 112 : index
        %get3A_1212 = tpu.vector_load %arg7[%get3A_1210, %get3A_1211] {strides = array<i32>} : memref<64x128xf32, #tpu.memory_space<vmem>>, vector<16xf32>,
        %get3A_1213 = arith.index_cast %add3A_1127 : i32 to index
        %get3A_1214 = arith.constant 112 : index
        %get3A_1215 = tpu.vector_load %arg9[%get3A_1213, %get3A_1214] {strides = array<i32>} : memref<64x128xf32, #tpu.memory_space<vmem>>, vector<16xf32>,
        %mul3A_1216 = arith.mulf %get3A_1212, %get3A_1212 : vector<16xf32>
        %add3A_1217 = arith.addf %add3A_1205, %mul3A_1216 : vector<16xf32>
        %mul3A_1218 = arith.mulf %get3A_1212, %get3A_1215 : vector<16xf32>
        %add3A_1219 = arith.addf %add3A_1207, %mul3A_1218 : vector<16xf32>
        %mul3A_1220 = arith.mulf %get3A_1215, %get3A_1215 : vector<16xf32>
        %add3A_1221 = arith.addf %add3A_1173, %mul3A_1220 : vector<16xf32>
        %eq3A_1222 = arith.constant 8 : i32
        %eq3A_1223 = vector.broadcast %eq3A_1222 : i32 to vector<16xi32>
        %eq3A_1224 = arith.cmpi eq, %iota3A, %eq3A_1223 : vector<16xi32>
        %reduce_sum3A_1225 = arith.constant true
        %reduce_sum3A_1226 = vector.broadcast %reduce_sum3A_1225 : i1 to vector<16xi1>
        %reduce_sum3A_1227 = tpu.scan <sum>, %add3A_1217 masked %reduce_sum3A_1226 : vector<16xf32>, vector<16xi1> -> vector<16xf32>
        %reduce_sum3A_1228 = vector.extract %reduce_sum3A_1227[15] : f32 from vector<16xf32>
        %broadcast_in_dim3A_1229 = vector.broadcast %reduce_sum3A_1228 : f32 to vector<16xf32>
        %select_n3A_1230 = arith.select %eq3A_1224, %broadcast_in_dim3A_1229, %select_n3A_1119 : vector<16xi1>, vector<16xf32>
        %reduce_sum3A_1231 = arith.constant true
        %reduce_sum3A_1232 = vector.broadcast %reduce_sum3A_1231 : i1 to vector<16xi1>
        %reduce_sum3A_1233 = tpu.scan <sum>, %add3A_1219 masked %reduce_sum3A_1232 : vector<16xf32>, vector<16xi1> -> vector<16xf32>
        %reduce_sum3A_1234 = vector.extract %reduce_sum3A_1233[15] : f32 from vector<16xf32>
        %broadcast_in_dim3A_1235 = vector.broadcast %reduce_sum3A_1234 : f32 to vector<16xf32>
        %select_n3A_1236 = arith.select %eq3A_1224, %broadcast_in_dim3A_1235, %select_n3A_1125 : vector<16xi1>, vector<16xf32>
        %add3A_1237 = arith.constant 9 : i32
        %add3A_1238 = arith.addi %mul3A_245, %add3A_1237 : i32
        %get3A_1239 = arith.index_cast %add3A_1238 : i32 to index
        %get3A_1240 = arith.constant 0 : index
        %get3A_1241 = tpu.vector_load %arg7[%get3A_1239, %get3A_1240] {strides = array<i32>} : memref<64x128xf32, #tpu.memory_space<vmem>>, vector<16xf32>,
        %get3A_1242 = arith.index_cast %add3A_1238 : i32 to index
        %get3A_1243 = arith.constant 0 : index
        %get3A_1244 = tpu.vector_load %arg9[%get3A_1242, %get3A_1243] {strides = array<i32>} : memref<64x128xf32, #tpu.memory_space<vmem>>, vector<16xf32>,
        %mul3A_1245 = arith.mulf %get3A_1241, %get3A_1241 : vector<16xf32>
        %mul3A_1246 = arith.mulf %get3A_1241, %get3A_1244 : vector<16xf32>
        %mul3A_1247 = arith.mulf %get3A_1244, %get3A_1244 : vector<16xf32>
        %add3A_1248 = arith.addf %add3A_1185, %mul3A_1247 : vector<16xf32>
        %get3A_1249 = arith.index_cast %add3A_1238 : i32 to index
        %get3A_1250 = arith.constant 16 : index
        %get3A_1251 = tpu.vector_load %arg7[%get3A_1249, %get3A_1250] {strides = array<i32>} : memref<64x128xf32, #tpu.memory_space<vmem>>, vector<16xf32>,
        %get3A_1252 = arith.index_cast %add3A_1238 : i32 to index
        %get3A_1253 = arith.constant 16 : index
        %get3A_1254 = tpu.vector_load %arg9[%get3A_1252, %get3A_1253] {strides = array<i32>} : memref<64x128xf32, #tpu.memory_space<vmem>>, vector<16xf32>,
        %mul3A_1255 = arith.mulf %get3A_1251, %get3A_1251 : vector<16xf32>
        %add3A_1256 = arith.addf %mul3A_1245, %mul3A_1255 : vector<16xf32>
        %mul3A_1257 = arith.mulf %get3A_1251, %get3A_1254 : vector<16xf32>
        %add3A_1258 = arith.addf %mul3A_1246, %mul3A_1257 : vector<16xf32>
        %mul3A_1259 = arith.mulf %get3A_1254, %get3A_1254 : vector<16xf32>
        %add3A_1260 = arith.addf %add3A_1197, %mul3A_1259 : vector<16xf32>
        %get3A_1261 = arith.index_cast %add3A_1238 : i32 to index
        %get3A_1262 = arith.constant 32 : index
        %get3A_1263 = tpu.vector_load %arg7[%get3A_1261, %get3A_1262] {strides = array<i32>} : memref<64x128xf32, #tpu.memory_space<vmem>>, vector<16xf32>,
        %get3A_1264 = arith.index_cast %add3A_1238 : i32 to index
        %get3A_1265 = arith.constant 32 : index
        %get3A_1266 = tpu.vector_load %arg9[%get3A_1264, %get3A_1265] {strides = array<i32>} : memref<64x128xf32, #tpu.memory_space<vmem>>, vector<16xf32>,
        %mul3A_1267 = arith.mulf %get3A_1263, %get3A_1263 : vector<16xf32>
        %add3A_1268 = arith.addf %add3A_1256, %mul3A_1267 : vector<16xf32>
        %mul3A_1269 = arith.mulf %get3A_1263, %get3A_1266 : vector<16xf32>
        %add3A_1270 = arith.addf %add3A_1258, %mul3A_1269 : vector<16xf32>
        %mul3A_1271 = arith.mulf %get3A_1266, %get3A_1266 : vector<16xf32>
        %add3A_1272 = arith.addf %add3A_1209, %mul3A_1271 : vector<16xf32>
        %get3A_1273 = arith.index_cast %add3A_1238 : i32 to index
        %get3A_1274 = arith.constant 48 : index
        %get3A_1275 = tpu.vector_load %arg7[%get3A_1273, %get3A_1274] {strides = array<i32>} : memref<64x128xf32, #tpu.memory_space<vmem>>, vector<16xf32>,
        %get3A_1276 = arith.index_cast %add3A_1238 : i32 to index
        %get3A_1277 = arith.constant 48 : index
        %get3A_1278 = tpu.vector_load %arg9[%get3A_1276, %get3A_1277] {strides = array<i32>} : memref<64x128xf32, #tpu.memory_space<vmem>>, vector<16xf32>,
        %mul3A_1279 = arith.mulf %get3A_1275, %get3A_1275 : vector<16xf32>
        %add3A_1280 = arith.addf %add3A_1268, %mul3A_1279 : vector<16xf32>
        %mul3A_1281 = arith.mulf %get3A_1275, %get3A_1278 : vector<16xf32>
        %add3A_1282 = arith.addf %add3A_1270, %mul3A_1281 : vector<16xf32>
        %mul3A_1283 = arith.mulf %get3A_1278, %get3A_1278 : vector<16xf32>
        %add3A_1284 = arith.addf %add3A_1221, %mul3A_1283 : vector<16xf32>
        %get3A_1285 = arith.index_cast %add3A_1238 : i32 to index
        %get3A_1286 = arith.constant 64 : index
        %get3A_1287 = tpu.vector_load %arg7[%get3A_1285, %get3A_1286] {strides = array<i32>} : memref<64x128xf32, #tpu.memory_space<vmem>>, vector<16xf32>,
        %get3A_1288 = arith.index_cast %add3A_1238 : i32 to index
        %get3A_1289 = arith.constant 64 : index
        %get3A_1290 = tpu.vector_load %arg9[%get3A_1288, %get3A_1289] {strides = array<i32>} : memref<64x128xf32, #tpu.memory_space<vmem>>, vector<16xf32>,
        %mul3A_1291 = arith.mulf %get3A_1287, %get3A_1287 : vector<16xf32>
        %add3A_1292 = arith.addf %add3A_1280, %mul3A_1291 : vector<16xf32>
        %mul3A_1293 = arith.mulf %get3A_1287, %get3A_1290 : vector<16xf32>
        %add3A_1294 = arith.addf %add3A_1282, %mul3A_1293 : vector<16xf32>
        %mul3A_1295 = arith.mulf %get3A_1290, %get3A_1290 : vector<16xf32>
        %add3A_1296 = arith.addf %add3A_1248, %mul3A_1295 : vector<16xf32>
        %get3A_1297 = arith.index_cast %add3A_1238 : i32 to index
        %get3A_1298 = arith.constant 80 : index
        %get3A_1299 = tpu.vector_load %arg7[%get3A_1297, %get3A_1298] {strides = array<i32>} : memref<64x128xf32, #tpu.memory_space<vmem>>, vector<16xf32>,
        %get3A_1300 = arith.index_cast %add3A_1238 : i32 to index
        %get3A_1301 = arith.constant 80 : index
        %get3A_1302 = tpu.vector_load %arg9[%get3A_1300, %get3A_1301] {strides = array<i32>} : memref<64x128xf32, #tpu.memory_space<vmem>>, vector<16xf32>,
        %mul3A_1303 = arith.mulf %get3A_1299, %get3A_1299 : vector<16xf32>
        %add3A_1304 = arith.addf %add3A_1292, %mul3A_1303 : vector<16xf32>
        %mul3A_1305 = arith.mulf %get3A_1299, %get3A_1302 : vector<16xf32>
        %add3A_1306 = arith.addf %add3A_1294, %mul3A_1305 : vector<16xf32>
        %mul3A_1307 = arith.mulf %get3A_1302, %get3A_1302 : vector<16xf32>
        %add3A_1308 = arith.addf %add3A_1260, %mul3A_1307 : vector<16xf32>
        %get3A_1309 = arith.index_cast %add3A_1238 : i32 to index
        %get3A_1310 = arith.constant 96 : index
        %get3A_1311 = tpu.vector_load %arg7[%get3A_1309, %get3A_1310] {strides = array<i32>} : memref<64x128xf32, #tpu.memory_space<vmem>>, vector<16xf32>,
        %get3A_1312 = arith.index_cast %add3A_1238 : i32 to index
        %get3A_1313 = arith.constant 96 : index
        %get3A_1314 = tpu.vector_load %arg9[%get3A_1312, %get3A_1313] {strides = array<i32>} : memref<64x128xf32, #tpu.memory_space<vmem>>, vector<16xf32>,
        %mul3A_1315 = arith.mulf %get3A_1311, %get3A_1311 : vector<16xf32>
        %add3A_1316 = arith.addf %add3A_1304, %mul3A_1315 : vector<16xf32>
        %mul3A_1317 = arith.mulf %get3A_1311, %get3A_1314 : vector<16xf32>
        %add3A_1318 = arith.addf %add3A_1306, %mul3A_1317 : vector<16xf32>
        %mul3A_1319 = arith.mulf %get3A_1314, %get3A_1314 : vector<16xf32>
        %add3A_1320 = arith.addf %add3A_1272, %mul3A_1319 : vector<16xf32>
        %get3A_1321 = arith.index_cast %add3A_1238 : i32 to index
        %get3A_1322 = arith.constant 112 : index
        %get3A_1323 = tpu.vector_load %arg7[%get3A_1321, %get3A_1322] {strides = array<i32>} : memref<64x128xf32, #tpu.memory_space<vmem>>, vector<16xf32>,
        %get3A_1324 = arith.index_cast %add3A_1238 : i32 to index
        %get3A_1325 = arith.constant 112 : index
        %get3A_1326 = tpu.vector_load %arg9[%get3A_1324, %get3A_1325] {strides = array<i32>} : memref<64x128xf32, #tpu.memory_space<vmem>>, vector<16xf32>,
        %mul3A_1327 = arith.mulf %get3A_1323, %get3A_1323 : vector<16xf32>
        %add3A_1328 = arith.addf %add3A_1316, %mul3A_1327 : vector<16xf32>
        %mul3A_1329 = arith.mulf %get3A_1323, %get3A_1326 : vector<16xf32>
        %add3A_1330 = arith.addf %add3A_1318, %mul3A_1329 : vector<16xf32>
        %mul3A_1331 = arith.mulf %get3A_1326, %get3A_1326 : vector<16xf32>
        %add3A_1332 = arith.addf %add3A_1284, %mul3A_1331 : vector<16xf32>
        %eq3A_1333 = arith.constant 9 : i32
        %eq3A_1334 = vector.broadcast %eq3A_1333 : i32 to vector<16xi32>
        %eq3A_1335 = arith.cmpi eq, %iota3A, %eq3A_1334 : vector<16xi32>
        %reduce_sum3A_1336 = arith.constant true
        %reduce_sum3A_1337 = vector.broadcast %reduce_sum3A_1336 : i1 to vector<16xi1>
        %reduce_sum3A_1338 = tpu.scan <sum>, %add3A_1328 masked %reduce_sum3A_1337 : vector<16xf32>, vector<16xi1> -> vector<16xf32>
        %reduce_sum3A_1339 = vector.extract %reduce_sum3A_1338[15] : f32 from vector<16xf32>
        %broadcast_in_dim3A_1340 = vector.broadcast %reduce_sum3A_1339 : f32 to vector<16xf32>
        %select_n3A_1341 = arith.select %eq3A_1335, %broadcast_in_dim3A_1340, %select_n3A_1230 : vector<16xi1>, vector<16xf32>
        %reduce_sum3A_1342 = arith.constant true
        %reduce_sum3A_1343 = vector.broadcast %reduce_sum3A_1342 : i1 to vector<16xi1>
        %reduce_sum3A_1344 = tpu.scan <sum>, %add3A_1330 masked %reduce_sum3A_1343 : vector<16xf32>, vector<16xi1> -> vector<16xf32>
        %reduce_sum3A_1345 = vector.extract %reduce_sum3A_1344[15] : f32 from vector<16xf32>
        %broadcast_in_dim3A_1346 = vector.broadcast %reduce_sum3A_1345 : f32 to vector<16xf32>
        %select_n3A_1347 = arith.select %eq3A_1335, %broadcast_in_dim3A_1346, %select_n3A_1236 : vector<16xi1>, vector<16xf32>
        %add3A_1348 = arith.constant 10 : i32
        %add3A_1349 = arith.addi %mul3A_245, %add3A_1348 : i32
        %get3A_1350 = arith.index_cast %add3A_1349 : i32 to index
        %get3A_1351 = arith.constant 0 : index
        %get3A_1352 = tpu.vector_load %arg7[%get3A_1350, %get3A_1351] {strides = array<i32>} : memref<64x128xf32, #tpu.memory_space<vmem>>, vector<16xf32>,
        %get3A_1353 = arith.index_cast %add3A_1349 : i32 to index
        %get3A_1354 = arith.constant 0 : index
        %get3A_1355 = tpu.vector_load %arg9[%get3A_1353, %get3A_1354] {strides = array<i32>} : memref<64x128xf32, #tpu.memory_space<vmem>>, vector<16xf32>,
        %mul3A_1356 = arith.mulf %get3A_1352, %get3A_1352 : vector<16xf32>
        %mul3A_1357 = arith.mulf %get3A_1352, %get3A_1355 : vector<16xf32>
        %mul3A_1358 = arith.mulf %get3A_1355, %get3A_1355 : vector<16xf32>
        %add3A_1359 = arith.addf %add3A_1296, %mul3A_1358 : vector<16xf32>
        %get3A_1360 = arith.index_cast %add3A_1349 : i32 to index
        %get3A_1361 = arith.constant 16 : index
        %get3A_1362 = tpu.vector_load %arg7[%get3A_1360, %get3A_1361] {strides = array<i32>} : memref<64x128xf32, #tpu.memory_space<vmem>>, vector<16xf32>,
        %get3A_1363 = arith.index_cast %add3A_1349 : i32 to index
        %get3A_1364 = arith.constant 16 : index
        %get3A_1365 = tpu.vector_load %arg9[%get3A_1363, %get3A_1364] {strides = array<i32>} : memref<64x128xf32, #tpu.memory_space<vmem>>, vector<16xf32>,
        %mul3A_1366 = arith.mulf %get3A_1362, %get3A_1362 : vector<16xf32>
        %add3A_1367 = arith.addf %mul3A_1356, %mul3A_1366 : vector<16xf32>
        %mul3A_1368 = arith.mulf %get3A_1362, %get3A_1365 : vector<16xf32>
        %add3A_1369 = arith.addf %mul3A_1357, %mul3A_1368 : vector<16xf32>
        %mul3A_1370 = arith.mulf %get3A_1365, %get3A_1365 : vector<16xf32>
        %add3A_1371 = arith.addf %add3A_1308, %mul3A_1370 : vector<16xf32>
        %get3A_1372 = arith.index_cast %add3A_1349 : i32 to index
        %get3A_1373 = arith.constant 32 : index
        %get3A_1374 = tpu.vector_load %arg7[%get3A_1372, %get3A_1373] {strides = array<i32>} : memref<64x128xf32, #tpu.memory_space<vmem>>, vector<16xf32>,
        %get3A_1375 = arith.index_cast %add3A_1349 : i32 to index
        %get3A_1376 = arith.constant 32 : index
        %get3A_1377 = tpu.vector_load %arg9[%get3A_1375, %get3A_1376] {strides = array<i32>} : memref<64x128xf32, #tpu.memory_space<vmem>>, vector<16xf32>,
        %mul3A_1378 = arith.mulf %get3A_1374, %get3A_1374 : vector<16xf32>
        %add3A_1379 = arith.addf %add3A_1367, %mul3A_1378 : vector<16xf32>
        %mul3A_1380 = arith.mulf %get3A_1374, %get3A_1377 : vector<16xf32>
        %add3A_1381 = arith.addf %add3A_1369, %mul3A_1380 : vector<16xf32>
        %mul3A_1382 = arith.mulf %get3A_1377, %get3A_1377 : vector<16xf32>
        %add3A_1383 = arith.addf %add3A_1320, %mul3A_1382 : vector<16xf32>
        %get3A_1384 = arith.index_cast %add3A_1349 : i32 to index
        %get3A_1385 = arith.constant 48 : index
        %get3A_1386 = tpu.vector_load %arg7[%get3A_1384, %get3A_1385] {strides = array<i32>} : memref<64x128xf32, #tpu.memory_space<vmem>>, vector<16xf32>,
        %get3A_1387 = arith.index_cast %add3A_1349 : i32 to index
        %get3A_1388 = arith.constant 48 : index
        %get3A_1389 = tpu.vector_load %arg9[%get3A_1387, %get3A_1388] {strides = array<i32>} : memref<64x128xf32, #tpu.memory_space<vmem>>, vector<16xf32>,
        %mul3A_1390 = arith.mulf %get3A_1386, %get3A_1386 : vector<16xf32>
        %add3A_1391 = arith.addf %add3A_1379, %mul3A_1390 : vector<16xf32>
        %mul3A_1392 = arith.mulf %get3A_1386, %get3A_1389 : vector<16xf32>
        %add3A_1393 = arith.addf %add3A_1381, %mul3A_1392 : vector<16xf32>
        %mul3A_1394 = arith.mulf %get3A_1389, %get3A_1389 : vector<16xf32>
        %add3A_1395 = arith.addf %add3A_1332, %mul3A_1394 : vector<16xf32>
        %get3A_1396 = arith.index_cast %add3A_1349 : i32 to index
        %get3A_1397 = arith.constant 64 : index
        %get3A_1398 = tpu.vector_load %arg7[%get3A_1396, %get3A_1397] {strides = array<i32>} : memref<64x128xf32, #tpu.memory_space<vmem>>, vector<16xf32>,
        %get3A_1399 = arith.index_cast %add3A_1349 : i32 to index
        %get3A_1400 = arith.constant 64 : index
        %get3A_1401 = tpu.vector_load %arg9[%get3A_1399, %get3A_1400] {strides = array<i32>} : memref<64x128xf32, #tpu.memory_space<vmem>>, vector<16xf32>,
        %mul3A_1402 = arith.mulf %get3A_1398, %get3A_1398 : vector<16xf32>
        %add3A_1403 = arith.addf %add3A_1391, %mul3A_1402 : vector<16xf32>
        %mul3A_1404 = arith.mulf %get3A_1398, %get3A_1401 : vector<16xf32>
        %add3A_1405 = arith.addf %add3A_1393, %mul3A_1404 : vector<16xf32>
        %mul3A_1406 = arith.mulf %get3A_1401, %get3A_1401 : vector<16xf32>
        %add3A_1407 = arith.addf %add3A_1359, %mul3A_1406 : vector<16xf32>
        %get3A_1408 = arith.index_cast %add3A_1349 : i32 to index
        %get3A_1409 = arith.constant 80 : index
        %get3A_1410 = tpu.vector_load %arg7[%get3A_1408, %get3A_1409] {strides = array<i32>} : memref<64x128xf32, #tpu.memory_space<vmem>>, vector<16xf32>,
        %get3A_1411 = arith.index_cast %add3A_1349 : i32 to index
        %get3A_1412 = arith.constant 80 : index
        %get3A_1413 = tpu.vector_load %arg9[%get3A_1411, %get3A_1412] {strides = array<i32>} : memref<64x128xf32, #tpu.memory_space<vmem>>, vector<16xf32>,
        %mul3A_1414 = arith.mulf %get3A_1410, %get3A_1410 : vector<16xf32>
        %add3A_1415 = arith.addf %add3A_1403, %mul3A_1414 : vector<16xf32>
        %mul3A_1416 = arith.mulf %get3A_1410, %get3A_1413 : vector<16xf32>
        %add3A_1417 = arith.addf %add3A_1405, %mul3A_1416 : vector<16xf32>
        %mul3A_1418 = arith.mulf %get3A_1413, %get3A_1413 : vector<16xf32>
        %add3A_1419 = arith.addf %add3A_1371, %mul3A_1418 : vector<16xf32>
        %get3A_1420 = arith.index_cast %add3A_1349 : i32 to index
        %get3A_1421 = arith.constant 96 : index
        %get3A_1422 = tpu.vector_load %arg7[%get3A_1420, %get3A_1421] {strides = array<i32>} : memref<64x128xf32, #tpu.memory_space<vmem>>, vector<16xf32>,
        %get3A_1423 = arith.index_cast %add3A_1349 : i32 to index
        %get3A_1424 = arith.constant 96 : index
        %get3A_1425 = tpu.vector_load %arg9[%get3A_1423, %get3A_1424] {strides = array<i32>} : memref<64x128xf32, #tpu.memory_space<vmem>>, vector<16xf32>,
        %mul3A_1426 = arith.mulf %get3A_1422, %get3A_1422 : vector<16xf32>
        %add3A_1427 = arith.addf %add3A_1415, %mul3A_1426 : vector<16xf32>
        %mul3A_1428 = arith.mulf %get3A_1422, %get3A_1425 : vector<16xf32>
        %add3A_1429 = arith.addf %add3A_1417, %mul3A_1428 : vector<16xf32>
        %mul3A_1430 = arith.mulf %get3A_1425, %get3A_1425 : vector<16xf32>
        %add3A_1431 = arith.addf %add3A_1383, %mul3A_1430 : vector<16xf32>
        %get3A_1432 = arith.index_cast %add3A_1349 : i32 to index
        %get3A_1433 = arith.constant 112 : index
        %get3A_1434 = tpu.vector_load %arg7[%get3A_1432, %get3A_1433] {strides = array<i32>} : memref<64x128xf32, #tpu.memory_space<vmem>>, vector<16xf32>,
        %get3A_1435 = arith.index_cast %add3A_1349 : i32 to index
        %get3A_1436 = arith.constant 112 : index
        %get3A_1437 = tpu.vector_load %arg9[%get3A_1435, %get3A_1436] {strides = array<i32>} : memref<64x128xf32, #tpu.memory_space<vmem>>, vector<16xf32>,
        %mul3A_1438 = arith.mulf %get3A_1434, %get3A_1434 : vector<16xf32>
        %add3A_1439 = arith.addf %add3A_1427, %mul3A_1438 : vector<16xf32>
        %mul3A_1440 = arith.mulf %get3A_1434, %get3A_1437 : vector<16xf32>
        %add3A_1441 = arith.addf %add3A_1429, %mul3A_1440 : vector<16xf32>
        %mul3A_1442 = arith.mulf %get3A_1437, %get3A_1437 : vector<16xf32>
        %add3A_1443 = arith.addf %add3A_1395, %mul3A_1442 : vector<16xf32>
        %eq3A_1444 = arith.constant 10 : i32
        %eq3A_1445 = vector.broadcast %eq3A_1444 : i32 to vector<16xi32>
        %eq3A_1446 = arith.cmpi eq, %iota3A, %eq3A_1445 : vector<16xi32>
        %reduce_sum3A_1447 = arith.constant true
        %reduce_sum3A_1448 = vector.broadcast %reduce_sum3A_1447 : i1 to vector<16xi1>
        %reduce_sum3A_1449 = tpu.scan <sum>, %add3A_1439 masked %reduce_sum3A_1448 : vector<16xf32>, vector<16xi1> -> vector<16xf32>
        %reduce_sum3A_1450 = vector.extract %reduce_sum3A_1449[15] : f32 from vector<16xf32>
        %broadcast_in_dim3A_1451 = vector.broadcast %reduce_sum3A_1450 : f32 to vector<16xf32>
        %select_n3A_1452 = arith.select %eq3A_1446, %broadcast_in_dim3A_1451, %select_n3A_1341 : vector<16xi1>, vector<16xf32>
        %reduce_sum3A_1453 = arith.constant true
        %reduce_sum3A_1454 = vector.broadcast %reduce_sum3A_1453 : i1 to vector<16xi1>
        %reduce_sum3A_1455 = tpu.scan <sum>, %add3A_1441 masked %reduce_sum3A_1454 : vector<16xf32>, vector<16xi1> -> vector<16xf32>
        %reduce_sum3A_1456 = vector.extract %reduce_sum3A_1455[15] : f32 from vector<16xf32>
        %broadcast_in_dim3A_1457 = vector.broadcast %reduce_sum3A_1456 : f32 to vector<16xf32>
        %select_n3A_1458 = arith.select %eq3A_1446, %broadcast_in_dim3A_1457, %select_n3A_1347 : vector<16xi1>, vector<16xf32>
        %add3A_1459 = arith.constant 11 : i32
        %add3A_1460 = arith.addi %mul3A_245, %add3A_1459 : i32
        %get3A_1461 = arith.index_cast %add3A_1460 : i32 to index
        %get3A_1462 = arith.constant 0 : index
        %get3A_1463 = tpu.vector_load %arg7[%get3A_1461, %get3A_1462] {strides = array<i32>} : memref<64x128xf32, #tpu.memory_space<vmem>>, vector<16xf32>,
        %get3A_1464 = arith.index_cast %add3A_1460 : i32 to index
        %get3A_1465 = arith.constant 0 : index
        %get3A_1466 = tpu.vector_load %arg9[%get3A_1464, %get3A_1465] {strides = array<i32>} : memref<64x128xf32, #tpu.memory_space<vmem>>, vector<16xf32>,
        %mul3A_1467 = arith.mulf %get3A_1463, %get3A_1463 : vector<16xf32>
        %mul3A_1468 = arith.mulf %get3A_1463, %get3A_1466 : vector<16xf32>
        %mul3A_1469 = arith.mulf %get3A_1466, %get3A_1466 : vector<16xf32>
        %add3A_1470 = arith.addf %add3A_1407, %mul3A_1469 : vector<16xf32>
        %get3A_1471 = arith.index_cast %add3A_1460 : i32 to index
        %get3A_1472 = arith.constant 16 : index
        %get3A_1473 = tpu.vector_load %arg7[%get3A_1471, %get3A_1472] {strides = array<i32>} : memref<64x128xf32, #tpu.memory_space<vmem>>, vector<16xf32>,
        %get3A_1474 = arith.index_cast %add3A_1460 : i32 to index
        %get3A_1475 = arith.constant 16 : index
        %get3A_1476 = tpu.vector_load %arg9[%get3A_1474, %get3A_1475] {strides = array<i32>} : memref<64x128xf32, #tpu.memory_space<vmem>>, vector<16xf32>,
        %mul3A_1477 = arith.mulf %get3A_1473, %get3A_1473 : vector<16xf32>
        %add3A_1478 = arith.addf %mul3A_1467, %mul3A_1477 : vector<16xf32>
        %mul3A_1479 = arith.mulf %get3A_1473, %get3A_1476 : vector<16xf32>
        %add3A_1480 = arith.addf %mul3A_1468, %mul3A_1479 : vector<16xf32>
        %mul3A_1481 = arith.mulf %get3A_1476, %get3A_1476 : vector<16xf32>
        %add3A_1482 = arith.addf %add3A_1419, %mul3A_1481 : vector<16xf32>
        %get3A_1483 = arith.index_cast %add3A_1460 : i32 to index
        %get3A_1484 = arith.constant 32 : index
        %get3A_1485 = tpu.vector_load %arg7[%get3A_1483, %get3A_1484] {strides = array<i32>} : memref<64x128xf32, #tpu.memory_space<vmem>>, vector<16xf32>,
        %get3A_1486 = arith.index_cast %add3A_1460 : i32 to index
        %get3A_1487 = arith.constant 32 : index
        %get3A_1488 = tpu.vector_load %arg9[%get3A_1486, %get3A_1487] {strides = array<i32>} : memref<64x128xf32, #tpu.memory_space<vmem>>, vector<16xf32>,
        %mul3A_1489 = arith.mulf %get3A_1485, %get3A_1485 : vector<16xf32>
        %add3A_1490 = arith.addf %add3A_1478, %mul3A_1489 : vector<16xf32>
        %mul3A_1491 = arith.mulf %get3A_1485, %get3A_1488 : vector<16xf32>
        %add3A_1492 = arith.addf %add3A_1480, %mul3A_1491 : vector<16xf32>
        %mul3A_1493 = arith.mulf %get3A_1488, %get3A_1488 : vector<16xf32>
        %add3A_1494 = arith.addf %add3A_1431, %mul3A_1493 : vector<16xf32>
        %get3A_1495 = arith.index_cast %add3A_1460 : i32 to index
        %get3A_1496 = arith.constant 48 : index
        %get3A_1497 = tpu.vector_load %arg7[%get3A_1495, %get3A_1496] {strides = array<i32>} : memref<64x128xf32, #tpu.memory_space<vmem>>, vector<16xf32>,
        %get3A_1498 = arith.index_cast %add3A_1460 : i32 to index
        %get3A_1499 = arith.constant 48 : index
        %get3A_1500 = tpu.vector_load %arg9[%get3A_1498, %get3A_1499] {strides = array<i32>} : memref<64x128xf32, #tpu.memory_space<vmem>>, vector<16xf32>,
        %mul3A_1501 = arith.mulf %get3A_1497, %get3A_1497 : vector<16xf32>
        %add3A_1502 = arith.addf %add3A_1490, %mul3A_1501 : vector<16xf32>
        %mul3A_1503 = arith.mulf %get3A_1497, %get3A_1500 : vector<16xf32>
        %add3A_1504 = arith.addf %add3A_1492, %mul3A_1503 : vector<16xf32>
        %mul3A_1505 = arith.mulf %get3A_1500, %get3A_1500 : vector<16xf32>
        %add3A_1506 = arith.addf %add3A_1443, %mul3A_1505 : vector<16xf32>
        %get3A_1507 = arith.index_cast %add3A_1460 : i32 to index
        %get3A_1508 = arith.constant 64 : index
        %get3A_1509 = tpu.vector_load %arg7[%get3A_1507, %get3A_1508] {strides = array<i32>} : memref<64x128xf32, #tpu.memory_space<vmem>>, vector<16xf32>,
        %get3A_1510 = arith.index_cast %add3A_1460 : i32 to index
        %get3A_1511 = arith.constant 64 : index
        %get3A_1512 = tpu.vector_load %arg9[%get3A_1510, %get3A_1511] {strides = array<i32>} : memref<64x128xf32, #tpu.memory_space<vmem>>, vector<16xf32>,
        %mul3A_1513 = arith.mulf %get3A_1509, %get3A_1509 : vector<16xf32>
        %add3A_1514 = arith.addf %add3A_1502, %mul3A_1513 : vector<16xf32>
        %mul3A_1515 = arith.mulf %get3A_1509, %get3A_1512 : vector<16xf32>
        %add3A_1516 = arith.addf %add3A_1504, %mul3A_1515 : vector<16xf32>
        %mul3A_1517 = arith.mulf %get3A_1512, %get3A_1512 : vector<16xf32>
        %add3A_1518 = arith.addf %add3A_1470, %mul3A_1517 : vector<16xf32>
        %get3A_1519 = arith.index_cast %add3A_1460 : i32 to index
        %get3A_1520 = arith.constant 80 : index
        %get3A_1521 = tpu.vector_load %arg7[%get3A_1519, %get3A_1520] {strides = array<i32>} : memref<64x128xf32, #tpu.memory_space<vmem>>, vector<16xf32>,
        %get3A_1522 = arith.index_cast %add3A_1460 : i32 to index
        %get3A_1523 = arith.constant 80 : index
        %get3A_1524 = tpu.vector_load %arg9[%get3A_1522, %get3A_1523] {strides = array<i32>} : memref<64x128xf32, #tpu.memory_space<vmem>>, vector<16xf32>,
        %mul3A_1525 = arith.mulf %get3A_1521, %get3A_1521 : vector<16xf32>
        %add3A_1526 = arith.addf %add3A_1514, %mul3A_1525 : vector<16xf32>
        %mul3A_1527 = arith.mulf %get3A_1521, %get3A_1524 : vector<16xf32>
        %add3A_1528 = arith.addf %add3A_1516, %mul3A_1527 : vector<16xf32>
        %mul3A_1529 = arith.mulf %get3A_1524, %get3A_1524 : vector<16xf32>
        %add3A_1530 = arith.addf %add3A_1482, %mul3A_1529 : vector<16xf32>
        %get3A_1531 = arith.index_cast %add3A_1460 : i32 to index
        %get3A_1532 = arith.constant 96 : index
        %get3A_1533 = tpu.vector_load %arg7[%get3A_1531, %get3A_1532] {strides = array<i32>} : memref<64x128xf32, #tpu.memory_space<vmem>>, vector<16xf32>,
        %get3A_1534 = arith.index_cast %add3A_1460 : i32 to index
        %get3A_1535 = arith.constant 96 : index
        %get3A_1536 = tpu.vector_load %arg9[%get3A_1534, %get3A_1535] {strides = array<i32>} : memref<64x128xf32, #tpu.memory_space<vmem>>, vector<16xf32>,
        %mul3A_1537 = arith.mulf %get3A_1533, %get3A_1533 : vector<16xf32>
        %add3A_1538 = arith.addf %add3A_1526, %mul3A_1537 : vector<16xf32>
        %mul3A_1539 = arith.mulf %get3A_1533, %get3A_1536 : vector<16xf32>
        %add3A_1540 = arith.addf %add3A_1528, %mul3A_1539 : vector<16xf32>
        %mul3A_1541 = arith.mulf %get3A_1536, %get3A_1536 : vector<16xf32>
        %add3A_1542 = arith.addf %add3A_1494, %mul3A_1541 : vector<16xf32>
        %get3A_1543 = arith.index_cast %add3A_1460 : i32 to index
        %get3A_1544 = arith.constant 112 : index
        %get3A_1545 = tpu.vector_load %arg7[%get3A_1543, %get3A_1544] {strides = array<i32>} : memref<64x128xf32, #tpu.memory_space<vmem>>, vector<16xf32>,
        %get3A_1546 = arith.index_cast %add3A_1460 : i32 to index
        %get3A_1547 = arith.constant 112 : index
        %get3A_1548 = tpu.vector_load %arg9[%get3A_1546, %get3A_1547] {strides = array<i32>} : memref<64x128xf32, #tpu.memory_space<vmem>>, vector<16xf32>,
        %mul3A_1549 = arith.mulf %get3A_1545, %get3A_1545 : vector<16xf32>
        %add3A_1550 = arith.addf %add3A_1538, %mul3A_1549 : vector<16xf32>
        %mul3A_1551 = arith.mulf %get3A_1545, %get3A_1548 : vector<16xf32>
        %add3A_1552 = arith.addf %add3A_1540, %mul3A_1551 : vector<16xf32>
        %mul3A_1553 = arith.mulf %get3A_1548, %get3A_1548 : vector<16xf32>
        %add3A_1554 = arith.addf %add3A_1506, %mul3A_1553 : vector<16xf32>
        %eq3A_1555 = arith.constant 11 : i32
        %eq3A_1556 = vector.broadcast %eq3A_1555 : i32 to vector<16xi32>
        %eq3A_1557 = arith.cmpi eq, %iota3A, %eq3A_1556 : vector<16xi32>
        %reduce_sum3A_1558 = arith.constant true
        %reduce_sum3A_1559 = vector.broadcast %reduce_sum3A_1558 : i1 to vector<16xi1>
        %reduce_sum3A_1560 = tpu.scan <sum>, %add3A_1550 masked %reduce_sum3A_1559 : vector<16xf32>, vector<16xi1> -> vector<16xf32>
        %reduce_sum3A_1561 = vector.extract %reduce_sum3A_1560[15] : f32 from vector<16xf32>
        %broadcast_in_dim3A_1562 = vector.broadcast %reduce_sum3A_1561 : f32 to vector<16xf32>
        %select_n3A_1563 = arith.select %eq3A_1557, %broadcast_in_dim3A_1562, %select_n3A_1452 : vector<16xi1>, vector<16xf32>
        %reduce_sum3A_1564 = arith.constant true
        %reduce_sum3A_1565 = vector.broadcast %reduce_sum3A_1564 : i1 to vector<16xi1>
        %reduce_sum3A_1566 = tpu.scan <sum>, %add3A_1552 masked %reduce_sum3A_1565 : vector<16xf32>, vector<16xi1> -> vector<16xf32>
        %reduce_sum3A_1567 = vector.extract %reduce_sum3A_1566[15] : f32 from vector<16xf32>
        %broadcast_in_dim3A_1568 = vector.broadcast %reduce_sum3A_1567 : f32 to vector<16xf32>
        %select_n3A_1569 = arith.select %eq3A_1557, %broadcast_in_dim3A_1568, %select_n3A_1458 : vector<16xi1>, vector<16xf32>
        %add3A_1570 = arith.constant 12 : i32
        %add3A_1571 = arith.addi %mul3A_245, %add3A_1570 : i32
        %get3A_1572 = arith.index_cast %add3A_1571 : i32 to index
        %get3A_1573 = arith.constant 0 : index
        %get3A_1574 = tpu.vector_load %arg7[%get3A_1572, %get3A_1573] {strides = array<i32>} : memref<64x128xf32, #tpu.memory_space<vmem>>, vector<16xf32>,
        %get3A_1575 = arith.index_cast %add3A_1571 : i32 to index
        %get3A_1576 = arith.constant 0 : index
        %get3A_1577 = tpu.vector_load %arg9[%get3A_1575, %get3A_1576] {strides = array<i32>} : memref<64x128xf32, #tpu.memory_space<vmem>>, vector<16xf32>,
        %mul3A_1578 = arith.mulf %get3A_1574, %get3A_1574 : vector<16xf32>
        %mul3A_1579 = arith.mulf %get3A_1574, %get3A_1577 : vector<16xf32>
        %mul3A_1580 = arith.mulf %get3A_1577, %get3A_1577 : vector<16xf32>
        %add3A_1581 = arith.addf %add3A_1518, %mul3A_1580 : vector<16xf32>
        %get3A_1582 = arith.index_cast %add3A_1571 : i32 to index
        %get3A_1583 = arith.constant 16 : index
        %get3A_1584 = tpu.vector_load %arg7[%get3A_1582, %get3A_1583] {strides = array<i32>} : memref<64x128xf32, #tpu.memory_space<vmem>>, vector<16xf32>,
        %get3A_1585 = arith.index_cast %add3A_1571 : i32 to index
        %get3A_1586 = arith.constant 16 : index
        %get3A_1587 = tpu.vector_load %arg9[%get3A_1585, %get3A_1586] {strides = array<i32>} : memref<64x128xf32, #tpu.memory_space<vmem>>, vector<16xf32>,
        %mul3A_1588 = arith.mulf %get3A_1584, %get3A_1584 : vector<16xf32>
        %add3A_1589 = arith.addf %mul3A_1578, %mul3A_1588 : vector<16xf32>
        %mul3A_1590 = arith.mulf %get3A_1584, %get3A_1587 : vector<16xf32>
        %add3A_1591 = arith.addf %mul3A_1579, %mul3A_1590 : vector<16xf32>
        %mul3A_1592 = arith.mulf %get3A_1587, %get3A_1587 : vector<16xf32>
        %add3A_1593 = arith.addf %add3A_1530, %mul3A_1592 : vector<16xf32>
        %get3A_1594 = arith.index_cast %add3A_1571 : i32 to index
        %get3A_1595 = arith.constant 32 : index
        %get3A_1596 = tpu.vector_load %arg7[%get3A_1594, %get3A_1595] {strides = array<i32>} : memref<64x128xf32, #tpu.memory_space<vmem>>, vector<16xf32>,
        %get3A_1597 = arith.index_cast %add3A_1571 : i32 to index
        %get3A_1598 = arith.constant 32 : index
        %get3A_1599 = tpu.vector_load %arg9[%get3A_1597, %get3A_1598] {strides = array<i32>} : memref<64x128xf32, #tpu.memory_space<vmem>>, vector<16xf32>,
        %mul3A_1600 = arith.mulf %get3A_1596, %get3A_1596 : vector<16xf32>
        %add3A_1601 = arith.addf %add3A_1589, %mul3A_1600 : vector<16xf32>
        %mul3A_1602 = arith.mulf %get3A_1596, %get3A_1599 : vector<16xf32>
        %add3A_1603 = arith.addf %add3A_1591, %mul3A_1602 : vector<16xf32>
        %mul3A_1604 = arith.mulf %get3A_1599, %get3A_1599 : vector<16xf32>
        %add3A_1605 = arith.addf %add3A_1542, %mul3A_1604 : vector<16xf32>
        %get3A_1606 = arith.index_cast %add3A_1571 : i32 to index
        %get3A_1607 = arith.constant 48 : index
        %get3A_1608 = tpu.vector_load %arg7[%get3A_1606, %get3A_1607] {strides = array<i32>} : memref<64x128xf32, #tpu.memory_space<vmem>>, vector<16xf32>,
        %get3A_1609 = arith.index_cast %add3A_1571 : i32 to index
        %get3A_1610 = arith.constant 48 : index
        %get3A_1611 = tpu.vector_load %arg9[%get3A_1609, %get3A_1610] {strides = array<i32>} : memref<64x128xf32, #tpu.memory_space<vmem>>, vector<16xf32>,
        %mul3A_1612 = arith.mulf %get3A_1608, %get3A_1608 : vector<16xf32>
        %add3A_1613 = arith.addf %add3A_1601, %mul3A_1612 : vector<16xf32>
        %mul3A_1614 = arith.mulf %get3A_1608, %get3A_1611 : vector<16xf32>
        %add3A_1615 = arith.addf %add3A_1603, %mul3A_1614 : vector<16xf32>
        %mul3A_1616 = arith.mulf %get3A_1611, %get3A_1611 : vector<16xf32>
        %add3A_1617 = arith.addf %add3A_1554, %mul3A_1616 : vector<16xf32>
        %get3A_1618 = arith.index_cast %add3A_1571 : i32 to index
        %get3A_1619 = arith.constant 64 : index
        %get3A_1620 = tpu.vector_load %arg7[%get3A_1618, %get3A_1619] {strides = array<i32>} : memref<64x128xf32, #tpu.memory_space<vmem>>, vector<16xf32>,
        %get3A_1621 = arith.index_cast %add3A_1571 : i32 to index
        %get3A_1622 = arith.constant 64 : index
        %get3A_1623 = tpu.vector_load %arg9[%get3A_1621, %get3A_1622] {strides = array<i32>} : memref<64x128xf32, #tpu.memory_space<vmem>>, vector<16xf32>,
        %mul3A_1624 = arith.mulf %get3A_1620, %get3A_1620 : vector<16xf32>
        %add3A_1625 = arith.addf %add3A_1613, %mul3A_1624 : vector<16xf32>
        %mul3A_1626 = arith.mulf %get3A_1620, %get3A_1623 : vector<16xf32>
        %add3A_1627 = arith.addf %add3A_1615, %mul3A_1626 : vector<16xf32>
        %mul3A_1628 = arith.mulf %get3A_1623, %get3A_1623 : vector<16xf32>
        %add3A_1629 = arith.addf %add3A_1581, %mul3A_1628 : vector<16xf32>
        %get3A_1630 = arith.index_cast %add3A_1571 : i32 to index
        %get3A_1631 = arith.constant 80 : index
        %get3A_1632 = tpu.vector_load %arg7[%get3A_1630, %get3A_1631] {strides = array<i32>} : memref<64x128xf32, #tpu.memory_space<vmem>>, vector<16xf32>,
        %get3A_1633 = arith.index_cast %add3A_1571 : i32 to index
        %get3A_1634 = arith.constant 80 : index
        %get3A_1635 = tpu.vector_load %arg9[%get3A_1633, %get3A_1634] {strides = array<i32>} : memref<64x128xf32, #tpu.memory_space<vmem>>, vector<16xf32>,
        %mul3A_1636 = arith.mulf %get3A_1632, %get3A_1632 : vector<16xf32>
        %add3A_1637 = arith.addf %add3A_1625, %mul3A_1636 : vector<16xf32>
        %mul3A_1638 = arith.mulf %get3A_1632, %get3A_1635 : vector<16xf32>
        %add3A_1639 = arith.addf %add3A_1627, %mul3A_1638 : vector<16xf32>
        %mul3A_1640 = arith.mulf %get3A_1635, %get3A_1635 : vector<16xf32>
        %add3A_1641 = arith.addf %add3A_1593, %mul3A_1640 : vector<16xf32>
        %get3A_1642 = arith.index_cast %add3A_1571 : i32 to index
        %get3A_1643 = arith.constant 96 : index
        %get3A_1644 = tpu.vector_load %arg7[%get3A_1642, %get3A_1643] {strides = array<i32>} : memref<64x128xf32, #tpu.memory_space<vmem>>, vector<16xf32>,
        %get3A_1645 = arith.index_cast %add3A_1571 : i32 to index
        %get3A_1646 = arith.constant 96 : index
        %get3A_1647 = tpu.vector_load %arg9[%get3A_1645, %get3A_1646] {strides = array<i32>} : memref<64x128xf32, #tpu.memory_space<vmem>>, vector<16xf32>,
        %mul3A_1648 = arith.mulf %get3A_1644, %get3A_1644 : vector<16xf32>
        %add3A_1649 = arith.addf %add3A_1637, %mul3A_1648 : vector<16xf32>
        %mul3A_1650 = arith.mulf %get3A_1644, %get3A_1647 : vector<16xf32>
        %add3A_1651 = arith.addf %add3A_1639, %mul3A_1650 : vector<16xf32>
        %mul3A_1652 = arith.mulf %get3A_1647, %get3A_1647 : vector<16xf32>
        %add3A_1653 = arith.addf %add3A_1605, %mul3A_1652 : vector<16xf32>
        %get3A_1654 = arith.index_cast %add3A_1571 : i32 to index
        %get3A_1655 = arith.constant 112 : index
        %get3A_1656 = tpu.vector_load %arg7[%get3A_1654, %get3A_1655] {strides = array<i32>} : memref<64x128xf32, #tpu.memory_space<vmem>>, vector<16xf32>,
        %get3A_1657 = arith.index_cast %add3A_1571 : i32 to index
        %get3A_1658 = arith.constant 112 : index
        %get3A_1659 = tpu.vector_load %arg9[%get3A_1657, %get3A_1658] {strides = array<i32>} : memref<64x128xf32, #tpu.memory_space<vmem>>, vector<16xf32>,
        %mul3A_1660 = arith.mulf %get3A_1656, %get3A_1656 : vector<16xf32>
        %add3A_1661 = arith.addf %add3A_1649, %mul3A_1660 : vector<16xf32>
        %mul3A_1662 = arith.mulf %get3A_1656, %get3A_1659 : vector<16xf32>
        %add3A_1663 = arith.addf %add3A_1651, %mul3A_1662 : vector<16xf32>
        %mul3A_1664 = arith.mulf %get3A_1659, %get3A_1659 : vector<16xf32>
        %add3A_1665 = arith.addf %add3A_1617, %mul3A_1664 : vector<16xf32>
        %eq3A_1666 = arith.constant 12 : i32
        %eq3A_1667 = vector.broadcast %eq3A_1666 : i32 to vector<16xi32>
        %eq3A_1668 = arith.cmpi eq, %iota3A, %eq3A_1667 : vector<16xi32>
        %reduce_sum3A_1669 = arith.constant true
        %reduce_sum3A_1670 = vector.broadcast %reduce_sum3A_1669 : i1 to vector<16xi1>
        %reduce_sum3A_1671 = tpu.scan <sum>, %add3A_1661 masked %reduce_sum3A_1670 : vector<16xf32>, vector<16xi1> -> vector<16xf32>
        %reduce_sum3A_1672 = vector.extract %reduce_sum3A_1671[15] : f32 from vector<16xf32>
        %broadcast_in_dim3A_1673 = vector.broadcast %reduce_sum3A_1672 : f32 to vector<16xf32>
        %select_n3A_1674 = arith.select %eq3A_1668, %broadcast_in_dim3A_1673, %select_n3A_1563 : vector<16xi1>, vector<16xf32>
        %reduce_sum3A_1675 = arith.constant true
        %reduce_sum3A_1676 = vector.broadcast %reduce_sum3A_1675 : i1 to vector<16xi1>
        %reduce_sum3A_1677 = tpu.scan <sum>, %add3A_1663 masked %reduce_sum3A_1676 : vector<16xf32>, vector<16xi1> -> vector<16xf32>
        %reduce_sum3A_1678 = vector.extract %reduce_sum3A_1677[15] : f32 from vector<16xf32>
        %broadcast_in_dim3A_1679 = vector.broadcast %reduce_sum3A_1678 : f32 to vector<16xf32>
        %select_n3A_1680 = arith.select %eq3A_1668, %broadcast_in_dim3A_1679, %select_n3A_1569 : vector<16xi1>, vector<16xf32>
        %add3A_1681 = arith.constant 13 : i32
        %add3A_1682 = arith.addi %mul3A_245, %add3A_1681 : i32
        %get3A_1683 = arith.index_cast %add3A_1682 : i32 to index
        %get3A_1684 = arith.constant 0 : index
        %get3A_1685 = tpu.vector_load %arg7[%get3A_1683, %get3A_1684] {strides = array<i32>} : memref<64x128xf32, #tpu.memory_space<vmem>>, vector<16xf32>,
        %get3A_1686 = arith.index_cast %add3A_1682 : i32 to index
        %get3A_1687 = arith.constant 0 : index
        %get3A_1688 = tpu.vector_load %arg9[%get3A_1686, %get3A_1687] {strides = array<i32>} : memref<64x128xf32, #tpu.memory_space<vmem>>, vector<16xf32>,
        %mul3A_1689 = arith.mulf %get3A_1685, %get3A_1685 : vector<16xf32>
        %mul3A_1690 = arith.mulf %get3A_1685, %get3A_1688 : vector<16xf32>
        %mul3A_1691 = arith.mulf %get3A_1688, %get3A_1688 : vector<16xf32>
        %add3A_1692 = arith.addf %add3A_1629, %mul3A_1691 : vector<16xf32>
        %get3A_1693 = arith.index_cast %add3A_1682 : i32 to index
        %get3A_1694 = arith.constant 16 : index
        %get3A_1695 = tpu.vector_load %arg7[%get3A_1693, %get3A_1694] {strides = array<i32>} : memref<64x128xf32, #tpu.memory_space<vmem>>, vector<16xf32>,
        %get3A_1696 = arith.index_cast %add3A_1682 : i32 to index
        %get3A_1697 = arith.constant 16 : index
        %get3A_1698 = tpu.vector_load %arg9[%get3A_1696, %get3A_1697] {strides = array<i32>} : memref<64x128xf32, #tpu.memory_space<vmem>>, vector<16xf32>,
        %mul3A_1699 = arith.mulf %get3A_1695, %get3A_1695 : vector<16xf32>
        %add3A_1700 = arith.addf %mul3A_1689, %mul3A_1699 : vector<16xf32>
        %mul3A_1701 = arith.mulf %get3A_1695, %get3A_1698 : vector<16xf32>
        %add3A_1702 = arith.addf %mul3A_1690, %mul3A_1701 : vector<16xf32>
        %mul3A_1703 = arith.mulf %get3A_1698, %get3A_1698 : vector<16xf32>
        %add3A_1704 = arith.addf %add3A_1641, %mul3A_1703 : vector<16xf32>
        %get3A_1705 = arith.index_cast %add3A_1682 : i32 to index
        %get3A_1706 = arith.constant 32 : index
        %get3A_1707 = tpu.vector_load %arg7[%get3A_1705, %get3A_1706] {strides = array<i32>} : memref<64x128xf32, #tpu.memory_space<vmem>>, vector<16xf32>,
        %get3A_1708 = arith.index_cast %add3A_1682 : i32 to index
        %get3A_1709 = arith.constant 32 : index
        %get3A_1710 = tpu.vector_load %arg9[%get3A_1708, %get3A_1709] {strides = array<i32>} : memref<64x128xf32, #tpu.memory_space<vmem>>, vector<16xf32>,
        %mul3A_1711 = arith.mulf %get3A_1707, %get3A_1707 : vector<16xf32>
        %add3A_1712 = arith.addf %add3A_1700, %mul3A_1711 : vector<16xf32>
        %mul3A_1713 = arith.mulf %get3A_1707, %get3A_1710 : vector<16xf32>
        %add3A_1714 = arith.addf %add3A_1702, %mul3A_1713 : vector<16xf32>
        %mul3A_1715 = arith.mulf %get3A_1710, %get3A_1710 : vector<16xf32>
        %add3A_1716 = arith.addf %add3A_1653, %mul3A_1715 : vector<16xf32>
        %get3A_1717 = arith.index_cast %add3A_1682 : i32 to index
        %get3A_1718 = arith.constant 48 : index
        %get3A_1719 = tpu.vector_load %arg7[%get3A_1717, %get3A_1718] {strides = array<i32>} : memref<64x128xf32, #tpu.memory_space<vmem>>, vector<16xf32>,
        %get3A_1720 = arith.index_cast %add3A_1682 : i32 to index
        %get3A_1721 = arith.constant 48 : index
        %get3A_1722 = tpu.vector_load %arg9[%get3A_1720, %get3A_1721] {strides = array<i32>} : memref<64x128xf32, #tpu.memory_space<vmem>>, vector<16xf32>,
        %mul3A_1723 = arith.mulf %get3A_1719, %get3A_1719 : vector<16xf32>
        %add3A_1724 = arith.addf %add3A_1712, %mul3A_1723 : vector<16xf32>
        %mul3A_1725 = arith.mulf %get3A_1719, %get3A_1722 : vector<16xf32>
        %add3A_1726 = arith.addf %add3A_1714, %mul3A_1725 : vector<16xf32>
        %mul3A_1727 = arith.mulf %get3A_1722, %get3A_1722 : vector<16xf32>
        %add3A_1728 = arith.addf %add3A_1665, %mul3A_1727 : vector<16xf32>
        %get3A_1729 = arith.index_cast %add3A_1682 : i32 to index
        %get3A_1730 = arith.constant 64 : index
        %get3A_1731 = tpu.vector_load %arg7[%get3A_1729, %get3A_1730] {strides = array<i32>} : memref<64x128xf32, #tpu.memory_space<vmem>>, vector<16xf32>,
        %get3A_1732 = arith.index_cast %add3A_1682 : i32 to index
        %get3A_1733 = arith.constant 64 : index
        %get3A_1734 = tpu.vector_load %arg9[%get3A_1732, %get3A_1733] {strides = array<i32>} : memref<64x128xf32, #tpu.memory_space<vmem>>, vector<16xf32>,
        %mul3A_1735 = arith.mulf %get3A_1731, %get3A_1731 : vector<16xf32>
        %add3A_1736 = arith.addf %add3A_1724, %mul3A_1735 : vector<16xf32>
        %mul3A_1737 = arith.mulf %get3A_1731, %get3A_1734 : vector<16xf32>
        %add3A_1738 = arith.addf %add3A_1726, %mul3A_1737 : vector<16xf32>
        %mul3A_1739 = arith.mulf %get3A_1734, %get3A_1734 : vector<16xf32>
        %add3A_1740 = arith.addf %add3A_1692, %mul3A_1739 : vector<16xf32>
        %get3A_1741 = arith.index_cast %add3A_1682 : i32 to index
        %get3A_1742 = arith.constant 80 : index
        %get3A_1743 = tpu.vector_load %arg7[%get3A_1741, %get3A_1742] {strides = array<i32>} : memref<64x128xf32, #tpu.memory_space<vmem>>, vector<16xf32>,
        %get3A_1744 = arith.index_cast %add3A_1682 : i32 to index
        %get3A_1745 = arith.constant 80 : index
        %get3A_1746 = tpu.vector_load %arg9[%get3A_1744, %get3A_1745] {strides = array<i32>} : memref<64x128xf32, #tpu.memory_space<vmem>>, vector<16xf32>,
        %mul3A_1747 = arith.mulf %get3A_1743, %get3A_1743 : vector<16xf32>
        %add3A_1748 = arith.addf %add3A_1736, %mul3A_1747 : vector<16xf32>
        %mul3A_1749 = arith.mulf %get3A_1743, %get3A_1746 : vector<16xf32>
        %add3A_1750 = arith.addf %add3A_1738, %mul3A_1749 : vector<16xf32>
        %mul3A_1751 = arith.mulf %get3A_1746, %get3A_1746 : vector<16xf32>
        %add3A_1752 = arith.addf %add3A_1704, %mul3A_1751 : vector<16xf32>
        %get3A_1753 = arith.index_cast %add3A_1682 : i32 to index
        %get3A_1754 = arith.constant 96 : index
        %get3A_1755 = tpu.vector_load %arg7[%get3A_1753, %get3A_1754] {strides = array<i32>} : memref<64x128xf32, #tpu.memory_space<vmem>>, vector<16xf32>,
        %get3A_1756 = arith.index_cast %add3A_1682 : i32 to index
        %get3A_1757 = arith.constant 96 : index
        %get3A_1758 = tpu.vector_load %arg9[%get3A_1756, %get3A_1757] {strides = array<i32>} : memref<64x128xf32, #tpu.memory_space<vmem>>, vector<16xf32>,
        %mul3A_1759 = arith.mulf %get3A_1755, %get3A_1755 : vector<16xf32>
        %add3A_1760 = arith.addf %add3A_1748, %mul3A_1759 : vector<16xf32>
        %mul3A_1761 = arith.mulf %get3A_1755, %get3A_1758 : vector<16xf32>
        %add3A_1762 = arith.addf %add3A_1750, %mul3A_1761 : vector<16xf32>
        %mul3A_1763 = arith.mulf %get3A_1758, %get3A_1758 : vector<16xf32>
        %add3A_1764 = arith.addf %add3A_1716, %mul3A_1763 : vector<16xf32>
        %get3A_1765 = arith.index_cast %add3A_1682 : i32 to index
        %get3A_1766 = arith.constant 112 : index
        %get3A_1767 = tpu.vector_load %arg7[%get3A_1765, %get3A_1766] {strides = array<i32>} : memref<64x128xf32, #tpu.memory_space<vmem>>, vector<16xf32>,
        %get3A_1768 = arith.index_cast %add3A_1682 : i32 to index
        %get3A_1769 = arith.constant 112 : index
        %get3A_1770 = tpu.vector_load %arg9[%get3A_1768, %get3A_1769] {strides = array<i32>} : memref<64x128xf32, #tpu.memory_space<vmem>>, vector<16xf32>,
        %mul3A_1771 = arith.mulf %get3A_1767, %get3A_1767 : vector<16xf32>
        %add3A_1772 = arith.addf %add3A_1760, %mul3A_1771 : vector<16xf32>
        %mul3A_1773 = arith.mulf %get3A_1767, %get3A_1770 : vector<16xf32>
        %add3A_1774 = arith.addf %add3A_1762, %mul3A_1773 : vector<16xf32>
        %mul3A_1775 = arith.mulf %get3A_1770, %get3A_1770 : vector<16xf32>
        %add3A_1776 = arith.addf %add3A_1728, %mul3A_1775 : vector<16xf32>
        %eq3A_1777 = arith.constant 13 : i32
        %eq3A_1778 = vector.broadcast %eq3A_1777 : i32 to vector<16xi32>
        %eq3A_1779 = arith.cmpi eq, %iota3A, %eq3A_1778 : vector<16xi32>
        %reduce_sum3A_1780 = arith.constant true
        %reduce_sum3A_1781 = vector.broadcast %reduce_sum3A_1780 : i1 to vector<16xi1>
        %reduce_sum3A_1782 = tpu.scan <sum>, %add3A_1772 masked %reduce_sum3A_1781 : vector<16xf32>, vector<16xi1> -> vector<16xf32>
        %reduce_sum3A_1783 = vector.extract %reduce_sum3A_1782[15] : f32 from vector<16xf32>
        %broadcast_in_dim3A_1784 = vector.broadcast %reduce_sum3A_1783 : f32 to vector<16xf32>
        %select_n3A_1785 = arith.select %eq3A_1779, %broadcast_in_dim3A_1784, %select_n3A_1674 : vector<16xi1>, vector<16xf32>
        %reduce_sum3A_1786 = arith.constant true
        %reduce_sum3A_1787 = vector.broadcast %reduce_sum3A_1786 : i1 to vector<16xi1>
        %reduce_sum3A_1788 = tpu.scan <sum>, %add3A_1774 masked %reduce_sum3A_1787 : vector<16xf32>, vector<16xi1> -> vector<16xf32>
        %reduce_sum3A_1789 = vector.extract %reduce_sum3A_1788[15] : f32 from vector<16xf32>
        %broadcast_in_dim3A_1790 = vector.broadcast %reduce_sum3A_1789 : f32 to vector<16xf32>
        %select_n3A_1791 = arith.select %eq3A_1779, %broadcast_in_dim3A_1790, %select_n3A_1680 : vector<16xi1>, vector<16xf32>
        %add3A_1792 = arith.constant 14 : i32
        %add3A_1793 = arith.addi %mul3A_245, %add3A_1792 : i32
        %get3A_1794 = arith.index_cast %add3A_1793 : i32 to index
        %get3A_1795 = arith.constant 0 : index
        %get3A_1796 = tpu.vector_load %arg7[%get3A_1794, %get3A_1795] {strides = array<i32>} : memref<64x128xf32, #tpu.memory_space<vmem>>, vector<16xf32>,
        %get3A_1797 = arith.index_cast %add3A_1793 : i32 to index
        %get3A_1798 = arith.constant 0 : index
        %get3A_1799 = tpu.vector_load %arg9[%get3A_1797, %get3A_1798] {strides = array<i32>} : memref<64x128xf32, #tpu.memory_space<vmem>>, vector<16xf32>,
        %mul3A_1800 = arith.mulf %get3A_1796, %get3A_1796 : vector<16xf32>
        %mul3A_1801 = arith.mulf %get3A_1796, %get3A_1799 : vector<16xf32>
        %mul3A_1802 = arith.mulf %get3A_1799, %get3A_1799 : vector<16xf32>
        %add3A_1803 = arith.addf %add3A_1740, %mul3A_1802 : vector<16xf32>
        %get3A_1804 = arith.index_cast %add3A_1793 : i32 to index
        %get3A_1805 = arith.constant 16 : index
        %get3A_1806 = tpu.vector_load %arg7[%get3A_1804, %get3A_1805] {strides = array<i32>} : memref<64x128xf32, #tpu.memory_space<vmem>>, vector<16xf32>,
        %get3A_1807 = arith.index_cast %add3A_1793 : i32 to index
        %get3A_1808 = arith.constant 16 : index
        %get3A_1809 = tpu.vector_load %arg9[%get3A_1807, %get3A_1808] {strides = array<i32>} : memref<64x128xf32, #tpu.memory_space<vmem>>, vector<16xf32>,
        %mul3A_1810 = arith.mulf %get3A_1806, %get3A_1806 : vector<16xf32>
        %add3A_1811 = arith.addf %mul3A_1800, %mul3A_1810 : vector<16xf32>
        %mul3A_1812 = arith.mulf %get3A_1806, %get3A_1809 : vector<16xf32>
        %add3A_1813 = arith.addf %mul3A_1801, %mul3A_1812 : vector<16xf32>
        %mul3A_1814 = arith.mulf %get3A_1809, %get3A_1809 : vector<16xf32>
        %add3A_1815 = arith.addf %add3A_1752, %mul3A_1814 : vector<16xf32>
        %get3A_1816 = arith.index_cast %add3A_1793 : i32 to index
        %get3A_1817 = arith.constant 32 : index
        %get3A_1818 = tpu.vector_load %arg7[%get3A_1816, %get3A_1817] {strides = array<i32>} : memref<64x128xf32, #tpu.memory_space<vmem>>, vector<16xf32>,
        %get3A_1819 = arith.index_cast %add3A_1793 : i32 to index
        %get3A_1820 = arith.constant 32 : index
        %get3A_1821 = tpu.vector_load %arg9[%get3A_1819, %get3A_1820] {strides = array<i32>} : memref<64x128xf32, #tpu.memory_space<vmem>>, vector<16xf32>,
        %mul3A_1822 = arith.mulf %get3A_1818, %get3A_1818 : vector<16xf32>
        %add3A_1823 = arith.addf %add3A_1811, %mul3A_1822 : vector<16xf32>
        %mul3A_1824 = arith.mulf %get3A_1818, %get3A_1821 : vector<16xf32>
        %add3A_1825 = arith.addf %add3A_1813, %mul3A_1824 : vector<16xf32>
        %mul3A_1826 = arith.mulf %get3A_1821, %get3A_1821 : vector<16xf32>
        %add3A_1827 = arith.addf %add3A_1764, %mul3A_1826 : vector<16xf32>
        %get3A_1828 = arith.index_cast %add3A_1793 : i32 to index
        %get3A_1829 = arith.constant 48 : index
        %get3A_1830 = tpu.vector_load %arg7[%get3A_1828, %get3A_1829] {strides = array<i32>} : memref<64x128xf32, #tpu.memory_space<vmem>>, vector<16xf32>,
        %get3A_1831 = arith.index_cast %add3A_1793 : i32 to index
        %get3A_1832 = arith.constant 48 : index
        %get3A_1833 = tpu.vector_load %arg9[%get3A_1831, %get3A_1832] {strides = array<i32>} : memref<64x128xf32, #tpu.memory_space<vmem>>, vector<16xf32>,
        %mul3A_1834 = arith.mulf %get3A_1830, %get3A_1830 : vector<16xf32>
        %add3A_1835 = arith.addf %add3A_1823, %mul3A_1834 : vector<16xf32>
        %mul3A_1836 = arith.mulf %get3A_1830, %get3A_1833 : vector<16xf32>
        %add3A_1837 = arith.addf %add3A_1825, %mul3A_1836 : vector<16xf32>
        %mul3A_1838 = arith.mulf %get3A_1833, %get3A_1833 : vector<16xf32>
        %add3A_1839 = arith.addf %add3A_1776, %mul3A_1838 : vector<16xf32>
        %get3A_1840 = arith.index_cast %add3A_1793 : i32 to index
        %get3A_1841 = arith.constant 64 : index
        %get3A_1842 = tpu.vector_load %arg7[%get3A_1840, %get3A_1841] {strides = array<i32>} : memref<64x128xf32, #tpu.memory_space<vmem>>, vector<16xf32>,
        %get3A_1843 = arith.index_cast %add3A_1793 : i32 to index
        %get3A_1844 = arith.constant 64 : index
        %get3A_1845 = tpu.vector_load %arg9[%get3A_1843, %get3A_1844] {strides = array<i32>} : memref<64x128xf32, #tpu.memory_space<vmem>>, vector<16xf32>,
        %mul3A_1846 = arith.mulf %get3A_1842, %get3A_1842 : vector<16xf32>
        %add3A_1847 = arith.addf %add3A_1835, %mul3A_1846 : vector<16xf32>
        %mul3A_1848 = arith.mulf %get3A_1842, %get3A_1845 : vector<16xf32>
        %add3A_1849 = arith.addf %add3A_1837, %mul3A_1848 : vector<16xf32>
        %mul3A_1850 = arith.mulf %get3A_1845, %get3A_1845 : vector<16xf32>
        %add3A_1851 = arith.addf %add3A_1803, %mul3A_1850 : vector<16xf32>
        %get3A_1852 = arith.index_cast %add3A_1793 : i32 to index
        %get3A_1853 = arith.constant 80 : index
        %get3A_1854 = tpu.vector_load %arg7[%get3A_1852, %get3A_1853] {strides = array<i32>} : memref<64x128xf32, #tpu.memory_space<vmem>>, vector<16xf32>,
        %get3A_1855 = arith.index_cast %add3A_1793 : i32 to index
        %get3A_1856 = arith.constant 80 : index
        %get3A_1857 = tpu.vector_load %arg9[%get3A_1855, %get3A_1856] {strides = array<i32>} : memref<64x128xf32, #tpu.memory_space<vmem>>, vector<16xf32>,
        %mul3A_1858 = arith.mulf %get3A_1854, %get3A_1854 : vector<16xf32>
        %add3A_1859 = arith.addf %add3A_1847, %mul3A_1858 : vector<16xf32>
        %mul3A_1860 = arith.mulf %get3A_1854, %get3A_1857 : vector<16xf32>
        %add3A_1861 = arith.addf %add3A_1849, %mul3A_1860 : vector<16xf32>
        %mul3A_1862 = arith.mulf %get3A_1857, %get3A_1857 : vector<16xf32>
        %add3A_1863 = arith.addf %add3A_1815, %mul3A_1862 : vector<16xf32>
        %get3A_1864 = arith.index_cast %add3A_1793 : i32 to index
        %get3A_1865 = arith.constant 96 : index
        %get3A_1866 = tpu.vector_load %arg7[%get3A_1864, %get3A_1865] {strides = array<i32>} : memref<64x128xf32, #tpu.memory_space<vmem>>, vector<16xf32>,
        %get3A_1867 = arith.index_cast %add3A_1793 : i32 to index
        %get3A_1868 = arith.constant 96 : index
        %get3A_1869 = tpu.vector_load %arg9[%get3A_1867, %get3A_1868] {strides = array<i32>} : memref<64x128xf32, #tpu.memory_space<vmem>>, vector<16xf32>,
        %mul3A_1870 = arith.mulf %get3A_1866, %get3A_1866 : vector<16xf32>
        %add3A_1871 = arith.addf %add3A_1859, %mul3A_1870 : vector<16xf32>
        %mul3A_1872 = arith.mulf %get3A_1866, %get3A_1869 : vector<16xf32>
        %add3A_1873 = arith.addf %add3A_1861, %mul3A_1872 : vector<16xf32>
        %mul3A_1874 = arith.mulf %get3A_1869, %get3A_1869 : vector<16xf32>
        %add3A_1875 = arith.addf %add3A_1827, %mul3A_1874 : vector<16xf32>
        %get3A_1876 = arith.index_cast %add3A_1793 : i32 to index
        %get3A_1877 = arith.constant 112 : index
        %get3A_1878 = tpu.vector_load %arg7[%get3A_1876, %get3A_1877] {strides = array<i32>} : memref<64x128xf32, #tpu.memory_space<vmem>>, vector<16xf32>,
        %get3A_1879 = arith.index_cast %add3A_1793 : i32 to index
        %get3A_1880 = arith.constant 112 : index
        %get3A_1881 = tpu.vector_load %arg9[%get3A_1879, %get3A_1880] {strides = array<i32>} : memref<64x128xf32, #tpu.memory_space<vmem>>, vector<16xf32>,
        %mul3A_1882 = arith.mulf %get3A_1878, %get3A_1878 : vector<16xf32>
        %add3A_1883 = arith.addf %add3A_1871, %mul3A_1882 : vector<16xf32>
        %mul3A_1884 = arith.mulf %get3A_1878, %get3A_1881 : vector<16xf32>
        %add3A_1885 = arith.addf %add3A_1873, %mul3A_1884 : vector<16xf32>
        %mul3A_1886 = arith.mulf %get3A_1881, %get3A_1881 : vector<16xf32>
        %add3A_1887 = arith.addf %add3A_1839, %mul3A_1886 : vector<16xf32>
        %eq3A_1888 = arith.constant 14 : i32
        %eq3A_1889 = vector.broadcast %eq3A_1888 : i32 to vector<16xi32>
        %eq3A_1890 = arith.cmpi eq, %iota3A, %eq3A_1889 : vector<16xi32>
        %reduce_sum3A_1891 = arith.constant true
        %reduce_sum3A_1892 = vector.broadcast %reduce_sum3A_1891 : i1 to vector<16xi1>
        %reduce_sum3A_1893 = tpu.scan <sum>, %add3A_1883 masked %reduce_sum3A_1892 : vector<16xf32>, vector<16xi1> -> vector<16xf32>
        %reduce_sum3A_1894 = vector.extract %reduce_sum3A_1893[15] : f32 from vector<16xf32>
        %broadcast_in_dim3A_1895 = vector.broadcast %reduce_sum3A_1894 : f32 to vector<16xf32>
        %select_n3A_1896 = arith.select %eq3A_1890, %broadcast_in_dim3A_1895, %select_n3A_1785 : vector<16xi1>, vector<16xf32>
        %reduce_sum3A_1897 = arith.constant true
        %reduce_sum3A_1898 = vector.broadcast %reduce_sum3A_1897 : i1 to vector<16xi1>
        %reduce_sum3A_1899 = tpu.scan <sum>, %add3A_1885 masked %reduce_sum3A_1898 : vector<16xf32>, vector<16xi1> -> vector<16xf32>
        %reduce_sum3A_1900 = vector.extract %reduce_sum3A_1899[15] : f32 from vector<16xf32>
        %broadcast_in_dim3A_1901 = vector.broadcast %reduce_sum3A_1900 : f32 to vector<16xf32>
        %select_n3A_1902 = arith.select %eq3A_1890, %broadcast_in_dim3A_1901, %select_n3A_1791 : vector<16xi1>, vector<16xf32>
        %add3A_1903 = arith.constant 15 : i32
        %add3A_1904 = arith.addi %mul3A_245, %add3A_1903 : i32
        %get3A_1905 = arith.index_cast %add3A_1904 : i32 to index
        %get3A_1906 = arith.constant 0 : index
        %get3A_1907 = tpu.vector_load %arg7[%get3A_1905, %get3A_1906] {strides = array<i32>} : memref<64x128xf32, #tpu.memory_space<vmem>>, vector<16xf32>,
        %get3A_1908 = arith.index_cast %add3A_1904 : i32 to index
        %get3A_1909 = arith.constant 0 : index
        %get3A_1910 = tpu.vector_load %arg9[%get3A_1908, %get3A_1909] {strides = array<i32>} : memref<64x128xf32, #tpu.memory_space<vmem>>, vector<16xf32>,
        %mul3A_1911 = arith.mulf %get3A_1907, %get3A_1907 : vector<16xf32>
        %mul3A_1912 = arith.mulf %get3A_1907, %get3A_1910 : vector<16xf32>
        %mul3A_1913 = arith.mulf %get3A_1910, %get3A_1910 : vector<16xf32>
        %add3A_1914 = arith.addf %add3A_1851, %mul3A_1913 : vector<16xf32>
        %get3A_1915 = arith.index_cast %add3A_1904 : i32 to index
        %get3A_1916 = arith.constant 16 : index
        %get3A_1917 = tpu.vector_load %arg7[%get3A_1915, %get3A_1916] {strides = array<i32>} : memref<64x128xf32, #tpu.memory_space<vmem>>, vector<16xf32>,
        %get3A_1918 = arith.index_cast %add3A_1904 : i32 to index
        %get3A_1919 = arith.constant 16 : index
        %get3A_1920 = tpu.vector_load %arg9[%get3A_1918, %get3A_1919] {strides = array<i32>} : memref<64x128xf32, #tpu.memory_space<vmem>>, vector<16xf32>,
        %mul3A_1921 = arith.mulf %get3A_1917, %get3A_1917 : vector<16xf32>
        %add3A_1922 = arith.addf %mul3A_1911, %mul3A_1921 : vector<16xf32>
        %mul3A_1923 = arith.mulf %get3A_1917, %get3A_1920 : vector<16xf32>
        %add3A_1924 = arith.addf %mul3A_1912, %mul3A_1923 : vector<16xf32>
        %mul3A_1925 = arith.mulf %get3A_1920, %get3A_1920 : vector<16xf32>
        %add3A_1926 = arith.addf %add3A_1863, %mul3A_1925 : vector<16xf32>
        %get3A_1927 = arith.index_cast %add3A_1904 : i32 to index
        %get3A_1928 = arith.constant 32 : index
        %get3A_1929 = tpu.vector_load %arg7[%get3A_1927, %get3A_1928] {strides = array<i32>} : memref<64x128xf32, #tpu.memory_space<vmem>>, vector<16xf32>,
        %get3A_1930 = arith.index_cast %add3A_1904 : i32 to index
        %get3A_1931 = arith.constant 32 : index
        %get3A_1932 = tpu.vector_load %arg9[%get3A_1930, %get3A_1931] {strides = array<i32>} : memref<64x128xf32, #tpu.memory_space<vmem>>, vector<16xf32>,
        %mul3A_1933 = arith.mulf %get3A_1929, %get3A_1929 : vector<16xf32>
        %add3A_1934 = arith.addf %add3A_1922, %mul3A_1933 : vector<16xf32>
        %mul3A_1935 = arith.mulf %get3A_1929, %get3A_1932 : vector<16xf32>
        %add3A_1936 = arith.addf %add3A_1924, %mul3A_1935 : vector<16xf32>
        %mul3A_1937 = arith.mulf %get3A_1932, %get3A_1932 : vector<16xf32>
        %add3A_1938 = arith.addf %add3A_1875, %mul3A_1937 : vector<16xf32>
        %get3A_1939 = arith.index_cast %add3A_1904 : i32 to index
        %get3A_1940 = arith.constant 48 : index
        %get3A_1941 = tpu.vector_load %arg7[%get3A_1939, %get3A_1940] {strides = array<i32>} : memref<64x128xf32, #tpu.memory_space<vmem>>, vector<16xf32>,
        %get3A_1942 = arith.index_cast %add3A_1904 : i32 to index
        %get3A_1943 = arith.constant 48 : index
        %get3A_1944 = tpu.vector_load %arg9[%get3A_1942, %get3A_1943] {strides = array<i32>} : memref<64x128xf32, #tpu.memory_space<vmem>>, vector<16xf32>,
        %mul3A_1945 = arith.mulf %get3A_1941, %get3A_1941 : vector<16xf32>
        %add3A_1946 = arith.addf %add3A_1934, %mul3A_1945 : vector<16xf32>
        %mul3A_1947 = arith.mulf %get3A_1941, %get3A_1944 : vector<16xf32>
        %add3A_1948 = arith.addf %add3A_1936, %mul3A_1947 : vector<16xf32>
        %mul3A_1949 = arith.mulf %get3A_1944, %get3A_1944 : vector<16xf32>
        %add3A_1950 = arith.addf %add3A_1887, %mul3A_1949 : vector<16xf32>
        %get3A_1951 = arith.index_cast %add3A_1904 : i32 to index
        %get3A_1952 = arith.constant 64 : index
        %get3A_1953 = tpu.vector_load %arg7[%get3A_1951, %get3A_1952] {strides = array<i32>} : memref<64x128xf32, #tpu.memory_space<vmem>>, vector<16xf32>,
        %get3A_1954 = arith.index_cast %add3A_1904 : i32 to index
        %get3A_1955 = arith.constant 64 : index
        %get3A_1956 = tpu.vector_load %arg9[%get3A_1954, %get3A_1955] {strides = array<i32>} : memref<64x128xf32, #tpu.memory_space<vmem>>, vector<16xf32>,
        %mul3A_1957 = arith.mulf %get3A_1953, %get3A_1953 : vector<16xf32>
        %add3A_1958 = arith.addf %add3A_1946, %mul3A_1957 : vector<16xf32>
        %mul3A_1959 = arith.mulf %get3A_1953, %get3A_1956 : vector<16xf32>
        %add3A_1960 = arith.addf %add3A_1948, %mul3A_1959 : vector<16xf32>
        %mul3A_1961 = arith.mulf %get3A_1956, %get3A_1956 : vector<16xf32>
        %add3A_1962 = arith.addf %add3A_1914, %mul3A_1961 : vector<16xf32>
        %get3A_1963 = arith.index_cast %add3A_1904 : i32 to index
        %get3A_1964 = arith.constant 80 : index
        %get3A_1965 = tpu.vector_load %arg7[%get3A_1963, %get3A_1964] {strides = array<i32>} : memref<64x128xf32, #tpu.memory_space<vmem>>, vector<16xf32>,
        %get3A_1966 = arith.index_cast %add3A_1904 : i32 to index
        %get3A_1967 = arith.constant 80 : index
        %get3A_1968 = tpu.vector_load %arg9[%get3A_1966, %get3A_1967] {strides = array<i32>} : memref<64x128xf32, #tpu.memory_space<vmem>>, vector<16xf32>,
        %mul3A_1969 = arith.mulf %get3A_1965, %get3A_1965 : vector<16xf32>
        %add3A_1970 = arith.addf %add3A_1958, %mul3A_1969 : vector<16xf32>
        %mul3A_1971 = arith.mulf %get3A_1965, %get3A_1968 : vector<16xf32>
        %add3A_1972 = arith.addf %add3A_1960, %mul3A_1971 : vector<16xf32>
        %mul3A_1973 = arith.mulf %get3A_1968, %get3A_1968 : vector<16xf32>
        %add3A_1974 = arith.addf %add3A_1926, %mul3A_1973 : vector<16xf32>
        %get3A_1975 = arith.index_cast %add3A_1904 : i32 to index
        %get3A_1976 = arith.constant 96 : index
        %get3A_1977 = tpu.vector_load %arg7[%get3A_1975, %get3A_1976] {strides = array<i32>} : memref<64x128xf32, #tpu.memory_space<vmem>>, vector<16xf32>,
        %get3A_1978 = arith.index_cast %add3A_1904 : i32 to index
        %get3A_1979 = arith.constant 96 : index
        %get3A_1980 = tpu.vector_load %arg9[%get3A_1978, %get3A_1979] {strides = array<i32>} : memref<64x128xf32, #tpu.memory_space<vmem>>, vector<16xf32>,
        %mul3A_1981 = arith.mulf %get3A_1977, %get3A_1977 : vector<16xf32>
        %add3A_1982 = arith.addf %add3A_1970, %mul3A_1981 : vector<16xf32>
        %mul3A_1983 = arith.mulf %get3A_1977, %get3A_1980 : vector<16xf32>
        %add3A_1984 = arith.addf %add3A_1972, %mul3A_1983 : vector<16xf32>
        %mul3A_1985 = arith.mulf %get3A_1980, %get3A_1980 : vector<16xf32>
        %add3A_1986 = arith.addf %add3A_1938, %mul3A_1985 : vector<16xf32>
        %get3A_1987 = arith.index_cast %add3A_1904 : i32 to index
        %get3A_1988 = arith.constant 112 : index
        %get3A_1989 = tpu.vector_load %arg7[%get3A_1987, %get3A_1988] {strides = array<i32>} : memref<64x128xf32, #tpu.memory_space<vmem>>, vector<16xf32>,
        %get3A_1990 = arith.index_cast %add3A_1904 : i32 to index
        %get3A_1991 = arith.constant 112 : index
        %get3A_1992 = tpu.vector_load %arg9[%get3A_1990, %get3A_1991] {strides = array<i32>} : memref<64x128xf32, #tpu.memory_space<vmem>>, vector<16xf32>,
        %mul3A_1993 = arith.mulf %get3A_1989, %get3A_1989 : vector<16xf32>
        %add3A_1994 = arith.addf %add3A_1982, %mul3A_1993 : vector<16xf32>
        %mul3A_1995 = arith.mulf %get3A_1989, %get3A_1992 : vector<16xf32>
        %add3A_1996 = arith.addf %add3A_1984, %mul3A_1995 : vector<16xf32>
        %mul3A_1997 = arith.mulf %get3A_1992, %get3A_1992 : vector<16xf32>
        %add3A_1998 = arith.addf %add3A_1950, %mul3A_1997 : vector<16xf32>
        %eq3A_1999 = arith.constant 15 : i32
        %eq3A_2000 = vector.broadcast %eq3A_1999 : i32 to vector<16xi32>
        %eq3A_2001 = arith.cmpi eq, %iota3A, %eq3A_2000 : vector<16xi32>
        %reduce_sum3A_2002 = arith.constant true
        %reduce_sum3A_2003 = vector.broadcast %reduce_sum3A_2002 : i1 to vector<16xi1>
        %reduce_sum3A_2004 = tpu.scan <sum>, %add3A_1994 masked %reduce_sum3A_2003 : vector<16xf32>, vector<16xi1> -> vector<16xf32>
        %reduce_sum3A_2005 = vector.extract %reduce_sum3A_2004[15] : f32 from vector<16xf32>
        %broadcast_in_dim3A_2006 = vector.broadcast %reduce_sum3A_2005 : f32 to vector<16xf32>
        %select_n3A_2007 = arith.select %eq3A_2001, %broadcast_in_dim3A_2006, %select_n3A_1896 : vector<16xi1>, vector<16xf32>
        %reduce_sum3A_2008 = arith.constant true
        %reduce_sum3A_2009 = vector.broadcast %reduce_sum3A_2008 : i1 to vector<16xi1>
        %reduce_sum3A_2010 = tpu.scan <sum>, %add3A_1996 masked %reduce_sum3A_2009 : vector<16xf32>, vector<16xi1> -> vector<16xf32>
        %reduce_sum3A_2011 = vector.extract %reduce_sum3A_2010[15] : f32 from vector<16xf32>
        %broadcast_in_dim3A_2012 = vector.broadcast %reduce_sum3A_2011 : f32 to vector<16xf32>
        %select_n3A_2013 = arith.select %eq3A_2001, %broadcast_in_dim3A_2012, %select_n3A_1902 : vector<16xi1>, vector<16xf32>
        %add3A_2014 = arith.addf %add3A_1962, %add3A_1974 : vector<16xf32>
        %add3A_2015 = arith.addf %scan3A_243, %add3A_2014 : vector<16xf32>
        %add3A_2016 = arith.addf %add3A_1986, %add3A_1998 : vector<16xf32>
        %add3A_2017 = arith.addf %add3A_2015, %add3A_2016 : vector<16xf32>
        %bitcast3A = vector.bitcast %select_n3A_2007 : vector<16xf32> to vector<16xi32>
        %shift_right_arithmetic3A = arith.constant 1 : i32
        %shift_right_arithmetic3A_2018 = vector.broadcast %shift_right_arithmetic3A : i32 to vector<16xi32>
        %shift_right_arithmetic3A_2019 = arith.shrsi %bitcast3A, %shift_right_arithmetic3A_2018 : vector<16xi32>
        %sub3A = arith.constant 1597463007 : i32
        %sub3A_2020 = vector.broadcast %sub3A : i32 to vector<16xi32>
        %sub3A_2021 = arith.subi %sub3A_2020, %shift_right_arithmetic3A_2019 : vector<16xi32>
        %bitcast3A_2022 = vector.bitcast %sub3A_2021 : vector<16xi32> to vector<16xf32>
        %mul3A_2023 = arith.constant 5.000000e-01 : f32
        %mul3A_2024 = vector.broadcast %mul3A_2023 : f32 to vector<16xf32>
        %mul3A_2025 = arith.mulf %mul3A_2024, %select_n3A_2007 : vector<16xf32>
        %mul3A_2026 = arith.mulf %mul3A_2025, %bitcast3A_2022 : vector<16xf32>
        %mul3A_2027 = arith.mulf %mul3A_2026, %bitcast3A_2022 : vector<16xf32>
        %sub3A_2028 = arith.constant 1.500000e+00 : f32
        %sub3A_2029 = vector.broadcast %sub3A_2028 : f32 to vector<16xf32>
        %sub3A_2030 = arith.subf %sub3A_2029, %mul3A_2027 : vector<16xf32>
        %mul3A_2031 = arith.mulf %bitcast3A_2022, %sub3A_2030 : vector<16xf32>
        %mul3A_2032 = arith.constant 5.000000e-01 : f32
        %mul3A_2033 = vector.broadcast %mul3A_2032 : f32 to vector<16xf32>
        %mul3A_2034 = arith.mulf %mul3A_2033, %select_n3A_2007 : vector<16xf32>
        %mul3A_2035 = arith.mulf %mul3A_2034, %mul3A_2031 : vector<16xf32>
        %mul3A_2036 = arith.mulf %mul3A_2035, %mul3A_2031 : vector<16xf32>
        %sub3A_2037 = arith.constant 1.500000e+00 : f32
        %sub3A_2038 = vector.broadcast %sub3A_2037 : f32 to vector<16xf32>
        %sub3A_2039 = arith.subf %sub3A_2038, %mul3A_2036 : vector<16xf32>
        %mul3A_2040 = arith.mulf %mul3A_2031, %sub3A_2039 : vector<16xf32>
        %mul3A_2041 = arith.constant 5.000000e-01 : f32
        %mul3A_2042 = vector.broadcast %mul3A_2041 : f32 to vector<16xf32>
        %mul3A_2043 = arith.mulf %mul3A_2042, %select_n3A_2007 : vector<16xf32>
        %mul3A_2044 = arith.mulf %mul3A_2043, %mul3A_2040 : vector<16xf32>
        %mul3A_2045 = arith.mulf %mul3A_2044, %mul3A_2040 : vector<16xf32>
        %sub3A_2046 = arith.constant 1.500000e+00 : f32
        %sub3A_2047 = vector.broadcast %sub3A_2046 : f32 to vector<16xf32>
        %sub3A_2048 = arith.subf %sub3A_2047, %mul3A_2045 : vector<16xf32>
        %mul3A_2049 = arith.mulf %mul3A_2040, %sub3A_2048 : vector<16xf32>
        %min3A = arith.constant 9.99999995E+11 : f32
        %min3A_2050 = vector.broadcast %min3A : f32 to vector<16xf32>
        %min3A_2051 = arith.minimumf %mul3A_2049, %min3A_2050 : vector<16xf32>
        %mul3A_2052 = arith.mulf %select_n3A_2007, %min3A_2051 : vector<16xf32>
        %mul3A_2053 = arith.mulf %mul3A_2052, %min3A_2051 : vector<16xf32>
        %add3A_2054 = arith.addf %scan3A_242, %mul3A_2053 : vector<16xf32>
        %mul3A_2055 = arith.constant 2.000000e+00 : f32
        %mul3A_2056 = vector.broadcast %mul3A_2055 : f32 to vector<16xf32>
        %mul3A_2057 = arith.mulf %mul3A_2056, %select_n3A_2013 : vector<16xf32>
        %mul3A_2058 = arith.mulf %mul3A_2057, %min3A_2051 : vector<16xf32>
        %sub3A_2059 = arith.subf %add3A_2054, %mul3A_2058 : vector<16xf32>
        scf.yield %sub3A_2059, %add3A_2017 : vector<16xf32>, vector<16xf32>
      }
      %scan3A_221 = arith.constant 4 : i32
      %lt3A = arith.constant 3 : i32
      %lt3A_222 = arith.cmpi slt, %scan3A_185, %lt3A : i32
      %convert_element_type3A = arith.extui %lt3A_222 : i1 to i32
      %cond3A = arith.constant 0 : i32
      %cond3A_223 = arith.cmpi ne, %convert_element_type3A, %cond3A : i32
      scf.if %cond3A_223 {
        %mul3A_241 = arith.constant 2 : i32
        %mul3A_242 = arith.muli %mul3A_241, %scan3A_185 : i32
        %add3A_243 = arith.constant 2 : i32
        %add3A_244 = arith.addi %mul3A_242, %add3A_243 : i32
        %mul3A_245 = arith.constant 64 : i32
        %mul3A_246 = arith.muli %add3A_244, %mul3A_245 : i32
        %add3A_247 = arith.addi %mul3A_2, %mul3A_246 : i32
        %dma_start3A_248 = arith.constant 0 : i32
        %dma_start3A_249 = tpu.memref_slice %arg6[%add3A_244, %dma_start3A_248] : memref<8x64xi32, #tpu.memory_space<vmem>> -> memref<1x64xi32, #tpu.memory_space<vmem>>
        %dma_start3A_250 = tpu.memref_squeeze %dma_start3A_249 : memref<1x64xi32, #tpu.memory_space<vmem>> -> memref<64xi32, #tpu.memory_space<vmem>>
        %dma_start3A_251 = arith.constant 0 : i32
        %dma_start3A_252 = arith.constant 0 : i32
        %dma_start3A_253 = tpu.memref_slice %arg4[%dma_start3A_251, %dma_start3A_252] : memref<100000x128xf32, #tpu.memory_space<hbm>> -> memref<100000x128xf32, #tpu.memory_space<hbm>>
        tpu.enqueue_indirect_dma source(%dma_start3A_253 : memref<100000x128xf32, #tpu.memory_space<hbm>>) target(%arg9 : memref<64x128xf32, #tpu.memory_space<vmem>>) offsets(%dma_start3A_250 : memref<64xi32, #tpu.memory_space<vmem>>) semaphore(%arg12 : memref<!tpu.dma_semaphore, #tpu.memory_space<semaphore_mem>>)
        %dma_start3A_254 = arith.constant 0 : i32
        %dma_start3A_255 = tpu.memref_slice %arg2[%add3A_247, %dma_start3A_254] : memref<16384x128xf32, #tpu.memory_space<hbm>> -> memref<64x128xf32, #tpu.memory_space<hbm>>
        %dma_start3A_256 = arith.constant 0 : i32
        %dma_start3A_257 = tpu.memref_slice %arg2[%add3A_247, %dma_start3A_256] : memref<16384x128xf32, #tpu.memory_space<hbm>> -> memref<64x128xf32, #tpu.memory_space<hbm>>
        tpu.enqueue_dma source(%dma_start3A_257 : memref<64x128xf32, #tpu.memory_space<hbm>>) target(%arg7 : memref<64x128xf32, #tpu.memory_space<vmem>>) target_semaphore(%arg14 : memref<!tpu.dma_semaphore, #tpu.memory_space<semaphore_mem>>)
      } else {
      }
      %dma_wait3A_224 = arith.constant 0 : i32
      %dma_wait3A_225 = arith.constant 0 : i32
      %dma_wait3A_226 = tpu.memref_slice %arg6[%dma_wait3A_224, %dma_wait3A_225] : memref<8x64xi32, #tpu.memory_space<vmem>> -> memref<1x64xi32, #tpu.memory_space<vmem>>
      %dma_wait3A_227 = tpu.memref_squeeze %dma_wait3A_226 : memref<1x64xi32, #tpu.memory_space<vmem>> -> memref<64xi32, #tpu.memory_space<vmem>>
      %dma_wait3A_228 = arith.constant 0 : i32
      %dma_wait3A_229 = arith.constant 0 : i32
      %dma_wait3A_230 = tpu.memref_slice %arg4[%dma_wait3A_228, %dma_wait3A_229] : memref<100000x128xf32, #tpu.memory_space<hbm>> -> memref<100000x128xf32, #tpu.memory_space<hbm>>
      tpu.wait_indirect_dma semaphore(%arg13 : memref<!tpu.dma_semaphore, #tpu.memory_space<semaphore_mem>>) src(%dma_wait3A_230 : memref<100000x128xf32, #tpu.memory_space<hbm>>) dst(%arg10 : memref<64x128xf32, #tpu.memory_space<vmem>>)
      %dma_wait3A_231 = arith.constant 0 : i32
      %dma_wait3A_232 = tpu.memref_slice %arg2[%mul3A_2, %dma_wait3A_231] : memref<16384x128xf32, #tpu.memory_space<hbm>> -> memref<64x128xf32, #tpu.memory_space<hbm>>
      %dma_wait3A_233 = arith.constant 0 : i32
      %dma_wait3A_234 = tpu.memref_slice %arg2[%mul3A_2, %dma_wait3A_233] : memref<16384x128xf32, #tpu.memory_space<hbm>> -> memref<64x128xf32, #tpu.memory_space<hbm>>
      tpu.wait_dma2 semaphore(%arg15 : memref<!tpu.dma_semaphore, #tpu.memory_space<semaphore_mem>>) src(%dma_wait3A_234 : memref<64x128xf32, #tpu.memory_space<hbm>>) dst(%arg8 : memref<64x128xf32, #tpu.memory_space<vmem>>)
      %scan3A_235 = arith.constant 0 : i32
      %scan3A_236 = arith.constant 4 : i32
      %scan3A_237 = arith.addi %scan3A_235, %scan3A_236 : i32
      %scan3A_238 = arith.constant 1 : i32
      %scan3A_239:2 = scf.for %scan3A_241 = %scan3A_235 to %scan3A_237 step %scan3A_238 iter_args(%scan3A_242 = %scan3A_220#0, %scan3A_243 = %scan3A_220#1) -> (vector<16xf32>, vector<16xf32>)  : i32 {
        %mul3A_244 = arith.constant 16 : i32
        %mul3A_245 = arith.muli %scan3A_241, %mul3A_244 : i32
        %add3A_246 = arith.constant 0 : i32
        %add3A_247 = arith.addi %mul3A_245, %add3A_246 : i32
        %get3A = arith.index_cast %add3A_247 : i32 to index
        %get3A_248 = arith.constant 0 : index
        %get3A_249 = tpu.vector_load %arg8[%get3A, %get3A_248] {strides = array<i32>} : memref<64x128xf32, #tpu.memory_space<vmem>>, vector<16xf32>,
        %get3A_250 = arith.index_cast %add3A_247 : i32 to index
        %get3A_251 = arith.constant 0 : index
        %get3A_252 = tpu.vector_load %arg10[%get3A_250, %get3A_251] {strides = array<i32>} : memref<64x128xf32, #tpu.memory_space<vmem>>, vector<16xf32>,
        %mul3A_253 = arith.mulf %get3A_249, %get3A_249 : vector<16xf32>
        %mul3A_254 = arith.mulf %get3A_249, %get3A_252 : vector<16xf32>
        %mul3A_255 = arith.mulf %get3A_252, %get3A_252 : vector<16xf32>
        %get3A_256 = arith.index_cast %add3A_247 : i32 to index
        %get3A_257 = arith.constant 16 : index
        %get3A_258 = tpu.vector_load %arg8[%get3A_256, %get3A_257] {strides = array<i32>} : memref<64x128xf32, #tpu.memory_space<vmem>>, vector<16xf32>,
        %get3A_259 = arith.index_cast %add3A_247 : i32 to index
        %get3A_260 = arith.constant 16 : index
        %get3A_261 = tpu.vector_load %arg10[%get3A_259, %get3A_260] {strides = array<i32>} : memref<64x128xf32, #tpu.memory_space<vmem>>, vector<16xf32>,
        %mul3A_262 = arith.mulf %get3A_258, %get3A_258 : vector<16xf32>
        %add3A_263 = arith.addf %mul3A_253, %mul3A_262 : vector<16xf32>
        %mul3A_264 = arith.mulf %get3A_258, %get3A_261 : vector<16xf32>
        %add3A_265 = arith.addf %mul3A_254, %mul3A_264 : vector<16xf32>
        %mul3A_266 = arith.mulf %get3A_261, %get3A_261 : vector<16xf32>
        %get3A_267 = arith.index_cast %add3A_247 : i32 to index
        %get3A_268 = arith.constant 32 : index
        %get3A_269 = tpu.vector_load %arg8[%get3A_267, %get3A_268] {strides = array<i32>} : memref<64x128xf32, #tpu.memory_space<vmem>>, vector<16xf32>,
        %get3A_270 = arith.index_cast %add3A_247 : i32 to index
        %get3A_271 = arith.constant 32 : index
        %get3A_272 = tpu.vector_load %arg10[%get3A_270, %get3A_271] {strides = array<i32>} : memref<64x128xf32, #tpu.memory_space<vmem>>, vector<16xf32>,
        %mul3A_273 = arith.mulf %get3A_269, %get3A_269 : vector<16xf32>
        %add3A_274 = arith.addf %add3A_263, %mul3A_273 : vector<16xf32>
        %mul3A_275 = arith.mulf %get3A_269, %get3A_272 : vector<16xf32>
        %add3A_276 = arith.addf %add3A_265, %mul3A_275 : vector<16xf32>
        %mul3A_277 = arith.mulf %get3A_272, %get3A_272 : vector<16xf32>
        %get3A_278 = arith.index_cast %add3A_247 : i32 to index
        %get3A_279 = arith.constant 48 : index
        %get3A_280 = tpu.vector_load %arg8[%get3A_278, %get3A_279] {strides = array<i32>} : memref<64x128xf32, #tpu.memory_space<vmem>>, vector<16xf32>,
        %get3A_281 = arith.index_cast %add3A_247 : i32 to index
        %get3A_282 = arith.constant 48 : index
        %get3A_283 = tpu.vector_load %arg10[%get3A_281, %get3A_282] {strides = array<i32>} : memref<64x128xf32, #tpu.memory_space<vmem>>, vector<16xf32>,
        %mul3A_284 = arith.mulf %get3A_280, %get3A_280 : vector<16xf32>
        %add3A_285 = arith.addf %add3A_274, %mul3A_284 : vector<16xf32>
        %mul3A_286 = arith.mulf %get3A_280, %get3A_283 : vector<16xf32>
        %add3A_287 = arith.addf %add3A_276, %mul3A_286 : vector<16xf32>
        %mul3A_288 = arith.mulf %get3A_283, %get3A_283 : vector<16xf32>
        %get3A_289 = arith.index_cast %add3A_247 : i32 to index
        %get3A_290 = arith.constant 64 : index
        %get3A_291 = tpu.vector_load %arg8[%get3A_289, %get3A_290] {strides = array<i32>} : memref<64x128xf32, #tpu.memory_space<vmem>>, vector<16xf32>,
        %get3A_292 = arith.index_cast %add3A_247 : i32 to index
        %get3A_293 = arith.constant 64 : index
        %get3A_294 = tpu.vector_load %arg10[%get3A_292, %get3A_293] {strides = array<i32>} : memref<64x128xf32, #tpu.memory_space<vmem>>, vector<16xf32>,
        %mul3A_295 = arith.mulf %get3A_291, %get3A_291 : vector<16xf32>
        %add3A_296 = arith.addf %add3A_285, %mul3A_295 : vector<16xf32>
        %mul3A_297 = arith.mulf %get3A_291, %get3A_294 : vector<16xf32>
        %add3A_298 = arith.addf %add3A_287, %mul3A_297 : vector<16xf32>
        %mul3A_299 = arith.mulf %get3A_294, %get3A_294 : vector<16xf32>
        %add3A_300 = arith.addf %mul3A_255, %mul3A_299 : vector<16xf32>
        %get3A_301 = arith.index_cast %add3A_247 : i32 to index
        %get3A_302 = arith.constant 80 : index
        %get3A_303 = tpu.vector_load %arg8[%get3A_301, %get3A_302] {strides = array<i32>} : memref<64x128xf32, #tpu.memory_space<vmem>>, vector<16xf32>,
        %get3A_304 = arith.index_cast %add3A_247 : i32 to index
        %get3A_305 = arith.constant 80 : index
        %get3A_306 = tpu.vector_load %arg10[%get3A_304, %get3A_305] {strides = array<i32>} : memref<64x128xf32, #tpu.memory_space<vmem>>, vector<16xf32>,
        %mul3A_307 = arith.mulf %get3A_303, %get3A_303 : vector<16xf32>
        %add3A_308 = arith.addf %add3A_296, %mul3A_307 : vector<16xf32>
        %mul3A_309 = arith.mulf %get3A_303, %get3A_306 : vector<16xf32>
        %add3A_310 = arith.addf %add3A_298, %mul3A_309 : vector<16xf32>
        %mul3A_311 = arith.mulf %get3A_306, %get3A_306 : vector<16xf32>
        %add3A_312 = arith.addf %mul3A_266, %mul3A_311 : vector<16xf32>
        %get3A_313 = arith.index_cast %add3A_247 : i32 to index
        %get3A_314 = arith.constant 96 : index
        %get3A_315 = tpu.vector_load %arg8[%get3A_313, %get3A_314] {strides = array<i32>} : memref<64x128xf32, #tpu.memory_space<vmem>>, vector<16xf32>,
        %get3A_316 = arith.index_cast %add3A_247 : i32 to index
        %get3A_317 = arith.constant 96 : index
        %get3A_318 = tpu.vector_load %arg10[%get3A_316, %get3A_317] {strides = array<i32>} : memref<64x128xf32, #tpu.memory_space<vmem>>, vector<16xf32>,
        %mul3A_319 = arith.mulf %get3A_315, %get3A_315 : vector<16xf32>
        %add3A_320 = arith.addf %add3A_308, %mul3A_319 : vector<16xf32>
        %mul3A_321 = arith.mulf %get3A_315, %get3A_318 : vector<16xf32>
        %add3A_322 = arith.addf %add3A_310, %mul3A_321 : vector<16xf32>
        %mul3A_323 = arith.mulf %get3A_318, %get3A_318 : vector<16xf32>
        %add3A_324 = arith.addf %mul3A_277, %mul3A_323 : vector<16xf32>
        %get3A_325 = arith.index_cast %add3A_247 : i32 to index
        %get3A_326 = arith.constant 112 : index
        %get3A_327 = tpu.vector_load %arg8[%get3A_325, %get3A_326] {strides = array<i32>} : memref<64x128xf32, #tpu.memory_space<vmem>>, vector<16xf32>,
        %get3A_328 = arith.index_cast %add3A_247 : i32 to index
        %get3A_329 = arith.constant 112 : index
        %get3A_330 = tpu.vector_load %arg10[%get3A_328, %get3A_329] {strides = array<i32>} : memref<64x128xf32, #tpu.memory_space<vmem>>, vector<16xf32>,
        %mul3A_331 = arith.mulf %get3A_327, %get3A_327 : vector<16xf32>
        %add3A_332 = arith.addf %add3A_320, %mul3A_331 : vector<16xf32>
        %mul3A_333 = arith.mulf %get3A_327, %get3A_330 : vector<16xf32>
        %add3A_334 = arith.addf %add3A_322, %mul3A_333 : vector<16xf32>
        %mul3A_335 = arith.mulf %get3A_330, %get3A_330 : vector<16xf32>
        %add3A_336 = arith.addf %mul3A_288, %mul3A_335 : vector<16xf32>
        %eq3A = arith.constant 0 : i32
        %eq3A_337 = vector.broadcast %eq3A : i32 to vector<16xi32>
        %eq3A_338 = arith.cmpi eq, %iota3A, %eq3A_337 : vector<16xi32>
        %reduce_sum3A = arith.constant true
        %reduce_sum3A_339 = vector.broadcast %reduce_sum3A : i1 to vector<16xi1>
        %reduce_sum3A_340 = tpu.scan <sum>, %add3A_332 masked %reduce_sum3A_339 : vector<16xf32>, vector<16xi1> -> vector<16xf32>
        %reduce_sum3A_341 = vector.extract %reduce_sum3A_340[15] : f32 from vector<16xf32>
        %broadcast_in_dim3A_342 = vector.broadcast %reduce_sum3A_341 : f32 to vector<16xf32>
        %select_n3A = arith.select %eq3A_338, %broadcast_in_dim3A_342, %broadcast_in_dim3A_3 : vector<16xi1>, vector<16xf32>
        %reduce_sum3A_343 = arith.constant true
        %reduce_sum3A_344 = vector.broadcast %reduce_sum3A_343 : i1 to vector<16xi1>
        %reduce_sum3A_345 = tpu.scan <sum>, %add3A_334 masked %reduce_sum3A_344 : vector<16xf32>, vector<16xi1> -> vector<16xf32>
        %reduce_sum3A_346 = vector.extract %reduce_sum3A_345[15] : f32 from vector<16xf32>
        %broadcast_in_dim3A_347 = vector.broadcast %reduce_sum3A_346 : f32 to vector<16xf32>
        %select_n3A_348 = arith.select %eq3A_338, %broadcast_in_dim3A_347, %broadcast_in_dim3A_3 : vector<16xi1>, vector<16xf32>
        %add3A_349 = arith.constant 1 : i32
        %add3A_350 = arith.addi %mul3A_245, %add3A_349 : i32
        %get3A_351 = arith.index_cast %add3A_350 : i32 to index
        %get3A_352 = arith.constant 0 : index
        %get3A_353 = tpu.vector_load %arg8[%get3A_351, %get3A_352] {strides = array<i32>} : memref<64x128xf32, #tpu.memory_space<vmem>>, vector<16xf32>,
        %get3A_354 = arith.index_cast %add3A_350 : i32 to index
        %get3A_355 = arith.constant 0 : index
        %get3A_356 = tpu.vector_load %arg10[%get3A_354, %get3A_355] {strides = array<i32>} : memref<64x128xf32, #tpu.memory_space<vmem>>, vector<16xf32>,
        %mul3A_357 = arith.mulf %get3A_353, %get3A_353 : vector<16xf32>
        %mul3A_358 = arith.mulf %get3A_353, %get3A_356 : vector<16xf32>
        %mul3A_359 = arith.mulf %get3A_356, %get3A_356 : vector<16xf32>
        %add3A_360 = arith.addf %add3A_300, %mul3A_359 : vector<16xf32>
        %get3A_361 = arith.index_cast %add3A_350 : i32 to index
        %get3A_362 = arith.constant 16 : index
        %get3A_363 = tpu.vector_load %arg8[%get3A_361, %get3A_362] {strides = array<i32>} : memref<64x128xf32, #tpu.memory_space<vmem>>, vector<16xf32>,
        %get3A_364 = arith.index_cast %add3A_350 : i32 to index
        %get3A_365 = arith.constant 16 : index
        %get3A_366 = tpu.vector_load %arg10[%get3A_364, %get3A_365] {strides = array<i32>} : memref<64x128xf32, #tpu.memory_space<vmem>>, vector<16xf32>,
        %mul3A_367 = arith.mulf %get3A_363, %get3A_363 : vector<16xf32>
        %add3A_368 = arith.addf %mul3A_357, %mul3A_367 : vector<16xf32>
        %mul3A_369 = arith.mulf %get3A_363, %get3A_366 : vector<16xf32>
        %add3A_370 = arith.addf %mul3A_358, %mul3A_369 : vector<16xf32>
        %mul3A_371 = arith.mulf %get3A_366, %get3A_366 : vector<16xf32>
        %add3A_372 = arith.addf %add3A_312, %mul3A_371 : vector<16xf32>
        %get3A_373 = arith.index_cast %add3A_350 : i32 to index
        %get3A_374 = arith.constant 32 : index
        %get3A_375 = tpu.vector_load %arg8[%get3A_373, %get3A_374] {strides = array<i32>} : memref<64x128xf32, #tpu.memory_space<vmem>>, vector<16xf32>,
        %get3A_376 = arith.index_cast %add3A_350 : i32 to index
        %get3A_377 = arith.constant 32 : index
        %get3A_378 = tpu.vector_load %arg10[%get3A_376, %get3A_377] {strides = array<i32>} : memref<64x128xf32, #tpu.memory_space<vmem>>, vector<16xf32>,
        %mul3A_379 = arith.mulf %get3A_375, %get3A_375 : vector<16xf32>
        %add3A_380 = arith.addf %add3A_368, %mul3A_379 : vector<16xf32>
        %mul3A_381 = arith.mulf %get3A_375, %get3A_378 : vector<16xf32>
        %add3A_382 = arith.addf %add3A_370, %mul3A_381 : vector<16xf32>
        %mul3A_383 = arith.mulf %get3A_378, %get3A_378 : vector<16xf32>
        %add3A_384 = arith.addf %add3A_324, %mul3A_383 : vector<16xf32>
        %get3A_385 = arith.index_cast %add3A_350 : i32 to index
        %get3A_386 = arith.constant 48 : index
        %get3A_387 = tpu.vector_load %arg8[%get3A_385, %get3A_386] {strides = array<i32>} : memref<64x128xf32, #tpu.memory_space<vmem>>, vector<16xf32>,
        %get3A_388 = arith.index_cast %add3A_350 : i32 to index
        %get3A_389 = arith.constant 48 : index
        %get3A_390 = tpu.vector_load %arg10[%get3A_388, %get3A_389] {strides = array<i32>} : memref<64x128xf32, #tpu.memory_space<vmem>>, vector<16xf32>,
        %mul3A_391 = arith.mulf %get3A_387, %get3A_387 : vector<16xf32>
        %add3A_392 = arith.addf %add3A_380, %mul3A_391 : vector<16xf32>
        %mul3A_393 = arith.mulf %get3A_387, %get3A_390 : vector<16xf32>
        %add3A_394 = arith.addf %add3A_382, %mul3A_393 : vector<16xf32>
        %mul3A_395 = arith.mulf %get3A_390, %get3A_390 : vector<16xf32>
        %add3A_396 = arith.addf %add3A_336, %mul3A_395 : vector<16xf32>
        %get3A_397 = arith.index_cast %add3A_350 : i32 to index
        %get3A_398 = arith.constant 64 : index
        %get3A_399 = tpu.vector_load %arg8[%get3A_397, %get3A_398] {strides = array<i32>} : memref<64x128xf32, #tpu.memory_space<vmem>>, vector<16xf32>,
        %get3A_400 = arith.index_cast %add3A_350 : i32 to index
        %get3A_401 = arith.constant 64 : index
        %get3A_402 = tpu.vector_load %arg10[%get3A_400, %get3A_401] {strides = array<i32>} : memref<64x128xf32, #tpu.memory_space<vmem>>, vector<16xf32>,
        %mul3A_403 = arith.mulf %get3A_399, %get3A_399 : vector<16xf32>
        %add3A_404 = arith.addf %add3A_392, %mul3A_403 : vector<16xf32>
        %mul3A_405 = arith.mulf %get3A_399, %get3A_402 : vector<16xf32>
        %add3A_406 = arith.addf %add3A_394, %mul3A_405 : vector<16xf32>
        %mul3A_407 = arith.mulf %get3A_402, %get3A_402 : vector<16xf32>
        %add3A_408 = arith.addf %add3A_360, %mul3A_407 : vector<16xf32>
        %get3A_409 = arith.index_cast %add3A_350 : i32 to index
        %get3A_410 = arith.constant 80 : index
        %get3A_411 = tpu.vector_load %arg8[%get3A_409, %get3A_410] {strides = array<i32>} : memref<64x128xf32, #tpu.memory_space<vmem>>, vector<16xf32>,
        %get3A_412 = arith.index_cast %add3A_350 : i32 to index
        %get3A_413 = arith.constant 80 : index
        %get3A_414 = tpu.vector_load %arg10[%get3A_412, %get3A_413] {strides = array<i32>} : memref<64x128xf32, #tpu.memory_space<vmem>>, vector<16xf32>,
        %mul3A_415 = arith.mulf %get3A_411, %get3A_411 : vector<16xf32>
        %add3A_416 = arith.addf %add3A_404, %mul3A_415 : vector<16xf32>
        %mul3A_417 = arith.mulf %get3A_411, %get3A_414 : vector<16xf32>
        %add3A_418 = arith.addf %add3A_406, %mul3A_417 : vector<16xf32>
        %mul3A_419 = arith.mulf %get3A_414, %get3A_414 : vector<16xf32>
        %add3A_420 = arith.addf %add3A_372, %mul3A_419 : vector<16xf32>
        %get3A_421 = arith.index_cast %add3A_350 : i32 to index
        %get3A_422 = arith.constant 96 : index
        %get3A_423 = tpu.vector_load %arg8[%get3A_421, %get3A_422] {strides = array<i32>} : memref<64x128xf32, #tpu.memory_space<vmem>>, vector<16xf32>,
        %get3A_424 = arith.index_cast %add3A_350 : i32 to index
        %get3A_425 = arith.constant 96 : index
        %get3A_426 = tpu.vector_load %arg10[%get3A_424, %get3A_425] {strides = array<i32>} : memref<64x128xf32, #tpu.memory_space<vmem>>, vector<16xf32>,
        %mul3A_427 = arith.mulf %get3A_423, %get3A_423 : vector<16xf32>
        %add3A_428 = arith.addf %add3A_416, %mul3A_427 : vector<16xf32>
        %mul3A_429 = arith.mulf %get3A_423, %get3A_426 : vector<16xf32>
        %add3A_430 = arith.addf %add3A_418, %mul3A_429 : vector<16xf32>
        %mul3A_431 = arith.mulf %get3A_426, %get3A_426 : vector<16xf32>
        %add3A_432 = arith.addf %add3A_384, %mul3A_431 : vector<16xf32>
        %get3A_433 = arith.index_cast %add3A_350 : i32 to index
        %get3A_434 = arith.constant 112 : index
        %get3A_435 = tpu.vector_load %arg8[%get3A_433, %get3A_434] {strides = array<i32>} : memref<64x128xf32, #tpu.memory_space<vmem>>, vector<16xf32>,
        %get3A_436 = arith.index_cast %add3A_350 : i32 to index
        %get3A_437 = arith.constant 112 : index
        %get3A_438 = tpu.vector_load %arg10[%get3A_436, %get3A_437] {strides = array<i32>} : memref<64x128xf32, #tpu.memory_space<vmem>>, vector<16xf32>,
        %mul3A_439 = arith.mulf %get3A_435, %get3A_435 : vector<16xf32>
        %add3A_440 = arith.addf %add3A_428, %mul3A_439 : vector<16xf32>
        %mul3A_441 = arith.mulf %get3A_435, %get3A_438 : vector<16xf32>
        %add3A_442 = arith.addf %add3A_430, %mul3A_441 : vector<16xf32>
        %mul3A_443 = arith.mulf %get3A_438, %get3A_438 : vector<16xf32>
        %add3A_444 = arith.addf %add3A_396, %mul3A_443 : vector<16xf32>
        %eq3A_445 = arith.constant 1 : i32
        %eq3A_446 = vector.broadcast %eq3A_445 : i32 to vector<16xi32>
        %eq3A_447 = arith.cmpi eq, %iota3A, %eq3A_446 : vector<16xi32>
        %reduce_sum3A_448 = arith.constant true
        %reduce_sum3A_449 = vector.broadcast %reduce_sum3A_448 : i1 to vector<16xi1>
        %reduce_sum3A_450 = tpu.scan <sum>, %add3A_440 masked %reduce_sum3A_449 : vector<16xf32>, vector<16xi1> -> vector<16xf32>
        %reduce_sum3A_451 = vector.extract %reduce_sum3A_450[15] : f32 from vector<16xf32>
        %broadcast_in_dim3A_452 = vector.broadcast %reduce_sum3A_451 : f32 to vector<16xf32>
        %select_n3A_453 = arith.select %eq3A_447, %broadcast_in_dim3A_452, %select_n3A : vector<16xi1>, vector<16xf32>
        %reduce_sum3A_454 = arith.constant true
        %reduce_sum3A_455 = vector.broadcast %reduce_sum3A_454 : i1 to vector<16xi1>
        %reduce_sum3A_456 = tpu.scan <sum>, %add3A_442 masked %reduce_sum3A_455 : vector<16xf32>, vector<16xi1> -> vector<16xf32>
        %reduce_sum3A_457 = vector.extract %reduce_sum3A_456[15] : f32 from vector<16xf32>
        %broadcast_in_dim3A_458 = vector.broadcast %reduce_sum3A_457 : f32 to vector<16xf32>
        %select_n3A_459 = arith.select %eq3A_447, %broadcast_in_dim3A_458, %select_n3A_348 : vector<16xi1>, vector<16xf32>
        %add3A_460 = arith.constant 2 : i32
        %add3A_461 = arith.addi %mul3A_245, %add3A_460 : i32
        %get3A_462 = arith.index_cast %add3A_461 : i32 to index
        %get3A_463 = arith.constant 0 : index
        %get3A_464 = tpu.vector_load %arg8[%get3A_462, %get3A_463] {strides = array<i32>} : memref<64x128xf32, #tpu.memory_space<vmem>>, vector<16xf32>,
        %get3A_465 = arith.index_cast %add3A_461 : i32 to index
        %get3A_466 = arith.constant 0 : index
        %get3A_467 = tpu.vector_load %arg10[%get3A_465, %get3A_466] {strides = array<i32>} : memref<64x128xf32, #tpu.memory_space<vmem>>, vector<16xf32>,
        %mul3A_468 = arith.mulf %get3A_464, %get3A_464 : vector<16xf32>
        %mul3A_469 = arith.mulf %get3A_464, %get3A_467 : vector<16xf32>
        %mul3A_470 = arith.mulf %get3A_467, %get3A_467 : vector<16xf32>
        %add3A_471 = arith.addf %add3A_408, %mul3A_470 : vector<16xf32>
        %get3A_472 = arith.index_cast %add3A_461 : i32 to index
        %get3A_473 = arith.constant 16 : index
        %get3A_474 = tpu.vector_load %arg8[%get3A_472, %get3A_473] {strides = array<i32>} : memref<64x128xf32, #tpu.memory_space<vmem>>, vector<16xf32>,
        %get3A_475 = arith.index_cast %add3A_461 : i32 to index
        %get3A_476 = arith.constant 16 : index
        %get3A_477 = tpu.vector_load %arg10[%get3A_475, %get3A_476] {strides = array<i32>} : memref<64x128xf32, #tpu.memory_space<vmem>>, vector<16xf32>,
        %mul3A_478 = arith.mulf %get3A_474, %get3A_474 : vector<16xf32>
        %add3A_479 = arith.addf %mul3A_468, %mul3A_478 : vector<16xf32>
        %mul3A_480 = arith.mulf %get3A_474, %get3A_477 : vector<16xf32>
        %add3A_481 = arith.addf %mul3A_469, %mul3A_480 : vector<16xf32>
        %mul3A_482 = arith.mulf %get3A_477, %get3A_477 : vector<16xf32>
        %add3A_483 = arith.addf %add3A_420, %mul3A_482 : vector<16xf32>
        %get3A_484 = arith.index_cast %add3A_461 : i32 to index
        %get3A_485 = arith.constant 32 : index
        %get3A_486 = tpu.vector_load %arg8[%get3A_484, %get3A_485] {strides = array<i32>} : memref<64x128xf32, #tpu.memory_space<vmem>>, vector<16xf32>,
        %get3A_487 = arith.index_cast %add3A_461 : i32 to index
        %get3A_488 = arith.constant 32 : index
        %get3A_489 = tpu.vector_load %arg10[%get3A_487, %get3A_488] {strides = array<i32>} : memref<64x128xf32, #tpu.memory_space<vmem>>, vector<16xf32>,
        %mul3A_490 = arith.mulf %get3A_486, %get3A_486 : vector<16xf32>
        %add3A_491 = arith.addf %add3A_479, %mul3A_490 : vector<16xf32>
        %mul3A_492 = arith.mulf %get3A_486, %get3A_489 : vector<16xf32>
        %add3A_493 = arith.addf %add3A_481, %mul3A_492 : vector<16xf32>
        %mul3A_494 = arith.mulf %get3A_489, %get3A_489 : vector<16xf32>
        %add3A_495 = arith.addf %add3A_432, %mul3A_494 : vector<16xf32>
        %get3A_496 = arith.index_cast %add3A_461 : i32 to index
        %get3A_497 = arith.constant 48 : index
        %get3A_498 = tpu.vector_load %arg8[%get3A_496, %get3A_497] {strides = array<i32>} : memref<64x128xf32, #tpu.memory_space<vmem>>, vector<16xf32>,
        %get3A_499 = arith.index_cast %add3A_461 : i32 to index
        %get3A_500 = arith.constant 48 : index
        %get3A_501 = tpu.vector_load %arg10[%get3A_499, %get3A_500] {strides = array<i32>} : memref<64x128xf32, #tpu.memory_space<vmem>>, vector<16xf32>,
        %mul3A_502 = arith.mulf %get3A_498, %get3A_498 : vector<16xf32>
        %add3A_503 = arith.addf %add3A_491, %mul3A_502 : vector<16xf32>
        %mul3A_504 = arith.mulf %get3A_498, %get3A_501 : vector<16xf32>
        %add3A_505 = arith.addf %add3A_493, %mul3A_504 : vector<16xf32>
        %mul3A_506 = arith.mulf %get3A_501, %get3A_501 : vector<16xf32>
        %add3A_507 = arith.addf %add3A_444, %mul3A_506 : vector<16xf32>
        %get3A_508 = arith.index_cast %add3A_461 : i32 to index
        %get3A_509 = arith.constant 64 : index
        %get3A_510 = tpu.vector_load %arg8[%get3A_508, %get3A_509] {strides = array<i32>} : memref<64x128xf32, #tpu.memory_space<vmem>>, vector<16xf32>,
        %get3A_511 = arith.index_cast %add3A_461 : i32 to index
        %get3A_512 = arith.constant 64 : index
        %get3A_513 = tpu.vector_load %arg10[%get3A_511, %get3A_512] {strides = array<i32>} : memref<64x128xf32, #tpu.memory_space<vmem>>, vector<16xf32>,
        %mul3A_514 = arith.mulf %get3A_510, %get3A_510 : vector<16xf32>
        %add3A_515 = arith.addf %add3A_503, %mul3A_514 : vector<16xf32>
        %mul3A_516 = arith.mulf %get3A_510, %get3A_513 : vector<16xf32>
        %add3A_517 = arith.addf %add3A_505, %mul3A_516 : vector<16xf32>
        %mul3A_518 = arith.mulf %get3A_513, %get3A_513 : vector<16xf32>
        %add3A_519 = arith.addf %add3A_471, %mul3A_518 : vector<16xf32>
        %get3A_520 = arith.index_cast %add3A_461 : i32 to index
        %get3A_521 = arith.constant 80 : index
        %get3A_522 = tpu.vector_load %arg8[%get3A_520, %get3A_521] {strides = array<i32>} : memref<64x128xf32, #tpu.memory_space<vmem>>, vector<16xf32>,
        %get3A_523 = arith.index_cast %add3A_461 : i32 to index
        %get3A_524 = arith.constant 80 : index
        %get3A_525 = tpu.vector_load %arg10[%get3A_523, %get3A_524] {strides = array<i32>} : memref<64x128xf32, #tpu.memory_space<vmem>>, vector<16xf32>,
        %mul3A_526 = arith.mulf %get3A_522, %get3A_522 : vector<16xf32>
        %add3A_527 = arith.addf %add3A_515, %mul3A_526 : vector<16xf32>
        %mul3A_528 = arith.mulf %get3A_522, %get3A_525 : vector<16xf32>
        %add3A_529 = arith.addf %add3A_517, %mul3A_528 : vector<16xf32>
        %mul3A_530 = arith.mulf %get3A_525, %get3A_525 : vector<16xf32>
        %add3A_531 = arith.addf %add3A_483, %mul3A_530 : vector<16xf32>
        %get3A_532 = arith.index_cast %add3A_461 : i32 to index
        %get3A_533 = arith.constant 96 : index
        %get3A_534 = tpu.vector_load %arg8[%get3A_532, %get3A_533] {strides = array<i32>} : memref<64x128xf32, #tpu.memory_space<vmem>>, vector<16xf32>,
        %get3A_535 = arith.index_cast %add3A_461 : i32 to index
        %get3A_536 = arith.constant 96 : index
        %get3A_537 = tpu.vector_load %arg10[%get3A_535, %get3A_536] {strides = array<i32>} : memref<64x128xf32, #tpu.memory_space<vmem>>, vector<16xf32>,
        %mul3A_538 = arith.mulf %get3A_534, %get3A_534 : vector<16xf32>
        %add3A_539 = arith.addf %add3A_527, %mul3A_538 : vector<16xf32>
        %mul3A_540 = arith.mulf %get3A_534, %get3A_537 : vector<16xf32>
        %add3A_541 = arith.addf %add3A_529, %mul3A_540 : vector<16xf32>
        %mul3A_542 = arith.mulf %get3A_537, %get3A_537 : vector<16xf32>
        %add3A_543 = arith.addf %add3A_495, %mul3A_542 : vector<16xf32>
        %get3A_544 = arith.index_cast %add3A_461 : i32 to index
        %get3A_545 = arith.constant 112 : index
        %get3A_546 = tpu.vector_load %arg8[%get3A_544, %get3A_545] {strides = array<i32>} : memref<64x128xf32, #tpu.memory_space<vmem>>, vector<16xf32>,
        %get3A_547 = arith.index_cast %add3A_461 : i32 to index
        %get3A_548 = arith.constant 112 : index
        %get3A_549 = tpu.vector_load %arg10[%get3A_547, %get3A_548] {strides = array<i32>} : memref<64x128xf32, #tpu.memory_space<vmem>>, vector<16xf32>,
        %mul3A_550 = arith.mulf %get3A_546, %get3A_546 : vector<16xf32>
        %add3A_551 = arith.addf %add3A_539, %mul3A_550 : vector<16xf32>
        %mul3A_552 = arith.mulf %get3A_546, %get3A_549 : vector<16xf32>
        %add3A_553 = arith.addf %add3A_541, %mul3A_552 : vector<16xf32>
        %mul3A_554 = arith.mulf %get3A_549, %get3A_549 : vector<16xf32>
        %add3A_555 = arith.addf %add3A_507, %mul3A_554 : vector<16xf32>
        %eq3A_556 = arith.constant 2 : i32
        %eq3A_557 = vector.broadcast %eq3A_556 : i32 to vector<16xi32>
        %eq3A_558 = arith.cmpi eq, %iota3A, %eq3A_557 : vector<16xi32>
        %reduce_sum3A_559 = arith.constant true
        %reduce_sum3A_560 = vector.broadcast %reduce_sum3A_559 : i1 to vector<16xi1>
        %reduce_sum3A_561 = tpu.scan <sum>, %add3A_551 masked %reduce_sum3A_560 : vector<16xf32>, vector<16xi1> -> vector<16xf32>
        %reduce_sum3A_562 = vector.extract %reduce_sum3A_561[15] : f32 from vector<16xf32>
        %broadcast_in_dim3A_563 = vector.broadcast %reduce_sum3A_562 : f32 to vector<16xf32>
        %select_n3A_564 = arith.select %eq3A_558, %broadcast_in_dim3A_563, %select_n3A_453 : vector<16xi1>, vector<16xf32>
        %reduce_sum3A_565 = arith.constant true
        %reduce_sum3A_566 = vector.broadcast %reduce_sum3A_565 : i1 to vector<16xi1>
        %reduce_sum3A_567 = tpu.scan <sum>, %add3A_553 masked %reduce_sum3A_566 : vector<16xf32>, vector<16xi1> -> vector<16xf32>
        %reduce_sum3A_568 = vector.extract %reduce_sum3A_567[15] : f32 from vector<16xf32>
        %broadcast_in_dim3A_569 = vector.broadcast %reduce_sum3A_568 : f32 to vector<16xf32>
        %select_n3A_570 = arith.select %eq3A_558, %broadcast_in_dim3A_569, %select_n3A_459 : vector<16xi1>, vector<16xf32>
        %add3A_571 = arith.constant 3 : i32
        %add3A_572 = arith.addi %mul3A_245, %add3A_571 : i32
        %get3A_573 = arith.index_cast %add3A_572 : i32 to index
        %get3A_574 = arith.constant 0 : index
        %get3A_575 = tpu.vector_load %arg8[%get3A_573, %get3A_574] {strides = array<i32>} : memref<64x128xf32, #tpu.memory_space<vmem>>, vector<16xf32>,
        %get3A_576 = arith.index_cast %add3A_572 : i32 to index
        %get3A_577 = arith.constant 0 : index
        %get3A_578 = tpu.vector_load %arg10[%get3A_576, %get3A_577] {strides = array<i32>} : memref<64x128xf32, #tpu.memory_space<vmem>>, vector<16xf32>,
        %mul3A_579 = arith.mulf %get3A_575, %get3A_575 : vector<16xf32>
        %mul3A_580 = arith.mulf %get3A_575, %get3A_578 : vector<16xf32>
        %mul3A_581 = arith.mulf %get3A_578, %get3A_578 : vector<16xf32>
        %add3A_582 = arith.addf %add3A_519, %mul3A_581 : vector<16xf32>
        %get3A_583 = arith.index_cast %add3A_572 : i32 to index
        %get3A_584 = arith.constant 16 : index
        %get3A_585 = tpu.vector_load %arg8[%get3A_583, %get3A_584] {strides = array<i32>} : memref<64x128xf32, #tpu.memory_space<vmem>>, vector<16xf32>,
        %get3A_586 = arith.index_cast %add3A_572 : i32 to index
        %get3A_587 = arith.constant 16 : index
        %get3A_588 = tpu.vector_load %arg10[%get3A_586, %get3A_587] {strides = array<i32>} : memref<64x128xf32, #tpu.memory_space<vmem>>, vector<16xf32>,
        %mul3A_589 = arith.mulf %get3A_585, %get3A_585 : vector<16xf32>
        %add3A_590 = arith.addf %mul3A_579, %mul3A_589 : vector<16xf32>
        %mul3A_591 = arith.mulf %get3A_585, %get3A_588 : vector<16xf32>
        %add3A_592 = arith.addf %mul3A_580, %mul3A_591 : vector<16xf32>
        %mul3A_593 = arith.mulf %get3A_588, %get3A_588 : vector<16xf32>
        %add3A_594 = arith.addf %add3A_531, %mul3A_593 : vector<16xf32>
        %get3A_595 = arith.index_cast %add3A_572 : i32 to index
        %get3A_596 = arith.constant 32 : index
        %get3A_597 = tpu.vector_load %arg8[%get3A_595, %get3A_596] {strides = array<i32>} : memref<64x128xf32, #tpu.memory_space<vmem>>, vector<16xf32>,
        %get3A_598 = arith.index_cast %add3A_572 : i32 to index
        %get3A_599 = arith.constant 32 : index
        %get3A_600 = tpu.vector_load %arg10[%get3A_598, %get3A_599] {strides = array<i32>} : memref<64x128xf32, #tpu.memory_space<vmem>>, vector<16xf32>,
        %mul3A_601 = arith.mulf %get3A_597, %get3A_597 : vector<16xf32>
        %add3A_602 = arith.addf %add3A_590, %mul3A_601 : vector<16xf32>
        %mul3A_603 = arith.mulf %get3A_597, %get3A_600 : vector<16xf32>
        %add3A_604 = arith.addf %add3A_592, %mul3A_603 : vector<16xf32>
        %mul3A_605 = arith.mulf %get3A_600, %get3A_600 : vector<16xf32>
        %add3A_606 = arith.addf %add3A_543, %mul3A_605 : vector<16xf32>
        %get3A_607 = arith.index_cast %add3A_572 : i32 to index
        %get3A_608 = arith.constant 48 : index
        %get3A_609 = tpu.vector_load %arg8[%get3A_607, %get3A_608] {strides = array<i32>} : memref<64x128xf32, #tpu.memory_space<vmem>>, vector<16xf32>,
        %get3A_610 = arith.index_cast %add3A_572 : i32 to index
        %get3A_611 = arith.constant 48 : index
        %get3A_612 = tpu.vector_load %arg10[%get3A_610, %get3A_611] {strides = array<i32>} : memref<64x128xf32, #tpu.memory_space<vmem>>, vector<16xf32>,
        %mul3A_613 = arith.mulf %get3A_609, %get3A_609 : vector<16xf32>
        %add3A_614 = arith.addf %add3A_602, %mul3A_613 : vector<16xf32>
        %mul3A_615 = arith.mulf %get3A_609, %get3A_612 : vector<16xf32>
        %add3A_616 = arith.addf %add3A_604, %mul3A_615 : vector<16xf32>
        %mul3A_617 = arith.mulf %get3A_612, %get3A_612 : vector<16xf32>
        %add3A_618 = arith.addf %add3A_555, %mul3A_617 : vector<16xf32>
        %get3A_619 = arith.index_cast %add3A_572 : i32 to index
        %get3A_620 = arith.constant 64 : index
        %get3A_621 = tpu.vector_load %arg8[%get3A_619, %get3A_620] {strides = array<i32>} : memref<64x128xf32, #tpu.memory_space<vmem>>, vector<16xf32>,
        %get3A_622 = arith.index_cast %add3A_572 : i32 to index
        %get3A_623 = arith.constant 64 : index
        %get3A_624 = tpu.vector_load %arg10[%get3A_622, %get3A_623] {strides = array<i32>} : memref<64x128xf32, #tpu.memory_space<vmem>>, vector<16xf32>,
        %mul3A_625 = arith.mulf %get3A_621, %get3A_621 : vector<16xf32>
        %add3A_626 = arith.addf %add3A_614, %mul3A_625 : vector<16xf32>
        %mul3A_627 = arith.mulf %get3A_621, %get3A_624 : vector<16xf32>
        %add3A_628 = arith.addf %add3A_616, %mul3A_627 : vector<16xf32>
        %mul3A_629 = arith.mulf %get3A_624, %get3A_624 : vector<16xf32>
        %add3A_630 = arith.addf %add3A_582, %mul3A_629 : vector<16xf32>
        %get3A_631 = arith.index_cast %add3A_572 : i32 to index
        %get3A_632 = arith.constant 80 : index
        %get3A_633 = tpu.vector_load %arg8[%get3A_631, %get3A_632] {strides = array<i32>} : memref<64x128xf32, #tpu.memory_space<vmem>>, vector<16xf32>,
        %get3A_634 = arith.index_cast %add3A_572 : i32 to index
        %get3A_635 = arith.constant 80 : index
        %get3A_636 = tpu.vector_load %arg10[%get3A_634, %get3A_635] {strides = array<i32>} : memref<64x128xf32, #tpu.memory_space<vmem>>, vector<16xf32>,
        %mul3A_637 = arith.mulf %get3A_633, %get3A_633 : vector<16xf32>
        %add3A_638 = arith.addf %add3A_626, %mul3A_637 : vector<16xf32>
        %mul3A_639 = arith.mulf %get3A_633, %get3A_636 : vector<16xf32>
        %add3A_640 = arith.addf %add3A_628, %mul3A_639 : vector<16xf32>
        %mul3A_641 = arith.mulf %get3A_636, %get3A_636 : vector<16xf32>
        %add3A_642 = arith.addf %add3A_594, %mul3A_641 : vector<16xf32>
        %get3A_643 = arith.index_cast %add3A_572 : i32 to index
        %get3A_644 = arith.constant 96 : index
        %get3A_645 = tpu.vector_load %arg8[%get3A_643, %get3A_644] {strides = array<i32>} : memref<64x128xf32, #tpu.memory_space<vmem>>, vector<16xf32>,
        %get3A_646 = arith.index_cast %add3A_572 : i32 to index
        %get3A_647 = arith.constant 96 : index
        %get3A_648 = tpu.vector_load %arg10[%get3A_646, %get3A_647] {strides = array<i32>} : memref<64x128xf32, #tpu.memory_space<vmem>>, vector<16xf32>,
        %mul3A_649 = arith.mulf %get3A_645, %get3A_645 : vector<16xf32>
        %add3A_650 = arith.addf %add3A_638, %mul3A_649 : vector<16xf32>
        %mul3A_651 = arith.mulf %get3A_645, %get3A_648 : vector<16xf32>
        %add3A_652 = arith.addf %add3A_640, %mul3A_651 : vector<16xf32>
        %mul3A_653 = arith.mulf %get3A_648, %get3A_648 : vector<16xf32>
        %add3A_654 = arith.addf %add3A_606, %mul3A_653 : vector<16xf32>
        %get3A_655 = arith.index_cast %add3A_572 : i32 to index
        %get3A_656 = arith.constant 112 : index
        %get3A_657 = tpu.vector_load %arg8[%get3A_655, %get3A_656] {strides = array<i32>} : memref<64x128xf32, #tpu.memory_space<vmem>>, vector<16xf32>,
        %get3A_658 = arith.index_cast %add3A_572 : i32 to index
        %get3A_659 = arith.constant 112 : index
        %get3A_660 = tpu.vector_load %arg10[%get3A_658, %get3A_659] {strides = array<i32>} : memref<64x128xf32, #tpu.memory_space<vmem>>, vector<16xf32>,
        %mul3A_661 = arith.mulf %get3A_657, %get3A_657 : vector<16xf32>
        %add3A_662 = arith.addf %add3A_650, %mul3A_661 : vector<16xf32>
        %mul3A_663 = arith.mulf %get3A_657, %get3A_660 : vector<16xf32>
        %add3A_664 = arith.addf %add3A_652, %mul3A_663 : vector<16xf32>
        %mul3A_665 = arith.mulf %get3A_660, %get3A_660 : vector<16xf32>
        %add3A_666 = arith.addf %add3A_618, %mul3A_665 : vector<16xf32>
        %eq3A_667 = arith.constant 3 : i32
        %eq3A_668 = vector.broadcast %eq3A_667 : i32 to vector<16xi32>
        %eq3A_669 = arith.cmpi eq, %iota3A, %eq3A_668 : vector<16xi32>
        %reduce_sum3A_670 = arith.constant true
        %reduce_sum3A_671 = vector.broadcast %reduce_sum3A_670 : i1 to vector<16xi1>
        %reduce_sum3A_672 = tpu.scan <sum>, %add3A_662 masked %reduce_sum3A_671 : vector<16xf32>, vector<16xi1> -> vector<16xf32>
        %reduce_sum3A_673 = vector.extract %reduce_sum3A_672[15] : f32 from vector<16xf32>
        %broadcast_in_dim3A_674 = vector.broadcast %reduce_sum3A_673 : f32 to vector<16xf32>
        %select_n3A_675 = arith.select %eq3A_669, %broadcast_in_dim3A_674, %select_n3A_564 : vector<16xi1>, vector<16xf32>
        %reduce_sum3A_676 = arith.constant true
        %reduce_sum3A_677 = vector.broadcast %reduce_sum3A_676 : i1 to vector<16xi1>
        %reduce_sum3A_678 = tpu.scan <sum>, %add3A_664 masked %reduce_sum3A_677 : vector<16xf32>, vector<16xi1> -> vector<16xf32>
        %reduce_sum3A_679 = vector.extract %reduce_sum3A_678[15] : f32 from vector<16xf32>
        %broadcast_in_dim3A_680 = vector.broadcast %reduce_sum3A_679 : f32 to vector<16xf32>
        %select_n3A_681 = arith.select %eq3A_669, %broadcast_in_dim3A_680, %select_n3A_570 : vector<16xi1>, vector<16xf32>
        %add3A_682 = arith.constant 4 : i32
        %add3A_683 = arith.addi %mul3A_245, %add3A_682 : i32
        %get3A_684 = arith.index_cast %add3A_683 : i32 to index
        %get3A_685 = arith.constant 0 : index
        %get3A_686 = tpu.vector_load %arg8[%get3A_684, %get3A_685] {strides = array<i32>} : memref<64x128xf32, #tpu.memory_space<vmem>>, vector<16xf32>,
        %get3A_687 = arith.index_cast %add3A_683 : i32 to index
        %get3A_688 = arith.constant 0 : index
        %get3A_689 = tpu.vector_load %arg10[%get3A_687, %get3A_688] {strides = array<i32>} : memref<64x128xf32, #tpu.memory_space<vmem>>, vector<16xf32>,
        %mul3A_690 = arith.mulf %get3A_686, %get3A_686 : vector<16xf32>
        %mul3A_691 = arith.mulf %get3A_686, %get3A_689 : vector<16xf32>
        %mul3A_692 = arith.mulf %get3A_689, %get3A_689 : vector<16xf32>
        %add3A_693 = arith.addf %add3A_630, %mul3A_692 : vector<16xf32>
        %get3A_694 = arith.index_cast %add3A_683 : i32 to index
        %get3A_695 = arith.constant 16 : index
        %get3A_696 = tpu.vector_load %arg8[%get3A_694, %get3A_695] {strides = array<i32>} : memref<64x128xf32, #tpu.memory_space<vmem>>, vector<16xf32>,
        %get3A_697 = arith.index_cast %add3A_683 : i32 to index
        %get3A_698 = arith.constant 16 : index
        %get3A_699 = tpu.vector_load %arg10[%get3A_697, %get3A_698] {strides = array<i32>} : memref<64x128xf32, #tpu.memory_space<vmem>>, vector<16xf32>,
        %mul3A_700 = arith.mulf %get3A_696, %get3A_696 : vector<16xf32>
        %add3A_701 = arith.addf %mul3A_690, %mul3A_700 : vector<16xf32>
        %mul3A_702 = arith.mulf %get3A_696, %get3A_699 : vector<16xf32>
        %add3A_703 = arith.addf %mul3A_691, %mul3A_702 : vector<16xf32>
        %mul3A_704 = arith.mulf %get3A_699, %get3A_699 : vector<16xf32>
        %add3A_705 = arith.addf %add3A_642, %mul3A_704 : vector<16xf32>
        %get3A_706 = arith.index_cast %add3A_683 : i32 to index
        %get3A_707 = arith.constant 32 : index
        %get3A_708 = tpu.vector_load %arg8[%get3A_706, %get3A_707] {strides = array<i32>} : memref<64x128xf32, #tpu.memory_space<vmem>>, vector<16xf32>,
        %get3A_709 = arith.index_cast %add3A_683 : i32 to index
        %get3A_710 = arith.constant 32 : index
        %get3A_711 = tpu.vector_load %arg10[%get3A_709, %get3A_710] {strides = array<i32>} : memref<64x128xf32, #tpu.memory_space<vmem>>, vector<16xf32>,
        %mul3A_712 = arith.mulf %get3A_708, %get3A_708 : vector<16xf32>
        %add3A_713 = arith.addf %add3A_701, %mul3A_712 : vector<16xf32>
        %mul3A_714 = arith.mulf %get3A_708, %get3A_711 : vector<16xf32>
        %add3A_715 = arith.addf %add3A_703, %mul3A_714 : vector<16xf32>
        %mul3A_716 = arith.mulf %get3A_711, %get3A_711 : vector<16xf32>
        %add3A_717 = arith.addf %add3A_654, %mul3A_716 : vector<16xf32>
        %get3A_718 = arith.index_cast %add3A_683 : i32 to index
        %get3A_719 = arith.constant 48 : index
        %get3A_720 = tpu.vector_load %arg8[%get3A_718, %get3A_719] {strides = array<i32>} : memref<64x128xf32, #tpu.memory_space<vmem>>, vector<16xf32>,
        %get3A_721 = arith.index_cast %add3A_683 : i32 to index
        %get3A_722 = arith.constant 48 : index
        %get3A_723 = tpu.vector_load %arg10[%get3A_721, %get3A_722] {strides = array<i32>} : memref<64x128xf32, #tpu.memory_space<vmem>>, vector<16xf32>,
        %mul3A_724 = arith.mulf %get3A_720, %get3A_720 : vector<16xf32>
        %add3A_725 = arith.addf %add3A_713, %mul3A_724 : vector<16xf32>
        %mul3A_726 = arith.mulf %get3A_720, %get3A_723 : vector<16xf32>
        %add3A_727 = arith.addf %add3A_715, %mul3A_726 : vector<16xf32>
        %mul3A_728 = arith.mulf %get3A_723, %get3A_723 : vector<16xf32>
        %add3A_729 = arith.addf %add3A_666, %mul3A_728 : vector<16xf32>
        %get3A_730 = arith.index_cast %add3A_683 : i32 to index
        %get3A_731 = arith.constant 64 : index
        %get3A_732 = tpu.vector_load %arg8[%get3A_730, %get3A_731] {strides = array<i32>} : memref<64x128xf32, #tpu.memory_space<vmem>>, vector<16xf32>,
        %get3A_733 = arith.index_cast %add3A_683 : i32 to index
        %get3A_734 = arith.constant 64 : index
        %get3A_735 = tpu.vector_load %arg10[%get3A_733, %get3A_734] {strides = array<i32>} : memref<64x128xf32, #tpu.memory_space<vmem>>, vector<16xf32>,
        %mul3A_736 = arith.mulf %get3A_732, %get3A_732 : vector<16xf32>
        %add3A_737 = arith.addf %add3A_725, %mul3A_736 : vector<16xf32>
        %mul3A_738 = arith.mulf %get3A_732, %get3A_735 : vector<16xf32>
        %add3A_739 = arith.addf %add3A_727, %mul3A_738 : vector<16xf32>
        %mul3A_740 = arith.mulf %get3A_735, %get3A_735 : vector<16xf32>
        %add3A_741 = arith.addf %add3A_693, %mul3A_740 : vector<16xf32>
        %get3A_742 = arith.index_cast %add3A_683 : i32 to index
        %get3A_743 = arith.constant 80 : index
        %get3A_744 = tpu.vector_load %arg8[%get3A_742, %get3A_743] {strides = array<i32>} : memref<64x128xf32, #tpu.memory_space<vmem>>, vector<16xf32>,
        %get3A_745 = arith.index_cast %add3A_683 : i32 to index
        %get3A_746 = arith.constant 80 : index
        %get3A_747 = tpu.vector_load %arg10[%get3A_745, %get3A_746] {strides = array<i32>} : memref<64x128xf32, #tpu.memory_space<vmem>>, vector<16xf32>,
        %mul3A_748 = arith.mulf %get3A_744, %get3A_744 : vector<16xf32>
        %add3A_749 = arith.addf %add3A_737, %mul3A_748 : vector<16xf32>
        %mul3A_750 = arith.mulf %get3A_744, %get3A_747 : vector<16xf32>
        %add3A_751 = arith.addf %add3A_739, %mul3A_750 : vector<16xf32>
        %mul3A_752 = arith.mulf %get3A_747, %get3A_747 : vector<16xf32>
        %add3A_753 = arith.addf %add3A_705, %mul3A_752 : vector<16xf32>
        %get3A_754 = arith.index_cast %add3A_683 : i32 to index
        %get3A_755 = arith.constant 96 : index
        %get3A_756 = tpu.vector_load %arg8[%get3A_754, %get3A_755] {strides = array<i32>} : memref<64x128xf32, #tpu.memory_space<vmem>>, vector<16xf32>,
        %get3A_757 = arith.index_cast %add3A_683 : i32 to index
        %get3A_758 = arith.constant 96 : index
        %get3A_759 = tpu.vector_load %arg10[%get3A_757, %get3A_758] {strides = array<i32>} : memref<64x128xf32, #tpu.memory_space<vmem>>, vector<16xf32>,
        %mul3A_760 = arith.mulf %get3A_756, %get3A_756 : vector<16xf32>
        %add3A_761 = arith.addf %add3A_749, %mul3A_760 : vector<16xf32>
        %mul3A_762 = arith.mulf %get3A_756, %get3A_759 : vector<16xf32>
        %add3A_763 = arith.addf %add3A_751, %mul3A_762 : vector<16xf32>
        %mul3A_764 = arith.mulf %get3A_759, %get3A_759 : vector<16xf32>
        %add3A_765 = arith.addf %add3A_717, %mul3A_764 : vector<16xf32>
        %get3A_766 = arith.index_cast %add3A_683 : i32 to index
        %get3A_767 = arith.constant 112 : index
        %get3A_768 = tpu.vector_load %arg8[%get3A_766, %get3A_767] {strides = array<i32>} : memref<64x128xf32, #tpu.memory_space<vmem>>, vector<16xf32>,
        %get3A_769 = arith.index_cast %add3A_683 : i32 to index
        %get3A_770 = arith.constant 112 : index
        %get3A_771 = tpu.vector_load %arg10[%get3A_769, %get3A_770] {strides = array<i32>} : memref<64x128xf32, #tpu.memory_space<vmem>>, vector<16xf32>,
        %mul3A_772 = arith.mulf %get3A_768, %get3A_768 : vector<16xf32>
        %add3A_773 = arith.addf %add3A_761, %mul3A_772 : vector<16xf32>
        %mul3A_774 = arith.mulf %get3A_768, %get3A_771 : vector<16xf32>
        %add3A_775 = arith.addf %add3A_763, %mul3A_774 : vector<16xf32>
        %mul3A_776 = arith.mulf %get3A_771, %get3A_771 : vector<16xf32>
        %add3A_777 = arith.addf %add3A_729, %mul3A_776 : vector<16xf32>
        %eq3A_778 = arith.constant 4 : i32
        %eq3A_779 = vector.broadcast %eq3A_778 : i32 to vector<16xi32>
        %eq3A_780 = arith.cmpi eq, %iota3A, %eq3A_779 : vector<16xi32>
        %reduce_sum3A_781 = arith.constant true
        %reduce_sum3A_782 = vector.broadcast %reduce_sum3A_781 : i1 to vector<16xi1>
        %reduce_sum3A_783 = tpu.scan <sum>, %add3A_773 masked %reduce_sum3A_782 : vector<16xf32>, vector<16xi1> -> vector<16xf32>
        %reduce_sum3A_784 = vector.extract %reduce_sum3A_783[15] : f32 from vector<16xf32>
        %broadcast_in_dim3A_785 = vector.broadcast %reduce_sum3A_784 : f32 to vector<16xf32>
        %select_n3A_786 = arith.select %eq3A_780, %broadcast_in_dim3A_785, %select_n3A_675 : vector<16xi1>, vector<16xf32>
        %reduce_sum3A_787 = arith.constant true
        %reduce_sum3A_788 = vector.broadcast %reduce_sum3A_787 : i1 to vector<16xi1>
        %reduce_sum3A_789 = tpu.scan <sum>, %add3A_775 masked %reduce_sum3A_788 : vector<16xf32>, vector<16xi1> -> vector<16xf32>
        %reduce_sum3A_790 = vector.extract %reduce_sum3A_789[15] : f32 from vector<16xf32>
        %broadcast_in_dim3A_791 = vector.broadcast %reduce_sum3A_790 : f32 to vector<16xf32>
        %select_n3A_792 = arith.select %eq3A_780, %broadcast_in_dim3A_791, %select_n3A_681 : vector<16xi1>, vector<16xf32>
        %add3A_793 = arith.constant 5 : i32
        %add3A_794 = arith.addi %mul3A_245, %add3A_793 : i32
        %get3A_795 = arith.index_cast %add3A_794 : i32 to index
        %get3A_796 = arith.constant 0 : index
        %get3A_797 = tpu.vector_load %arg8[%get3A_795, %get3A_796] {strides = array<i32>} : memref<64x128xf32, #tpu.memory_space<vmem>>, vector<16xf32>,
        %get3A_798 = arith.index_cast %add3A_794 : i32 to index
        %get3A_799 = arith.constant 0 : index
        %get3A_800 = tpu.vector_load %arg10[%get3A_798, %get3A_799] {strides = array<i32>} : memref<64x128xf32, #tpu.memory_space<vmem>>, vector<16xf32>,
        %mul3A_801 = arith.mulf %get3A_797, %get3A_797 : vector<16xf32>
        %mul3A_802 = arith.mulf %get3A_797, %get3A_800 : vector<16xf32>
        %mul3A_803 = arith.mulf %get3A_800, %get3A_800 : vector<16xf32>
        %add3A_804 = arith.addf %add3A_741, %mul3A_803 : vector<16xf32>
        %get3A_805 = arith.index_cast %add3A_794 : i32 to index
        %get3A_806 = arith.constant 16 : index
        %get3A_807 = tpu.vector_load %arg8[%get3A_805, %get3A_806] {strides = array<i32>} : memref<64x128xf32, #tpu.memory_space<vmem>>, vector<16xf32>,
        %get3A_808 = arith.index_cast %add3A_794 : i32 to index
        %get3A_809 = arith.constant 16 : index
        %get3A_810 = tpu.vector_load %arg10[%get3A_808, %get3A_809] {strides = array<i32>} : memref<64x128xf32, #tpu.memory_space<vmem>>, vector<16xf32>,
        %mul3A_811 = arith.mulf %get3A_807, %get3A_807 : vector<16xf32>
        %add3A_812 = arith.addf %mul3A_801, %mul3A_811 : vector<16xf32>
        %mul3A_813 = arith.mulf %get3A_807, %get3A_810 : vector<16xf32>
        %add3A_814 = arith.addf %mul3A_802, %mul3A_813 : vector<16xf32>
        %mul3A_815 = arith.mulf %get3A_810, %get3A_810 : vector<16xf32>
        %add3A_816 = arith.addf %add3A_753, %mul3A_815 : vector<16xf32>
        %get3A_817 = arith.index_cast %add3A_794 : i32 to index
        %get3A_818 = arith.constant 32 : index
        %get3A_819 = tpu.vector_load %arg8[%get3A_817, %get3A_818] {strides = array<i32>} : memref<64x128xf32, #tpu.memory_space<vmem>>, vector<16xf32>,
        %get3A_820 = arith.index_cast %add3A_794 : i32 to index
        %get3A_821 = arith.constant 32 : index
        %get3A_822 = tpu.vector_load %arg10[%get3A_820, %get3A_821] {strides = array<i32>} : memref<64x128xf32, #tpu.memory_space<vmem>>, vector<16xf32>,
        %mul3A_823 = arith.mulf %get3A_819, %get3A_819 : vector<16xf32>
        %add3A_824 = arith.addf %add3A_812, %mul3A_823 : vector<16xf32>
        %mul3A_825 = arith.mulf %get3A_819, %get3A_822 : vector<16xf32>
        %add3A_826 = arith.addf %add3A_814, %mul3A_825 : vector<16xf32>
        %mul3A_827 = arith.mulf %get3A_822, %get3A_822 : vector<16xf32>
        %add3A_828 = arith.addf %add3A_765, %mul3A_827 : vector<16xf32>
        %get3A_829 = arith.index_cast %add3A_794 : i32 to index
        %get3A_830 = arith.constant 48 : index
        %get3A_831 = tpu.vector_load %arg8[%get3A_829, %get3A_830] {strides = array<i32>} : memref<64x128xf32, #tpu.memory_space<vmem>>, vector<16xf32>,
        %get3A_832 = arith.index_cast %add3A_794 : i32 to index
        %get3A_833 = arith.constant 48 : index
        %get3A_834 = tpu.vector_load %arg10[%get3A_832, %get3A_833] {strides = array<i32>} : memref<64x128xf32, #tpu.memory_space<vmem>>, vector<16xf32>,
        %mul3A_835 = arith.mulf %get3A_831, %get3A_831 : vector<16xf32>
        %add3A_836 = arith.addf %add3A_824, %mul3A_835 : vector<16xf32>
        %mul3A_837 = arith.mulf %get3A_831, %get3A_834 : vector<16xf32>
        %add3A_838 = arith.addf %add3A_826, %mul3A_837 : vector<16xf32>
        %mul3A_839 = arith.mulf %get3A_834, %get3A_834 : vector<16xf32>
        %add3A_840 = arith.addf %add3A_777, %mul3A_839 : vector<16xf32>
        %get3A_841 = arith.index_cast %add3A_794 : i32 to index
        %get3A_842 = arith.constant 64 : index
        %get3A_843 = tpu.vector_load %arg8[%get3A_841, %get3A_842] {strides = array<i32>} : memref<64x128xf32, #tpu.memory_space<vmem>>, vector<16xf32>,
        %get3A_844 = arith.index_cast %add3A_794 : i32 to index
        %get3A_845 = arith.constant 64 : index
        %get3A_846 = tpu.vector_load %arg10[%get3A_844, %get3A_845] {strides = array<i32>} : memref<64x128xf32, #tpu.memory_space<vmem>>, vector<16xf32>,
        %mul3A_847 = arith.mulf %get3A_843, %get3A_843 : vector<16xf32>
        %add3A_848 = arith.addf %add3A_836, %mul3A_847 : vector<16xf32>
        %mul3A_849 = arith.mulf %get3A_843, %get3A_846 : vector<16xf32>
        %add3A_850 = arith.addf %add3A_838, %mul3A_849 : vector<16xf32>
        %mul3A_851 = arith.mulf %get3A_846, %get3A_846 : vector<16xf32>
        %add3A_852 = arith.addf %add3A_804, %mul3A_851 : vector<16xf32>
        %get3A_853 = arith.index_cast %add3A_794 : i32 to index
        %get3A_854 = arith.constant 80 : index
        %get3A_855 = tpu.vector_load %arg8[%get3A_853, %get3A_854] {strides = array<i32>} : memref<64x128xf32, #tpu.memory_space<vmem>>, vector<16xf32>,
        %get3A_856 = arith.index_cast %add3A_794 : i32 to index
        %get3A_857 = arith.constant 80 : index
        %get3A_858 = tpu.vector_load %arg10[%get3A_856, %get3A_857] {strides = array<i32>} : memref<64x128xf32, #tpu.memory_space<vmem>>, vector<16xf32>,
        %mul3A_859 = arith.mulf %get3A_855, %get3A_855 : vector<16xf32>
        %add3A_860 = arith.addf %add3A_848, %mul3A_859 : vector<16xf32>
        %mul3A_861 = arith.mulf %get3A_855, %get3A_858 : vector<16xf32>
        %add3A_862 = arith.addf %add3A_850, %mul3A_861 : vector<16xf32>
        %mul3A_863 = arith.mulf %get3A_858, %get3A_858 : vector<16xf32>
        %add3A_864 = arith.addf %add3A_816, %mul3A_863 : vector<16xf32>
        %get3A_865 = arith.index_cast %add3A_794 : i32 to index
        %get3A_866 = arith.constant 96 : index
        %get3A_867 = tpu.vector_load %arg8[%get3A_865, %get3A_866] {strides = array<i32>} : memref<64x128xf32, #tpu.memory_space<vmem>>, vector<16xf32>,
        %get3A_868 = arith.index_cast %add3A_794 : i32 to index
        %get3A_869 = arith.constant 96 : index
        %get3A_870 = tpu.vector_load %arg10[%get3A_868, %get3A_869] {strides = array<i32>} : memref<64x128xf32, #tpu.memory_space<vmem>>, vector<16xf32>,
        %mul3A_871 = arith.mulf %get3A_867, %get3A_867 : vector<16xf32>
        %add3A_872 = arith.addf %add3A_860, %mul3A_871 : vector<16xf32>
        %mul3A_873 = arith.mulf %get3A_867, %get3A_870 : vector<16xf32>
        %add3A_874 = arith.addf %add3A_862, %mul3A_873 : vector<16xf32>
        %mul3A_875 = arith.mulf %get3A_870, %get3A_870 : vector<16xf32>
        %add3A_876 = arith.addf %add3A_828, %mul3A_875 : vector<16xf32>
        %get3A_877 = arith.index_cast %add3A_794 : i32 to index
        %get3A_878 = arith.constant 112 : index
        %get3A_879 = tpu.vector_load %arg8[%get3A_877, %get3A_878] {strides = array<i32>} : memref<64x128xf32, #tpu.memory_space<vmem>>, vector<16xf32>,
        %get3A_880 = arith.index_cast %add3A_794 : i32 to index
        %get3A_881 = arith.constant 112 : index
        %get3A_882 = tpu.vector_load %arg10[%get3A_880, %get3A_881] {strides = array<i32>} : memref<64x128xf32, #tpu.memory_space<vmem>>, vector<16xf32>,
        %mul3A_883 = arith.mulf %get3A_879, %get3A_879 : vector<16xf32>
        %add3A_884 = arith.addf %add3A_872, %mul3A_883 : vector<16xf32>
        %mul3A_885 = arith.mulf %get3A_879, %get3A_882 : vector<16xf32>
        %add3A_886 = arith.addf %add3A_874, %mul3A_885 : vector<16xf32>
        %mul3A_887 = arith.mulf %get3A_882, %get3A_882 : vector<16xf32>
        %add3A_888 = arith.addf %add3A_840, %mul3A_887 : vector<16xf32>
        %eq3A_889 = arith.constant 5 : i32
        %eq3A_890 = vector.broadcast %eq3A_889 : i32 to vector<16xi32>
        %eq3A_891 = arith.cmpi eq, %iota3A, %eq3A_890 : vector<16xi32>
        %reduce_sum3A_892 = arith.constant true
        %reduce_sum3A_893 = vector.broadcast %reduce_sum3A_892 : i1 to vector<16xi1>
        %reduce_sum3A_894 = tpu.scan <sum>, %add3A_884 masked %reduce_sum3A_893 : vector<16xf32>, vector<16xi1> -> vector<16xf32>
        %reduce_sum3A_895 = vector.extract %reduce_sum3A_894[15] : f32 from vector<16xf32>
        %broadcast_in_dim3A_896 = vector.broadcast %reduce_sum3A_895 : f32 to vector<16xf32>
        %select_n3A_897 = arith.select %eq3A_891, %broadcast_in_dim3A_896, %select_n3A_786 : vector<16xi1>, vector<16xf32>
        %reduce_sum3A_898 = arith.constant true
        %reduce_sum3A_899 = vector.broadcast %reduce_sum3A_898 : i1 to vector<16xi1>
        %reduce_sum3A_900 = tpu.scan <sum>, %add3A_886 masked %reduce_sum3A_899 : vector<16xf32>, vector<16xi1> -> vector<16xf32>
        %reduce_sum3A_901 = vector.extract %reduce_sum3A_900[15] : f32 from vector<16xf32>
        %broadcast_in_dim3A_902 = vector.broadcast %reduce_sum3A_901 : f32 to vector<16xf32>
        %select_n3A_903 = arith.select %eq3A_891, %broadcast_in_dim3A_902, %select_n3A_792 : vector<16xi1>, vector<16xf32>
        %add3A_904 = arith.constant 6 : i32
        %add3A_905 = arith.addi %mul3A_245, %add3A_904 : i32
        %get3A_906 = arith.index_cast %add3A_905 : i32 to index
        %get3A_907 = arith.constant 0 : index
        %get3A_908 = tpu.vector_load %arg8[%get3A_906, %get3A_907] {strides = array<i32>} : memref<64x128xf32, #tpu.memory_space<vmem>>, vector<16xf32>,
        %get3A_909 = arith.index_cast %add3A_905 : i32 to index
        %get3A_910 = arith.constant 0 : index
        %get3A_911 = tpu.vector_load %arg10[%get3A_909, %get3A_910] {strides = array<i32>} : memref<64x128xf32, #tpu.memory_space<vmem>>, vector<16xf32>,
        %mul3A_912 = arith.mulf %get3A_908, %get3A_908 : vector<16xf32>
        %mul3A_913 = arith.mulf %get3A_908, %get3A_911 : vector<16xf32>
        %mul3A_914 = arith.mulf %get3A_911, %get3A_911 : vector<16xf32>
        %add3A_915 = arith.addf %add3A_852, %mul3A_914 : vector<16xf32>
        %get3A_916 = arith.index_cast %add3A_905 : i32 to index
        %get3A_917 = arith.constant 16 : index
        %get3A_918 = tpu.vector_load %arg8[%get3A_916, %get3A_917] {strides = array<i32>} : memref<64x128xf32, #tpu.memory_space<vmem>>, vector<16xf32>,
        %get3A_919 = arith.index_cast %add3A_905 : i32 to index
        %get3A_920 = arith.constant 16 : index
        %get3A_921 = tpu.vector_load %arg10[%get3A_919, %get3A_920] {strides = array<i32>} : memref<64x128xf32, #tpu.memory_space<vmem>>, vector<16xf32>,
        %mul3A_922 = arith.mulf %get3A_918, %get3A_918 : vector<16xf32>
        %add3A_923 = arith.addf %mul3A_912, %mul3A_922 : vector<16xf32>
        %mul3A_924 = arith.mulf %get3A_918, %get3A_921 : vector<16xf32>
        %add3A_925 = arith.addf %mul3A_913, %mul3A_924 : vector<16xf32>
        %mul3A_926 = arith.mulf %get3A_921, %get3A_921 : vector<16xf32>
        %add3A_927 = arith.addf %add3A_864, %mul3A_926 : vector<16xf32>
        %get3A_928 = arith.index_cast %add3A_905 : i32 to index
        %get3A_929 = arith.constant 32 : index
        %get3A_930 = tpu.vector_load %arg8[%get3A_928, %get3A_929] {strides = array<i32>} : memref<64x128xf32, #tpu.memory_space<vmem>>, vector<16xf32>,
        %get3A_931 = arith.index_cast %add3A_905 : i32 to index
        %get3A_932 = arith.constant 32 : index
        %get3A_933 = tpu.vector_load %arg10[%get3A_931, %get3A_932] {strides = array<i32>} : memref<64x128xf32, #tpu.memory_space<vmem>>, vector<16xf32>,
        %mul3A_934 = arith.mulf %get3A_930, %get3A_930 : vector<16xf32>
        %add3A_935 = arith.addf %add3A_923, %mul3A_934 : vector<16xf32>
        %mul3A_936 = arith.mulf %get3A_930, %get3A_933 : vector<16xf32>
        %add3A_937 = arith.addf %add3A_925, %mul3A_936 : vector<16xf32>
        %mul3A_938 = arith.mulf %get3A_933, %get3A_933 : vector<16xf32>
        %add3A_939 = arith.addf %add3A_876, %mul3A_938 : vector<16xf32>
        %get3A_940 = arith.index_cast %add3A_905 : i32 to index
        %get3A_941 = arith.constant 48 : index
        %get3A_942 = tpu.vector_load %arg8[%get3A_940, %get3A_941] {strides = array<i32>} : memref<64x128xf32, #tpu.memory_space<vmem>>, vector<16xf32>,
        %get3A_943 = arith.index_cast %add3A_905 : i32 to index
        %get3A_944 = arith.constant 48 : index
        %get3A_945 = tpu.vector_load %arg10[%get3A_943, %get3A_944] {strides = array<i32>} : memref<64x128xf32, #tpu.memory_space<vmem>>, vector<16xf32>,
        %mul3A_946 = arith.mulf %get3A_942, %get3A_942 : vector<16xf32>
        %add3A_947 = arith.addf %add3A_935, %mul3A_946 : vector<16xf32>
        %mul3A_948 = arith.mulf %get3A_942, %get3A_945 : vector<16xf32>
        %add3A_949 = arith.addf %add3A_937, %mul3A_948 : vector<16xf32>
        %mul3A_950 = arith.mulf %get3A_945, %get3A_945 : vector<16xf32>
        %add3A_951 = arith.addf %add3A_888, %mul3A_950 : vector<16xf32>
        %get3A_952 = arith.index_cast %add3A_905 : i32 to index
        %get3A_953 = arith.constant 64 : index
        %get3A_954 = tpu.vector_load %arg8[%get3A_952, %get3A_953] {strides = array<i32>} : memref<64x128xf32, #tpu.memory_space<vmem>>, vector<16xf32>,
        %get3A_955 = arith.index_cast %add3A_905 : i32 to index
        %get3A_956 = arith.constant 64 : index
        %get3A_957 = tpu.vector_load %arg10[%get3A_955, %get3A_956] {strides = array<i32>} : memref<64x128xf32, #tpu.memory_space<vmem>>, vector<16xf32>,
        %mul3A_958 = arith.mulf %get3A_954, %get3A_954 : vector<16xf32>
        %add3A_959 = arith.addf %add3A_947, %mul3A_958 : vector<16xf32>
        %mul3A_960 = arith.mulf %get3A_954, %get3A_957 : vector<16xf32>
        %add3A_961 = arith.addf %add3A_949, %mul3A_960 : vector<16xf32>
        %mul3A_962 = arith.mulf %get3A_957, %get3A_957 : vector<16xf32>
        %add3A_963 = arith.addf %add3A_915, %mul3A_962 : vector<16xf32>
        %get3A_964 = arith.index_cast %add3A_905 : i32 to index
        %get3A_965 = arith.constant 80 : index
        %get3A_966 = tpu.vector_load %arg8[%get3A_964, %get3A_965] {strides = array<i32>} : memref<64x128xf32, #tpu.memory_space<vmem>>, vector<16xf32>,
        %get3A_967 = arith.index_cast %add3A_905 : i32 to index
        %get3A_968 = arith.constant 80 : index
        %get3A_969 = tpu.vector_load %arg10[%get3A_967, %get3A_968] {strides = array<i32>} : memref<64x128xf32, #tpu.memory_space<vmem>>, vector<16xf32>,
        %mul3A_970 = arith.mulf %get3A_966, %get3A_966 : vector<16xf32>
        %add3A_971 = arith.addf %add3A_959, %mul3A_970 : vector<16xf32>
        %mul3A_972 = arith.mulf %get3A_966, %get3A_969 : vector<16xf32>
        %add3A_973 = arith.addf %add3A_961, %mul3A_972 : vector<16xf32>
        %mul3A_974 = arith.mulf %get3A_969, %get3A_969 : vector<16xf32>
        %add3A_975 = arith.addf %add3A_927, %mul3A_974 : vector<16xf32>
        %get3A_976 = arith.index_cast %add3A_905 : i32 to index
        %get3A_977 = arith.constant 96 : index
        %get3A_978 = tpu.vector_load %arg8[%get3A_976, %get3A_977] {strides = array<i32>} : memref<64x128xf32, #tpu.memory_space<vmem>>, vector<16xf32>,
        %get3A_979 = arith.index_cast %add3A_905 : i32 to index
        %get3A_980 = arith.constant 96 : index
        %get3A_981 = tpu.vector_load %arg10[%get3A_979, %get3A_980] {strides = array<i32>} : memref<64x128xf32, #tpu.memory_space<vmem>>, vector<16xf32>,
        %mul3A_982 = arith.mulf %get3A_978, %get3A_978 : vector<16xf32>
        %add3A_983 = arith.addf %add3A_971, %mul3A_982 : vector<16xf32>
        %mul3A_984 = arith.mulf %get3A_978, %get3A_981 : vector<16xf32>
        %add3A_985 = arith.addf %add3A_973, %mul3A_984 : vector<16xf32>
        %mul3A_986 = arith.mulf %get3A_981, %get3A_981 : vector<16xf32>
        %add3A_987 = arith.addf %add3A_939, %mul3A_986 : vector<16xf32>
        %get3A_988 = arith.index_cast %add3A_905 : i32 to index
        %get3A_989 = arith.constant 112 : index
        %get3A_990 = tpu.vector_load %arg8[%get3A_988, %get3A_989] {strides = array<i32>} : memref<64x128xf32, #tpu.memory_space<vmem>>, vector<16xf32>,
        %get3A_991 = arith.index_cast %add3A_905 : i32 to index
        %get3A_992 = arith.constant 112 : index
        %get3A_993 = tpu.vector_load %arg10[%get3A_991, %get3A_992] {strides = array<i32>} : memref<64x128xf32, #tpu.memory_space<vmem>>, vector<16xf32>,
        %mul3A_994 = arith.mulf %get3A_990, %get3A_990 : vector<16xf32>
        %add3A_995 = arith.addf %add3A_983, %mul3A_994 : vector<16xf32>
        %mul3A_996 = arith.mulf %get3A_990, %get3A_993 : vector<16xf32>
        %add3A_997 = arith.addf %add3A_985, %mul3A_996 : vector<16xf32>
        %mul3A_998 = arith.mulf %get3A_993, %get3A_993 : vector<16xf32>
        %add3A_999 = arith.addf %add3A_951, %mul3A_998 : vector<16xf32>
        %eq3A_1000 = arith.constant 6 : i32
        %eq3A_1001 = vector.broadcast %eq3A_1000 : i32 to vector<16xi32>
        %eq3A_1002 = arith.cmpi eq, %iota3A, %eq3A_1001 : vector<16xi32>
        %reduce_sum3A_1003 = arith.constant true
        %reduce_sum3A_1004 = vector.broadcast %reduce_sum3A_1003 : i1 to vector<16xi1>
        %reduce_sum3A_1005 = tpu.scan <sum>, %add3A_995 masked %reduce_sum3A_1004 : vector<16xf32>, vector<16xi1> -> vector<16xf32>
        %reduce_sum3A_1006 = vector.extract %reduce_sum3A_1005[15] : f32 from vector<16xf32>
        %broadcast_in_dim3A_1007 = vector.broadcast %reduce_sum3A_1006 : f32 to vector<16xf32>
        %select_n3A_1008 = arith.select %eq3A_1002, %broadcast_in_dim3A_1007, %select_n3A_897 : vector<16xi1>, vector<16xf32>
        %reduce_sum3A_1009 = arith.constant true
        %reduce_sum3A_1010 = vector.broadcast %reduce_sum3A_1009 : i1 to vector<16xi1>
        %reduce_sum3A_1011 = tpu.scan <sum>, %add3A_997 masked %reduce_sum3A_1010 : vector<16xf32>, vector<16xi1> -> vector<16xf32>
        %reduce_sum3A_1012 = vector.extract %reduce_sum3A_1011[15] : f32 from vector<16xf32>
        %broadcast_in_dim3A_1013 = vector.broadcast %reduce_sum3A_1012 : f32 to vector<16xf32>
        %select_n3A_1014 = arith.select %eq3A_1002, %broadcast_in_dim3A_1013, %select_n3A_903 : vector<16xi1>, vector<16xf32>
        %add3A_1015 = arith.constant 7 : i32
        %add3A_1016 = arith.addi %mul3A_245, %add3A_1015 : i32
        %get3A_1017 = arith.index_cast %add3A_1016 : i32 to index
        %get3A_1018 = arith.constant 0 : index
        %get3A_1019 = tpu.vector_load %arg8[%get3A_1017, %get3A_1018] {strides = array<i32>} : memref<64x128xf32, #tpu.memory_space<vmem>>, vector<16xf32>,
        %get3A_1020 = arith.index_cast %add3A_1016 : i32 to index
        %get3A_1021 = arith.constant 0 : index
        %get3A_1022 = tpu.vector_load %arg10[%get3A_1020, %get3A_1021] {strides = array<i32>} : memref<64x128xf32, #tpu.memory_space<vmem>>, vector<16xf32>,
        %mul3A_1023 = arith.mulf %get3A_1019, %get3A_1019 : vector<16xf32>
        %mul3A_1024 = arith.mulf %get3A_1019, %get3A_1022 : vector<16xf32>
        %mul3A_1025 = arith.mulf %get3A_1022, %get3A_1022 : vector<16xf32>
        %add3A_1026 = arith.addf %add3A_963, %mul3A_1025 : vector<16xf32>
        %get3A_1027 = arith.index_cast %add3A_1016 : i32 to index
        %get3A_1028 = arith.constant 16 : index
        %get3A_1029 = tpu.vector_load %arg8[%get3A_1027, %get3A_1028] {strides = array<i32>} : memref<64x128xf32, #tpu.memory_space<vmem>>, vector<16xf32>,
        %get3A_1030 = arith.index_cast %add3A_1016 : i32 to index
        %get3A_1031 = arith.constant 16 : index
        %get3A_1032 = tpu.vector_load %arg10[%get3A_1030, %get3A_1031] {strides = array<i32>} : memref<64x128xf32, #tpu.memory_space<vmem>>, vector<16xf32>,
        %mul3A_1033 = arith.mulf %get3A_1029, %get3A_1029 : vector<16xf32>
        %add3A_1034 = arith.addf %mul3A_1023, %mul3A_1033 : vector<16xf32>
        %mul3A_1035 = arith.mulf %get3A_1029, %get3A_1032 : vector<16xf32>
        %add3A_1036 = arith.addf %mul3A_1024, %mul3A_1035 : vector<16xf32>
        %mul3A_1037 = arith.mulf %get3A_1032, %get3A_1032 : vector<16xf32>
        %add3A_1038 = arith.addf %add3A_975, %mul3A_1037 : vector<16xf32>
        %get3A_1039 = arith.index_cast %add3A_1016 : i32 to index
        %get3A_1040 = arith.constant 32 : index
        %get3A_1041 = tpu.vector_load %arg8[%get3A_1039, %get3A_1040] {strides = array<i32>} : memref<64x128xf32, #tpu.memory_space<vmem>>, vector<16xf32>,
        %get3A_1042 = arith.index_cast %add3A_1016 : i32 to index
        %get3A_1043 = arith.constant 32 : index
        %get3A_1044 = tpu.vector_load %arg10[%get3A_1042, %get3A_1043] {strides = array<i32>} : memref<64x128xf32, #tpu.memory_space<vmem>>, vector<16xf32>,
        %mul3A_1045 = arith.mulf %get3A_1041, %get3A_1041 : vector<16xf32>
        %add3A_1046 = arith.addf %add3A_1034, %mul3A_1045 : vector<16xf32>
        %mul3A_1047 = arith.mulf %get3A_1041, %get3A_1044 : vector<16xf32>
        %add3A_1048 = arith.addf %add3A_1036, %mul3A_1047 : vector<16xf32>
        %mul3A_1049 = arith.mulf %get3A_1044, %get3A_1044 : vector<16xf32>
        %add3A_1050 = arith.addf %add3A_987, %mul3A_1049 : vector<16xf32>
        %get3A_1051 = arith.index_cast %add3A_1016 : i32 to index
        %get3A_1052 = arith.constant 48 : index
        %get3A_1053 = tpu.vector_load %arg8[%get3A_1051, %get3A_1052] {strides = array<i32>} : memref<64x128xf32, #tpu.memory_space<vmem>>, vector<16xf32>,
        %get3A_1054 = arith.index_cast %add3A_1016 : i32 to index
        %get3A_1055 = arith.constant 48 : index
        %get3A_1056 = tpu.vector_load %arg10[%get3A_1054, %get3A_1055] {strides = array<i32>} : memref<64x128xf32, #tpu.memory_space<vmem>>, vector<16xf32>,
        %mul3A_1057 = arith.mulf %get3A_1053, %get3A_1053 : vector<16xf32>
        %add3A_1058 = arith.addf %add3A_1046, %mul3A_1057 : vector<16xf32>
        %mul3A_1059 = arith.mulf %get3A_1053, %get3A_1056 : vector<16xf32>
        %add3A_1060 = arith.addf %add3A_1048, %mul3A_1059 : vector<16xf32>
        %mul3A_1061 = arith.mulf %get3A_1056, %get3A_1056 : vector<16xf32>
        %add3A_1062 = arith.addf %add3A_999, %mul3A_1061 : vector<16xf32>
        %get3A_1063 = arith.index_cast %add3A_1016 : i32 to index
        %get3A_1064 = arith.constant 64 : index
        %get3A_1065 = tpu.vector_load %arg8[%get3A_1063, %get3A_1064] {strides = array<i32>} : memref<64x128xf32, #tpu.memory_space<vmem>>, vector<16xf32>,
        %get3A_1066 = arith.index_cast %add3A_1016 : i32 to index
        %get3A_1067 = arith.constant 64 : index
        %get3A_1068 = tpu.vector_load %arg10[%get3A_1066, %get3A_1067] {strides = array<i32>} : memref<64x128xf32, #tpu.memory_space<vmem>>, vector<16xf32>,
        %mul3A_1069 = arith.mulf %get3A_1065, %get3A_1065 : vector<16xf32>
        %add3A_1070 = arith.addf %add3A_1058, %mul3A_1069 : vector<16xf32>
        %mul3A_1071 = arith.mulf %get3A_1065, %get3A_1068 : vector<16xf32>
        %add3A_1072 = arith.addf %add3A_1060, %mul3A_1071 : vector<16xf32>
        %mul3A_1073 = arith.mulf %get3A_1068, %get3A_1068 : vector<16xf32>
        %add3A_1074 = arith.addf %add3A_1026, %mul3A_1073 : vector<16xf32>
        %get3A_1075 = arith.index_cast %add3A_1016 : i32 to index
        %get3A_1076 = arith.constant 80 : index
        %get3A_1077 = tpu.vector_load %arg8[%get3A_1075, %get3A_1076] {strides = array<i32>} : memref<64x128xf32, #tpu.memory_space<vmem>>, vector<16xf32>,
        %get3A_1078 = arith.index_cast %add3A_1016 : i32 to index
        %get3A_1079 = arith.constant 80 : index
        %get3A_1080 = tpu.vector_load %arg10[%get3A_1078, %get3A_1079] {strides = array<i32>} : memref<64x128xf32, #tpu.memory_space<vmem>>, vector<16xf32>,
        %mul3A_1081 = arith.mulf %get3A_1077, %get3A_1077 : vector<16xf32>
        %add3A_1082 = arith.addf %add3A_1070, %mul3A_1081 : vector<16xf32>
        %mul3A_1083 = arith.mulf %get3A_1077, %get3A_1080 : vector<16xf32>
        %add3A_1084 = arith.addf %add3A_1072, %mul3A_1083 : vector<16xf32>
        %mul3A_1085 = arith.mulf %get3A_1080, %get3A_1080 : vector<16xf32>
        %add3A_1086 = arith.addf %add3A_1038, %mul3A_1085 : vector<16xf32>
        %get3A_1087 = arith.index_cast %add3A_1016 : i32 to index
        %get3A_1088 = arith.constant 96 : index
        %get3A_1089 = tpu.vector_load %arg8[%get3A_1087, %get3A_1088] {strides = array<i32>} : memref<64x128xf32, #tpu.memory_space<vmem>>, vector<16xf32>,
        %get3A_1090 = arith.index_cast %add3A_1016 : i32 to index
        %get3A_1091 = arith.constant 96 : index
        %get3A_1092 = tpu.vector_load %arg10[%get3A_1090, %get3A_1091] {strides = array<i32>} : memref<64x128xf32, #tpu.memory_space<vmem>>, vector<16xf32>,
        %mul3A_1093 = arith.mulf %get3A_1089, %get3A_1089 : vector<16xf32>
        %add3A_1094 = arith.addf %add3A_1082, %mul3A_1093 : vector<16xf32>
        %mul3A_1095 = arith.mulf %get3A_1089, %get3A_1092 : vector<16xf32>
        %add3A_1096 = arith.addf %add3A_1084, %mul3A_1095 : vector<16xf32>
        %mul3A_1097 = arith.mulf %get3A_1092, %get3A_1092 : vector<16xf32>
        %add3A_1098 = arith.addf %add3A_1050, %mul3A_1097 : vector<16xf32>
        %get3A_1099 = arith.index_cast %add3A_1016 : i32 to index
        %get3A_1100 = arith.constant 112 : index
        %get3A_1101 = tpu.vector_load %arg8[%get3A_1099, %get3A_1100] {strides = array<i32>} : memref<64x128xf32, #tpu.memory_space<vmem>>, vector<16xf32>,
        %get3A_1102 = arith.index_cast %add3A_1016 : i32 to index
        %get3A_1103 = arith.constant 112 : index
        %get3A_1104 = tpu.vector_load %arg10[%get3A_1102, %get3A_1103] {strides = array<i32>} : memref<64x128xf32, #tpu.memory_space<vmem>>, vector<16xf32>,
        %mul3A_1105 = arith.mulf %get3A_1101, %get3A_1101 : vector<16xf32>
        %add3A_1106 = arith.addf %add3A_1094, %mul3A_1105 : vector<16xf32>
        %mul3A_1107 = arith.mulf %get3A_1101, %get3A_1104 : vector<16xf32>
        %add3A_1108 = arith.addf %add3A_1096, %mul3A_1107 : vector<16xf32>
        %mul3A_1109 = arith.mulf %get3A_1104, %get3A_1104 : vector<16xf32>
        %add3A_1110 = arith.addf %add3A_1062, %mul3A_1109 : vector<16xf32>
        %eq3A_1111 = arith.constant 7 : i32
        %eq3A_1112 = vector.broadcast %eq3A_1111 : i32 to vector<16xi32>
        %eq3A_1113 = arith.cmpi eq, %iota3A, %eq3A_1112 : vector<16xi32>
        %reduce_sum3A_1114 = arith.constant true
        %reduce_sum3A_1115 = vector.broadcast %reduce_sum3A_1114 : i1 to vector<16xi1>
        %reduce_sum3A_1116 = tpu.scan <sum>, %add3A_1106 masked %reduce_sum3A_1115 : vector<16xf32>, vector<16xi1> -> vector<16xf32>
        %reduce_sum3A_1117 = vector.extract %reduce_sum3A_1116[15] : f32 from vector<16xf32>
        %broadcast_in_dim3A_1118 = vector.broadcast %reduce_sum3A_1117 : f32 to vector<16xf32>
        %select_n3A_1119 = arith.select %eq3A_1113, %broadcast_in_dim3A_1118, %select_n3A_1008 : vector<16xi1>, vector<16xf32>
        %reduce_sum3A_1120 = arith.constant true
        %reduce_sum3A_1121 = vector.broadcast %reduce_sum3A_1120 : i1 to vector<16xi1>
        %reduce_sum3A_1122 = tpu.scan <sum>, %add3A_1108 masked %reduce_sum3A_1121 : vector<16xf32>, vector<16xi1> -> vector<16xf32>
        %reduce_sum3A_1123 = vector.extract %reduce_sum3A_1122[15] : f32 from vector<16xf32>
        %broadcast_in_dim3A_1124 = vector.broadcast %reduce_sum3A_1123 : f32 to vector<16xf32>
        %select_n3A_1125 = arith.select %eq3A_1113, %broadcast_in_dim3A_1124, %select_n3A_1014 : vector<16xi1>, vector<16xf32>
        %add3A_1126 = arith.constant 8 : i32
        %add3A_1127 = arith.addi %mul3A_245, %add3A_1126 : i32
        %get3A_1128 = arith.index_cast %add3A_1127 : i32 to index
        %get3A_1129 = arith.constant 0 : index
        %get3A_1130 = tpu.vector_load %arg8[%get3A_1128, %get3A_1129] {strides = array<i32>} : memref<64x128xf32, #tpu.memory_space<vmem>>, vector<16xf32>,
        %get3A_1131 = arith.index_cast %add3A_1127 : i32 to index
        %get3A_1132 = arith.constant 0 : index
        %get3A_1133 = tpu.vector_load %arg10[%get3A_1131, %get3A_1132] {strides = array<i32>} : memref<64x128xf32, #tpu.memory_space<vmem>>, vector<16xf32>,
        %mul3A_1134 = arith.mulf %get3A_1130, %get3A_1130 : vector<16xf32>
        %mul3A_1135 = arith.mulf %get3A_1130, %get3A_1133 : vector<16xf32>
        %mul3A_1136 = arith.mulf %get3A_1133, %get3A_1133 : vector<16xf32>
        %add3A_1137 = arith.addf %add3A_1074, %mul3A_1136 : vector<16xf32>
        %get3A_1138 = arith.index_cast %add3A_1127 : i32 to index
        %get3A_1139 = arith.constant 16 : index
        %get3A_1140 = tpu.vector_load %arg8[%get3A_1138, %get3A_1139] {strides = array<i32>} : memref<64x128xf32, #tpu.memory_space<vmem>>, vector<16xf32>,
        %get3A_1141 = arith.index_cast %add3A_1127 : i32 to index
        %get3A_1142 = arith.constant 16 : index
        %get3A_1143 = tpu.vector_load %arg10[%get3A_1141, %get3A_1142] {strides = array<i32>} : memref<64x128xf32, #tpu.memory_space<vmem>>, vector<16xf32>,
        %mul3A_1144 = arith.mulf %get3A_1140, %get3A_1140 : vector<16xf32>
        %add3A_1145 = arith.addf %mul3A_1134, %mul3A_1144 : vector<16xf32>
        %mul3A_1146 = arith.mulf %get3A_1140, %get3A_1143 : vector<16xf32>
        %add3A_1147 = arith.addf %mul3A_1135, %mul3A_1146 : vector<16xf32>
        %mul3A_1148 = arith.mulf %get3A_1143, %get3A_1143 : vector<16xf32>
        %add3A_1149 = arith.addf %add3A_1086, %mul3A_1148 : vector<16xf32>
        %get3A_1150 = arith.index_cast %add3A_1127 : i32 to index
        %get3A_1151 = arith.constant 32 : index
        %get3A_1152 = tpu.vector_load %arg8[%get3A_1150, %get3A_1151] {strides = array<i32>} : memref<64x128xf32, #tpu.memory_space<vmem>>, vector<16xf32>,
        %get3A_1153 = arith.index_cast %add3A_1127 : i32 to index
        %get3A_1154 = arith.constant 32 : index
        %get3A_1155 = tpu.vector_load %arg10[%get3A_1153, %get3A_1154] {strides = array<i32>} : memref<64x128xf32, #tpu.memory_space<vmem>>, vector<16xf32>,
        %mul3A_1156 = arith.mulf %get3A_1152, %get3A_1152 : vector<16xf32>
        %add3A_1157 = arith.addf %add3A_1145, %mul3A_1156 : vector<16xf32>
        %mul3A_1158 = arith.mulf %get3A_1152, %get3A_1155 : vector<16xf32>
        %add3A_1159 = arith.addf %add3A_1147, %mul3A_1158 : vector<16xf32>
        %mul3A_1160 = arith.mulf %get3A_1155, %get3A_1155 : vector<16xf32>
        %add3A_1161 = arith.addf %add3A_1098, %mul3A_1160 : vector<16xf32>
        %get3A_1162 = arith.index_cast %add3A_1127 : i32 to index
        %get3A_1163 = arith.constant 48 : index
        %get3A_1164 = tpu.vector_load %arg8[%get3A_1162, %get3A_1163] {strides = array<i32>} : memref<64x128xf32, #tpu.memory_space<vmem>>, vector<16xf32>,
        %get3A_1165 = arith.index_cast %add3A_1127 : i32 to index
        %get3A_1166 = arith.constant 48 : index
        %get3A_1167 = tpu.vector_load %arg10[%get3A_1165, %get3A_1166] {strides = array<i32>} : memref<64x128xf32, #tpu.memory_space<vmem>>, vector<16xf32>,
        %mul3A_1168 = arith.mulf %get3A_1164, %get3A_1164 : vector<16xf32>
        %add3A_1169 = arith.addf %add3A_1157, %mul3A_1168 : vector<16xf32>
        %mul3A_1170 = arith.mulf %get3A_1164, %get3A_1167 : vector<16xf32>
        %add3A_1171 = arith.addf %add3A_1159, %mul3A_1170 : vector<16xf32>
        %mul3A_1172 = arith.mulf %get3A_1167, %get3A_1167 : vector<16xf32>
        %add3A_1173 = arith.addf %add3A_1110, %mul3A_1172 : vector<16xf32>
        %get3A_1174 = arith.index_cast %add3A_1127 : i32 to index
        %get3A_1175 = arith.constant 64 : index
        %get3A_1176 = tpu.vector_load %arg8[%get3A_1174, %get3A_1175] {strides = array<i32>} : memref<64x128xf32, #tpu.memory_space<vmem>>, vector<16xf32>,
        %get3A_1177 = arith.index_cast %add3A_1127 : i32 to index
        %get3A_1178 = arith.constant 64 : index
        %get3A_1179 = tpu.vector_load %arg10[%get3A_1177, %get3A_1178] {strides = array<i32>} : memref<64x128xf32, #tpu.memory_space<vmem>>, vector<16xf32>,
        %mul3A_1180 = arith.mulf %get3A_1176, %get3A_1176 : vector<16xf32>
        %add3A_1181 = arith.addf %add3A_1169, %mul3A_1180 : vector<16xf32>
        %mul3A_1182 = arith.mulf %get3A_1176, %get3A_1179 : vector<16xf32>
        %add3A_1183 = arith.addf %add3A_1171, %mul3A_1182 : vector<16xf32>
        %mul3A_1184 = arith.mulf %get3A_1179, %get3A_1179 : vector<16xf32>
        %add3A_1185 = arith.addf %add3A_1137, %mul3A_1184 : vector<16xf32>
        %get3A_1186 = arith.index_cast %add3A_1127 : i32 to index
        %get3A_1187 = arith.constant 80 : index
        %get3A_1188 = tpu.vector_load %arg8[%get3A_1186, %get3A_1187] {strides = array<i32>} : memref<64x128xf32, #tpu.memory_space<vmem>>, vector<16xf32>,
        %get3A_1189 = arith.index_cast %add3A_1127 : i32 to index
        %get3A_1190 = arith.constant 80 : index
        %get3A_1191 = tpu.vector_load %arg10[%get3A_1189, %get3A_1190] {strides = array<i32>} : memref<64x128xf32, #tpu.memory_space<vmem>>, vector<16xf32>,
        %mul3A_1192 = arith.mulf %get3A_1188, %get3A_1188 : vector<16xf32>
        %add3A_1193 = arith.addf %add3A_1181, %mul3A_1192 : vector<16xf32>
        %mul3A_1194 = arith.mulf %get3A_1188, %get3A_1191 : vector<16xf32>
        %add3A_1195 = arith.addf %add3A_1183, %mul3A_1194 : vector<16xf32>
        %mul3A_1196 = arith.mulf %get3A_1191, %get3A_1191 : vector<16xf32>
        %add3A_1197 = arith.addf %add3A_1149, %mul3A_1196 : vector<16xf32>
        %get3A_1198 = arith.index_cast %add3A_1127 : i32 to index
        %get3A_1199 = arith.constant 96 : index
        %get3A_1200 = tpu.vector_load %arg8[%get3A_1198, %get3A_1199] {strides = array<i32>} : memref<64x128xf32, #tpu.memory_space<vmem>>, vector<16xf32>,
        %get3A_1201 = arith.index_cast %add3A_1127 : i32 to index
        %get3A_1202 = arith.constant 96 : index
        %get3A_1203 = tpu.vector_load %arg10[%get3A_1201, %get3A_1202] {strides = array<i32>} : memref<64x128xf32, #tpu.memory_space<vmem>>, vector<16xf32>,
        %mul3A_1204 = arith.mulf %get3A_1200, %get3A_1200 : vector<16xf32>
        %add3A_1205 = arith.addf %add3A_1193, %mul3A_1204 : vector<16xf32>
        %mul3A_1206 = arith.mulf %get3A_1200, %get3A_1203 : vector<16xf32>
        %add3A_1207 = arith.addf %add3A_1195, %mul3A_1206 : vector<16xf32>
        %mul3A_1208 = arith.mulf %get3A_1203, %get3A_1203 : vector<16xf32>
        %add3A_1209 = arith.addf %add3A_1161, %mul3A_1208 : vector<16xf32>
        %get3A_1210 = arith.index_cast %add3A_1127 : i32 to index
        %get3A_1211 = arith.constant 112 : index
        %get3A_1212 = tpu.vector_load %arg8[%get3A_1210, %get3A_1211] {strides = array<i32>} : memref<64x128xf32, #tpu.memory_space<vmem>>, vector<16xf32>,
        %get3A_1213 = arith.index_cast %add3A_1127 : i32 to index
        %get3A_1214 = arith.constant 112 : index
        %get3A_1215 = tpu.vector_load %arg10[%get3A_1213, %get3A_1214] {strides = array<i32>} : memref<64x128xf32, #tpu.memory_space<vmem>>, vector<16xf32>,
        %mul3A_1216 = arith.mulf %get3A_1212, %get3A_1212 : vector<16xf32>
        %add3A_1217 = arith.addf %add3A_1205, %mul3A_1216 : vector<16xf32>
        %mul3A_1218 = arith.mulf %get3A_1212, %get3A_1215 : vector<16xf32>
        %add3A_1219 = arith.addf %add3A_1207, %mul3A_1218 : vector<16xf32>
        %mul3A_1220 = arith.mulf %get3A_1215, %get3A_1215 : vector<16xf32>
        %add3A_1221 = arith.addf %add3A_1173, %mul3A_1220 : vector<16xf32>
        %eq3A_1222 = arith.constant 8 : i32
        %eq3A_1223 = vector.broadcast %eq3A_1222 : i32 to vector<16xi32>
        %eq3A_1224 = arith.cmpi eq, %iota3A, %eq3A_1223 : vector<16xi32>
        %reduce_sum3A_1225 = arith.constant true
        %reduce_sum3A_1226 = vector.broadcast %reduce_sum3A_1225 : i1 to vector<16xi1>
        %reduce_sum3A_1227 = tpu.scan <sum>, %add3A_1217 masked %reduce_sum3A_1226 : vector<16xf32>, vector<16xi1> -> vector<16xf32>
        %reduce_sum3A_1228 = vector.extract %reduce_sum3A_1227[15] : f32 from vector<16xf32>
        %broadcast_in_dim3A_1229 = vector.broadcast %reduce_sum3A_1228 : f32 to vector<16xf32>
        %select_n3A_1230 = arith.select %eq3A_1224, %broadcast_in_dim3A_1229, %select_n3A_1119 : vector<16xi1>, vector<16xf32>
        %reduce_sum3A_1231 = arith.constant true
        %reduce_sum3A_1232 = vector.broadcast %reduce_sum3A_1231 : i1 to vector<16xi1>
        %reduce_sum3A_1233 = tpu.scan <sum>, %add3A_1219 masked %reduce_sum3A_1232 : vector<16xf32>, vector<16xi1> -> vector<16xf32>
        %reduce_sum3A_1234 = vector.extract %reduce_sum3A_1233[15] : f32 from vector<16xf32>
        %broadcast_in_dim3A_1235 = vector.broadcast %reduce_sum3A_1234 : f32 to vector<16xf32>
        %select_n3A_1236 = arith.select %eq3A_1224, %broadcast_in_dim3A_1235, %select_n3A_1125 : vector<16xi1>, vector<16xf32>
        %add3A_1237 = arith.constant 9 : i32
        %add3A_1238 = arith.addi %mul3A_245, %add3A_1237 : i32
        %get3A_1239 = arith.index_cast %add3A_1238 : i32 to index
        %get3A_1240 = arith.constant 0 : index
        %get3A_1241 = tpu.vector_load %arg8[%get3A_1239, %get3A_1240] {strides = array<i32>} : memref<64x128xf32, #tpu.memory_space<vmem>>, vector<16xf32>,
        %get3A_1242 = arith.index_cast %add3A_1238 : i32 to index
        %get3A_1243 = arith.constant 0 : index
        %get3A_1244 = tpu.vector_load %arg10[%get3A_1242, %get3A_1243] {strides = array<i32>} : memref<64x128xf32, #tpu.memory_space<vmem>>, vector<16xf32>,
        %mul3A_1245 = arith.mulf %get3A_1241, %get3A_1241 : vector<16xf32>
        %mul3A_1246 = arith.mulf %get3A_1241, %get3A_1244 : vector<16xf32>
        %mul3A_1247 = arith.mulf %get3A_1244, %get3A_1244 : vector<16xf32>
        %add3A_1248 = arith.addf %add3A_1185, %mul3A_1247 : vector<16xf32>
        %get3A_1249 = arith.index_cast %add3A_1238 : i32 to index
        %get3A_1250 = arith.constant 16 : index
        %get3A_1251 = tpu.vector_load %arg8[%get3A_1249, %get3A_1250] {strides = array<i32>} : memref<64x128xf32, #tpu.memory_space<vmem>>, vector<16xf32>,
        %get3A_1252 = arith.index_cast %add3A_1238 : i32 to index
        %get3A_1253 = arith.constant 16 : index
        %get3A_1254 = tpu.vector_load %arg10[%get3A_1252, %get3A_1253] {strides = array<i32>} : memref<64x128xf32, #tpu.memory_space<vmem>>, vector<16xf32>,
        %mul3A_1255 = arith.mulf %get3A_1251, %get3A_1251 : vector<16xf32>
        %add3A_1256 = arith.addf %mul3A_1245, %mul3A_1255 : vector<16xf32>
        %mul3A_1257 = arith.mulf %get3A_1251, %get3A_1254 : vector<16xf32>
        %add3A_1258 = arith.addf %mul3A_1246, %mul3A_1257 : vector<16xf32>
        %mul3A_1259 = arith.mulf %get3A_1254, %get3A_1254 : vector<16xf32>
        %add3A_1260 = arith.addf %add3A_1197, %mul3A_1259 : vector<16xf32>
        %get3A_1261 = arith.index_cast %add3A_1238 : i32 to index
        %get3A_1262 = arith.constant 32 : index
        %get3A_1263 = tpu.vector_load %arg8[%get3A_1261, %get3A_1262] {strides = array<i32>} : memref<64x128xf32, #tpu.memory_space<vmem>>, vector<16xf32>,
        %get3A_1264 = arith.index_cast %add3A_1238 : i32 to index
        %get3A_1265 = arith.constant 32 : index
        %get3A_1266 = tpu.vector_load %arg10[%get3A_1264, %get3A_1265] {strides = array<i32>} : memref<64x128xf32, #tpu.memory_space<vmem>>, vector<16xf32>,
        %mul3A_1267 = arith.mulf %get3A_1263, %get3A_1263 : vector<16xf32>
        %add3A_1268 = arith.addf %add3A_1256, %mul3A_1267 : vector<16xf32>
        %mul3A_1269 = arith.mulf %get3A_1263, %get3A_1266 : vector<16xf32>
        %add3A_1270 = arith.addf %add3A_1258, %mul3A_1269 : vector<16xf32>
        %mul3A_1271 = arith.mulf %get3A_1266, %get3A_1266 : vector<16xf32>
        %add3A_1272 = arith.addf %add3A_1209, %mul3A_1271 : vector<16xf32>
        %get3A_1273 = arith.index_cast %add3A_1238 : i32 to index
        %get3A_1274 = arith.constant 48 : index
        %get3A_1275 = tpu.vector_load %arg8[%get3A_1273, %get3A_1274] {strides = array<i32>} : memref<64x128xf32, #tpu.memory_space<vmem>>, vector<16xf32>,
        %get3A_1276 = arith.index_cast %add3A_1238 : i32 to index
        %get3A_1277 = arith.constant 48 : index
        %get3A_1278 = tpu.vector_load %arg10[%get3A_1276, %get3A_1277] {strides = array<i32>} : memref<64x128xf32, #tpu.memory_space<vmem>>, vector<16xf32>,
        %mul3A_1279 = arith.mulf %get3A_1275, %get3A_1275 : vector<16xf32>
        %add3A_1280 = arith.addf %add3A_1268, %mul3A_1279 : vector<16xf32>
        %mul3A_1281 = arith.mulf %get3A_1275, %get3A_1278 : vector<16xf32>
        %add3A_1282 = arith.addf %add3A_1270, %mul3A_1281 : vector<16xf32>
        %mul3A_1283 = arith.mulf %get3A_1278, %get3A_1278 : vector<16xf32>
        %add3A_1284 = arith.addf %add3A_1221, %mul3A_1283 : vector<16xf32>
        %get3A_1285 = arith.index_cast %add3A_1238 : i32 to index
        %get3A_1286 = arith.constant 64 : index
        %get3A_1287 = tpu.vector_load %arg8[%get3A_1285, %get3A_1286] {strides = array<i32>} : memref<64x128xf32, #tpu.memory_space<vmem>>, vector<16xf32>,
        %get3A_1288 = arith.index_cast %add3A_1238 : i32 to index
        %get3A_1289 = arith.constant 64 : index
        %get3A_1290 = tpu.vector_load %arg10[%get3A_1288, %get3A_1289] {strides = array<i32>} : memref<64x128xf32, #tpu.memory_space<vmem>>, vector<16xf32>,
        %mul3A_1291 = arith.mulf %get3A_1287, %get3A_1287 : vector<16xf32>
        %add3A_1292 = arith.addf %add3A_1280, %mul3A_1291 : vector<16xf32>
        %mul3A_1293 = arith.mulf %get3A_1287, %get3A_1290 : vector<16xf32>
        %add3A_1294 = arith.addf %add3A_1282, %mul3A_1293 : vector<16xf32>
        %mul3A_1295 = arith.mulf %get3A_1290, %get3A_1290 : vector<16xf32>
        %add3A_1296 = arith.addf %add3A_1248, %mul3A_1295 : vector<16xf32>
        %get3A_1297 = arith.index_cast %add3A_1238 : i32 to index
        %get3A_1298 = arith.constant 80 : index
        %get3A_1299 = tpu.vector_load %arg8[%get3A_1297, %get3A_1298] {strides = array<i32>} : memref<64x128xf32, #tpu.memory_space<vmem>>, vector<16xf32>,
        %get3A_1300 = arith.index_cast %add3A_1238 : i32 to index
        %get3A_1301 = arith.constant 80 : index
        %get3A_1302 = tpu.vector_load %arg10[%get3A_1300, %get3A_1301] {strides = array<i32>} : memref<64x128xf32, #tpu.memory_space<vmem>>, vector<16xf32>,
        %mul3A_1303 = arith.mulf %get3A_1299, %get3A_1299 : vector<16xf32>
        %add3A_1304 = arith.addf %add3A_1292, %mul3A_1303 : vector<16xf32>
        %mul3A_1305 = arith.mulf %get3A_1299, %get3A_1302 : vector<16xf32>
        %add3A_1306 = arith.addf %add3A_1294, %mul3A_1305 : vector<16xf32>
        %mul3A_1307 = arith.mulf %get3A_1302, %get3A_1302 : vector<16xf32>
        %add3A_1308 = arith.addf %add3A_1260, %mul3A_1307 : vector<16xf32>
        %get3A_1309 = arith.index_cast %add3A_1238 : i32 to index
        %get3A_1310 = arith.constant 96 : index
        %get3A_1311 = tpu.vector_load %arg8[%get3A_1309, %get3A_1310] {strides = array<i32>} : memref<64x128xf32, #tpu.memory_space<vmem>>, vector<16xf32>,
        %get3A_1312 = arith.index_cast %add3A_1238 : i32 to index
        %get3A_1313 = arith.constant 96 : index
        %get3A_1314 = tpu.vector_load %arg10[%get3A_1312, %get3A_1313] {strides = array<i32>} : memref<64x128xf32, #tpu.memory_space<vmem>>, vector<16xf32>,
        %mul3A_1315 = arith.mulf %get3A_1311, %get3A_1311 : vector<16xf32>
        %add3A_1316 = arith.addf %add3A_1304, %mul3A_1315 : vector<16xf32>
        %mul3A_1317 = arith.mulf %get3A_1311, %get3A_1314 : vector<16xf32>
        %add3A_1318 = arith.addf %add3A_1306, %mul3A_1317 : vector<16xf32>
        %mul3A_1319 = arith.mulf %get3A_1314, %get3A_1314 : vector<16xf32>
        %add3A_1320 = arith.addf %add3A_1272, %mul3A_1319 : vector<16xf32>
        %get3A_1321 = arith.index_cast %add3A_1238 : i32 to index
        %get3A_1322 = arith.constant 112 : index
        %get3A_1323 = tpu.vector_load %arg8[%get3A_1321, %get3A_1322] {strides = array<i32>} : memref<64x128xf32, #tpu.memory_space<vmem>>, vector<16xf32>,
        %get3A_1324 = arith.index_cast %add3A_1238 : i32 to index
        %get3A_1325 = arith.constant 112 : index
        %get3A_1326 = tpu.vector_load %arg10[%get3A_1324, %get3A_1325] {strides = array<i32>} : memref<64x128xf32, #tpu.memory_space<vmem>>, vector<16xf32>,
        %mul3A_1327 = arith.mulf %get3A_1323, %get3A_1323 : vector<16xf32>
        %add3A_1328 = arith.addf %add3A_1316, %mul3A_1327 : vector<16xf32>
        %mul3A_1329 = arith.mulf %get3A_1323, %get3A_1326 : vector<16xf32>
        %add3A_1330 = arith.addf %add3A_1318, %mul3A_1329 : vector<16xf32>
        %mul3A_1331 = arith.mulf %get3A_1326, %get3A_1326 : vector<16xf32>
        %add3A_1332 = arith.addf %add3A_1284, %mul3A_1331 : vector<16xf32>
        %eq3A_1333 = arith.constant 9 : i32
        %eq3A_1334 = vector.broadcast %eq3A_1333 : i32 to vector<16xi32>
        %eq3A_1335 = arith.cmpi eq, %iota3A, %eq3A_1334 : vector<16xi32>
        %reduce_sum3A_1336 = arith.constant true
        %reduce_sum3A_1337 = vector.broadcast %reduce_sum3A_1336 : i1 to vector<16xi1>
        %reduce_sum3A_1338 = tpu.scan <sum>, %add3A_1328 masked %reduce_sum3A_1337 : vector<16xf32>, vector<16xi1> -> vector<16xf32>
        %reduce_sum3A_1339 = vector.extract %reduce_sum3A_1338[15] : f32 from vector<16xf32>
        %broadcast_in_dim3A_1340 = vector.broadcast %reduce_sum3A_1339 : f32 to vector<16xf32>
        %select_n3A_1341 = arith.select %eq3A_1335, %broadcast_in_dim3A_1340, %select_n3A_1230 : vector<16xi1>, vector<16xf32>
        %reduce_sum3A_1342 = arith.constant true
        %reduce_sum3A_1343 = vector.broadcast %reduce_sum3A_1342 : i1 to vector<16xi1>
        %reduce_sum3A_1344 = tpu.scan <sum>, %add3A_1330 masked %reduce_sum3A_1343 : vector<16xf32>, vector<16xi1> -> vector<16xf32>
        %reduce_sum3A_1345 = vector.extract %reduce_sum3A_1344[15] : f32 from vector<16xf32>
        %broadcast_in_dim3A_1346 = vector.broadcast %reduce_sum3A_1345 : f32 to vector<16xf32>
        %select_n3A_1347 = arith.select %eq3A_1335, %broadcast_in_dim3A_1346, %select_n3A_1236 : vector<16xi1>, vector<16xf32>
        %add3A_1348 = arith.constant 10 : i32
        %add3A_1349 = arith.addi %mul3A_245, %add3A_1348 : i32
        %get3A_1350 = arith.index_cast %add3A_1349 : i32 to index
        %get3A_1351 = arith.constant 0 : index
        %get3A_1352 = tpu.vector_load %arg8[%get3A_1350, %get3A_1351] {strides = array<i32>} : memref<64x128xf32, #tpu.memory_space<vmem>>, vector<16xf32>,
        %get3A_1353 = arith.index_cast %add3A_1349 : i32 to index
        %get3A_1354 = arith.constant 0 : index
        %get3A_1355 = tpu.vector_load %arg10[%get3A_1353, %get3A_1354] {strides = array<i32>} : memref<64x128xf32, #tpu.memory_space<vmem>>, vector<16xf32>,
        %mul3A_1356 = arith.mulf %get3A_1352, %get3A_1352 : vector<16xf32>
        %mul3A_1357 = arith.mulf %get3A_1352, %get3A_1355 : vector<16xf32>
        %mul3A_1358 = arith.mulf %get3A_1355, %get3A_1355 : vector<16xf32>
        %add3A_1359 = arith.addf %add3A_1296, %mul3A_1358 : vector<16xf32>
        %get3A_1360 = arith.index_cast %add3A_1349 : i32 to index
        %get3A_1361 = arith.constant 16 : index
        %get3A_1362 = tpu.vector_load %arg8[%get3A_1360, %get3A_1361] {strides = array<i32>} : memref<64x128xf32, #tpu.memory_space<vmem>>, vector<16xf32>,
        %get3A_1363 = arith.index_cast %add3A_1349 : i32 to index
        %get3A_1364 = arith.constant 16 : index
        %get3A_1365 = tpu.vector_load %arg10[%get3A_1363, %get3A_1364] {strides = array<i32>} : memref<64x128xf32, #tpu.memory_space<vmem>>, vector<16xf32>,
        %mul3A_1366 = arith.mulf %get3A_1362, %get3A_1362 : vector<16xf32>
        %add3A_1367 = arith.addf %mul3A_1356, %mul3A_1366 : vector<16xf32>
        %mul3A_1368 = arith.mulf %get3A_1362, %get3A_1365 : vector<16xf32>
        %add3A_1369 = arith.addf %mul3A_1357, %mul3A_1368 : vector<16xf32>
        %mul3A_1370 = arith.mulf %get3A_1365, %get3A_1365 : vector<16xf32>
        %add3A_1371 = arith.addf %add3A_1308, %mul3A_1370 : vector<16xf32>
        %get3A_1372 = arith.index_cast %add3A_1349 : i32 to index
        %get3A_1373 = arith.constant 32 : index
        %get3A_1374 = tpu.vector_load %arg8[%get3A_1372, %get3A_1373] {strides = array<i32>} : memref<64x128xf32, #tpu.memory_space<vmem>>, vector<16xf32>,
        %get3A_1375 = arith.index_cast %add3A_1349 : i32 to index
        %get3A_1376 = arith.constant 32 : index
        %get3A_1377 = tpu.vector_load %arg10[%get3A_1375, %get3A_1376] {strides = array<i32>} : memref<64x128xf32, #tpu.memory_space<vmem>>, vector<16xf32>,
        %mul3A_1378 = arith.mulf %get3A_1374, %get3A_1374 : vector<16xf32>
        %add3A_1379 = arith.addf %add3A_1367, %mul3A_1378 : vector<16xf32>
        %mul3A_1380 = arith.mulf %get3A_1374, %get3A_1377 : vector<16xf32>
        %add3A_1381 = arith.addf %add3A_1369, %mul3A_1380 : vector<16xf32>
        %mul3A_1382 = arith.mulf %get3A_1377, %get3A_1377 : vector<16xf32>
        %add3A_1383 = arith.addf %add3A_1320, %mul3A_1382 : vector<16xf32>
        %get3A_1384 = arith.index_cast %add3A_1349 : i32 to index
        %get3A_1385 = arith.constant 48 : index
        %get3A_1386 = tpu.vector_load %arg8[%get3A_1384, %get3A_1385] {strides = array<i32>} : memref<64x128xf32, #tpu.memory_space<vmem>>, vector<16xf32>,
        %get3A_1387 = arith.index_cast %add3A_1349 : i32 to index
        %get3A_1388 = arith.constant 48 : index
        %get3A_1389 = tpu.vector_load %arg10[%get3A_1387, %get3A_1388] {strides = array<i32>} : memref<64x128xf32, #tpu.memory_space<vmem>>, vector<16xf32>,
        %mul3A_1390 = arith.mulf %get3A_1386, %get3A_1386 : vector<16xf32>
        %add3A_1391 = arith.addf %add3A_1379, %mul3A_1390 : vector<16xf32>
        %mul3A_1392 = arith.mulf %get3A_1386, %get3A_1389 : vector<16xf32>
        %add3A_1393 = arith.addf %add3A_1381, %mul3A_1392 : vector<16xf32>
        %mul3A_1394 = arith.mulf %get3A_1389, %get3A_1389 : vector<16xf32>
        %add3A_1395 = arith.addf %add3A_1332, %mul3A_1394 : vector<16xf32>
        %get3A_1396 = arith.index_cast %add3A_1349 : i32 to index
        %get3A_1397 = arith.constant 64 : index
        %get3A_1398 = tpu.vector_load %arg8[%get3A_1396, %get3A_1397] {strides = array<i32>} : memref<64x128xf32, #tpu.memory_space<vmem>>, vector<16xf32>,
        %get3A_1399 = arith.index_cast %add3A_1349 : i32 to index
        %get3A_1400 = arith.constant 64 : index
        %get3A_1401 = tpu.vector_load %arg10[%get3A_1399, %get3A_1400] {strides = array<i32>} : memref<64x128xf32, #tpu.memory_space<vmem>>, vector<16xf32>,
        %mul3A_1402 = arith.mulf %get3A_1398, %get3A_1398 : vector<16xf32>
        %add3A_1403 = arith.addf %add3A_1391, %mul3A_1402 : vector<16xf32>
        %mul3A_1404 = arith.mulf %get3A_1398, %get3A_1401 : vector<16xf32>
        %add3A_1405 = arith.addf %add3A_1393, %mul3A_1404 : vector<16xf32>
        %mul3A_1406 = arith.mulf %get3A_1401, %get3A_1401 : vector<16xf32>
        %add3A_1407 = arith.addf %add3A_1359, %mul3A_1406 : vector<16xf32>
        %get3A_1408 = arith.index_cast %add3A_1349 : i32 to index
        %get3A_1409 = arith.constant 80 : index
        %get3A_1410 = tpu.vector_load %arg8[%get3A_1408, %get3A_1409] {strides = array<i32>} : memref<64x128xf32, #tpu.memory_space<vmem>>, vector<16xf32>,
        %get3A_1411 = arith.index_cast %add3A_1349 : i32 to index
        %get3A_1412 = arith.constant 80 : index
        %get3A_1413 = tpu.vector_load %arg10[%get3A_1411, %get3A_1412] {strides = array<i32>} : memref<64x128xf32, #tpu.memory_space<vmem>>, vector<16xf32>,
        %mul3A_1414 = arith.mulf %get3A_1410, %get3A_1410 : vector<16xf32>
        %add3A_1415 = arith.addf %add3A_1403, %mul3A_1414 : vector<16xf32>
        %mul3A_1416 = arith.mulf %get3A_1410, %get3A_1413 : vector<16xf32>
        %add3A_1417 = arith.addf %add3A_1405, %mul3A_1416 : vector<16xf32>
        %mul3A_1418 = arith.mulf %get3A_1413, %get3A_1413 : vector<16xf32>
        %add3A_1419 = arith.addf %add3A_1371, %mul3A_1418 : vector<16xf32>
        %get3A_1420 = arith.index_cast %add3A_1349 : i32 to index
        %get3A_1421 = arith.constant 96 : index
        %get3A_1422 = tpu.vector_load %arg8[%get3A_1420, %get3A_1421] {strides = array<i32>} : memref<64x128xf32, #tpu.memory_space<vmem>>, vector<16xf32>,
        %get3A_1423 = arith.index_cast %add3A_1349 : i32 to index
        %get3A_1424 = arith.constant 96 : index
        %get3A_1425 = tpu.vector_load %arg10[%get3A_1423, %get3A_1424] {strides = array<i32>} : memref<64x128xf32, #tpu.memory_space<vmem>>, vector<16xf32>,
        %mul3A_1426 = arith.mulf %get3A_1422, %get3A_1422 : vector<16xf32>
        %add3A_1427 = arith.addf %add3A_1415, %mul3A_1426 : vector<16xf32>
        %mul3A_1428 = arith.mulf %get3A_1422, %get3A_1425 : vector<16xf32>
        %add3A_1429 = arith.addf %add3A_1417, %mul3A_1428 : vector<16xf32>
        %mul3A_1430 = arith.mulf %get3A_1425, %get3A_1425 : vector<16xf32>
        %add3A_1431 = arith.addf %add3A_1383, %mul3A_1430 : vector<16xf32>
        %get3A_1432 = arith.index_cast %add3A_1349 : i32 to index
        %get3A_1433 = arith.constant 112 : index
        %get3A_1434 = tpu.vector_load %arg8[%get3A_1432, %get3A_1433] {strides = array<i32>} : memref<64x128xf32, #tpu.memory_space<vmem>>, vector<16xf32>,
        %get3A_1435 = arith.index_cast %add3A_1349 : i32 to index
        %get3A_1436 = arith.constant 112 : index
        %get3A_1437 = tpu.vector_load %arg10[%get3A_1435, %get3A_1436] {strides = array<i32>} : memref<64x128xf32, #tpu.memory_space<vmem>>, vector<16xf32>,
        %mul3A_1438 = arith.mulf %get3A_1434, %get3A_1434 : vector<16xf32>
        %add3A_1439 = arith.addf %add3A_1427, %mul3A_1438 : vector<16xf32>
        %mul3A_1440 = arith.mulf %get3A_1434, %get3A_1437 : vector<16xf32>
        %add3A_1441 = arith.addf %add3A_1429, %mul3A_1440 : vector<16xf32>
        %mul3A_1442 = arith.mulf %get3A_1437, %get3A_1437 : vector<16xf32>
        %add3A_1443 = arith.addf %add3A_1395, %mul3A_1442 : vector<16xf32>
        %eq3A_1444 = arith.constant 10 : i32
        %eq3A_1445 = vector.broadcast %eq3A_1444 : i32 to vector<16xi32>
        %eq3A_1446 = arith.cmpi eq, %iota3A, %eq3A_1445 : vector<16xi32>
        %reduce_sum3A_1447 = arith.constant true
        %reduce_sum3A_1448 = vector.broadcast %reduce_sum3A_1447 : i1 to vector<16xi1>
        %reduce_sum3A_1449 = tpu.scan <sum>, %add3A_1439 masked %reduce_sum3A_1448 : vector<16xf32>, vector<16xi1> -> vector<16xf32>
        %reduce_sum3A_1450 = vector.extract %reduce_sum3A_1449[15] : f32 from vector<16xf32>
        %broadcast_in_dim3A_1451 = vector.broadcast %reduce_sum3A_1450 : f32 to vector<16xf32>
        %select_n3A_1452 = arith.select %eq3A_1446, %broadcast_in_dim3A_1451, %select_n3A_1341 : vector<16xi1>, vector<16xf32>
        %reduce_sum3A_1453 = arith.constant true
        %reduce_sum3A_1454 = vector.broadcast %reduce_sum3A_1453 : i1 to vector<16xi1>
        %reduce_sum3A_1455 = tpu.scan <sum>, %add3A_1441 masked %reduce_sum3A_1454 : vector<16xf32>, vector<16xi1> -> vector<16xf32>
        %reduce_sum3A_1456 = vector.extract %reduce_sum3A_1455[15] : f32 from vector<16xf32>
        %broadcast_in_dim3A_1457 = vector.broadcast %reduce_sum3A_1456 : f32 to vector<16xf32>
        %select_n3A_1458 = arith.select %eq3A_1446, %broadcast_in_dim3A_1457, %select_n3A_1347 : vector<16xi1>, vector<16xf32>
        %add3A_1459 = arith.constant 11 : i32
        %add3A_1460 = arith.addi %mul3A_245, %add3A_1459 : i32
        %get3A_1461 = arith.index_cast %add3A_1460 : i32 to index
        %get3A_1462 = arith.constant 0 : index
        %get3A_1463 = tpu.vector_load %arg8[%get3A_1461, %get3A_1462] {strides = array<i32>} : memref<64x128xf32, #tpu.memory_space<vmem>>, vector<16xf32>,
        %get3A_1464 = arith.index_cast %add3A_1460 : i32 to index
        %get3A_1465 = arith.constant 0 : index
        %get3A_1466 = tpu.vector_load %arg10[%get3A_1464, %get3A_1465] {strides = array<i32>} : memref<64x128xf32, #tpu.memory_space<vmem>>, vector<16xf32>,
        %mul3A_1467 = arith.mulf %get3A_1463, %get3A_1463 : vector<16xf32>
        %mul3A_1468 = arith.mulf %get3A_1463, %get3A_1466 : vector<16xf32>
        %mul3A_1469 = arith.mulf %get3A_1466, %get3A_1466 : vector<16xf32>
        %add3A_1470 = arith.addf %add3A_1407, %mul3A_1469 : vector<16xf32>
        %get3A_1471 = arith.index_cast %add3A_1460 : i32 to index
        %get3A_1472 = arith.constant 16 : index
        %get3A_1473 = tpu.vector_load %arg8[%get3A_1471, %get3A_1472] {strides = array<i32>} : memref<64x128xf32, #tpu.memory_space<vmem>>, vector<16xf32>,
        %get3A_1474 = arith.index_cast %add3A_1460 : i32 to index
        %get3A_1475 = arith.constant 16 : index
        %get3A_1476 = tpu.vector_load %arg10[%get3A_1474, %get3A_1475] {strides = array<i32>} : memref<64x128xf32, #tpu.memory_space<vmem>>, vector<16xf32>,
        %mul3A_1477 = arith.mulf %get3A_1473, %get3A_1473 : vector<16xf32>
        %add3A_1478 = arith.addf %mul3A_1467, %mul3A_1477 : vector<16xf32>
        %mul3A_1479 = arith.mulf %get3A_1473, %get3A_1476 : vector<16xf32>
        %add3A_1480 = arith.addf %mul3A_1468, %mul3A_1479 : vector<16xf32>
        %mul3A_1481 = arith.mulf %get3A_1476, %get3A_1476 : vector<16xf32>
        %add3A_1482 = arith.addf %add3A_1419, %mul3A_1481 : vector<16xf32>
        %get3A_1483 = arith.index_cast %add3A_1460 : i32 to index
        %get3A_1484 = arith.constant 32 : index
        %get3A_1485 = tpu.vector_load %arg8[%get3A_1483, %get3A_1484] {strides = array<i32>} : memref<64x128xf32, #tpu.memory_space<vmem>>, vector<16xf32>,
        %get3A_1486 = arith.index_cast %add3A_1460 : i32 to index
        %get3A_1487 = arith.constant 32 : index
        %get3A_1488 = tpu.vector_load %arg10[%get3A_1486, %get3A_1487] {strides = array<i32>} : memref<64x128xf32, #tpu.memory_space<vmem>>, vector<16xf32>,
        %mul3A_1489 = arith.mulf %get3A_1485, %get3A_1485 : vector<16xf32>
        %add3A_1490 = arith.addf %add3A_1478, %mul3A_1489 : vector<16xf32>
        %mul3A_1491 = arith.mulf %get3A_1485, %get3A_1488 : vector<16xf32>
        %add3A_1492 = arith.addf %add3A_1480, %mul3A_1491 : vector<16xf32>
        %mul3A_1493 = arith.mulf %get3A_1488, %get3A_1488 : vector<16xf32>
        %add3A_1494 = arith.addf %add3A_1431, %mul3A_1493 : vector<16xf32>
        %get3A_1495 = arith.index_cast %add3A_1460 : i32 to index
        %get3A_1496 = arith.constant 48 : index
        %get3A_1497 = tpu.vector_load %arg8[%get3A_1495, %get3A_1496] {strides = array<i32>} : memref<64x128xf32, #tpu.memory_space<vmem>>, vector<16xf32>,
        %get3A_1498 = arith.index_cast %add3A_1460 : i32 to index
        %get3A_1499 = arith.constant 48 : index
        %get3A_1500 = tpu.vector_load %arg10[%get3A_1498, %get3A_1499] {strides = array<i32>} : memref<64x128xf32, #tpu.memory_space<vmem>>, vector<16xf32>,
        %mul3A_1501 = arith.mulf %get3A_1497, %get3A_1497 : vector<16xf32>
        %add3A_1502 = arith.addf %add3A_1490, %mul3A_1501 : vector<16xf32>
        %mul3A_1503 = arith.mulf %get3A_1497, %get3A_1500 : vector<16xf32>
        %add3A_1504 = arith.addf %add3A_1492, %mul3A_1503 : vector<16xf32>
        %mul3A_1505 = arith.mulf %get3A_1500, %get3A_1500 : vector<16xf32>
        %add3A_1506 = arith.addf %add3A_1443, %mul3A_1505 : vector<16xf32>
        %get3A_1507 = arith.index_cast %add3A_1460 : i32 to index
        %get3A_1508 = arith.constant 64 : index
        %get3A_1509 = tpu.vector_load %arg8[%get3A_1507, %get3A_1508] {strides = array<i32>} : memref<64x128xf32, #tpu.memory_space<vmem>>, vector<16xf32>,
        %get3A_1510 = arith.index_cast %add3A_1460 : i32 to index
        %get3A_1511 = arith.constant 64 : index
        %get3A_1512 = tpu.vector_load %arg10[%get3A_1510, %get3A_1511] {strides = array<i32>} : memref<64x128xf32, #tpu.memory_space<vmem>>, vector<16xf32>,
        %mul3A_1513 = arith.mulf %get3A_1509, %get3A_1509 : vector<16xf32>
        %add3A_1514 = arith.addf %add3A_1502, %mul3A_1513 : vector<16xf32>
        %mul3A_1515 = arith.mulf %get3A_1509, %get3A_1512 : vector<16xf32>
        %add3A_1516 = arith.addf %add3A_1504, %mul3A_1515 : vector<16xf32>
        %mul3A_1517 = arith.mulf %get3A_1512, %get3A_1512 : vector<16xf32>
        %add3A_1518 = arith.addf %add3A_1470, %mul3A_1517 : vector<16xf32>
        %get3A_1519 = arith.index_cast %add3A_1460 : i32 to index
        %get3A_1520 = arith.constant 80 : index
        %get3A_1521 = tpu.vector_load %arg8[%get3A_1519, %get3A_1520] {strides = array<i32>} : memref<64x128xf32, #tpu.memory_space<vmem>>, vector<16xf32>,
        %get3A_1522 = arith.index_cast %add3A_1460 : i32 to index
        %get3A_1523 = arith.constant 80 : index
        %get3A_1524 = tpu.vector_load %arg10[%get3A_1522, %get3A_1523] {strides = array<i32>} : memref<64x128xf32, #tpu.memory_space<vmem>>, vector<16xf32>,
        %mul3A_1525 = arith.mulf %get3A_1521, %get3A_1521 : vector<16xf32>
        %add3A_1526 = arith.addf %add3A_1514, %mul3A_1525 : vector<16xf32>
        %mul3A_1527 = arith.mulf %get3A_1521, %get3A_1524 : vector<16xf32>
        %add3A_1528 = arith.addf %add3A_1516, %mul3A_1527 : vector<16xf32>
        %mul3A_1529 = arith.mulf %get3A_1524, %get3A_1524 : vector<16xf32>
        %add3A_1530 = arith.addf %add3A_1482, %mul3A_1529 : vector<16xf32>
        %get3A_1531 = arith.index_cast %add3A_1460 : i32 to index
        %get3A_1532 = arith.constant 96 : index
        %get3A_1533 = tpu.vector_load %arg8[%get3A_1531, %get3A_1532] {strides = array<i32>} : memref<64x128xf32, #tpu.memory_space<vmem>>, vector<16xf32>,
        %get3A_1534 = arith.index_cast %add3A_1460 : i32 to index
        %get3A_1535 = arith.constant 96 : index
        %get3A_1536 = tpu.vector_load %arg10[%get3A_1534, %get3A_1535] {strides = array<i32>} : memref<64x128xf32, #tpu.memory_space<vmem>>, vector<16xf32>,
        %mul3A_1537 = arith.mulf %get3A_1533, %get3A_1533 : vector<16xf32>
        %add3A_1538 = arith.addf %add3A_1526, %mul3A_1537 : vector<16xf32>
        %mul3A_1539 = arith.mulf %get3A_1533, %get3A_1536 : vector<16xf32>
        %add3A_1540 = arith.addf %add3A_1528, %mul3A_1539 : vector<16xf32>
        %mul3A_1541 = arith.mulf %get3A_1536, %get3A_1536 : vector<16xf32>
        %add3A_1542 = arith.addf %add3A_1494, %mul3A_1541 : vector<16xf32>
        %get3A_1543 = arith.index_cast %add3A_1460 : i32 to index
        %get3A_1544 = arith.constant 112 : index
        %get3A_1545 = tpu.vector_load %arg8[%get3A_1543, %get3A_1544] {strides = array<i32>} : memref<64x128xf32, #tpu.memory_space<vmem>>, vector<16xf32>,
        %get3A_1546 = arith.index_cast %add3A_1460 : i32 to index
        %get3A_1547 = arith.constant 112 : index
        %get3A_1548 = tpu.vector_load %arg10[%get3A_1546, %get3A_1547] {strides = array<i32>} : memref<64x128xf32, #tpu.memory_space<vmem>>, vector<16xf32>,
        %mul3A_1549 = arith.mulf %get3A_1545, %get3A_1545 : vector<16xf32>
        %add3A_1550 = arith.addf %add3A_1538, %mul3A_1549 : vector<16xf32>
        %mul3A_1551 = arith.mulf %get3A_1545, %get3A_1548 : vector<16xf32>
        %add3A_1552 = arith.addf %add3A_1540, %mul3A_1551 : vector<16xf32>
        %mul3A_1553 = arith.mulf %get3A_1548, %get3A_1548 : vector<16xf32>
        %add3A_1554 = arith.addf %add3A_1506, %mul3A_1553 : vector<16xf32>
        %eq3A_1555 = arith.constant 11 : i32
        %eq3A_1556 = vector.broadcast %eq3A_1555 : i32 to vector<16xi32>
        %eq3A_1557 = arith.cmpi eq, %iota3A, %eq3A_1556 : vector<16xi32>
        %reduce_sum3A_1558 = arith.constant true
        %reduce_sum3A_1559 = vector.broadcast %reduce_sum3A_1558 : i1 to vector<16xi1>
        %reduce_sum3A_1560 = tpu.scan <sum>, %add3A_1550 masked %reduce_sum3A_1559 : vector<16xf32>, vector<16xi1> -> vector<16xf32>
        %reduce_sum3A_1561 = vector.extract %reduce_sum3A_1560[15] : f32 from vector<16xf32>
        %broadcast_in_dim3A_1562 = vector.broadcast %reduce_sum3A_1561 : f32 to vector<16xf32>
        %select_n3A_1563 = arith.select %eq3A_1557, %broadcast_in_dim3A_1562, %select_n3A_1452 : vector<16xi1>, vector<16xf32>
        %reduce_sum3A_1564 = arith.constant true
        %reduce_sum3A_1565 = vector.broadcast %reduce_sum3A_1564 : i1 to vector<16xi1>
        %reduce_sum3A_1566 = tpu.scan <sum>, %add3A_1552 masked %reduce_sum3A_1565 : vector<16xf32>, vector<16xi1> -> vector<16xf32>
        %reduce_sum3A_1567 = vector.extract %reduce_sum3A_1566[15] : f32 from vector<16xf32>
        %broadcast_in_dim3A_1568 = vector.broadcast %reduce_sum3A_1567 : f32 to vector<16xf32>
        %select_n3A_1569 = arith.select %eq3A_1557, %broadcast_in_dim3A_1568, %select_n3A_1458 : vector<16xi1>, vector<16xf32>
        %add3A_1570 = arith.constant 12 : i32
        %add3A_1571 = arith.addi %mul3A_245, %add3A_1570 : i32
        %get3A_1572 = arith.index_cast %add3A_1571 : i32 to index
        %get3A_1573 = arith.constant 0 : index
        %get3A_1574 = tpu.vector_load %arg8[%get3A_1572, %get3A_1573] {strides = array<i32>} : memref<64x128xf32, #tpu.memory_space<vmem>>, vector<16xf32>,
        %get3A_1575 = arith.index_cast %add3A_1571 : i32 to index
        %get3A_1576 = arith.constant 0 : index
        %get3A_1577 = tpu.vector_load %arg10[%get3A_1575, %get3A_1576] {strides = array<i32>} : memref<64x128xf32, #tpu.memory_space<vmem>>, vector<16xf32>,
        %mul3A_1578 = arith.mulf %get3A_1574, %get3A_1574 : vector<16xf32>
        %mul3A_1579 = arith.mulf %get3A_1574, %get3A_1577 : vector<16xf32>
        %mul3A_1580 = arith.mulf %get3A_1577, %get3A_1577 : vector<16xf32>
        %add3A_1581 = arith.addf %add3A_1518, %mul3A_1580 : vector<16xf32>
        %get3A_1582 = arith.index_cast %add3A_1571 : i32 to index
        %get3A_1583 = arith.constant 16 : index
        %get3A_1584 = tpu.vector_load %arg8[%get3A_1582, %get3A_1583] {strides = array<i32>} : memref<64x128xf32, #tpu.memory_space<vmem>>, vector<16xf32>,
        %get3A_1585 = arith.index_cast %add3A_1571 : i32 to index
        %get3A_1586 = arith.constant 16 : index
        %get3A_1587 = tpu.vector_load %arg10[%get3A_1585, %get3A_1586] {strides = array<i32>} : memref<64x128xf32, #tpu.memory_space<vmem>>, vector<16xf32>,
        %mul3A_1588 = arith.mulf %get3A_1584, %get3A_1584 : vector<16xf32>
        %add3A_1589 = arith.addf %mul3A_1578, %mul3A_1588 : vector<16xf32>
        %mul3A_1590 = arith.mulf %get3A_1584, %get3A_1587 : vector<16xf32>
        %add3A_1591 = arith.addf %mul3A_1579, %mul3A_1590 : vector<16xf32>
        %mul3A_1592 = arith.mulf %get3A_1587, %get3A_1587 : vector<16xf32>
        %add3A_1593 = arith.addf %add3A_1530, %mul3A_1592 : vector<16xf32>
        %get3A_1594 = arith.index_cast %add3A_1571 : i32 to index
        %get3A_1595 = arith.constant 32 : index
        %get3A_1596 = tpu.vector_load %arg8[%get3A_1594, %get3A_1595] {strides = array<i32>} : memref<64x128xf32, #tpu.memory_space<vmem>>, vector<16xf32>,
        %get3A_1597 = arith.index_cast %add3A_1571 : i32 to index
        %get3A_1598 = arith.constant 32 : index
        %get3A_1599 = tpu.vector_load %arg10[%get3A_1597, %get3A_1598] {strides = array<i32>} : memref<64x128xf32, #tpu.memory_space<vmem>>, vector<16xf32>,
        %mul3A_1600 = arith.mulf %get3A_1596, %get3A_1596 : vector<16xf32>
        %add3A_1601 = arith.addf %add3A_1589, %mul3A_1600 : vector<16xf32>
        %mul3A_1602 = arith.mulf %get3A_1596, %get3A_1599 : vector<16xf32>
        %add3A_1603 = arith.addf %add3A_1591, %mul3A_1602 : vector<16xf32>
        %mul3A_1604 = arith.mulf %get3A_1599, %get3A_1599 : vector<16xf32>
        %add3A_1605 = arith.addf %add3A_1542, %mul3A_1604 : vector<16xf32>
        %get3A_1606 = arith.index_cast %add3A_1571 : i32 to index
        %get3A_1607 = arith.constant 48 : index
        %get3A_1608 = tpu.vector_load %arg8[%get3A_1606, %get3A_1607] {strides = array<i32>} : memref<64x128xf32, #tpu.memory_space<vmem>>, vector<16xf32>,
        %get3A_1609 = arith.index_cast %add3A_1571 : i32 to index
        %get3A_1610 = arith.constant 48 : index
        %get3A_1611 = tpu.vector_load %arg10[%get3A_1609, %get3A_1610] {strides = array<i32>} : memref<64x128xf32, #tpu.memory_space<vmem>>, vector<16xf32>,
        %mul3A_1612 = arith.mulf %get3A_1608, %get3A_1608 : vector<16xf32>
        %add3A_1613 = arith.addf %add3A_1601, %mul3A_1612 : vector<16xf32>
        %mul3A_1614 = arith.mulf %get3A_1608, %get3A_1611 : vector<16xf32>
        %add3A_1615 = arith.addf %add3A_1603, %mul3A_1614 : vector<16xf32>
        %mul3A_1616 = arith.mulf %get3A_1611, %get3A_1611 : vector<16xf32>
        %add3A_1617 = arith.addf %add3A_1554, %mul3A_1616 : vector<16xf32>
        %get3A_1618 = arith.index_cast %add3A_1571 : i32 to index
        %get3A_1619 = arith.constant 64 : index
        %get3A_1620 = tpu.vector_load %arg8[%get3A_1618, %get3A_1619] {strides = array<i32>} : memref<64x128xf32, #tpu.memory_space<vmem>>, vector<16xf32>,
        %get3A_1621 = arith.index_cast %add3A_1571 : i32 to index
        %get3A_1622 = arith.constant 64 : index
        %get3A_1623 = tpu.vector_load %arg10[%get3A_1621, %get3A_1622] {strides = array<i32>} : memref<64x128xf32, #tpu.memory_space<vmem>>, vector<16xf32>,
        %mul3A_1624 = arith.mulf %get3A_1620, %get3A_1620 : vector<16xf32>
        %add3A_1625 = arith.addf %add3A_1613, %mul3A_1624 : vector<16xf32>
        %mul3A_1626 = arith.mulf %get3A_1620, %get3A_1623 : vector<16xf32>
        %add3A_1627 = arith.addf %add3A_1615, %mul3A_1626 : vector<16xf32>
        %mul3A_1628 = arith.mulf %get3A_1623, %get3A_1623 : vector<16xf32>
        %add3A_1629 = arith.addf %add3A_1581, %mul3A_1628 : vector<16xf32>
        %get3A_1630 = arith.index_cast %add3A_1571 : i32 to index
        %get3A_1631 = arith.constant 80 : index
        %get3A_1632 = tpu.vector_load %arg8[%get3A_1630, %get3A_1631] {strides = array<i32>} : memref<64x128xf32, #tpu.memory_space<vmem>>, vector<16xf32>,
        %get3A_1633 = arith.index_cast %add3A_1571 : i32 to index
        %get3A_1634 = arith.constant 80 : index
        %get3A_1635 = tpu.vector_load %arg10[%get3A_1633, %get3A_1634] {strides = array<i32>} : memref<64x128xf32, #tpu.memory_space<vmem>>, vector<16xf32>,
        %mul3A_1636 = arith.mulf %get3A_1632, %get3A_1632 : vector<16xf32>
        %add3A_1637 = arith.addf %add3A_1625, %mul3A_1636 : vector<16xf32>
        %mul3A_1638 = arith.mulf %get3A_1632, %get3A_1635 : vector<16xf32>
        %add3A_1639 = arith.addf %add3A_1627, %mul3A_1638 : vector<16xf32>
        %mul3A_1640 = arith.mulf %get3A_1635, %get3A_1635 : vector<16xf32>
        %add3A_1641 = arith.addf %add3A_1593, %mul3A_1640 : vector<16xf32>
        %get3A_1642 = arith.index_cast %add3A_1571 : i32 to index
        %get3A_1643 = arith.constant 96 : index
        %get3A_1644 = tpu.vector_load %arg8[%get3A_1642, %get3A_1643] {strides = array<i32>} : memref<64x128xf32, #tpu.memory_space<vmem>>, vector<16xf32>,
        %get3A_1645 = arith.index_cast %add3A_1571 : i32 to index
        %get3A_1646 = arith.constant 96 : index
        %get3A_1647 = tpu.vector_load %arg10[%get3A_1645, %get3A_1646] {strides = array<i32>} : memref<64x128xf32, #tpu.memory_space<vmem>>, vector<16xf32>,
        %mul3A_1648 = arith.mulf %get3A_1644, %get3A_1644 : vector<16xf32>
        %add3A_1649 = arith.addf %add3A_1637, %mul3A_1648 : vector<16xf32>
        %mul3A_1650 = arith.mulf %get3A_1644, %get3A_1647 : vector<16xf32>
        %add3A_1651 = arith.addf %add3A_1639, %mul3A_1650 : vector<16xf32>
        %mul3A_1652 = arith.mulf %get3A_1647, %get3A_1647 : vector<16xf32>
        %add3A_1653 = arith.addf %add3A_1605, %mul3A_1652 : vector<16xf32>
        %get3A_1654 = arith.index_cast %add3A_1571 : i32 to index
        %get3A_1655 = arith.constant 112 : index
        %get3A_1656 = tpu.vector_load %arg8[%get3A_1654, %get3A_1655] {strides = array<i32>} : memref<64x128xf32, #tpu.memory_space<vmem>>, vector<16xf32>,
        %get3A_1657 = arith.index_cast %add3A_1571 : i32 to index
        %get3A_1658 = arith.constant 112 : index
        %get3A_1659 = tpu.vector_load %arg10[%get3A_1657, %get3A_1658] {strides = array<i32>} : memref<64x128xf32, #tpu.memory_space<vmem>>, vector<16xf32>,
        %mul3A_1660 = arith.mulf %get3A_1656, %get3A_1656 : vector<16xf32>
        %add3A_1661 = arith.addf %add3A_1649, %mul3A_1660 : vector<16xf32>
        %mul3A_1662 = arith.mulf %get3A_1656, %get3A_1659 : vector<16xf32>
        %add3A_1663 = arith.addf %add3A_1651, %mul3A_1662 : vector<16xf32>
        %mul3A_1664 = arith.mulf %get3A_1659, %get3A_1659 : vector<16xf32>
        %add3A_1665 = arith.addf %add3A_1617, %mul3A_1664 : vector<16xf32>
        %eq3A_1666 = arith.constant 12 : i32
        %eq3A_1667 = vector.broadcast %eq3A_1666 : i32 to vector<16xi32>
        %eq3A_1668 = arith.cmpi eq, %iota3A, %eq3A_1667 : vector<16xi32>
        %reduce_sum3A_1669 = arith.constant true
        %reduce_sum3A_1670 = vector.broadcast %reduce_sum3A_1669 : i1 to vector<16xi1>
        %reduce_sum3A_1671 = tpu.scan <sum>, %add3A_1661 masked %reduce_sum3A_1670 : vector<16xf32>, vector<16xi1> -> vector<16xf32>
        %reduce_sum3A_1672 = vector.extract %reduce_sum3A_1671[15] : f32 from vector<16xf32>
        %broadcast_in_dim3A_1673 = vector.broadcast %reduce_sum3A_1672 : f32 to vector<16xf32>
        %select_n3A_1674 = arith.select %eq3A_1668, %broadcast_in_dim3A_1673, %select_n3A_1563 : vector<16xi1>, vector<16xf32>
        %reduce_sum3A_1675 = arith.constant true
        %reduce_sum3A_1676 = vector.broadcast %reduce_sum3A_1675 : i1 to vector<16xi1>
        %reduce_sum3A_1677 = tpu.scan <sum>, %add3A_1663 masked %reduce_sum3A_1676 : vector<16xf32>, vector<16xi1> -> vector<16xf32>
        %reduce_sum3A_1678 = vector.extract %reduce_sum3A_1677[15] : f32 from vector<16xf32>
        %broadcast_in_dim3A_1679 = vector.broadcast %reduce_sum3A_1678 : f32 to vector<16xf32>
        %select_n3A_1680 = arith.select %eq3A_1668, %broadcast_in_dim3A_1679, %select_n3A_1569 : vector<16xi1>, vector<16xf32>
        %add3A_1681 = arith.constant 13 : i32
        %add3A_1682 = arith.addi %mul3A_245, %add3A_1681 : i32
        %get3A_1683 = arith.index_cast %add3A_1682 : i32 to index
        %get3A_1684 = arith.constant 0 : index
        %get3A_1685 = tpu.vector_load %arg8[%get3A_1683, %get3A_1684] {strides = array<i32>} : memref<64x128xf32, #tpu.memory_space<vmem>>, vector<16xf32>,
        %get3A_1686 = arith.index_cast %add3A_1682 : i32 to index
        %get3A_1687 = arith.constant 0 : index
        %get3A_1688 = tpu.vector_load %arg10[%get3A_1686, %get3A_1687] {strides = array<i32>} : memref<64x128xf32, #tpu.memory_space<vmem>>, vector<16xf32>,
        %mul3A_1689 = arith.mulf %get3A_1685, %get3A_1685 : vector<16xf32>
        %mul3A_1690 = arith.mulf %get3A_1685, %get3A_1688 : vector<16xf32>
        %mul3A_1691 = arith.mulf %get3A_1688, %get3A_1688 : vector<16xf32>
        %add3A_1692 = arith.addf %add3A_1629, %mul3A_1691 : vector<16xf32>
        %get3A_1693 = arith.index_cast %add3A_1682 : i32 to index
        %get3A_1694 = arith.constant 16 : index
        %get3A_1695 = tpu.vector_load %arg8[%get3A_1693, %get3A_1694] {strides = array<i32>} : memref<64x128xf32, #tpu.memory_space<vmem>>, vector<16xf32>,
        %get3A_1696 = arith.index_cast %add3A_1682 : i32 to index
        %get3A_1697 = arith.constant 16 : index
        %get3A_1698 = tpu.vector_load %arg10[%get3A_1696, %get3A_1697] {strides = array<i32>} : memref<64x128xf32, #tpu.memory_space<vmem>>, vector<16xf32>,
        %mul3A_1699 = arith.mulf %get3A_1695, %get3A_1695 : vector<16xf32>
        %add3A_1700 = arith.addf %mul3A_1689, %mul3A_1699 : vector<16xf32>
        %mul3A_1701 = arith.mulf %get3A_1695, %get3A_1698 : vector<16xf32>
        %add3A_1702 = arith.addf %mul3A_1690, %mul3A_1701 : vector<16xf32>
        %mul3A_1703 = arith.mulf %get3A_1698, %get3A_1698 : vector<16xf32>
        %add3A_1704 = arith.addf %add3A_1641, %mul3A_1703 : vector<16xf32>
        %get3A_1705 = arith.index_cast %add3A_1682 : i32 to index
        %get3A_1706 = arith.constant 32 : index
        %get3A_1707 = tpu.vector_load %arg8[%get3A_1705, %get3A_1706] {strides = array<i32>} : memref<64x128xf32, #tpu.memory_space<vmem>>, vector<16xf32>,
        %get3A_1708 = arith.index_cast %add3A_1682 : i32 to index
        %get3A_1709 = arith.constant 32 : index
        %get3A_1710 = tpu.vector_load %arg10[%get3A_1708, %get3A_1709] {strides = array<i32>} : memref<64x128xf32, #tpu.memory_space<vmem>>, vector<16xf32>,
        %mul3A_1711 = arith.mulf %get3A_1707, %get3A_1707 : vector<16xf32>
        %add3A_1712 = arith.addf %add3A_1700, %mul3A_1711 : vector<16xf32>
        %mul3A_1713 = arith.mulf %get3A_1707, %get3A_1710 : vector<16xf32>
        %add3A_1714 = arith.addf %add3A_1702, %mul3A_1713 : vector<16xf32>
        %mul3A_1715 = arith.mulf %get3A_1710, %get3A_1710 : vector<16xf32>
        %add3A_1716 = arith.addf %add3A_1653, %mul3A_1715 : vector<16xf32>
        %get3A_1717 = arith.index_cast %add3A_1682 : i32 to index
        %get3A_1718 = arith.constant 48 : index
        %get3A_1719 = tpu.vector_load %arg8[%get3A_1717, %get3A_1718] {strides = array<i32>} : memref<64x128xf32, #tpu.memory_space<vmem>>, vector<16xf32>,
        %get3A_1720 = arith.index_cast %add3A_1682 : i32 to index
        %get3A_1721 = arith.constant 48 : index
        %get3A_1722 = tpu.vector_load %arg10[%get3A_1720, %get3A_1721] {strides = array<i32>} : memref<64x128xf32, #tpu.memory_space<vmem>>, vector<16xf32>,
        %mul3A_1723 = arith.mulf %get3A_1719, %get3A_1719 : vector<16xf32>
        %add3A_1724 = arith.addf %add3A_1712, %mul3A_1723 : vector<16xf32>
        %mul3A_1725 = arith.mulf %get3A_1719, %get3A_1722 : vector<16xf32>
        %add3A_1726 = arith.addf %add3A_1714, %mul3A_1725 : vector<16xf32>
        %mul3A_1727 = arith.mulf %get3A_1722, %get3A_1722 : vector<16xf32>
        %add3A_1728 = arith.addf %add3A_1665, %mul3A_1727 : vector<16xf32>
        %get3A_1729 = arith.index_cast %add3A_1682 : i32 to index
        %get3A_1730 = arith.constant 64 : index
        %get3A_1731 = tpu.vector_load %arg8[%get3A_1729, %get3A_1730] {strides = array<i32>} : memref<64x128xf32, #tpu.memory_space<vmem>>, vector<16xf32>,
        %get3A_1732 = arith.index_cast %add3A_1682 : i32 to index
        %get3A_1733 = arith.constant 64 : index
        %get3A_1734 = tpu.vector_load %arg10[%get3A_1732, %get3A_1733] {strides = array<i32>} : memref<64x128xf32, #tpu.memory_space<vmem>>, vector<16xf32>,
        %mul3A_1735 = arith.mulf %get3A_1731, %get3A_1731 : vector<16xf32>
        %add3A_1736 = arith.addf %add3A_1724, %mul3A_1735 : vector<16xf32>
        %mul3A_1737 = arith.mulf %get3A_1731, %get3A_1734 : vector<16xf32>
        %add3A_1738 = arith.addf %add3A_1726, %mul3A_1737 : vector<16xf32>
        %mul3A_1739 = arith.mulf %get3A_1734, %get3A_1734 : vector<16xf32>
        %add3A_1740 = arith.addf %add3A_1692, %mul3A_1739 : vector<16xf32>
        %get3A_1741 = arith.index_cast %add3A_1682 : i32 to index
        %get3A_1742 = arith.constant 80 : index
        %get3A_1743 = tpu.vector_load %arg8[%get3A_1741, %get3A_1742] {strides = array<i32>} : memref<64x128xf32, #tpu.memory_space<vmem>>, vector<16xf32>,
        %get3A_1744 = arith.index_cast %add3A_1682 : i32 to index
        %get3A_1745 = arith.constant 80 : index
        %get3A_1746 = tpu.vector_load %arg10[%get3A_1744, %get3A_1745] {strides = array<i32>} : memref<64x128xf32, #tpu.memory_space<vmem>>, vector<16xf32>,
        %mul3A_1747 = arith.mulf %get3A_1743, %get3A_1743 : vector<16xf32>
        %add3A_1748 = arith.addf %add3A_1736, %mul3A_1747 : vector<16xf32>
        %mul3A_1749 = arith.mulf %get3A_1743, %get3A_1746 : vector<16xf32>
        %add3A_1750 = arith.addf %add3A_1738, %mul3A_1749 : vector<16xf32>
        %mul3A_1751 = arith.mulf %get3A_1746, %get3A_1746 : vector<16xf32>
        %add3A_1752 = arith.addf %add3A_1704, %mul3A_1751 : vector<16xf32>
        %get3A_1753 = arith.index_cast %add3A_1682 : i32 to index
        %get3A_1754 = arith.constant 96 : index
        %get3A_1755 = tpu.vector_load %arg8[%get3A_1753, %get3A_1754] {strides = array<i32>} : memref<64x128xf32, #tpu.memory_space<vmem>>, vector<16xf32>,
        %get3A_1756 = arith.index_cast %add3A_1682 : i32 to index
        %get3A_1757 = arith.constant 96 : index
        %get3A_1758 = tpu.vector_load %arg10[%get3A_1756, %get3A_1757] {strides = array<i32>} : memref<64x128xf32, #tpu.memory_space<vmem>>, vector<16xf32>,
        %mul3A_1759 = arith.mulf %get3A_1755, %get3A_1755 : vector<16xf32>
        %add3A_1760 = arith.addf %add3A_1748, %mul3A_1759 : vector<16xf32>
        %mul3A_1761 = arith.mulf %get3A_1755, %get3A_1758 : vector<16xf32>
        %add3A_1762 = arith.addf %add3A_1750, %mul3A_1761 : vector<16xf32>
        %mul3A_1763 = arith.mulf %get3A_1758, %get3A_1758 : vector<16xf32>
        %add3A_1764 = arith.addf %add3A_1716, %mul3A_1763 : vector<16xf32>
        %get3A_1765 = arith.index_cast %add3A_1682 : i32 to index
        %get3A_1766 = arith.constant 112 : index
        %get3A_1767 = tpu.vector_load %arg8[%get3A_1765, %get3A_1766] {strides = array<i32>} : memref<64x128xf32, #tpu.memory_space<vmem>>, vector<16xf32>,
        %get3A_1768 = arith.index_cast %add3A_1682 : i32 to index
        %get3A_1769 = arith.constant 112 : index
        %get3A_1770 = tpu.vector_load %arg10[%get3A_1768, %get3A_1769] {strides = array<i32>} : memref<64x128xf32, #tpu.memory_space<vmem>>, vector<16xf32>,
        %mul3A_1771 = arith.mulf %get3A_1767, %get3A_1767 : vector<16xf32>
        %add3A_1772 = arith.addf %add3A_1760, %mul3A_1771 : vector<16xf32>
        %mul3A_1773 = arith.mulf %get3A_1767, %get3A_1770 : vector<16xf32>
        %add3A_1774 = arith.addf %add3A_1762, %mul3A_1773 : vector<16xf32>
        %mul3A_1775 = arith.mulf %get3A_1770, %get3A_1770 : vector<16xf32>
        %add3A_1776 = arith.addf %add3A_1728, %mul3A_1775 : vector<16xf32>
        %eq3A_1777 = arith.constant 13 : i32
        %eq3A_1778 = vector.broadcast %eq3A_1777 : i32 to vector<16xi32>
        %eq3A_1779 = arith.cmpi eq, %iota3A, %eq3A_1778 : vector<16xi32>
        %reduce_sum3A_1780 = arith.constant true
        %reduce_sum3A_1781 = vector.broadcast %reduce_sum3A_1780 : i1 to vector<16xi1>
        %reduce_sum3A_1782 = tpu.scan <sum>, %add3A_1772 masked %reduce_sum3A_1781 : vector<16xf32>, vector<16xi1> -> vector<16xf32>
        %reduce_sum3A_1783 = vector.extract %reduce_sum3A_1782[15] : f32 from vector<16xf32>
        %broadcast_in_dim3A_1784 = vector.broadcast %reduce_sum3A_1783 : f32 to vector<16xf32>
        %select_n3A_1785 = arith.select %eq3A_1779, %broadcast_in_dim3A_1784, %select_n3A_1674 : vector<16xi1>, vector<16xf32>
        %reduce_sum3A_1786 = arith.constant true
        %reduce_sum3A_1787 = vector.broadcast %reduce_sum3A_1786 : i1 to vector<16xi1>
        %reduce_sum3A_1788 = tpu.scan <sum>, %add3A_1774 masked %reduce_sum3A_1787 : vector<16xf32>, vector<16xi1> -> vector<16xf32>
        %reduce_sum3A_1789 = vector.extract %reduce_sum3A_1788[15] : f32 from vector<16xf32>
        %broadcast_in_dim3A_1790 = vector.broadcast %reduce_sum3A_1789 : f32 to vector<16xf32>
        %select_n3A_1791 = arith.select %eq3A_1779, %broadcast_in_dim3A_1790, %select_n3A_1680 : vector<16xi1>, vector<16xf32>
        %add3A_1792 = arith.constant 14 : i32
        %add3A_1793 = arith.addi %mul3A_245, %add3A_1792 : i32
        %get3A_1794 = arith.index_cast %add3A_1793 : i32 to index
        %get3A_1795 = arith.constant 0 : index
        %get3A_1796 = tpu.vector_load %arg8[%get3A_1794, %get3A_1795] {strides = array<i32>} : memref<64x128xf32, #tpu.memory_space<vmem>>, vector<16xf32>,
        %get3A_1797 = arith.index_cast %add3A_1793 : i32 to index
        %get3A_1798 = arith.constant 0 : index
        %get3A_1799 = tpu.vector_load %arg10[%get3A_1797, %get3A_1798] {strides = array<i32>} : memref<64x128xf32, #tpu.memory_space<vmem>>, vector<16xf32>,
        %mul3A_1800 = arith.mulf %get3A_1796, %get3A_1796 : vector<16xf32>
        %mul3A_1801 = arith.mulf %get3A_1796, %get3A_1799 : vector<16xf32>
        %mul3A_1802 = arith.mulf %get3A_1799, %get3A_1799 : vector<16xf32>
        %add3A_1803 = arith.addf %add3A_1740, %mul3A_1802 : vector<16xf32>
        %get3A_1804 = arith.index_cast %add3A_1793 : i32 to index
        %get3A_1805 = arith.constant 16 : index
        %get3A_1806 = tpu.vector_load %arg8[%get3A_1804, %get3A_1805] {strides = array<i32>} : memref<64x128xf32, #tpu.memory_space<vmem>>, vector<16xf32>,
        %get3A_1807 = arith.index_cast %add3A_1793 : i32 to index
        %get3A_1808 = arith.constant 16 : index
        %get3A_1809 = tpu.vector_load %arg10[%get3A_1807, %get3A_1808] {strides = array<i32>} : memref<64x128xf32, #tpu.memory_space<vmem>>, vector<16xf32>,
        %mul3A_1810 = arith.mulf %get3A_1806, %get3A_1806 : vector<16xf32>
        %add3A_1811 = arith.addf %mul3A_1800, %mul3A_1810 : vector<16xf32>
        %mul3A_1812 = arith.mulf %get3A_1806, %get3A_1809 : vector<16xf32>
        %add3A_1813 = arith.addf %mul3A_1801, %mul3A_1812 : vector<16xf32>
        %mul3A_1814 = arith.mulf %get3A_1809, %get3A_1809 : vector<16xf32>
        %add3A_1815 = arith.addf %add3A_1752, %mul3A_1814 : vector<16xf32>
        %get3A_1816 = arith.index_cast %add3A_1793 : i32 to index
        %get3A_1817 = arith.constant 32 : index
        %get3A_1818 = tpu.vector_load %arg8[%get3A_1816, %get3A_1817] {strides = array<i32>} : memref<64x128xf32, #tpu.memory_space<vmem>>, vector<16xf32>,
        %get3A_1819 = arith.index_cast %add3A_1793 : i32 to index
        %get3A_1820 = arith.constant 32 : index
        %get3A_1821 = tpu.vector_load %arg10[%get3A_1819, %get3A_1820] {strides = array<i32>} : memref<64x128xf32, #tpu.memory_space<vmem>>, vector<16xf32>,
        %mul3A_1822 = arith.mulf %get3A_1818, %get3A_1818 : vector<16xf32>
        %add3A_1823 = arith.addf %add3A_1811, %mul3A_1822 : vector<16xf32>
        %mul3A_1824 = arith.mulf %get3A_1818, %get3A_1821 : vector<16xf32>
        %add3A_1825 = arith.addf %add3A_1813, %mul3A_1824 : vector<16xf32>
        %mul3A_1826 = arith.mulf %get3A_1821, %get3A_1821 : vector<16xf32>
        %add3A_1827 = arith.addf %add3A_1764, %mul3A_1826 : vector<16xf32>
        %get3A_1828 = arith.index_cast %add3A_1793 : i32 to index
        %get3A_1829 = arith.constant 48 : index
        %get3A_1830 = tpu.vector_load %arg8[%get3A_1828, %get3A_1829] {strides = array<i32>} : memref<64x128xf32, #tpu.memory_space<vmem>>, vector<16xf32>,
        %get3A_1831 = arith.index_cast %add3A_1793 : i32 to index
        %get3A_1832 = arith.constant 48 : index
        %get3A_1833 = tpu.vector_load %arg10[%get3A_1831, %get3A_1832] {strides = array<i32>} : memref<64x128xf32, #tpu.memory_space<vmem>>, vector<16xf32>,
        %mul3A_1834 = arith.mulf %get3A_1830, %get3A_1830 : vector<16xf32>
        %add3A_1835 = arith.addf %add3A_1823, %mul3A_1834 : vector<16xf32>
        %mul3A_1836 = arith.mulf %get3A_1830, %get3A_1833 : vector<16xf32>
        %add3A_1837 = arith.addf %add3A_1825, %mul3A_1836 : vector<16xf32>
        %mul3A_1838 = arith.mulf %get3A_1833, %get3A_1833 : vector<16xf32>
        %add3A_1839 = arith.addf %add3A_1776, %mul3A_1838 : vector<16xf32>
        %get3A_1840 = arith.index_cast %add3A_1793 : i32 to index
        %get3A_1841 = arith.constant 64 : index
        %get3A_1842 = tpu.vector_load %arg8[%get3A_1840, %get3A_1841] {strides = array<i32>} : memref<64x128xf32, #tpu.memory_space<vmem>>, vector<16xf32>,
        %get3A_1843 = arith.index_cast %add3A_1793 : i32 to index
        %get3A_1844 = arith.constant 64 : index
        %get3A_1845 = tpu.vector_load %arg10[%get3A_1843, %get3A_1844] {strides = array<i32>} : memref<64x128xf32, #tpu.memory_space<vmem>>, vector<16xf32>,
        %mul3A_1846 = arith.mulf %get3A_1842, %get3A_1842 : vector<16xf32>
        %add3A_1847 = arith.addf %add3A_1835, %mul3A_1846 : vector<16xf32>
        %mul3A_1848 = arith.mulf %get3A_1842, %get3A_1845 : vector<16xf32>
        %add3A_1849 = arith.addf %add3A_1837, %mul3A_1848 : vector<16xf32>
        %mul3A_1850 = arith.mulf %get3A_1845, %get3A_1845 : vector<16xf32>
        %add3A_1851 = arith.addf %add3A_1803, %mul3A_1850 : vector<16xf32>
        %get3A_1852 = arith.index_cast %add3A_1793 : i32 to index
        %get3A_1853 = arith.constant 80 : index
        %get3A_1854 = tpu.vector_load %arg8[%get3A_1852, %get3A_1853] {strides = array<i32>} : memref<64x128xf32, #tpu.memory_space<vmem>>, vector<16xf32>,
        %get3A_1855 = arith.index_cast %add3A_1793 : i32 to index
        %get3A_1856 = arith.constant 80 : index
        %get3A_1857 = tpu.vector_load %arg10[%get3A_1855, %get3A_1856] {strides = array<i32>} : memref<64x128xf32, #tpu.memory_space<vmem>>, vector<16xf32>,
        %mul3A_1858 = arith.mulf %get3A_1854, %get3A_1854 : vector<16xf32>
        %add3A_1859 = arith.addf %add3A_1847, %mul3A_1858 : vector<16xf32>
        %mul3A_1860 = arith.mulf %get3A_1854, %get3A_1857 : vector<16xf32>
        %add3A_1861 = arith.addf %add3A_1849, %mul3A_1860 : vector<16xf32>
        %mul3A_1862 = arith.mulf %get3A_1857, %get3A_1857 : vector<16xf32>
        %add3A_1863 = arith.addf %add3A_1815, %mul3A_1862 : vector<16xf32>
        %get3A_1864 = arith.index_cast %add3A_1793 : i32 to index
        %get3A_1865 = arith.constant 96 : index
        %get3A_1866 = tpu.vector_load %arg8[%get3A_1864, %get3A_1865] {strides = array<i32>} : memref<64x128xf32, #tpu.memory_space<vmem>>, vector<16xf32>,
        %get3A_1867 = arith.index_cast %add3A_1793 : i32 to index
        %get3A_1868 = arith.constant 96 : index
        %get3A_1869 = tpu.vector_load %arg10[%get3A_1867, %get3A_1868] {strides = array<i32>} : memref<64x128xf32, #tpu.memory_space<vmem>>, vector<16xf32>,
        %mul3A_1870 = arith.mulf %get3A_1866, %get3A_1866 : vector<16xf32>
        %add3A_1871 = arith.addf %add3A_1859, %mul3A_1870 : vector<16xf32>
        %mul3A_1872 = arith.mulf %get3A_1866, %get3A_1869 : vector<16xf32>
        %add3A_1873 = arith.addf %add3A_1861, %mul3A_1872 : vector<16xf32>
        %mul3A_1874 = arith.mulf %get3A_1869, %get3A_1869 : vector<16xf32>
        %add3A_1875 = arith.addf %add3A_1827, %mul3A_1874 : vector<16xf32>
        %get3A_1876 = arith.index_cast %add3A_1793 : i32 to index
        %get3A_1877 = arith.constant 112 : index
        %get3A_1878 = tpu.vector_load %arg8[%get3A_1876, %get3A_1877] {strides = array<i32>} : memref<64x128xf32, #tpu.memory_space<vmem>>, vector<16xf32>,
        %get3A_1879 = arith.index_cast %add3A_1793 : i32 to index
        %get3A_1880 = arith.constant 112 : index
        %get3A_1881 = tpu.vector_load %arg10[%get3A_1879, %get3A_1880] {strides = array<i32>} : memref<64x128xf32, #tpu.memory_space<vmem>>, vector<16xf32>,
        %mul3A_1882 = arith.mulf %get3A_1878, %get3A_1878 : vector<16xf32>
        %add3A_1883 = arith.addf %add3A_1871, %mul3A_1882 : vector<16xf32>
        %mul3A_1884 = arith.mulf %get3A_1878, %get3A_1881 : vector<16xf32>
        %add3A_1885 = arith.addf %add3A_1873, %mul3A_1884 : vector<16xf32>
        %mul3A_1886 = arith.mulf %get3A_1881, %get3A_1881 : vector<16xf32>
        %add3A_1887 = arith.addf %add3A_1839, %mul3A_1886 : vector<16xf32>
        %eq3A_1888 = arith.constant 14 : i32
        %eq3A_1889 = vector.broadcast %eq3A_1888 : i32 to vector<16xi32>
        %eq3A_1890 = arith.cmpi eq, %iota3A, %eq3A_1889 : vector<16xi32>
        %reduce_sum3A_1891 = arith.constant true
        %reduce_sum3A_1892 = vector.broadcast %reduce_sum3A_1891 : i1 to vector<16xi1>
        %reduce_sum3A_1893 = tpu.scan <sum>, %add3A_1883 masked %reduce_sum3A_1892 : vector<16xf32>, vector<16xi1> -> vector<16xf32>
        %reduce_sum3A_1894 = vector.extract %reduce_sum3A_1893[15] : f32 from vector<16xf32>
        %broadcast_in_dim3A_1895 = vector.broadcast %reduce_sum3A_1894 : f32 to vector<16xf32>
        %select_n3A_1896 = arith.select %eq3A_1890, %broadcast_in_dim3A_1895, %select_n3A_1785 : vector<16xi1>, vector<16xf32>
        %reduce_sum3A_1897 = arith.constant true
        %reduce_sum3A_1898 = vector.broadcast %reduce_sum3A_1897 : i1 to vector<16xi1>
        %reduce_sum3A_1899 = tpu.scan <sum>, %add3A_1885 masked %reduce_sum3A_1898 : vector<16xf32>, vector<16xi1> -> vector<16xf32>
        %reduce_sum3A_1900 = vector.extract %reduce_sum3A_1899[15] : f32 from vector<16xf32>
        %broadcast_in_dim3A_1901 = vector.broadcast %reduce_sum3A_1900 : f32 to vector<16xf32>
        %select_n3A_1902 = arith.select %eq3A_1890, %broadcast_in_dim3A_1901, %select_n3A_1791 : vector<16xi1>, vector<16xf32>
        %add3A_1903 = arith.constant 15 : i32
        %add3A_1904 = arith.addi %mul3A_245, %add3A_1903 : i32
        %get3A_1905 = arith.index_cast %add3A_1904 : i32 to index
        %get3A_1906 = arith.constant 0 : index
        %get3A_1907 = tpu.vector_load %arg8[%get3A_1905, %get3A_1906] {strides = array<i32>} : memref<64x128xf32, #tpu.memory_space<vmem>>, vector<16xf32>,
        %get3A_1908 = arith.index_cast %add3A_1904 : i32 to index
        %get3A_1909 = arith.constant 0 : index
        %get3A_1910 = tpu.vector_load %arg10[%get3A_1908, %get3A_1909] {strides = array<i32>} : memref<64x128xf32, #tpu.memory_space<vmem>>, vector<16xf32>,
        %mul3A_1911 = arith.mulf %get3A_1907, %get3A_1907 : vector<16xf32>
        %mul3A_1912 = arith.mulf %get3A_1907, %get3A_1910 : vector<16xf32>
        %mul3A_1913 = arith.mulf %get3A_1910, %get3A_1910 : vector<16xf32>
        %add3A_1914 = arith.addf %add3A_1851, %mul3A_1913 : vector<16xf32>
        %get3A_1915 = arith.index_cast %add3A_1904 : i32 to index
        %get3A_1916 = arith.constant 16 : index
        %get3A_1917 = tpu.vector_load %arg8[%get3A_1915, %get3A_1916] {strides = array<i32>} : memref<64x128xf32, #tpu.memory_space<vmem>>, vector<16xf32>,
        %get3A_1918 = arith.index_cast %add3A_1904 : i32 to index
        %get3A_1919 = arith.constant 16 : index
        %get3A_1920 = tpu.vector_load %arg10[%get3A_1918, %get3A_1919] {strides = array<i32>} : memref<64x128xf32, #tpu.memory_space<vmem>>, vector<16xf32>,
        %mul3A_1921 = arith.mulf %get3A_1917, %get3A_1917 : vector<16xf32>
        %add3A_1922 = arith.addf %mul3A_1911, %mul3A_1921 : vector<16xf32>
        %mul3A_1923 = arith.mulf %get3A_1917, %get3A_1920 : vector<16xf32>
        %add3A_1924 = arith.addf %mul3A_1912, %mul3A_1923 : vector<16xf32>
        %mul3A_1925 = arith.mulf %get3A_1920, %get3A_1920 : vector<16xf32>
        %add3A_1926 = arith.addf %add3A_1863, %mul3A_1925 : vector<16xf32>
        %get3A_1927 = arith.index_cast %add3A_1904 : i32 to index
        %get3A_1928 = arith.constant 32 : index
        %get3A_1929 = tpu.vector_load %arg8[%get3A_1927, %get3A_1928] {strides = array<i32>} : memref<64x128xf32, #tpu.memory_space<vmem>>, vector<16xf32>,
        %get3A_1930 = arith.index_cast %add3A_1904 : i32 to index
        %get3A_1931 = arith.constant 32 : index
        %get3A_1932 = tpu.vector_load %arg10[%get3A_1930, %get3A_1931] {strides = array<i32>} : memref<64x128xf32, #tpu.memory_space<vmem>>, vector<16xf32>,
        %mul3A_1933 = arith.mulf %get3A_1929, %get3A_1929 : vector<16xf32>
        %add3A_1934 = arith.addf %add3A_1922, %mul3A_1933 : vector<16xf32>
        %mul3A_1935 = arith.mulf %get3A_1929, %get3A_1932 : vector<16xf32>
        %add3A_1936 = arith.addf %add3A_1924, %mul3A_1935 : vector<16xf32>
        %mul3A_1937 = arith.mulf %get3A_1932, %get3A_1932 : vector<16xf32>
        %add3A_1938 = arith.addf %add3A_1875, %mul3A_1937 : vector<16xf32>
        %get3A_1939 = arith.index_cast %add3A_1904 : i32 to index
        %get3A_1940 = arith.constant 48 : index
        %get3A_1941 = tpu.vector_load %arg8[%get3A_1939, %get3A_1940] {strides = array<i32>} : memref<64x128xf32, #tpu.memory_space<vmem>>, vector<16xf32>,
        %get3A_1942 = arith.index_cast %add3A_1904 : i32 to index
        %get3A_1943 = arith.constant 48 : index
        %get3A_1944 = tpu.vector_load %arg10[%get3A_1942, %get3A_1943] {strides = array<i32>} : memref<64x128xf32, #tpu.memory_space<vmem>>, vector<16xf32>,
        %mul3A_1945 = arith.mulf %get3A_1941, %get3A_1941 : vector<16xf32>
        %add3A_1946 = arith.addf %add3A_1934, %mul3A_1945 : vector<16xf32>
        %mul3A_1947 = arith.mulf %get3A_1941, %get3A_1944 : vector<16xf32>
        %add3A_1948 = arith.addf %add3A_1936, %mul3A_1947 : vector<16xf32>
        %mul3A_1949 = arith.mulf %get3A_1944, %get3A_1944 : vector<16xf32>
        %add3A_1950 = arith.addf %add3A_1887, %mul3A_1949 : vector<16xf32>
        %get3A_1951 = arith.index_cast %add3A_1904 : i32 to index
        %get3A_1952 = arith.constant 64 : index
        %get3A_1953 = tpu.vector_load %arg8[%get3A_1951, %get3A_1952] {strides = array<i32>} : memref<64x128xf32, #tpu.memory_space<vmem>>, vector<16xf32>,
        %get3A_1954 = arith.index_cast %add3A_1904 : i32 to index
        %get3A_1955 = arith.constant 64 : index
        %get3A_1956 = tpu.vector_load %arg10[%get3A_1954, %get3A_1955] {strides = array<i32>} : memref<64x128xf32, #tpu.memory_space<vmem>>, vector<16xf32>,
        %mul3A_1957 = arith.mulf %get3A_1953, %get3A_1953 : vector<16xf32>
        %add3A_1958 = arith.addf %add3A_1946, %mul3A_1957 : vector<16xf32>
        %mul3A_1959 = arith.mulf %get3A_1953, %get3A_1956 : vector<16xf32>
        %add3A_1960 = arith.addf %add3A_1948, %mul3A_1959 : vector<16xf32>
        %mul3A_1961 = arith.mulf %get3A_1956, %get3A_1956 : vector<16xf32>
        %add3A_1962 = arith.addf %add3A_1914, %mul3A_1961 : vector<16xf32>
        %get3A_1963 = arith.index_cast %add3A_1904 : i32 to index
        %get3A_1964 = arith.constant 80 : index
        %get3A_1965 = tpu.vector_load %arg8[%get3A_1963, %get3A_1964] {strides = array<i32>} : memref<64x128xf32, #tpu.memory_space<vmem>>, vector<16xf32>,
        %get3A_1966 = arith.index_cast %add3A_1904 : i32 to index
        %get3A_1967 = arith.constant 80 : index
        %get3A_1968 = tpu.vector_load %arg10[%get3A_1966, %get3A_1967] {strides = array<i32>} : memref<64x128xf32, #tpu.memory_space<vmem>>, vector<16xf32>,
        %mul3A_1969 = arith.mulf %get3A_1965, %get3A_1965 : vector<16xf32>
        %add3A_1970 = arith.addf %add3A_1958, %mul3A_1969 : vector<16xf32>
        %mul3A_1971 = arith.mulf %get3A_1965, %get3A_1968 : vector<16xf32>
        %add3A_1972 = arith.addf %add3A_1960, %mul3A_1971 : vector<16xf32>
        %mul3A_1973 = arith.mulf %get3A_1968, %get3A_1968 : vector<16xf32>
        %add3A_1974 = arith.addf %add3A_1926, %mul3A_1973 : vector<16xf32>
        %get3A_1975 = arith.index_cast %add3A_1904 : i32 to index
        %get3A_1976 = arith.constant 96 : index
        %get3A_1977 = tpu.vector_load %arg8[%get3A_1975, %get3A_1976] {strides = array<i32>} : memref<64x128xf32, #tpu.memory_space<vmem>>, vector<16xf32>,
        %get3A_1978 = arith.index_cast %add3A_1904 : i32 to index
        %get3A_1979 = arith.constant 96 : index
        %get3A_1980 = tpu.vector_load %arg10[%get3A_1978, %get3A_1979] {strides = array<i32>} : memref<64x128xf32, #tpu.memory_space<vmem>>, vector<16xf32>,
        %mul3A_1981 = arith.mulf %get3A_1977, %get3A_1977 : vector<16xf32>
        %add3A_1982 = arith.addf %add3A_1970, %mul3A_1981 : vector<16xf32>
        %mul3A_1983 = arith.mulf %get3A_1977, %get3A_1980 : vector<16xf32>
        %add3A_1984 = arith.addf %add3A_1972, %mul3A_1983 : vector<16xf32>
        %mul3A_1985 = arith.mulf %get3A_1980, %get3A_1980 : vector<16xf32>
        %add3A_1986 = arith.addf %add3A_1938, %mul3A_1985 : vector<16xf32>
        %get3A_1987 = arith.index_cast %add3A_1904 : i32 to index
        %get3A_1988 = arith.constant 112 : index
        %get3A_1989 = tpu.vector_load %arg8[%get3A_1987, %get3A_1988] {strides = array<i32>} : memref<64x128xf32, #tpu.memory_space<vmem>>, vector<16xf32>,
        %get3A_1990 = arith.index_cast %add3A_1904 : i32 to index
        %get3A_1991 = arith.constant 112 : index
        %get3A_1992 = tpu.vector_load %arg10[%get3A_1990, %get3A_1991] {strides = array<i32>} : memref<64x128xf32, #tpu.memory_space<vmem>>, vector<16xf32>,
        %mul3A_1993 = arith.mulf %get3A_1989, %get3A_1989 : vector<16xf32>
        %add3A_1994 = arith.addf %add3A_1982, %mul3A_1993 : vector<16xf32>
        %mul3A_1995 = arith.mulf %get3A_1989, %get3A_1992 : vector<16xf32>
        %add3A_1996 = arith.addf %add3A_1984, %mul3A_1995 : vector<16xf32>
        %mul3A_1997 = arith.mulf %get3A_1992, %get3A_1992 : vector<16xf32>
        %add3A_1998 = arith.addf %add3A_1950, %mul3A_1997 : vector<16xf32>
        %eq3A_1999 = arith.constant 15 : i32
        %eq3A_2000 = vector.broadcast %eq3A_1999 : i32 to vector<16xi32>
        %eq3A_2001 = arith.cmpi eq, %iota3A, %eq3A_2000 : vector<16xi32>
        %reduce_sum3A_2002 = arith.constant true
        %reduce_sum3A_2003 = vector.broadcast %reduce_sum3A_2002 : i1 to vector<16xi1>
        %reduce_sum3A_2004 = tpu.scan <sum>, %add3A_1994 masked %reduce_sum3A_2003 : vector<16xf32>, vector<16xi1> -> vector<16xf32>
        %reduce_sum3A_2005 = vector.extract %reduce_sum3A_2004[15] : f32 from vector<16xf32>
        %broadcast_in_dim3A_2006 = vector.broadcast %reduce_sum3A_2005 : f32 to vector<16xf32>
        %select_n3A_2007 = arith.select %eq3A_2001, %broadcast_in_dim3A_2006, %select_n3A_1896 : vector<16xi1>, vector<16xf32>
        %reduce_sum3A_2008 = arith.constant true
        %reduce_sum3A_2009 = vector.broadcast %reduce_sum3A_2008 : i1 to vector<16xi1>
        %reduce_sum3A_2010 = tpu.scan <sum>, %add3A_1996 masked %reduce_sum3A_2009 : vector<16xf32>, vector<16xi1> -> vector<16xf32>
        %reduce_sum3A_2011 = vector.extract %reduce_sum3A_2010[15] : f32 from vector<16xf32>
        %broadcast_in_dim3A_2012 = vector.broadcast %reduce_sum3A_2011 : f32 to vector<16xf32>
        %select_n3A_2013 = arith.select %eq3A_2001, %broadcast_in_dim3A_2012, %select_n3A_1902 : vector<16xi1>, vector<16xf32>
        %add3A_2014 = arith.addf %add3A_1962, %add3A_1974 : vector<16xf32>
        %add3A_2015 = arith.addf %scan3A_243, %add3A_2014 : vector<16xf32>
        %add3A_2016 = arith.addf %add3A_1986, %add3A_1998 : vector<16xf32>
        %add3A_2017 = arith.addf %add3A_2015, %add3A_2016 : vector<16xf32>
        %bitcast3A = vector.bitcast %select_n3A_2007 : vector<16xf32> to vector<16xi32>
        %shift_right_arithmetic3A = arith.constant 1 : i32
        %shift_right_arithmetic3A_2018 = vector.broadcast %shift_right_arithmetic3A : i32 to vector<16xi32>
        %shift_right_arithmetic3A_2019 = arith.shrsi %bitcast3A, %shift_right_arithmetic3A_2018 : vector<16xi32>
        %sub3A = arith.constant 1597463007 : i32
        %sub3A_2020 = vector.broadcast %sub3A : i32 to vector<16xi32>
        %sub3A_2021 = arith.subi %sub3A_2020, %shift_right_arithmetic3A_2019 : vector<16xi32>
        %bitcast3A_2022 = vector.bitcast %sub3A_2021 : vector<16xi32> to vector<16xf32>
        %mul3A_2023 = arith.constant 5.000000e-01 : f32
        %mul3A_2024 = vector.broadcast %mul3A_2023 : f32 to vector<16xf32>
        %mul3A_2025 = arith.mulf %mul3A_2024, %select_n3A_2007 : vector<16xf32>
        %mul3A_2026 = arith.mulf %mul3A_2025, %bitcast3A_2022 : vector<16xf32>
        %mul3A_2027 = arith.mulf %mul3A_2026, %bitcast3A_2022 : vector<16xf32>
        %sub3A_2028 = arith.constant 1.500000e+00 : f32
        %sub3A_2029 = vector.broadcast %sub3A_2028 : f32 to vector<16xf32>
        %sub3A_2030 = arith.subf %sub3A_2029, %mul3A_2027 : vector<16xf32>
        %mul3A_2031 = arith.mulf %bitcast3A_2022, %sub3A_2030 : vector<16xf32>
        %mul3A_2032 = arith.constant 5.000000e-01 : f32
        %mul3A_2033 = vector.broadcast %mul3A_2032 : f32 to vector<16xf32>
        %mul3A_2034 = arith.mulf %mul3A_2033, %select_n3A_2007 : vector<16xf32>
        %mul3A_2035 = arith.mulf %mul3A_2034, %mul3A_2031 : vector<16xf32>
        %mul3A_2036 = arith.mulf %mul3A_2035, %mul3A_2031 : vector<16xf32>
        %sub3A_2037 = arith.constant 1.500000e+00 : f32
        %sub3A_2038 = vector.broadcast %sub3A_2037 : f32 to vector<16xf32>
        %sub3A_2039 = arith.subf %sub3A_2038, %mul3A_2036 : vector<16xf32>
        %mul3A_2040 = arith.mulf %mul3A_2031, %sub3A_2039 : vector<16xf32>
        %mul3A_2041 = arith.constant 5.000000e-01 : f32
        %mul3A_2042 = vector.broadcast %mul3A_2041 : f32 to vector<16xf32>
        %mul3A_2043 = arith.mulf %mul3A_2042, %select_n3A_2007 : vector<16xf32>
        %mul3A_2044 = arith.mulf %mul3A_2043, %mul3A_2040 : vector<16xf32>
        %mul3A_2045 = arith.mulf %mul3A_2044, %mul3A_2040 : vector<16xf32>
        %sub3A_2046 = arith.constant 1.500000e+00 : f32
        %sub3A_2047 = vector.broadcast %sub3A_2046 : f32 to vector<16xf32>
        %sub3A_2048 = arith.subf %sub3A_2047, %mul3A_2045 : vector<16xf32>
        %mul3A_2049 = arith.mulf %mul3A_2040, %sub3A_2048 : vector<16xf32>
        %min3A = arith.constant 9.99999995E+11 : f32
        %min3A_2050 = vector.broadcast %min3A : f32 to vector<16xf32>
        %min3A_2051 = arith.minimumf %mul3A_2049, %min3A_2050 : vector<16xf32>
        %mul3A_2052 = arith.mulf %select_n3A_2007, %min3A_2051 : vector<16xf32>
        %mul3A_2053 = arith.mulf %mul3A_2052, %min3A_2051 : vector<16xf32>
        %add3A_2054 = arith.addf %scan3A_242, %mul3A_2053 : vector<16xf32>
        %mul3A_2055 = arith.constant 2.000000e+00 : f32
        %mul3A_2056 = vector.broadcast %mul3A_2055 : f32 to vector<16xf32>
        %mul3A_2057 = arith.mulf %mul3A_2056, %select_n3A_2013 : vector<16xf32>
        %mul3A_2058 = arith.mulf %mul3A_2057, %min3A_2051 : vector<16xf32>
        %sub3A_2059 = arith.subf %add3A_2054, %mul3A_2058 : vector<16xf32>
        scf.yield %sub3A_2059, %add3A_2017 : vector<16xf32>, vector<16xf32>
      }
      %scan3A_240 = arith.constant 4 : i32
      scf.yield %scan3A_239#0, %scan3A_239#1 : vector<16xf32>, vector<16xf32>
    }
    %scan3A_179 = arith.constant 4 : i32
    %add3A_180 = arith.addf %scan3A_178#0, %scan3A_178#1 : vector<16xf32>
    %mul3A_181 = arith.constant 3.05175781E-5 : f32
    %mul3A_182 = vector.broadcast %mul3A_181 : f32 to vector<16xf32>
    %mul3A_183 = arith.mulf %add3A_180, %mul3A_182 : vector<16xf32>
    %swap3A = arith.constant 0 : index
    %swap3A_184 = tpu.vector_load %arg11[%swap3A] {strides = array<i32>} : memref<16xf32, #tpu.memory_space<vmem>>, vector<16xf32>,
    tpu.vector_store %arg11[%swap3A], %mul3A_183 {strides = array<i32>} : memref<16xf32, #tpu.memory_space<vmem>>, vector<16xf32>,
    "tpu.region"() ({
      %run_scoped3A = tpu.sem_alloc : memref<!tpu.dma_semaphore, #tpu.memory_space<semaphore_mem>>
      %dma_start3A_185 = arith.constant 0 : i32
      %dma_start3A_186 = tpu.memref_slice %arg5[%add3A, %dma_start3A_185] : memref<32x16xf32, #tpu.memory_space<hbm>> -> memref<1x16xf32, #tpu.memory_space<hbm>>
      %dma_start3A_187 = tpu.memref_squeeze %dma_start3A_186 : memref<1x16xf32, #tpu.memory_space<hbm>> -> memref<16xf32, #tpu.memory_space<hbm>>
      %dma_start3A_188 = arith.constant 0 : i32
      %dma_start3A_189 = tpu.memref_slice %arg5[%add3A, %dma_start3A_188] : memref<32x16xf32, #tpu.memory_space<hbm>> -> memref<1x16xf32, #tpu.memory_space<hbm>>
      %dma_start3A_190 = tpu.memref_squeeze %dma_start3A_189 : memref<1x16xf32, #tpu.memory_space<hbm>> -> memref<16xf32, #tpu.memory_space<hbm>>
      tpu.enqueue_dma source(%arg11 : memref<16xf32, #tpu.memory_space<vmem>>) target(%dma_start3A_190 : memref<16xf32, #tpu.memory_space<hbm>>) target_semaphore(%run_scoped3A : memref<!tpu.dma_semaphore, #tpu.memory_space<semaphore_mem>>)
      %dma_wait3A_191 = arith.constant 0 : i32
      %dma_wait3A_192 = tpu.memref_slice %arg5[%add3A, %dma_wait3A_191] : memref<32x16xf32, #tpu.memory_space<hbm>> -> memref<1x16xf32, #tpu.memory_space<hbm>>
      %dma_wait3A_193 = tpu.memref_squeeze %dma_wait3A_192 : memref<1x16xf32, #tpu.memory_space<hbm>> -> memref<16xf32, #tpu.memory_space<hbm>>
      %dma_wait3A_194 = arith.constant 0 : i32
      %dma_wait3A_195 = tpu.memref_slice %arg5[%add3A, %dma_wait3A_194] : memref<32x16xf32, #tpu.memory_space<hbm>> -> memref<1x16xf32, #tpu.memory_space<hbm>>
      %dma_wait3A_196 = tpu.memref_squeeze %dma_wait3A_195 : memref<1x16xf32, #tpu.memory_space<hbm>> -> memref<16xf32, #tpu.memory_space<hbm>>
      tpu.wait_dma2 semaphore(%run_scoped3A : memref<!tpu.dma_semaphore, #tpu.memory_space<semaphore_mem>>) src(%arg11 : memref<16xf32, #tpu.memory_space<vmem>>) dst(%dma_wait3A_196 : memref<16xf32, #tpu.memory_space<hbm>>)
      tpu.yield
    }) : () -> ()
    return
  }
}

</mosaic_0001>

<sc_bundles>
// kernel: kernel.3.cloned.1.call-start
scs
__scs_entry_jumppad:
0x0: {  	(pc) =	sbr.rel $0x88, $3  }
0x1: {  	(tag) =	ssettag $0x0;
	lr =	simm.s32 $0x1  }
0x2: {  	[smem:$0x3F9E] =	sst lr;
	_ =	strace $0xD0000000  }
0x3: {  	_ = 	snop  }
0x4: {  	_ = 	snop  }
0x5: {  	_ = 	snop  }
0x6: {  	_ = 	snop  }
0x7: {  	_ = 	snop  }
__scs_overlays_trampoline_lowered:
0x8: {  	[smem:$0x3FAD] =	sst s0  }
0x9: {  	[smem:$0x3FAE] =	sst s1  }
0xa: {  	[smem:$0x3FAF] =	sst s2  }
0xb: {  	[smem:$0x3FB0] =	sst s3  }
0xc: {  	[smem:$0x3FB1] =	sst s4  }
0xd: {  	[smem:$0x3FB2] =	sst s5  }
0xe: {  	[smem:$0x3FB3] =	sst s6  }
0xf: {  	[smem:$0x3FB4] =	sst s7  }
0x10: {  	[smem:$0x3FB5] =	sst s8  }
0x11: {  	[smem:$0x3FB6] =	sst s9;
	s0 =	simm.s32 @!p0 $0x0  }
0x12: {  	s1 =	sld [smem:$0x3F9C];
	s0 =	simm.s32 @p0 $0x1  }
0x13: {  	[smem:$0x3FB7] =	sst s0;
	s0 =	simm.s32 @!p1 $0x0  }
0x14: {  	s2 =	sld [smem:$0x3F9B];
	s0 =	simm.s32 @p1 $0x1  }
0x15: {  	[smem:$0x3FB8] =	sst s0;
	s0 =	simm.s32 @!p2 $0x0  }
0x16: {  	s3 =	sld [smem:$0x3FDB];
	s0 =	simm.s32 @p2 $0x1  }
0x17: {  	s4 =	simm.s32 $0x1BF5;
	[smem:$0x3FBA] =	sst s0  }
0x18: {  	s0 =	sld [smem:$0x3F9D];
	_ =	swait.ge [sflag:s4], $0x0  }
0x19: {  	s7 =	sld [smem:$0x3F9E]  }
0x1a: {  	s8 =	sadd.s32 $0xFFFFE003, lr  }
0x1b: {  	s9 =	sadd.s32 $0xFFFFFEF7, lr;
	s5 =	simm.s32 $0xFFFFFFFF;
	p2 =	slt.u32 s8, $0xFFFFF086  }
0x1c: {  	p1 =	slt.u32 s9, $0xF7A;
	s5 =	simm.s32 @!p2 $0x0  }
0x1d: {  	s5 =	simm.s32 @p1 $0x1;
	p0 =	seq.s32 s7, s2  }
0x1e: {  	s7 =	smul.u32 @!p0 $0xF7A, s2;
	p2 =	seq.s32 @!p0 s5, $0x0  }
0x1f: {  	s9 =	smul.u32 $0xF7A, s1;
	s8 =	simm.s32 @!p0 $0x1BF5;
	p2 =	por !p2, p0  }
0x20: {  	[sflag:s8] =	ssyncset.s32 @!p0 $0xFFFFF086;
	s6 =	sadd.s32 @!p0 s3, s7;
	s7 =	simm.s32 @!p0 $0x108  }
0x21: {  	s3 =	sadd.s32 s3, s9;
	s6 =	sadd.s32 @!p0 $0x88, s6;
	s7 =	simm.s32 @p2 $0x1082  }
0x22: {  	[simem:s7], [sflag:s8] =	dma.local @!p0 [hbm:s6], $0xF7A  }
0x23: {  	s9 =	sor.u32 $0xD0000000, s2;
	s6 =	simm.s32 $0x108;
	_ =	swait.ge @!p0 [sflag:s8], $0x0  }
0x24: {  	s3 =	sadd.s32 $0x88, s3;
	s6 =	simm.s32 @!p1 $0x1082;
	[sflag:s4] =	ssyncset.s32 $0xFFFFF086  }
0x25: {  	[simem:s6], [sflag:s4] =	dma.local [hbm:s3], $0xF7A  }
0x26: {  	[smem:$0x3F9E] =	sst s1;
	(tag) =	ssettag s2;
	_ =	strace s9  }
0x27: {  	s1 =	sld [smem:$0x3FAE]  }
0x28: {  	s2 =	sld [smem:$0x3FAF]  }
0x29: {  	s4 =	sld [smem:$0x3FB1]  }
0x2a: {  	p0 =	seq.s32 s5, $0x0;
	s5 =	sld [smem:$0x3FB2]  }
0x2b: {  	s6 =	sld [smem:$0x3FB3]  }
0x2c: {  	s7 =	sld [smem:$0x3FB4]  }
0x2d: {  	s3 =	simm.s32 $0x108;
	s8 =	sld [smem:$0x3FB5]  }
0x2e: {  	s3 =	simm.s32 @!p0 $0x1082;
	s9 =	sld [smem:$0x3FB6]  }
0x2f: {  	lr =	sadd.s32 s0, s3;
	s0 =	sld [smem:$0x3FAD]  }
0x30: {  	s3 =	sld [smem:$0x3FB0]  }
0x31: {  	[smem:$0x3FB9] =	sst s10  }
0x32: {  	s10 =	sld [smem:$0x3FB7];
	_ =	sdelay $0x3  }
0x33: {  	p0 =	seq.s32 s10, $0x1;
	s10 =	sld [smem:$0x3FB9];
	_ =	sdelay $0x3  }
0x34: {  	[smem:$0x3FB9] =	sst s10  }
0x35: {  	s10 =	sld [smem:$0x3FB8];
	_ =	sdelay $0x3  }
0x36: {  	p1 =	seq.s32 s10, $0x1;
	s10 =	sld [smem:$0x3FB9];
	_ =	sdelay $0x3  }
0x37: {  	[smem:$0x3FB9] =	sst s10  }
0x38: {  	s10 =	sld [smem:$0x3FBA]  }
0x39: {  	_ = 	snop;
	(pc) =	sbr.ind lr, $3  }
0x3a: {  	_ = 	snop  }
0x3b: {  	_ = 	snop  }
0x3c: {  	p2 =	seq.s32 s10, $0x1;
	s10 =	sld [smem:$0x3FB9]  }
0x3d: {  	_ =	shalt  }
0x3e: {  	_ =	shalt  }
0x3f: {  	_ =	shalt  }
0x40: {  	_ =	shalt  }
0x41: {  	_ =	shalt  }
0x42: {  	_ =	shalt  }
0x43: {  	_ =	shalt  }
0x44: {  	_ =	shalt  }
0x45: {  	_ =	shalt  }
0x46: {  	_ =	shalt  }
0x47: {  	_ =	shalt  }
0x48: {  	_ =	shalt  }
0x49: {  	_ =	shalt  }
0x4a: {  	_ =	shalt  }
0x4b: {  	_ =	shalt  }
0x4c: {  	_ =	shalt  }
0x4d: {  	_ =	shalt  }
0x4e: {  	_ =	shalt  }
0x4f: {  	_ =	shalt  }
0x50: {  	_ =	shalt  }
0x51: {  	_ =	shalt  }
0x52: {  	_ =	shalt  }
0x53: {  	_ =	shalt  }
0x54: {  	_ =	shalt  }
0x55: {  	_ =	shalt  }
0x56: {  	_ =	shalt  }
0x57: {  	_ =	shalt  }
0x58: {  	_ =	shalt  }
0x59: {  	_ =	shalt  }
0x5a: {  	_ =	shalt  }
0x5b: {  	_ =	shalt  }
0x5c: {  	_ =	shalt  }
0x5d: {  	_ =	shalt  }
0x5e: {  	_ =	shalt  }
0x5f: {  	_ =	shalt  }
0x60: {  	_ =	shalt  }
0x61: {  	_ =	shalt  }
0x62: {  	_ =	shalt  }
0x63: {  	_ =	shalt  }
0x64: {  	_ =	shalt  }
0x65: {  	_ =	shalt  }
0x66: {  	_ =	shalt  }
0x67: {  	_ =	shalt  }
0x68: {  	_ =	shalt  }
0x69: {  	_ =	shalt  }
0x6a: {  	_ =	shalt  }
0x6b: {  	_ =	shalt  }
0x6c: {  	_ =	shalt  }
0x6d: {  	_ =	shalt  }
0x6e: {  	_ =	shalt  }
0x6f: {  	_ =	shalt  }
0x70: {  	_ =	shalt  }
0x71: {  	_ =	shalt  }
0x72: {  	_ =	shalt  }
0x73: {  	_ =	shalt  }
0x74: {  	_ =	shalt  }
0x75: {  	_ =	shalt  }
0x76: {  	_ =	shalt  }
0x77: {  	_ =	shalt  }
0x78: {  	_ =	shalt  }
0x79: {  	_ =	shalt  }
0x7a: {  	_ =	shalt  }
0x7b: {  	_ =	shalt  }
0x7c: {  	_ =	shalt  }
0x7d: {  	_ =	shalt  }
0x7e: {  	_ =	shalt  }
0x7f: {  	_ =	shalt  }
0x80: {  	_ =	shalt  }
0x81: {  	_ =	shalt  }
0x82: {  	_ =	shalt  }
0x83: {  	_ =	shalt  }
0x84: {  	_ =	shalt  }
0x85: {  	_ =	shalt  }
0x86: {  	_ =	shalt  }
0x87: {  	_ =	shalt  }
.Lfunc_end0:
.L_simem_size_0:
called_computation_lowered:
.L_overlay_start_0:
0x88: {  	s2 =	sld [smem:$0x3FD9]  }
0x89: {  	s3 =	sld [smem:$0x3FFE];
	_ =	sdelay $0x1  }
0x8a: {  	s1 =	srdreg.scid  }
0x8b: {  	s0 =	sand.u32 $0x1, s1  }
0x8c: {  	s17 =	sshll.u32 s0, $0xA;
	s2 =	sadd.s32 s3, s2  }
0x8d: {  	s2 =	sadd.s32 s2, s17  }
0x8e: {  	[smem:$0x3FC5] =	sst s2  }
0x8f: {  	_ = 	snop  }
0x90: {  	s2 =	sld [smem:$0x3FC9]  }
0x91: {  	s18 =	sld [smem:$0x3FC8]  }
0x92: {  	s4 =	sld [smem:$0x3FC7];
	(tm) =	ssettm $0x1  }
0x93: {  	s5 =	sld [smem:$0x3FFB];
	_ =	sdelay $0x3  }
0x94: {  	_ =	strace s5  }
0x95: {  	s5 =	sld [smem:$0x3FFC];
	_ =	sdelay $0x3  }
0x96: {  	_ =	strace s5  }
0x97: {  	s5 =	sld [smem:$0x3FFD];
	_ =	sdelay $0x3  }
0x98: {  	_ =	strace s5  }
0x99: {  	_ =	strace $0x8FFFFFFF  }
0x9a: {  	s19 =	sld [smem:$0x3FDB];
	_ =	sdelay $0x1  }
0x9b: {  	s6 =	simm.s32 $_scs_section_size  }
0x9c: {  	s7 =	simm.s32 $_size__tile_overlayer_lowered;
	s8 =	simm.s32 $_tile_overlayer_lowered  }
0x9d: {  	s22 =	simm.s32 $0x1BFF;
	s21 =	sshll.u32 s8, $0x1;
	s5 =	sadd.s32 s6, s19  }
0x9e: {  	s9 =	simm.s32 $0x0;
	s20 =	sshll.u32 s7, $0x1;
	s7 =	sadd.s32 s21, s5  }
0x9f: {  	[timem:s9], [sflag:s22] =	dma.local [hbm:s7], s20  }
0xa0: {  	_ =	swait.ge [sflag:s22], s20  }
0xa1: {  	s6 =	ssub.s32 $0x0, s20;
	[sflag:s22] =	ssyncset.done $0x0  }
0xa2: {  	[sflag:s22] =	ssyncadd.s32 s6;
	_ =	sdelay $0x1  }
0xa3: {  	s23 =	simm.s32 $0x1B8B  }
0xa4: {  	_ =	swait.ge [sflag:s23], $0x1  }
0xa5: {  	[sflag:s23] =	ssyncset.done $0x0  }
0xa6: {  	s25 =	simm.s32 $0x1B8E;
	s24 =	sld [smem:$0x3FFE];
	[sflag:s23] =	ssyncadd.s32 $0xFFFFFFFF  }
0xa7: {  	s26 =	simm.s32 $execute0_lowered;
	[smem:$0x3FD2] =	sst s25  }
0xa8: {  	s7 =	sshll.u32 s26, $0x1;
	_ =	strace $0x80000046;
	[dreg:$0x1] =	wrdreg $0xFFFFFFFF  }
0xa9: {  	s28 =	simm.s32 $_size_execute0_lowered;
	s5 =	sadd.s32 s5, s7;
	[dreg:$0x0] =	wrdreg $0x0  }
0xaa: {  	s7 =	sshll.u32 s28, $0x1;
	[dreg:$0x2] =	wrdreg s5  }
0xab: {  	[dreg:$0x3] =	wrdreg s7  }
0xac: {  	[dreg:$0x4] =	wrdreg $0xC0  }
0xad: {  	_ =	task [dreg:s9], $0x5FFFF  }
0xae: {  	[dreg:$0x1] =	wrdreg $0xFFFFFFFF  }
0xaf: {  	[dreg:$0x0] =	wrdreg $0x60  }
0xb0: {  	[dreg:$0x2] =	wrdreg s2  }
0xb1: {  	[dreg:$0x3] =	wrdreg s18  }
0xb2: {  	[dreg:$0x4] =	wrdreg s4  }
0xb3: {  	[dreg:$0x5] =	wrdreg s24  }
0xb4: {  	[dreg:$0x6] =	wrdreg $0x9  }
0xb5: {  	_ =	task.clear_ibuf [dreg:s9], $0x7FFFF;
	_ =	strace $0x90000046  }
0xb6: {  	s29 =	simm.s32 $0x9;
	_ =	strace $0x80000048  }
0xb7: {  	_ =	swait.ge [sflag:s29], $0x1  }
0xb8: {  	[sflag:s29] =	ssyncadd.s32 $0xFFFFFFFF  }
0xb9: {  	_ =	strace $0x90000048  }
0xba: {  	_ =	sfence  }
0xbb: {  	s30 =	sld [smem:$0x0];
	_ =	sdelay $0x2  }
0xbc: {  	s31 =	sshll.u32 s1, $0xD;
	s1 =	sshrl.u32 s1, $0x2  }
0xbd: {  	s3 =	sand.u32 $0x4000, s31;
	s1 =	sadd.s32 s1, s30  }
0xbe: {  	s0 =	sor.u32 s3, s0;
	s1 =	sshll.u32 s1, $0x11  }
0xbf: {  	s0 =	sor.u32 s1, s0  }
0xc0: {  	s0 =	sadd.s32 $0x8F2B, s0  }
0xc1: {  	[sflag:s0] =	ssyncadd.remote.s32 $0x1  }
0xc2: {  	_ =	sfence.sel $0xFFFF  }
0xc3: {  	[dreg:$0x0] =	wrdreg $0xFFFFFFFF;
	(pc) =	sbr.abs _section_cstart, $3  }
0xc4: {  	[dreg:$0x1] =	wrdreg $0xFFFFFFFF  }
0xc5: {  	_ =	task.clear_ibuf [dreg:s9], $0x2FFFF;
	_ =	strace $0x9FFFFFFF  }
0xc6: {  	(tm) =	ssettm $0x7FFFFFFF  }
0xc7: {  	_ =	shalt  }
tec
execute0_lowered:
.L_overlay_start_1:
0x0: {  	(tag) =	ssettag $0x1  }
0x1: {  	s0 =	rddreg [dreg:$0x0]  }
0x2: {  	s1 =	rddreg [dreg:$0x1]  }
0x3: {  	s2 =	rddreg [dreg:$0x2];
	s3 =	srdreg.scid  }
0x4: {  	s5 =	stileid.u32;
	s13 =	rddreg [dreg:$0x3]  }
0x5: {  	s22 =	simm.s32 $0x5;
	s23 =	simm.s32 $0x40;
	s28 =	simm.s32 $0x2400  }
0x6: {  	s29 =	simm.s32 $0x1;
	s30 =	simm.s32 $0x3;
	s31 =	simm.s32 $0x2  }
0x7: {  	s15 =	simm.s32 $0x6;
	s4 =	sand.u32 $0x1, s3;
	s5 =	sshll.u32 s5, $0x1  }
0x8: {  	s16 =	simm.s32 $0x0;
	s3 =	simm.s32 $0x0;
	s11 =	sor.u32 s4, s5  }
0x9: {  	[smem:$0x7FF] =	sst s3;
	s24 =	ssub.s32 $0x2, s4;
	s25 =	sshll.u32 s11, $0x6  }
0xa: {  	_ =	strace $0x80000047;
	s6 =	sshrl.u32 s24, $0x1;
	s12 =	sshll.u32 s11, $0xD  }
0xb: {  	s14 =	sshll.u32 s11, $0x4;
	s4 =	sadd.s32 s1, s25;
	s26 =	ssub.s32 s24, s6  }
0xc: {  	vm0 =	vmmov $0x1;
	vm1 =	vmmov $0x3;
	vm2 =	vmmov $0x7;
	s12 =	sadd.s32 s0, s12;
	s13 =	sadd.s32 s13, s14;
	s24 =	simm.s32 $0x4400  }
0xd: {  	vm3 =	vmmov $0xf;
	vm4 =	vmmov $0x1f;
	vm5 =	vmmov $0x3f;
	s25 =	simm.s32 $0x400;
	s1 =	simm.s32 $0x4;
	s0 =	simm.s32 $0x8400  }
0xe: {  	vm6 =	vmmov $0x7f;
	vm7 =	vmmov $0xff;
	vm8 =	vmmov $0x1ff;
	s5 =	sadd.s32 $0x8, s4;
	s6 =	sadd.s32 $0x10, s4;
	s7 =	sadd.s32 $0x18, s4  }
0xf: {  	vm9 =	vmmov $0x3ff;
	vm10 =	vmmov $0x7ff;
	vm11 =	vmmov $0xfff;
	s8 =	sadd.s32 $0x20, s4;
	s9 =	sadd.s32 $0x28, s4;
	s10 =	sadd.s32 $0x30, s4  }
0x10: {  	vm12 =	vmmov $0x1fff;
	vm13 =	vmmov $0x3fff;
	vm14 =	vmmov $0x7fff;
	s11 =	sadd.s32 $0x38, s4;
	s14 =	smax.u32 s26, $0x1;
	s26 =	simm.s32 $0x6400  }
.LBB2_1:
0x11: {  	[tilespmem:s3], [sflag:$0x5] =	stream.linear.gather [hbm4b:s4+s3], $0x40, $0x38;
	[tilespmem:$0x8480] =	vst v63  }
0x12: {  	s17 =	simm.s32 $0x80  }
0x13: {  	[tilespmem:s17], [sflag:$0x5] =	stream.linear.gather [hbm4b:s5+s3], $0x40, $0x38;
	[tilespmem:$0x8480] =	vst v63  }
0x14: {  	s20 =	simm.s32 $0x100  }
0x15: {  	[tilespmem:s20], [sflag:$0x5] =	stream.linear.gather [hbm4b:s6+s3], $0x40, $0x38;
	[tilespmem:$0x8480] =	vst v63  }
0x16: {  	s21 =	simm.s32 $0x180  }
0x17: {  	[tilespmem:s21], [sflag:$0x5] =	stream.linear.gather [hbm4b:s7+s3], $0x40, $0x38;
	[tilespmem:$0x8480] =	vst v63  }
0x18: {  	s18 =	simm.s32 $0x200  }
0x19: {  	[tilespmem:s18], [sflag:$0x5] =	stream.linear.gather [hbm4b:s8+s3], $0x40, $0x38;
	[tilespmem:$0x8480] =	vst v63  }
0x1a: {  	s19 =	simm.s32 $0x280  }
0x1b: {  	[tilespmem:s19], [sflag:$0x5] =	stream.linear.gather [hbm4b:s9+s3], $0x40, $0x38;
	[tilespmem:$0x8480] =	vst v63  }
0x1c: {  	s20 =	simm.s32 $0x300  }
0x1d: {  	[tilespmem:s20], [sflag:$0x5] =	stream.linear.gather [hbm4b:s10+s3], $0x40, $0x38;
	[tilespmem:$0x8480] =	vst v63  }
0x1e: {  	s21 =	simm.s32 $0x380  }
0x1f: {  	[tilespmem:s21], [sflag:$0x5] =	stream.linear.gather [hbm4b:s11+s3], $0x40, $0x38;
	[tilespmem:$0x8480] =	vst v63  }
0x20: {  	_ =	swait.ge [sflag:s22], $0x40  }
0x21: {  	[sflag:s22] =	ssyncset.done $0x0  }
0x22: {  	[sflag:s22] =	ssyncadd.s32 $0xFFFFFFC0  }
0x23: {  	_ =	swait.ge [sflag:s22], $0x40  }
0x24: {  	[sflag:s22] =	ssyncset.done $0x0  }
0x25: {  	[sflag:s22] =	ssyncadd.s32 $0xFFFFFFC0  }
0x26: {  	_ =	swait.ge [sflag:s22], $0x40  }
0x27: {  	[sflag:s22] =	ssyncset.done $0x0  }
0x28: {  	[sflag:s22] =	ssyncadd.s32 $0xFFFFFFC0  }
0x29: {  	_ =	swait.ge [sflag:s22], $0x40  }
0x2a: {  	[sflag:s22] =	ssyncset.done $0x0  }
0x2b: {  	[sflag:s22] =	ssyncadd.s32 $0xFFFFFFC0  }
0x2c: {  	_ =	swait.ge [sflag:s22], $0x40  }
0x2d: {  	[sflag:s22] =	ssyncset.done $0x0  }
0x2e: {  	[sflag:s22] =	ssyncadd.s32 $0xFFFFFFC0  }
0x2f: {  	_ =	swait.ge [sflag:s22], $0x40  }
0x30: {  	[sflag:s22] =	ssyncset.done $0x0  }
0x31: {  	[sflag:s22] =	ssyncadd.s32 $0xFFFFFFC0  }
0x32: {  	_ =	swait.ge [sflag:s22], $0x40  }
0x33: {  	[sflag:s22] =	ssyncset.done $0x0  }
0x34: {  	[sflag:s22] =	ssyncadd.s32 $0xFFFFFFC0  }
0x35: {  	_ =	swait.ge [sflag:s22], $0x40  }
0x36: {  	[sflag:s22] =	ssyncset.done $0x0  }
0x37: {  	[sflag:s22] =	ssyncadd.s32 $0xFFFFFFC0  }
0x38: {  	[tilespmem:s24], [sflag:$0x1] =	stream.indirect.gather [hbm4b:s2+s23], $0x80, s3, s23, $0xb8;
	[tilespmem:$0x8480] =	vst v63  }
0x39: {  	s17 =	simm.s32 $0x0  }
0x3a: {  	v1 =	vimm.f32 $0.0e+00;
	v0 =	vimm.f32 $0.0e+00;
	[tilespmem:s25], [sflag:$0x3] =	stream.linear.gather [hbm4b:s12+s3], $0x2000, $0x38;
	[tilespmem:$0x8480] =	vst v63  }
.LBB2_2:
0x3b: {  	s18 =	sshllo.u32 s17, $0x1  }
0x3c: {  	s19 =	sshll.u32 s18, $0x7  }
0x3d: {  	s18 =	sshll.u32 s18, $0xA;
	s19 =	sand.u32 $0x3FFFFF80, s19  }
0x3e: {  	[tilespmem:s26], [sflag:$0x2] =	stream.indirect.gather [hbm4b:s2+s23], $0x80, s19, s23, $0xb8;
	[tilespmem:$0x8480] =	vst v63  }
0x3f: {  	s21 =	sadd.s32 s18, s12;
	s18 =	simm.s32 $0x0  }
0x40: {  	[tilespmem:s28], [sflag:$0x4] =	stream.linear.gather [hbm4b:s21+s18], $0x2000, $0x38;
	[tilespmem:$0x8480] =	vst v63  }
0x41: {  	_ =	swait.ge [sflag:s29], $0x2000  }
0x42: {  	[sflag:s29] =	ssyncset.done $0x0  }
0x43: {  	[sflag:s29] =	ssyncadd.s32 $0xFFFFE000  }
0x44: {  	_ =	swait.ge [sflag:s30], $0x2000  }
0x45: {  	[sflag:s30] =	ssyncset.done $0x0  }
0x46: {  	s19 =	sshll.u32 s17, $0x1;
	[sflag:s30] =	ssyncadd.s32 $0xFFFFE000  }
.LBB2_3:
0x47: {  	s20 =	sshll.u32 s18, $0xB  }
0x48: {  	v2 =	vld [tilespmem:s20+$0x400]  }
0x49: {  	v4 =	vld [tilespmem:s20+$0x4400]  }
0x4a: {  	v3 =	vld [tilespmem:s20+$0x410]  }
0x4b: {  	v5 =	vld [tilespmem:s20+$0x4410]  }
0x4c: {  	v6 =	vld [tilespmem:s20+$0x420]  }
0x4d: {  	v8 =	vld [tilespmem:s20+$0x4420]  }
0x4e: {  	v7 =	vld [tilespmem:s20+$0x430]  }
0x4f: {  	v11 =	vld [tilespmem:s20+$0x4430]  }
0x50: {  	v9 =	vld [tilespmem:s20+$0x440]  }
0x51: {  	v12 =	vld [tilespmem:s20+$0x4440]  }
0x52: {  	v10 =	vld [tilespmem:s20+$0x450]  }
0x53: {  	v14 =	vld [tilespmem:s20+$0x460]  }
0x54: {  	v15 =	vld [tilespmem:s20+$0x4460]  }
0x55: {  	v16 =	vld [tilespmem:s20+$0x470]  }
0x56: {  	v17 =	vld [tilespmem:s20+$0x4470]  }
0x57: {  	v18 =	vld [tilespmem:s20+$0x480]  }
0x58: {  	v19 =	vld [tilespmem:s20+$0x4480]  }
0x59: {  	v20 =	vld [tilespmem:s20+$0x490]  }
0x5a: {  	v21 =	vld [tilespmem:s20+$0x4490]  }
0x5b: {  	v22 =	vld [tilespmem:s20+$0x4A0]  }
0x5c: {  	v23 =	vld [tilespmem:s20+$0x44A0]  }
0x5d: {  	v26 =	vld [tilespmem:s20+$0x4B0];
	v24 =	vmul.f32 v2, v2;
	v25 =	vmul.f32 v3, v3  }
0x5e: {  	v27 =	vld [tilespmem:s20+$0x44B0];
	v2 =	vmul.f32 v4, v2;
	v3 =	vmul.f32 v5, v3  }
0x5f: {  	v28 =	vld [tilespmem:s20+$0x4C0];
	v51 =	vmul.f32 v6, v6;
	v53 =	vmul.f32 v7, v7  }
0x60: {  	v29 =	vld [tilespmem:s20+$0x44C0];
	v55 =	vmul.f32 v9, v9;
	v57 =	vmul.f32 v10, v10  }
0x61: {  	v54 =	vld [tilespmem:s20+$0x4D0];
	v58 =	vmul.f32 v14, v14;
	v59 =	vmul.f32 v15, v14  }
0x62: {  	v30 =	vld [tilespmem:s20+$0x44D0];
	v60 =	vmul.f32 v16, v16;
	v61 =	vmul.f32 v20, v20  }
0x63: {  	v56 =	vld [tilespmem:s20+$0x4E0];
	v62 =	vmul.f32 v19, v18;
	v63 =	vmul.f32 v21, v20  }
0x64: {  	v31 =	vld [tilespmem:s20+$0x44E0];
	v16 =	vmul.f32 v17, v16;
	v37 =	vmul.f32 v22, v22  }
0x65: {  	v32 =	vld [tilespmem:s20+$0x4F0];
	v38 =	vmul.f32 v23, v22;
	v40 =	vmul.f32 v26, v26  }
0x66: {  	v13 =	vld [tilespmem:s20+$0x4450];
	v41 =	vmul.f32 v27, v26;
	v43 =	vmul.f32 v28, v28  }
0x67: {  	v33 =	vld [tilespmem:s20+$0x44F0];
	v4 =	vmul.f32 v4, v4;
	v44 =	vmul.f32 v29, v28  }
0x68: {  	v34 =	vld [tilespmem:s20+$0x500];
	v5 =	vmul.f32 v5, v5;
	v45 =	vmul.f32 v54, v54  }
0x69: {  	v35 =	vld [tilespmem:s20+$0x510];
	v46 =	vmul.f32 v30, v54;
	v47 =	vmul.f32 v56, v56  }
0x6a: {  	v36 =	vld [tilespmem:s20+$0x4510];
	v48 =	vmul.f32 v31, v56;
	v49 =	vmul.f32 v32, v32  }
0x6b: {  	v42 =	vld [tilespmem:s20+$0x540];
	v17 =	vmul.f32 v17, v17;
	v19 =	vmul.f32 v19, v19  }
0x6c: {  	v22 =	vld [tilespmem:s20+$0x530];
	v24 =	vadd.f32 v25, v24;
	v2 =	vadd.f32 v3, v2;
	v3 =	vmul.f32 v8, v6  }
0x6d: {  	v28 =	vld [tilespmem:s20+$0x550];
	v21 =	vmul.f32 v21, v21;
	v56 =	vmul.f32 v27, v27  }
0x6e: {  	v27 =	vld [tilespmem:s20+$0x5B0];
	v31 =	vmul.f32 v31, v31;
	v52 =	vadd.f32 v51, v24;
	v2 =	vadd.f32 v3, v2  }
0x6f: {  	v26 =	vld [tilespmem:s20+$0x5F0];
	v3 =	vmul.f32 v11, v7;
	v7 =	vadd.f32 v63, v62;
	v51 =	vmul.f32 v33, v32  }
0x70: {  	v25 =	vld [tilespmem:s20+$0x560];
	v62 =	vmul.f32 v36, v35;
	v33 =	vmul.f32 v33, v33;
	v6 =	vadd.f32 v53, v52  }
0x71: {  	v24 =	vld [tilespmem:s20+$0x570];
	v2 =	vadd.f32 v3, v2;
	v3 =	vmul.f32 v12, v9;
	v14 =	vadd.f32 v38, v7  }
0x72: {  	v32 =	vld [tilespmem:s20+$0x590];
	v38 =	vmul.f32 v11, v11;
	v12 =	vmul.f32 v12, v12;
	v6 =	vadd.f32 v55, v6  }
0x73: {  	v7 =	vld [tilespmem:s20+$0x4540];
	v2 =	vadd.f32 v3, v2;
	v3 =	vmul.f32 v13, v10;
	v14 =	vadd.f32 v41, v14  }
0x74: {  	v11 =	vld [tilespmem:s20+$0x4570];
	v13 =	vmul.f32 v13, v13;
	v4 =	vadd.f32 v12, v4;
	v17 =	vadd.f32 v17, v38  }
0x75: {  	v36 =	vmul.f32 v36, v36;
	v12 =	vld [tilespmem:s20+$0x4590];
	v6 =	vadd.f32 v57, v6;
	v3 =	vadd.f32 v3, v2  }
0x76: {  	v52 =	vmul.f32 v15, v15;
	v38 =	vld [tilespmem:s20+$0x5A0];
	v14 =	vadd.f32 v44, v14;
	v5 =	vadd.f32 v13, v5  }
0x77: {  	v55 =	vmul.f32 v23, v23;
	v23 =	vld [tilespmem:s20+$0x45D0];
	v4 =	vadd.f32 v19, v4;
	v17 =	vadd.f32 v56, v17  }
0x78: {  	v2 =	vld [tilespmem:s20+$0x4500];
	v57 =	vmul.f32 v29, v29;
	v6 =	vadd.f32 v58, v6;
	v9 =	vadd.f32 v59, v3  }
0x79: {  	v29 =	vld [tilespmem:s20+$0x45C0];
	v3 =	vmul.f32 v18, v18;
	v14 =	vadd.f32 v46, v14;
	v5 =	vadd.f32 v21, v5  }
0x7a: {  	v18 =	vld [tilespmem:s20+$0x520];
	v58 =	vmul.f32 v30, v30;
	v4 =	vadd.f32 v57, v4;
	v17 =	vadd.f32 v33, v17  }
0x7b: {  	v59 =	vmul.f32 v34, v34;
	v30 =	vld [tilespmem:s20+$0x5D0];
	v6 =	vadd.f32 v60, v6;
	v10 =	vadd.f32 v61, v3  }
0x7c: {  	v33 =	vld [tilespmem:s20+$0x45E0];
	v57 =	vmul.f32 v24, v24;
	v16 =	vadd.f32 v16, v9;
	v50 =	vadd.f32 v48, v14  }
0x7d: {  	v3 =	vld [tilespmem:s20+$0x4520];
	v60 =	vmul.f32 v35, v35;
	v63 =	vadd.f32 v58, v5;
	v61 =	vmul.f32 v2, v34  }
0x7e: {  	v9 =	vld [tilespmem:s20+$0x4530];
	v2 =	vmul.f32 v2, v2;
	v39 =	vadd.f32 v37, v10;
	v37 =	vmul.f32 v8, v8  }
0x7f: {  	v35 =	vld [tilespmem:s20+$0x640];
	v14 =	vadd.f32 v51, v50;
	v50 =	vmul.f32 v7, v42;
	v51 =	vmul.f32 v28, v28  }
0x80: {  	v34 =	vld [tilespmem:s20+$0x5C0];
	(xrf2) =	vadd.scan.msk.f32 $0xffff, v6;
	v7 =	vmul.f32 v7, v7;
	v21 =	vadd.f32 v62, v61;
	v6 =	vadd.f32 v40, v39  }
0x81: {  	v8 =	vld [tilespmem:s20+$0x4560];
	(xrf2) =	vadd.scan.msk.f32 $0xffff, v16;
	v44 =	vmul.f32 v18, v18;
	v41 =	vadd.f32 v2, v4;
	v13 =	vadd.f32 v52, v37  }
0x82: {  	v16 =	vld [tilespmem:s20+$0x580];
	v62 =	vmul.f32 v38, v38;
	v18 =	vmul.f32 v3, v18;
	v6 =	vadd.f32 v43, v6  }
0x83: {  	v10 =	vld [tilespmem:s20+$0x4550];
	v13 =	vadd.f32 v55, v13;
	v43 =	vadd.f32 v60, v59;
	v59 =	vmul.f32 v11, v24  }
0x84: {  	v2 =	vld [tilespmem:s20+$0x4620];
	v60 =	vadd.f32 v36, v63;
	v63 =	vmul.f32 v12, v32;
	v11 =	vmul.f32 v11, v11  }
0x85: {  	v4 =	vld [tilespmem:s20+$0x4630];
	v12 =	vmul.f32 v12, v12;
	v46 =	vadd.f32 v18, v21;
	v6 =	vadd.f32 v45, v6  }
0x86: {  	v40 =	vld [tilespmem:s20+$0x45F0];
	v56 =	vmul.f32 v8, v25;
	v8 =	vmul.f32 v8, v8;
	v5 =	vadd.f32 v44, v43  }
0x87: {  	v36 =	vld [tilespmem:s20+$0x630];
	v45 =	vmul.f32 v22, v22;
	v58 =	vmul.f32 v16, v16;
	v6 =	vadd.f32 v47, v6  }
0x88: {  	v21 =	vld [tilespmem:s20+$0x5E0];
	v31 =	vadd.f32 v31, v13;
	v44 =	vmul.f32 v27, v27;
	v47 =	vmul.f32 v9, v22  }
0x89: {  	v43 =	vld [tilespmem:s20+$0x620];
	v5 =	vadd.f32 v45, v5;
	v20 =	vadd.f32 v49, v6;
	v49 =	vmul.f32 v42, v42  }
0x8a: {  	v9 =	vmul.f32 v9, v9;
	v53, _, _ =	vpop (xrf2);
	v6 =	vld [tilespmem:s20+$0x4580];
	v13 =	vadd.f32 v47, v46;
	v42 =	vmul.f32 v32, v32  }
0x8b: {  	v32 =	vld [tilespmem:s20+$0x6B0];
	v15 =	vbroadcast v53, $0xF;
	v54, _, _ =	vpop (xrf2);
	v53 =	vmul.f32 v10, v28;
	(xrf2) =	vadd.scan.msk.f32 $0xffff, v20;
	v5 =	vadd.f32 v49, v5  }
0x8c: {  	v7 =	vadd.f32 v7, v41;
	v28 =	vld [tilespmem:s20+$0x600];
	v10 =	vmul.f32 v10, v10;
	v37 =	vbroadcast v54, $0xF  }
0x8d: {  	v20 =	vld [tilespmem:s20+$0x45B0];
	v52 =	vadd.f32 v50, v13;
	v54 =	vmul.f32 v25, v25;
	(xrf2) =	vadd.scan.msk.f32 $0xffff, v14;
	v5 =	vadd.f32 v51, v5  }
0x8e: {  	v13 =	vld [tilespmem:s20+$0x4600];
	v61 =	vadd.f32 v42, v58;
	v42 =	vmul.f32 v3, v3;
	v50 =	vadd.f32 v9, v17  }
0x8f: {  	v49 =	vmul.f32 v34, v34;
	v14 =	vld [tilespmem:s20+$0x45A0];
	v10 =	vadd.f32 v10, v60;
	v55 =	vadd.f32 v54, v5  }
0x90: {  	v3 =	vld [tilespmem:s20+$0x4640];
	v58 =	vmul.f32 v26, v26;
	v25 =	vadd.f32 v62, v61;
	v47 =	vadd.f32 v42, v31  }
0x91: {  	v9 =	vld [tilespmem:s20+$0x4650];
	v62 =	vmul.f32 v40, v26;
	v16 =	vmul.f32 v6, v16;
	v18 =	vadd.f32 v57, v55  }
0x92: {  	v31 =	vld [tilespmem:s20+$0x650];
	v11 =	vadd.f32 v11, v50;
	v6 =	vmul.f32 v6, v6;
	v54 =	vmul.f32 v29, v34  }
0x93: {  	v42 =	vld [tilespmem:s20+$0x700];
	v8 =	vadd.f32 v8, v47;
	v47 =	vmul.f32 v28, v28;
	v51 =	vmul.f32 v20, v27;
	(xrf2) =	vadd.scan.msk.f32 $0xffff, v18  }
0x94: {  	v10 =	vadd.f32 v12, v10;
	v5 =	vld [tilespmem:s20+$0x4610];
	v46 =	vmul.f32 v14, v38;
	v55 =	vmul.f32 v21, v21  }
0x95: {  	v34 =	vld [tilespmem:s20+$0x670];
	v45 =	vadd.f32 v63, v16;
	v57 =	vmul.f32 v23, v30;
	v21 =	vmul.f32 v33, v21;
	v48, _, _ =	vpop (xrf2)  }
0x96: {  	v16 =	vld [tilespmem:s20+$0x4660];
	v6 =	vadd.f32 v6, v7;
	v14 =	vmul.f32 v14, v14;
	v22 =	vbroadcast v48, $0xF  }
0x97: {  	v27 =	vld [tilespmem:s20+$0x6A0];
	v23 =	vmul.f32 v23, v23;
	v33 =	vmul.f32 v33, v33;
	v39, _, _ =	vpop (xrf2);
	v48 =	vadd.f32 v44, v25  }
0x98: {  	v38 =	vld [tilespmem:s20+$0x680];
	v39 =	vbroadcast v39, $0xF;
	v22 =	vsel vm0, v15, v22;
	v15 =	vadd.f32 v53, v52  }
0x99: {  	v18 =	vld [tilespmem:s20+$0x4690];
	v8 =	vadd.f32 v14, v8;
	v52 =	vadd.f32 v49, v48;
	v53 =	vmul.f32 v30, v30  }
0x9a: {  	v10 =	vadd.f32 v23, v10;
	v37 =	vsel vm0, v37, v39;
	v39 =	vld [tilespmem:s20+$0x610];
	v15 =	vadd.f32 v56, v15  }
0x9b: {  	v23 =	vld [tilespmem:s20+$0x6E0];
	v33 =	vadd.f32 v33, v8;
	v49 =	vmul.f32 v13, v28;
	v17 =	vadd.f32 v53, v52  }
0x9c: {  	v8 =	vld [tilespmem:s20+$0x4720];
	v52 =	vmul.f32 v2, v43;
	v53 =	vmul.f32 v36, v36;
	v15 =	vadd.f32 v59, v15  }
0x9d: {  	v25 =	vld [tilespmem:s20+$0x660];
	v2 =	vmul.f32 v2, v2;
	v19 =	vadd.f32 v55, v17;
	v55 =	vmul.f32 v40, v40;
	v59, _, _ =	vpop (xrf2)  }
0x9e: {  	v30 =	vld [tilespmem:s20+$0x690];
	(xrf2) =	vadd.scan.msk.f32 $0xffff, v15;
	v15 =	vadd.f32 v46, v45;
	v60 =	vbroadcast v59, $0xF;
	v45 =	vmul.f32 v20, v20  }
0x9f: {  	v28 =	vld [tilespmem:s20+$0x6D0];
	v2 =	vadd.f32 v2, v33;
	v46 =	vmul.f32 v29, v29;
	v48 =	vmul.f32 v39, v39  }
0xa0: {  	v17 =	vld [tilespmem:s20+$0x4680];
	v19 =	vadd.f32 v58, v19;
	v50 =	vmul.f32 v5, v39;
	v58 =	vmul.f32 v3, v35  }
0xa1: {  	v40 =	vld [tilespmem:s20+$0x6F0];
	v5 =	vmul.f32 v5, v5;
	v3 =	vmul.f32 v3, v3;
	v15 =	vadd.f32 v51, v15  }
0xa2: {  	v33 =	vld [tilespmem:s20+$0x770];
	v63 =	vsel vm1, v22, v60;
	v7 =	vadd.f32 v45, v11;
	v51 =	vmul.f32 v43, v43  }
0xa3: {  	v29 =	vld [tilespmem:s20+$0x6C0];
	v12 =	vadd.f32 v46, v6;
	v60 =	vmul.f32 v31, v31;
	v45 =	vmul.f32 v25, v25  }
0xa4: {  	v20 =	vld [tilespmem:s20+$0x4700];
	v11 =	vadd.f32 v48, v47;
	v46 =	vmul.f32 v16, v25;
	v47 =	vmul.f32 v38, v38  }
0xa5: {  	(xrf2) =	vadd.scan.msk.f32 $0xffff, v19;
	v19 =	vld [tilespmem:s20+$0x46A0];
	v6 =	vadd.f32 v50, v49;
	v48 =	vmul.f32 v30, v30;
	v49 =	vmul.f32 v34, v34  }
0xa6: {  	v22 =	vld [tilespmem:s20+$0x46C0];
	v50 =	vmul.f32 v27, v27;
	v30 =	vmul.f32 v18, v30;
	v5 =	vadd.f32 v5, v10  }
0xa7: {  	v43 =	vld [tilespmem:s20+$0x720];
	v38 =	vmul.f32 v17, v38;
	v56 =	vadd.f32 v54, v15;
	v11 =	vadd.f32 v51, v11  }
0xa8: {  	v25 =	vld [tilespmem:s20+$0x750];
	v6 =	vadd.f32 v52, v6;
	v54 =	vmul.f32 v4, v36;
	v41 =	vadd.f32 v55, v7  }
0xa9: {  	v15 =	vld [tilespmem:s20+$0x4670];
	v51 =	vmul.f32 v32, v32;
	v4 =	vmul.f32 v4, v4;
	v24 =	vadd.f32 v57, v56  }
0xaa: {  	v10 =	vld [tilespmem:s20+$0x4750];
	v52 =	vadd.f32 v30, v38;
	v11 =	vadd.f32 v53, v11;
	v57 =	vmul.f32 v35, v35  }
0xab: {  	v36 =	vld [tilespmem:s20+$0x46E0];
	v55 =	vmul.f32 v29, v29;
	v6 =	vadd.f32 v54, v6;
	v21 =	vadd.f32 v21, v24  }
0xac: {  	v7 =	vld [tilespmem:s20+$0x4710];
	v27 =	vmul.f32 v19, v27;
	v19 =	vmul.f32 v19, v19;
	v59 =	vadd.f32 v57, v11  }
0xad: {  	v35 =	vld [tilespmem:s20+$0x46F0];
	v6 =	vadd.f32 v58, v6;
	v57 =	vmul.f32 v28, v28;
	v21 =	vadd.f32 v62, v21  }
0xae: {  	v58 =	vmul.f32 v22, v29;
	v29 =	vld [tilespmem:s20+$0x790];
	v34 =	vmul.f32 v15, v34;
	v11 =	vadd.f32 v60, v59  }
0xaf: {  	v4 =	vadd.f32 v4, v41;
	v15 =	vmul.f32 v15, v15;
	v61, _, _ =	vpop (xrf2);
	v62 =	vmul.f32 v9, v31;
	v31 =	vld [tilespmem:s20+$0x780];
	(xrf2) =	vadd.scan.msk.f32 $0xffff, v21  }
0xb0: {  	v60 =	vmul.f32 v23, v23;
	v44 =	vbroadcast v61, $0xF;
	v21 =	vld [tilespmem:s20+$0x46B0];
	v56, _, _ =	vpop (xrf2);
	v11 =	vadd.f32 v45, v11  }
0xb1: {  	v4 =	vadd.f32 v15, v4;
	v15 =	vld [tilespmem:s20+$0x4800];
	v6 =	vadd.f32 v62, v6;
	v39 =	vbroadcast v56, $0xF  }
0xb2: {  	v9 =	vmul.f32 v9, v9;
	v45 =	vld [tilespmem:s20+$0x740];
	v24 =	vsel vm1, v37, v44;
	v11 =	vadd.f32 v49, v11  }
0xb3: {  	v37 =	vld [tilespmem:s20+$0x46D0];
	v26 =	vsel vm2, v63, v39;
	v63 =	vmul.f32 v13, v13;
	v13 =	vadd.f32 v46, v6  }
0xb4: {  	v23 =	vmul.f32 v36, v23;
	v41 =	vmul.f32 v35, v40;
	v39 =	vld [tilespmem:s20+$0x710];
	(xrf2) =	vadd.scan.msk.f32 $0xffff, v11  }
0xb5: {  	v44 =	vld [tilespmem:s20+$0x730];
	v11 =	vadd.f32 v27, v52;
	v34 =	vadd.f32 v34, v13;
	v56 =	vmul.f32 v21, v32  }
0xb6: {  	v35 =	vmul.f32 v35, v35;
	v6 =	vld [tilespmem:s20+$0x4730];
	v52 =	vmul.f32 v36, v36;
	v53 =	vadd.f32 v63, v12  }
0xb7: {  	v36 =	vld [tilespmem:s20+$0x7D0];
	v63 =	vmul.f32 v40, v40;
	v49 =	vmul.f32 v21, v21;
	(xrf2) =	vadd.scan.msk.f32 $0xffff, v34;
	v11 =	vadd.f32 v56, v11  }
0xb8: {  	v13 =	vld [tilespmem:s20+$0x4740];
	v3 =	vadd.f32 v3, v53;
	v34 =	vmul.f32 v16, v16;
	v53 =	vmul.f32 v42, v42  }
0xb9: {  	v32 =	vld [tilespmem:s20+$0x760];
	v4 =	vadd.f32 v49, v4;
	v49 =	vmul.f32 v33, v33;
	v56 =	vmul.f32 v7, v39;
	v61, _, _ =	vpop (xrf2)  }
0xba: {  	v5 =	vadd.f32 v9, v5;
	v21 =	vld [tilespmem:s20+$0x47E0];
	v7 =	vmul.f32 v7, v7;
	v14 =	vbroadcast v61, $0xF  }
0xbb: {  	v16 =	vld [tilespmem:s20+$0x4790];
	v11 =	vadd.f32 v58, v11;
	v2 =	vadd.f32 v34, v2;
	v61 =	vmul.f32 v37, v28  }
0xbc: {  	v58 =	vmul.f32 v43, v43;
	v34 =	vld [tilespmem:s20+$0x7E0];
	v24 =	vsel vm2, v24, v14;
	v14 =	vadd.f32 v48, v47  }
0xbd: {  	v2 =	vadd.f32 v19, v2;
	v19 =	vld [tilespmem:s20+$0x47C0];
	v27 =	vadd.f32 v61, v11;
	v47 =	vmul.f32 v17, v17  }
0xbe: {  	v35 =	vadd.f32 v35, v4;
	v11 =	vld [tilespmem:s20+$0x4780];
	v48 =	vmul.f32 v18, v18;
	v38, _, _ =	vpop (xrf2);
	v14 =	vadd.f32 v50, v14  }
0xbf: {  	v17 =	vld [tilespmem:s20+$0x47A0];
	v23 =	vadd.f32 v23, v27;
	v9 =	vbroadcast v38, $0xF;
	v3 =	vadd.f32 v47, v3  }
0xc0: {  	v18 =	vld [tilespmem:s20+$0x47B0];
	v5 =	vadd.f32 v48, v5;
	v50 =	vmul.f32 v22, v22;
	v47 =	vmul.f32 v32, v32  }
0xc1: {  	v27 =	vld [tilespmem:s20+$0x7C0];
	v54 =	vadd.f32 v51, v14;
	v46, _, _ =	vpop (xrf2);
	v23 =	vadd.f32 v41, v23;
	v51 =	vmul.f32 v37, v37  }
0xc2: {  	v22 =	vld [tilespmem:s20+$0x47F0];
	v9 =	vsel vm3, v26, v9;
	v30 =	vbroadcast v46, $0xF;
	v46 =	vmul.f32 v25, v25  }
0xc3: {  	v14 =	vld [tilespmem:s20+$0x4760];
	v25 =	vmul.f32 v10, v25;
	v10 =	vmul.f32 v10, v10;
	v12 =	vadd.f32 v55, v54  }
0xc4: {  	v26 =	vld [tilespmem:s20+$0x7B0];
	v54 =	vmul.f32 v39, v39;
	v55 =	vadd.f32 v50, v3;
	v3 =	vmul.f32 v20, v42  }
0xc5: {  	v41 =	vld [tilespmem:s20+$0x800];
	v38 =	vadd.f32 v51, v5;
	v20 =	vmul.f32 v20, v20;
	v51 =	vmul.f32 v31, v31  }
0xc6: {  	v39 =	vld [tilespmem:s20+$0x7F0];
	v31 =	vmul.f32 v11, v31;
	v24 =	vsel vm3, v24, v30;
	v30 =	vadd.f32 v52, v2  }
0xc7: {  	v42 =	vld [tilespmem:s20+$0x810];
	v52 =	vmul.f32 v29, v29;
	v29 =	vmul.f32 v16, v29;
	v59 =	vadd.f32 v57, v12  }
0xc8: {  	v16 =	vmul.f32 v16, v16;
	v12 =	vld [tilespmem:s20+$0x4770];
	v57 =	vadd.f32 v54, v53;
	v2 =	vadd.f32 v56, v3  }
0xc9: {  	v3 =	vmul.f32 v8, v43;
	v43 =	vld [tilespmem:s20+$0x820];
	v20 =	vadd.f32 v20, v55;
	v56 =	vmul.f32 v8, v8  }
0xca: {  	v8 =	vld [tilespmem:s20+$0x4850];
	v48 =	vmul.f32 v14, v32;
	v53 =	vadd.f32 v52, v51;
	v62 =	vadd.f32 v60, v59  }
0xcb: {  	v55 =	vadd.f32 v29, v31;
	v29 =	vld [tilespmem:s20+$0x850];
	v14 =	vmul.f32 v14, v14;
	v60 =	vmul.f32 v44, v44  }
0xcc: {  	v32 =	vld [tilespmem:s20+$0x8B0];
	v2 =	vadd.f32 v3, v2;
	v3 =	vmul.f32 v6, v44;
	v28 =	vadd.f32 v63, v62  }
0xcd: {  	v31 =	vld [tilespmem:s20+$0x960];
	v5 =	vadd.f32 v58, v57;
	v58 =	vmul.f32 v26, v26;
	v6 =	vmul.f32 v6, v6  }
0xce: {  	v63 =	vmul.f32 v45, v45;
	v2 =	vadd.f32 v3, v2;
	v3 =	vmul.f32 v13, v45;
	v45 =	vld [tilespmem:s20+$0x840];
	(xrf2) =	vadd.scan.msk.f32 $0xffff, v28  }
0xcf: {  	v26 =	vmul.f32 v18, v26;
	v62 =	vadd.f32 v60, v5;
	v35 =	vadd.f32 v6, v35;
	v6 =	vld [tilespmem:s20+$0x4880]  }
0xd0: {  	v30 =	vadd.f32 v56, v30;
	v18 =	vmul.f32 v18, v18;
	v50 =	vmul.f32 v12, v33;
	v33 =	vld [tilespmem:s20+$0x830];
	(xrf2) =	vadd.scan.msk.f32 $0xffff, v23  }
0xd1: {  	v56 =	vmul.f32 v41, v41;
	v51 =	vmul.f32 v22, v39;
	v28 =	vld [tilespmem:s20+$0x7A0];
	v4 =	vadd.f32 v63, v62  }
0xd2: {  	v30 =	vadd.f32 v14, v30;
	v12 =	vmul.f32 v12, v12;
	v2 =	vadd.f32 v3, v2;
	v3 =	vld [tilespmem:s20+$0x4810]  }
0xd3: {  	v62 =	vmul.f32 v19, v27;
	v63 =	vmul.f32 v13, v13;
	v13 =	vld [tilespmem:s20+$0x4870];
	v5 =	vadd.f32 v46, v4  }
0xd4: {  	v19 =	vmul.f32 v19, v19;
	v23 =	vld [tilespmem:s20+$0x47D0];
	v12 =	vadd.f32 v12, v35;
	v2 =	vadd.f32 v25, v2  }
0xd5: {  	v35 =	vld [tilespmem:s20+$0x8D0];
	v20 =	vadd.f32 v63, v20;
	v5 =	vadd.f32 v47, v5;
	v47 =	vmul.f32 v34, v34  }
0xd6: {  	v4 =	vld [tilespmem:s20+$0x4820];
	v25 =	vadd.f32 v48, v2;
	v48 =	vmul.f32 v21, v34;
	v54 =	vmul.f32 v28, v28  }
0xd7: {  	v12 =	vadd.f32 v18, v12;
	v2 =	vld [tilespmem:s20+$0x4830];
	v21 =	vmul.f32 v21, v21;
	v28 =	vmul.f32 v17, v28  }
0xd8: {  	v34 =	vld [tilespmem:s20+$0x890];
	v17 =	vmul.f32 v17, v17;
	v25 =	vadd.f32 v50, v25;
	v57 =	vadd.f32 v54, v53;
	v59, _, _ =	vpop (xrf2)  }
0xd9: {  	v60 =	vadd.f32 v28, v55;
	v28 =	vld [tilespmem:s20+$0x860];
	v54 =	vmul.f32 v11, v11;
	v61 =	vbroadcast v59, $0xF  }
0xda: {  	v46 =	vmul.f32 v23, v36;
	v23 =	vmul.f32 v23, v23;
	v11 =	vld [tilespmem:s20+$0x48B0];
	v55 =	vadd.f32 v17, v30;
	v44, _, _ =	vpop (xrf2)  }
0xdb: {  	v17 =	vld [tilespmem:s20+$0x48D0];
	v20 =	vadd.f32 v54, v20;
	v40 =	vsel vm4, v9, v61;
	v9 =	vbroadcast v44, $0xF  }
0xdc: {  	v63 =	vmul.f32 v4, v43;
	v30 =	vld [tilespmem:s20+$0x910];
	v59 =	vadd.f32 v7, v38;
	v7 =	vadd.f32 v26, v60  }
0xdd: {  	v4 =	vmul.f32 v4, v4;
	v38 =	vld [tilespmem:s20+$0x8C0];
	v24 =	vsel vm4, v24, v9;
	v9 =	vadd.f32 v49, v5  }
0xde: {  	v54 =	vmul.f32 v29, v29;
	v20 =	vadd.f32 v19, v20;
	v19 =	vld [tilespmem:s20+$0x48E0];
	v7 =	vadd.f32 v62, v7  }
0xdf: {  	v61 =	vmul.f32 v27, v27;
	v27 =	vld [tilespmem:s20+$0x870];
	v44 =	vmul.f32 v36, v36;
	v37 =	vadd.f32 v10, v59;
	(xrf2) =	vadd.scan.msk.f32 $0xffff, v9  }
0xe0: {  	v36 =	vld [tilespmem:s20+$0x880];
	v59 =	vmul.f32 v3, v42;
	v26 =	vadd.f32 v46, v7;
	(xrf2) =	vadd.scan.msk.f32 $0xffff, v25;
	v25 =	vadd.f32 v58, v57  }
0xe1: {  	v10 =	vld [tilespmem:s20+$0x48A0];
	v3 =	vmul.f32 v3, v3;
	v49 =	vmul.f32 v39, v39;
	v16 =	vadd.f32 v16, v37  }
0xe2: {  	v5 =	vld [tilespmem:s20+$0x4840];
	v46 =	vmul.f32 v22, v22;
	v26 =	vadd.f32 v48, v26;
	v25 =	vadd.f32 v61, v25  }
0xe3: {  	v9 =	vld [tilespmem:s20+$0x4860];
	v57 =	vmul.f32 v42, v42;
	v58 =	vmul.f32 v15, v41;
	v41 =	vadd.f32 v23, v16  }
0xe4: {  	v39 =	vld [tilespmem:s20+$0x8A0];
	v48 =	vmul.f32 v2, v33;
	v42 =	vadd.f32 v21, v55;
	v25 =	vadd.f32 v44, v25  }
0xe5: {  	v7 =	vld [tilespmem:s20+$0x4890];
	v55 =	vmul.f32 v8, v29;
	v60 =	vadd.f32 v57, v56;
	v61 =	vmul.f32 v43, v43  }
0xe6: {  	v37 =	vld [tilespmem:s20+$0x8F0];
	v62 =	vadd.f32 v59, v58;
	v57 =	vmul.f32 v28, v28;
	v25 =	vadd.f32 v47, v25  }
0xe7: {  	v22 =	vld [tilespmem:s20+$0x48F0];
	v58 =	vmul.f32 v15, v15;
	v59 =	vmul.f32 v27, v27;
	v16 =	vadd.f32 v61, v60  }
0xe8: {  	v21 =	vld [tilespmem:s20+$0x900];
	v28 =	vmul.f32 v9, v28;
	v60 =	vmul.f32 v13, v27;
	v25 =	vadd.f32 v49, v25  }
0xe9: {  	v29 =	vld [tilespmem:s20+$0x920];
	v23 =	vadd.f32 v63, v62;
	v61 =	vmul.f32 v39, v39;
	v63 =	vmul.f32 v10, v39  }
0xea: {  	v26 =	vadd.f32 v51, v26;
	v15 =	vld [tilespmem:s20+$0x4930];
	v10 =	vmul.f32 v10, v10;
	v47 =	vmul.f32 v33, v33;
	v50, _, _ =	vpop (xrf2);
	(xrf2) =	vadd.scan.msk.f32 $0xffff, v25  }
0xeb: {  	v27 =	vld [tilespmem:s20+$0x940];
	v33 =	vadd.f32 v46, v12;
	v23 =	vadd.f32 v48, v23;
	v53 =	vbroadcast v50, $0xF  }
0xec: {  	v39 =	vld [tilespmem:s20+$0x990];
	v46 =	vmul.f32 v36, v36;
	v36 =	vmul.f32 v6, v36;
	v16 =	vadd.f32 v47, v16;
	(xrf2) =	vadd.scan.msk.f32 $0xffff, v26  }
0xed: {  	v12 =	vld [tilespmem:s20+$0x4900];
	v50 =	vmul.f32 v45, v45;
	v25 =	vsel vm5, v40, v53;
	v53 =	vmul.f32 v5, v45  }
0xee: {  	v48 =	vadd.f32 v58, v20;
	v47 =	vmul.f32 v34, v34;
	v34 =	vmul.f32 v7, v34;
	v52, _, _ =	vpop (xrf2);
	v40 =	vld [tilespmem:s20+$0x8E0]  }
0xef: {  	v14 =	vbroadcast v52, $0xF;
	v18 =	vadd.f32 v50, v16;
	v16 =	vld [tilespmem:s20+$0x4910];
	v23 =	vadd.f32 v53, v23  }
0xf0: {  	v46 =	vadd.f32 v47, v46;
	v47 =	vmul.f32 v11, v32;
	v50 =	vadd.f32 v4, v42;
	v42 =	vld [tilespmem:s20+$0x980]  }
0xf1: {  	v5 =	vmul.f32 v5, v5;
	v24 =	vsel vm5, v24, v14;
	v14 =	vld [tilespmem:s20+$0x48C0];
	v23 =	vadd.f32 v55, v23  }
0xf2: {  	v11 =	vmul.f32 v11, v11;
	v56 =	vadd.f32 v54, v18;
	v18 =	vld [tilespmem:s20+$0x4920];
	v53 =	vmul.f32 v35, v35  }
0xf3: {  	v35 =	vmul.f32 v17, v35;
	v55 =	vadd.f32 v5, v48;
	v5 =	vld [tilespmem:s20+$0x49B0];
	v28 =	vadd.f32 v28, v23  }
0xf4: {  	v62 =	vadd.f32 v34, v36;
	v54 =	vmul.f32 v40, v40;
	v58 =	vmul.f32 v19, v40;
	v40 =	vld [tilespmem:s20+$0x9A0];
	v49, _, _ =	vpop (xrf2)  }
0xf5: {  	v23 =	vld [tilespmem:s20+$0x4940];
	v44 =	vadd.f32 v60, v28;
	v60 =	vmul.f32 v9, v9;
	v51 =	vbroadcast v49, $0xF  }
0xf6: {  	v20 =	vadd.f32 v63, v62;
	v28 =	vld [tilespmem:s20+$0x4950];
	v52, _, _ =	vpop (xrf2);
	v49 =	vmul.f32 v38, v38;
	v38 =	vmul.f32 v14, v38  }
0xf7: {  	v43 =	vbroadcast v52, $0xF;
	v52 =	vmul.f32 v2, v2;
	v2 =	vld [tilespmem:s20+$0x4980];
	v36 =	vadd.f32 v60, v50  }
0xf8: {  	v50 =	vmul.f32 v30, v30;
	v60 =	vmul.f32 v19, v19;
	v45 =	vsel vm6, v25, v51;
	v25 =	vld [tilespmem:s20+$0x930]  }
0xf9: {  	v51 =	vadd.f32 v47, v20;
	v20 =	vld [tilespmem:s20+$0x4970];
	v43 =	vsel vm6, v24, v43;
	v24 =	vadd.f32 v57, v56  }
0xfa: {  	v30 =	vmul.f32 v16, v30;
	v16 =	vmul.f32 v16, v16;
	v36 =	vadd.f32 v10, v36;
	v10 =	vld [tilespmem:s20+$0x4A00]  }
0xfb: {  	v4 =	vadd.f32 v38, v51;
	v51 =	vmul.f32 v6, v6;
	v6 =	vld [tilespmem:s20+$0x49C0];
	v26 =	vadd.f32 v59, v24  }
0xfc: {  	v41 =	vadd.f32 v3, v41;
	v47 =	vmul.f32 v22, v37;
	v56 =	vmul.f32 v8, v8;
	v24 =	vld [tilespmem:s20+$0x950]  }
0xfd: {  	v33 =	vadd.f32 v52, v33;
	v59 =	vmul.f32 v37, v37;
	v37 =	vld [tilespmem:s20+$0x9B0];
	v57 =	vadd.f32 v35, v4;
	(xrf2) =	vadd.scan.msk.f32 $0xffff, v26  }
0xfe: {  	v41 =	vadd.f32 v56, v41;
	v4 =	vld [tilespmem:s20+$0x49A0];
	(xrf2) =	vadd.scan.msk.f32 $0xffff, v44;
	v44 =	vadd.f32 v61, v46;
	v46 =	vmul.f32 v32, v32  }
0xff: {  	v56 =	vmul.f32 v14, v14;
	v26 =	vld [tilespmem:s20+$0x970];
	v61 =	vmul.f32 v13, v13;
	v8 =	vadd.f32 v58, v57  }
0x100: {  	v32 =	vld [tilespmem:s20+$0x4960];
	v58 =	vmul.f32 v27, v27;
	v27 =	vmul.f32 v23, v27;
	v3 =	vadd.f32 v46, v44  }
0x101: {  	v23 =	vmul.f32 v23, v23;
	v8 =	vadd.f32 v47, v8;
	v46 =	vld [tilespmem:s20+$0x9C0];
	v9 =	vadd.f32 v61, v33  }
0x102: {  	v33 =	vadd.f32 v51, v55;
	v55 =	vmul.f32 v25, v25;
	v61 =	vmul.f32 v22, v22;
	v44 =	vld [tilespmem:s20+$0xA00]  }
0x103: {  	v47 =	vld [tilespmem:s20+$0xA10];
	v3 =	vadd.f32 v49, v3;
	v49 =	vmul.f32 v21, v21;
	v11 =	vadd.f32 v11, v9  }
0x104: {  	v33 =	vadd.f32 v56, v33;
	v9 =	vld [tilespmem:s20+$0x49F0];
	v21 =	vmul.f32 v12, v21;
	v56 =	vmul.f32 v12, v12  }
0x105: {  	v12 =	vld [tilespmem:s20+$0x4A20];
	v34 =	vadd.f32 v53, v3;
	v52 =	vadd.f32 v50, v49;
	v53 =	vmul.f32 v29, v29  }
0x106: {  	v3 =	vld [tilespmem:s20+$0x4990];
	v19 =	vadd.f32 v61, v11;
	v21 =	vadd.f32 v30, v21;
	v29 =	vmul.f32 v18, v29  }
0x107: {  	v11 =	vld [tilespmem:s20+$0x4A10];
	v18 =	vmul.f32 v18, v18;
	v34 =	vadd.f32 v54, v34;
	v54 =	vmul.f32 v7, v7  }
0x108: {  	v49 =	vld [tilespmem:s20+$0xA30];
	v61 =	vmul.f32 v28, v28;
	v50 =	vmul.f32 v42, v42;
	v21 =	vadd.f32 v29, v21;
	v62, _, _ =	vpop (xrf2)  }
0x109: {  	v7 =	vld [tilespmem:s20+$0x49D0];
	v34 =	vadd.f32 v59, v34;
	v13 =	vbroadcast v62, $0xF;
	v35 =	vadd.f32 v54, v41  }
0x10a: {  	v29 =	vld [tilespmem:s20+$0xA40];
	v59 =	vmul.f32 v17, v17;
	v62 =	vmul.f32 v24, v24;
	v17 =	vadd.f32 v60, v36  }
0x10b: {  	v63, _, _ =	vpop (xrf2);
	v41 =	vld [tilespmem:s20+$0x9F0];
	v54 =	vmul.f32 v26, v26;
	v60 =	vmul.f32 v28, v24;
	(xrf2) =	vadd.scan.msk.f32 $0xffff, v34;
	v34 =	vadd.f32 v53, v52  }
0x10c: {  	v28 =	vld [tilespmem:s20+$0xA60];
	v26 =	vmul.f32 v20, v26;
	v48 =	vbroadcast v63, $0xF;
	v63 =	vadd.f32 v59, v35  }
0x10d: {  	v20 =	vmul.f32 v20, v20;
	v13 =	vsel vm7, v45, v13;
	v45 =	vld [tilespmem:s20+$0x9E0];
	(xrf2) =	vadd.scan.msk.f32 $0xffff, v8;
	v57 =	vadd.f32 v55, v34  }
0x10e: {  	v18 =	vadd.f32 v18, v17;
	v17 =	vld [tilespmem:s20+$0x4A60];
	v16 =	vadd.f32 v16, v63;
	v63 =	vmul.f32 v32, v32  }
0x10f: {  	v38 =	vsel vm7, v43, v48;
	v43 =	vld [tilespmem:s20+$0x9D0];
	v14 =	vadd.f32 v58, v57;
	v57 =	vmul.f32 v15, v25  }
0x110: {  	v8 =	vld [tilespmem:s20+$0x49E0];
	v58 =	vadd.f32 v56, v33;
	v15 =	vmul.f32 v15, v15;
	v34 =	vadd.f32 v63, v18  }
0x111: {  	v52 =	vmul.f32 v31, v31;
	v48 =	vld [tilespmem:s20+$0xA20];
	v14 =	vadd.f32 v62, v14;
	v21 =	vadd.f32 v57, v21  }
0x112: {  	v33 =	vld [tilespmem:s20+$0xA50];
	v56 =	vmul.f32 v4, v40;
	v24 =	vadd.f32 v15, v19;
	v30 =	vadd.f32 v23, v58  }
0x113: {  	v18 =	vld [tilespmem:s20+$0x4A90];
	v62 =	vmul.f32 v32, v31;
	v31 =	vadd.f32 v61, v16;
	v14 =	vadd.f32 v52, v14  }
0x114: {  	v15 =	vld [tilespmem:s20+$0x4A50];
	v58 =	vmul.f32 v37, v37;
	v61 =	vmul.f32 v46, v46;
	v59 =	vadd.f32 v27, v21  }
0x115: {  	v32 =	vld [tilespmem:s20+$0xA70];
	v63 =	vmul.f32 v43, v43;
	v52 =	vmul.f32 v2, v42;
	v14 =	vadd.f32 v54, v14  }
0x116: {  	v19 =	vld [tilespmem:s20+$0x4A70];
	v51, _, _ =	vpop (xrf2);
	v21 =	vadd.f32 v60, v59;
	v54 =	vmul.f32 v40, v40;
	v60 =	vmul.f32 v5, v37  }
0x117: {  	v36 =	vadd.f32 v20, v24;
	v20 =	vld [tilespmem:s20+$0x4AA0];
	v35 =	vbroadcast v51, $0xF;
	v53, _, _ =	vpop (xrf2);
	v51 =	vmul.f32 v39, v39  }
0x118: {  	v42 =	vld [tilespmem:s20+$0xAB0];
	v55 =	vbroadcast v53, $0xF;
	v53 =	vmul.f32 v3, v39  }
0x119: {  	v37 =	vld [tilespmem:s20+$0xA90];
	(xrf2) =	vadd.scan.msk.f32 $0xffff, v14;
	v21 =	vadd.f32 v62, v21;
	v62 =	vmul.f32 v6, v46;
	v46 =	vmul.f32 v7, v43  }
0x11a: {  	v40 =	vld [tilespmem:s20+$0xAA0];
	v16 =	vadd.f32 v51, v50;
	v50 =	vmul.f32 v45, v45;
	v51 =	vmul.f32 v44, v44  }
0x11b: {  	v14 =	vld [tilespmem:s20+$0x4A40];
	v35 =	vsel vm8, v13, v35;
	v44 =	vmul.f32 v10, v44;
	v45 =	vmul.f32 v8, v45  }
0x11c: {  	v25 =	vsel vm8, v38, v55;
	v55 =	vadd.f32 v53, v52;
	v38 =	vld [tilespmem:s20+$0xA80];
	v52 =	vmul.f32 v47, v47  }
0x11d: {  	v39 =	vadd.f32 v26, v21;
	v53 =	vmul.f32 v11, v47;
	v57 =	vadd.f32 v54, v16;
	v16 =	vld [tilespmem:s20+$0x4A80]  }
0x11e: {  	v13 =	vld [tilespmem:s20+$0x4A30];
	v54 =	vmul.f32 v48, v48;
	v22 =	vadd.f32 v56, v55;
	v27 =	vadd.f32 v52, v51  }
0x11f: {  	v47 =	vld [tilespmem:s20+$0xAC0];
	v44 =	vadd.f32 v53, v44;
	v55 =	vmul.f32 v12, v48;
	v21 =	vadd.f32 v58, v57  }
0x120: {  	v48 =	vld [tilespmem:s20+$0xAD0];
	v57 =	vmul.f32 v49, v49;
	v22 =	vadd.f32 v60, v22;
	v56 =	vadd.f32 v54, v27  }
0x121: {  	v52 =	vld [tilespmem:s20+$0xAF0];
	v58 =	vmul.f32 v41, v41;
	v44 =	vadd.f32 v55, v44;
	v21 =	vadd.f32 v61, v21  }
0x122: {  	v54 =	vmul.f32 v38, v38;
	v27 =	vadd.f32 v57, v56;
	v56 =	vmul.f32 v16, v38;
	v38 =	vld [tilespmem:s20+$0xB10]  }
0x123: {  	v55 =	vmul.f32 v37, v37;
	v57 =	vmul.f32 v17, v28;
	v23 =	vadd.f32 v63, v21;
	v21 =	vld [tilespmem:s20+$0x4AB0];
	v59, _, _ =	vpop (xrf2)  }
0x124: {  	v22 =	vadd.f32 v62, v22;
	v63 =	vmul.f32 v28, v28;
	v28 =	vld [tilespmem:s20+$0x4B10];
	v26 =	vbroadcast v59, $0xF  }
0x125: {  	v41 =	vmul.f32 v9, v41;
	v43 =	vadd.f32 v55, v54;
	v54 =	vld [tilespmem:s20+$0xB30];
	v59 =	vmul.f32 v13, v49  }
0x126: {  	v24 =	vadd.f32 v46, v22;
	v22 =	vld [tilespmem:s20+$0x4AC0];
	v35 =	vsel vm9, v35, v26;
	v26 =	vadd.f32 v50, v23  }
0x127: {  	v49 =	vld [tilespmem:s20+$0xAE0];
	v50 =	vmul.f32 v29, v29;
	v60 =	vadd.f32 v59, v44;
	v29 =	vmul.f32 v14, v29  }
0x128: {  	v37 =	vmul.f32 v18, v37;
	v62 =	vmul.f32 v33, v33;
	v45 =	vadd.f32 v45, v24;
	v24 =	vld [tilespmem:s20+$0x4AE0]  }
0x129: {  	v33 =	vmul.f32 v15, v33;
	v23 =	vld [tilespmem:s20+$0x4AD0];
	v61 =	vadd.f32 v50, v27;
	v29 =	vadd.f32 v29, v60  }
0x12a: {  	v59 =	vmul.f32 v20, v40;
	v44 =	vld [tilespmem:s20+$0xB20];
	v53 =	vadd.f32 v41, v45;
	v51 =	vadd.f32 v58, v26  }
0x12b: {  	v45 =	vld [tilespmem:s20+$0xB00];
	v58 =	vmul.f32 v40, v40;
	v41 =	vadd.f32 v62, v61;
	v29 =	vadd.f32 v33, v29  }
0x12c: {  	v27 =	vld [tilespmem:s20+$0x4AF0];
	v33 =	vadd.f32 v37, v56;
	v61 =	vmul.f32 v42, v42;
	v62 =	vmul.f32 v32, v32  }
0x12d: {  	v26 =	vld [tilespmem:s20+$0x4B00];
	v43 =	vadd.f32 v58, v43;
	v58 =	vmul.f32 v47, v47;
	v56 =	vmul.f32 v38, v38  }
0x12e: {  	v40 =	vld [tilespmem:s20+$0xB80];
	v41 =	vadd.f32 v63, v41;
	v33 =	vadd.f32 v59, v33;
	v63 =	vmul.f32 v21, v42  }
0x12f: {  	v60 =	vadd.f32 v57, v29;
	v29 =	vld [tilespmem:s20+$0x4B20];
	v57 =	vmul.f32 v19, v32;
	v43 =	vadd.f32 v61, v43  }
0x130: {  	v38 =	vmul.f32 v28, v38;
	v32 =	vld [tilespmem:s20+$0x4B30];
	v59 =	vmul.f32 v22, v47;
	v37 =	vadd.f32 v63, v33  }
0x131: {  	v47 =	vld [tilespmem:s20+$0xB40];
	v61 =	vmul.f32 v48, v48;
	v55 =	vadd.f32 v57, v60;
	v60 =	vadd.f32 v58, v43  }
0x132: {  	v50 =	vadd.f32 v62, v41;
	v33 =	vld [tilespmem:s20+$0x4B40];
	v62 =	vmul.f32 v23, v48;
	v37 =	vadd.f32 v59, v37  }
0x133: {  	v63 =	vmul.f32 v49, v49;
	v41 =	vld [tilespmem:s20+$0xB90];
	v42 =	vadd.f32 v61, v60;
	v60 =	vmul.f32 v45, v45  }
0x134: {  	(xrf2) =	vadd.scan.msk.f32 $0xffff, v39;
	v39 =	vmul.f32 v40, v40;
	v57 =	vld [tilespmem:s20+$0xB50];
	v61 =	vmul.f32 v26, v45;
	v46 =	vadd.f32 v62, v37  }
0x135: {  	v45 =	vadd.f32 v63, v42;
	v43 =	vadd.f32 v56, v60;
	v62 =	vmul.f32 v44, v44;
	v42 =	vld [tilespmem:s20+$0xBA0]  }
0x136: {  	v49 =	vmul.f32 v24, v49;
	v58 =	vmul.f32 v54, v54;
	v59 =	vld [tilespmem:s20+$0xB60]  }
0x137: {  	v38 =	vadd.f32 v38, v61;
	v44 =	vmul.f32 v29, v44;
	v48 =	vadd.f32 v62, v43;
	v43 =	vld [tilespmem:s20+$0xBB0]  }
0x138: {  	v56 =	vmul.f32 v52, v52;
	v37 =	vld [tilespmem:s20+$0x4B50];
	v49 =	vadd.f32 v49, v46;
	v46 =	vmul.f32 v41, v41  }
0x139: {  	v54 =	vmul.f32 v32, v54;
	v63 =	vmul.f32 v47, v47;
	v60 =	vadd.f32 v44, v38;
	v44 =	vld [tilespmem:s20+$0xBC0]  }
0x13a: {  	v38 =	vld [tilespmem:s20+$0x4B60];
	v56 =	vadd.f32 v56, v45;
	v39 =	vadd.f32 v46, v39;
	v61 =	vmul.f32 v42, v42  }
0x13b: {  	v47 =	vmul.f32 v33, v47;
	v45 =	vld [tilespmem:s20+$0xBD0];
	v48 =	vadd.f32 v58, v48;
	v54 =	vadd.f32 v54, v60  }
0x13c: {  	v4 =	vmul.f32 v4, v4;
	v58 =	vld [tilespmem:s20+$0xB70];
	v60 =	vadd.f32 v61, v39;
	v61 =	vmul.f32 v43, v43  }
0x13d: {  	v46 =	vld [tilespmem:s20+$0xBE0];
	v48 =	vadd.f32 v63, v48;
	v47 =	vadd.f32 v47, v54;
	v54 =	vmul.f32 v57, v57  }
0x13e: {  	v62 =	vmul.f32 v59, v59;
	v39 =	vld [tilespmem:s20+$0x4B70];
	v60 =	vadd.f32 v61, v60;
	v61 =	vmul.f32 v44, v44  }
0x13f: {  	(xrf2) =	vadd.scan.msk.f32 $0xffff, v51;
	v57 =	vmul.f32 v37, v57;
	v63 =	vmul.f32 v38, v59;
	v48 =	vadd.f32 v54, v48;
	v54 =	vld [tilespmem:s20+$0xBF0]  }
0x140: {  	(xrf2) =	vadd.scan.msk.f32 $0xffff, v53;
	v52 =	vmul.f32 v27, v52;
	v60 =	vadd.f32 v61, v60;
	v61 =	vmul.f32 v45, v45  }
0x141: {  	(xrf2) =	vadd.scan.msk.f32 $0xffff, v50;
	v47 =	vadd.f32 v57, v47;
	v48 =	vadd.f32 v62, v48;
	v62 =	vmul.f32 v58, v58  }
0x142: {  	(xrf2) =	vadd.scan.msk.f32 $0xffff, v55;
	v49 =	vadd.f32 v52, v49;
	v59 =	vmul.f32 v46, v46;
	v57 =	vadd.f32 v61, v60  }
0x143: {  	(xrf2) =	vadd.scan.msk.f32 $0xffff, v56;
	v47 =	vadd.f32 v63, v47;
	v63, _, _ =	vpop (xrf2);
	v48 =	vadd.f32 v62, v48;
	v61 =	vmul.f32 v39, v58  }
0x144: {  	(xrf2) =	vadd.scan.msk.f32 $0xffff, v49;
	v60 =	vbroadcast v63, $0xF;
	v63 =	vmul.f32 v54, v54;
	v62 =	vadd.f32 v59, v57  }
0x145: {  	v4 =	vadd.f32 v4, v34;
	v3 =	vmul.f32 v3, v3;
	(xrf2) =	vadd.scan.msk.f32 $0xffff, v48;
	v47 =	vadd.f32 v61, v47  }
0x146: {  	v2 =	vmul.f32 v2, v2;
	v5 =	vmul.f32 v5, v5;
	v52 =	vadd.f32 v63, v62  }
0x147: {  	v7 =	vmul.f32 v7, v7;
	v8 =	vmul.f32 v8, v8;
	v3 =	vadd.f32 v3, v31;
	(xrf2) =	vadd.scan.msk.f32 $0xffff, v47  }
0x148: {  	v2 =	vadd.f32 v2, v30;
	v6 =	vmul.f32 v6, v6;
	v11 =	vmul.f32 v11, v11;
	(xrf2) =	vadd.scan.msk.f32 $0xffff, v52  }
0x149: {  	v4 =	vadd.f32 v8, v4;
	v3 =	vadd.f32 v7, v3;
	v12 =	vmul.f32 v12, v12;
	v53, _, _ =	vpop (xrf2)  }
0x14a: {  	v5 =	vadd.f32 v5, v36;
	v36 =	vmul.f32 v17, v17;
	v2 =	vadd.f32 v6, v2;
	v56, _, _ =	vpop (xrf2)  }
0x14b: {  	v31 =	vmul.f32 v14, v14;
	v3 =	vadd.f32 v11, v3;
	v4 =	vadd.f32 v12, v4;
	v58, _, _ =	vpop (xrf2)  }
0x14c: {  	v18 =	vmul.f32 v18, v18;
	v15 =	vmul.f32 v15, v15;
	v14 =	vld [tilespmem:s20+$0x4B80];
	v25 =	vsel vm9, v25, v60;
	v61, _, _ =	vpop (xrf2)  }
0x14d: {  	v4 =	vadd.f32 v36, v4;
	v57 =	vbroadcast v53, $0xF;
	v59 =	vbroadcast v56, $0xF;
	v62, _, _ =	vpop (xrf2)  }
0x14e: {  	v3 =	vadd.f32 v15, v3;
	v8 =	vbroadcast v58, $0xF;
	v63 =	vmul.f32 v13, v13;
	v13, _, _ =	vpop (xrf2)  }
0x14f: {  	v7 =	vsel vm10, v35, v57;
	v6 =	vsel vm10, v25, v59;
	v34 =	vbroadcast v62, $0xF;
	v25, _, _ =	vpop (xrf2)  }
0x150: {  	v11 =	vld [tilespmem:s20+$0x4B90];
	v55 =	vmul.f32 v9, v9;
	v7 =	vsel vm11, v7, v8;
	v35 =	vbroadcast v25, $0xF  }
0x151: {  	v51 =	vmul.f32 v14, v40;
	v40 =	vmul.f32 v27, v27;
	v7 =	vsel vm12, v7, v34;
	v25, _, _ =	vpop (xrf2)  }
0x152: {  	v5 =	vadd.f32 v55, v5;
	v60 =	vmul.f32 v10, v10;
	v8 =	vld [tilespmem:s20+$0x4BA0];
	v7 =	vsel vm13, v7, v35;
	v48, _, _ =	vpop (xrf2)  }
0x153: {  	v53 =	vmul.f32 v16, v16;
	v47 =	vmul.f32 v19, v19;
	v7 =	vsel vm14, v7, v48  }
0x154: {  	v10 =	vld [tilespmem:s20+$0x4BB0];
	v57 =	vmul.f32 v20, v20;
	v50 =	vshra.s32 v7, $0x1;
	v15 =	vmul.f32 $5.000000000e-01, v7  }
0x155: {  	v59 =	vmul.f32 v21, v21;
	v52 =	vmul.f32 v11, v41;
	v12 =	vsub.s32 $0x5F3759DF, v50  }
0x156: {  	v16 =	vld [tilespmem:s20+$0x4BC0];
	v2 =	vadd.f32 v60, v2;
	v49 =	vbroadcast v61, $0xF;
	v55 =	vmul.f32 v12, v15  }
0x157: {  	v5 =	vadd.f32 v63, v5;
	v17 =	vadd.f32 v52, v51;
	v56 =	vmul.f32 v8, v42  }
0x158: {  	v20 =	vld [tilespmem:s20+$0x4BD0];
	v2 =	vadd.f32 v31, v2;
	v4 =	vadd.f32 v57, v4;
	v30 =	vmul.f32 v12, v55  }
0x159: {  	v11 =	vmul.f32 v11, v11;
	v58 =	vmul.f32 v10, v43;
	v17 =	vadd.f32 v56, v17  }
0x15a: {  	v60 =	vld [tilespmem:s20+$0x4BE0];
	v6 =	vsel vm11, v6, v49;
	v62 =	vmul.f32 v22, v22;
	v61 =	vsub.f32 $1.500000000e+00, v30  }
0x15b: {  	v63 =	vmul.f32 v16, v44;
	v49 =	vmul.f32 v32, v32;
	v17 =	vadd.f32 v58, v17  }
0x15c: {  	v31 =	vld [tilespmem:s20+$0x4BF0];
	v57 =	vmul.f32 v16, v16;
	v5 =	vadd.f32 v47, v5;
	v12 =	vmul.f32 v12, v61  }
0x15d: {  	v47 =	vmul.f32 v29, v29;
	v34 =	vmul.f32 v20, v45;
	v17 =	vadd.f32 v63, v17  }
0x15e: {  	v3 =	vadd.f32 v18, v3;
	v51 =	vmul.f32 v37, v37;
	v36 =	vmul.f32 v12, v15  }
0x15f: {  	v52 =	vmul.f32 v38, v38;
	v41 =	vmul.f32 v60, v46;
	v17 =	vadd.f32 v34, v17  }
0x160: {  	v2 =	vadd.f32 v53, v2;
	v53 =	vmul.f32 v39, v39;
	v43 =	vmul.f32 v36, v12  }
0x161: {  	v45 =	vmul.f32 v26, v26;
	v44 =	vmul.f32 v31, v54;
	v17 =	vadd.f32 v41, v17  }
0x162: {  	v46 =	vmul.f32 v28, v28;
	v42 =	vbroadcast v13, $0xF;
	v13 =	vsub.f32 $1.500000000e+00, v43  }
0x163: {  	v60 =	vmul.f32 v60, v60;
	v8 =	vmul.f32 v8, v8;
	v17 =	vadd.f32 v44, v17  }
0x164: {  	v5 =	vadd.f32 v59, v5;
	v30 =	vmul.f32 v23, v23;
	v48 =	vmul.f32 v13, v12  }
0x165: {  	v2 =	vadd.f32 v62, v2;
	v59 =	vmul.f32 v10, v10;
	v35 =	vmul.f32 v24, v24;
	(xrf2) =	vadd.scan.msk.f32 $0xffff, v17  }
0x166: {  	v5 =	vadd.f32 v40, v5;
	v3 =	vadd.f32 v30, v3;
	v15 =	vmul.f32 v48, v15  }
0x167: {  	v2 =	vadd.f32 v45, v2;
	v4 =	vadd.f32 v35, v4;
	v50 =	vmul.f32 v33, v33  }
0x168: {  	v5 =	vadd.f32 v49, v5;
	v3 =	vadd.f32 v46, v3;
	v15 =	vmul.f32 v15, v48  }
0x169: {  	v6 =	vsel vm12, v6, v42;
	v4 =	vadd.f32 v47, v4;
	v2 =	vadd.f32 v50, v2  }
0x16a: {  	v55 =	vmul.f32 v14, v14;
	v3 =	vadd.f32 v51, v3;
	v56 =	vsub.f32 $1.500000000e+00, v15  }
0x16b: {  	v58 =	vmul.f32 v20, v20;
	v54 =	vbroadcast v25, $0xF;
	v4 =	vadd.f32 v52, v4  }
0x16c: {  	v2 =	vadd.f32 v55, v2;
	v3 =	vadd.f32 v11, v3;
	v9 =	vmul.f32 v56, v48  }
0x16d: {  	v5 =	vadd.f32 v53, v5;
	v6 =	vsel vm13, v6, v54;
	v4 =	vadd.f32 v8, v4  }
0x16e: {  	v2 =	vadd.f32 v57, v2;
	v3 =	vadd.f32 v58, v3;
	v9 =	vmin.f32 v9, $9.999999950e+11  }
0x16f: {  	v5 =	vadd.f32 v59, v5;
	v61 =	vmul.f32 v31, v31;
	v62, _, _ =	vpop (xrf2);
	v7 =	vmul.f32 v9, v7  }
0x170: {  	p0 =	sne.s32 s18, $0x3;
	v4 =	vadd.f32 v60, v4;
	v6 =	vsel vm14, v6, v62;
	v2 =	vadd.f32 v3, v2  }
.Ltmp0:
0x171: {  	v3 =	vadd.f32 v61, v5;
	v6 =	vadd.f32 v6, v6;
	v63 =	vmul.f32 v7, v9;
	(pc) =	sbr.rel @p0 .LBB2_3-.Ltmp0, $3  }
0x172: {  	v1 =	vadd.f32 v2, v1  }
0x173: {  	v2 =	vadd.f32 v3, v4;
	v3 =	vmul.f32 v9, v6;
	v0 =	vadd.f32 v63, v0;
	_ =	sdelay $0x1  }
0x174: {  	s18 =	sadd.s32 $0x1, s18;
	v1 =	vadd.f32 v2, v1;
	v0 =	vsub.f32 v0, v3  }
0x175: {  	p0 =	seq.s32 s17, $0x3  }
0x176: {  	s18 =	sadd.s32 @!p0 $0x2, s19  }
0x177: {  	s20 =	simm.s32 @!p0 $0x40;
	s19 =	sshll.u32 @!p0 s18, $0x7  }
0x178: {  	s21 =	simm.s32 @!p0 $0x4400;
	s18 =	sshll.u32 @!p0 s18, $0xA;
	s19 =	sand.u32 @!p0 $0x3FFFFF80, s19  }
0x179: {  	[tilespmem:s21], [sflag:$0x1] =	stream.indirect.gather @!p0 [hbm4b:s2+s20], $0x80, s19, s20, $0xb8;
	[tilespmem:$0x8480] =	vst v63  }
0x17a: {  	s18 =	sadd.s32 @!p0 s18, s12;
	s19 =	simm.s32 @!p0 $0x0;
	s20 =	simm.s32 @!p0 $0x400  }
0x17b: {  	[tilespmem:s20], [sflag:$0x3] =	stream.linear.gather @!p0 [hbm4b:s18+s19], $0x2000, $0x38;
	[tilespmem:$0x8480] =	vst v63  }
0x17c: {  	_ =	swait.ge [sflag:s31], $0x2000  }
0x17d: {  	[sflag:s31] =	ssyncset.done $0x0  }
0x17e: {  	[sflag:s31] =	ssyncadd.s32 $0xFFFFE000  }
0x17f: {  	_ =	swait.ge [sflag:s1], $0x2000  }
0x180: {  	[sflag:s1] =	ssyncset.done $0x0  }
0x181: {  	s18 =	simm.s32 $0x0;
	[sflag:s1] =	ssyncadd.s32 $0xFFFFE000  }
.LBB2_5:
0x182: {  	s19 =	sshll.u32 s18, $0xB  }
0x183: {  	v2 =	vld [tilespmem:s19+$0x2400]  }
0x184: {  	v4 =	vld [tilespmem:s19+$0x6400]  }
0x185: {  	v3 =	vld [tilespmem:s19+$0x2410]  }
0x186: {  	v5 =	vld [tilespmem:s19+$0x6410]  }
0x187: {  	v6 =	vld [tilespmem:s19+$0x2420]  }
0x188: {  	v8 =	vld [tilespmem:s19+$0x6420]  }
0x189: {  	v7 =	vld [tilespmem:s19+$0x2430]  }
0x18a: {  	v11 =	vld [tilespmem:s19+$0x6430]  }
0x18b: {  	v9 =	vld [tilespmem:s19+$0x2440]  }
0x18c: {  	v12 =	vld [tilespmem:s19+$0x6440]  }
0x18d: {  	v10 =	vld [tilespmem:s19+$0x2450]  }
0x18e: {  	v14 =	vld [tilespmem:s19+$0x2460]  }
0x18f: {  	v15 =	vld [tilespmem:s19+$0x6460]  }
0x190: {  	v16 =	vld [tilespmem:s19+$0x2470]  }
0x191: {  	v17 =	vld [tilespmem:s19+$0x6470]  }
0x192: {  	v18 =	vld [tilespmem:s19+$0x2480]  }
0x193: {  	v19 =	vld [tilespmem:s19+$0x6480]  }
0x194: {  	v20 =	vld [tilespmem:s19+$0x2490]  }
0x195: {  	v21 =	vld [tilespmem:s19+$0x6490]  }
0x196: {  	v22 =	vld [tilespmem:s19+$0x24A0]  }
0x197: {  	v23 =	vld [tilespmem:s19+$0x64A0]  }
0x198: {  	v26 =	vld [tilespmem:s19+$0x24B0];
	v24 =	vmul.f32 v2, v2;
	v25 =	vmul.f32 v3, v3  }
0x199: {  	v27 =	vld [tilespmem:s19+$0x64B0];
	v2 =	vmul.f32 v4, v2;
	v3 =	vmul.f32 v5, v3  }
0x19a: {  	v28 =	vld [tilespmem:s19+$0x24C0];
	v51 =	vmul.f32 v6, v6;
	v53 =	vmul.f32 v7, v7  }
0x19b: {  	v29 =	vld [tilespmem:s19+$0x64C0];
	v55 =	vmul.f32 v9, v9;
	v57 =	vmul.f32 v10, v10  }
0x19c: {  	v54 =	vld [tilespmem:s19+$0x24D0];
	v58 =	vmul.f32 v14, v14;
	v59 =	vmul.f32 v15, v14  }
0x19d: {  	v30 =	vld [tilespmem:s19+$0x64D0];
	v60 =	vmul.f32 v16, v16;
	v61 =	vmul.f32 v20, v20  }
0x19e: {  	v56 =	vld [tilespmem:s19+$0x24E0];
	v62 =	vmul.f32 v19, v18;
	v63 =	vmul.f32 v21, v20  }
0x19f: {  	v31 =	vld [tilespmem:s19+$0x64E0];
	v16 =	vmul.f32 v17, v16;
	v37 =	vmul.f32 v22, v22  }
0x1a0: {  	v32 =	vld [tilespmem:s19+$0x24F0];
	v38 =	vmul.f32 v23, v22;
	v40 =	vmul.f32 v26, v26  }
0x1a1: {  	v13 =	vld [tilespmem:s19+$0x6450];
	v41 =	vmul.f32 v27, v26;
	v43 =	vmul.f32 v28, v28  }
0x1a2: {  	v33 =	vld [tilespmem:s19+$0x64F0];
	v4 =	vmul.f32 v4, v4;
	v44 =	vmul.f32 v29, v28  }
0x1a3: {  	v34 =	vld [tilespmem:s19+$0x2500];
	v5 =	vmul.f32 v5, v5;
	v45 =	vmul.f32 v54, v54  }
0x1a4: {  	v35 =	vld [tilespmem:s19+$0x2510];
	v46 =	vmul.f32 v30, v54;
	v47 =	vmul.f32 v56, v56  }
0x1a5: {  	v36 =	vld [tilespmem:s19+$0x6510];
	v48 =	vmul.f32 v31, v56;
	v49 =	vmul.f32 v32, v32  }
0x1a6: {  	v42 =	vld [tilespmem:s19+$0x2540];
	v17 =	vmul.f32 v17, v17;
	v19 =	vmul.f32 v19, v19  }
0x1a7: {  	v22 =	vld [tilespmem:s19+$0x2530];
	v24 =	vadd.f32 v25, v24;
	v2 =	vadd.f32 v3, v2;
	v3 =	vmul.f32 v8, v6  }
0x1a8: {  	v28 =	vld [tilespmem:s19+$0x2550];
	v21 =	vmul.f32 v21, v21;
	v56 =	vmul.f32 v27, v27  }
0x1a9: {  	v27 =	vld [tilespmem:s19+$0x25B0];
	v31 =	vmul.f32 v31, v31;
	v52 =	vadd.f32 v51, v24;
	v2 =	vadd.f32 v3, v2  }
0x1aa: {  	v26 =	vld [tilespmem:s19+$0x25F0];
	v3 =	vmul.f32 v11, v7;
	v7 =	vadd.f32 v63, v62;
	v51 =	vmul.f32 v33, v32  }
0x1ab: {  	v25 =	vld [tilespmem:s19+$0x2560];
	v62 =	vmul.f32 v36, v35;
	v33 =	vmul.f32 v33, v33;
	v6 =	vadd.f32 v53, v52  }
0x1ac: {  	v24 =	vld [tilespmem:s19+$0x2570];
	v2 =	vadd.f32 v3, v2;
	v3 =	vmul.f32 v12, v9;
	v14 =	vadd.f32 v38, v7  }
0x1ad: {  	v32 =	vld [tilespmem:s19+$0x2590];
	v38 =	vmul.f32 v11, v11;
	v12 =	vmul.f32 v12, v12;
	v6 =	vadd.f32 v55, v6  }
0x1ae: {  	v7 =	vld [tilespmem:s19+$0x6540];
	v2 =	vadd.f32 v3, v2;
	v3 =	vmul.f32 v13, v10;
	v14 =	vadd.f32 v41, v14  }
0x1af: {  	v11 =	vld [tilespmem:s19+$0x6570];
	v13 =	vmul.f32 v13, v13;
	v4 =	vadd.f32 v12, v4;
	v17 =	vadd.f32 v17, v38  }
0x1b0: {  	v36 =	vmul.f32 v36, v36;
	v12 =	vld [tilespmem:s19+$0x6590];
	v6 =	vadd.f32 v57, v6;
	v3 =	vadd.f32 v3, v2  }
0x1b1: {  	v52 =	vmul.f32 v15, v15;
	v38 =	vld [tilespmem:s19+$0x25A0];
	v14 =	vadd.f32 v44, v14;
	v5 =	vadd.f32 v13, v5  }
0x1b2: {  	v55 =	vmul.f32 v23, v23;
	v23 =	vld [tilespmem:s19+$0x65D0];
	v4 =	vadd.f32 v19, v4;
	v17 =	vadd.f32 v56, v17  }
0x1b3: {  	v2 =	vld [tilespmem:s19+$0x6500];
	v57 =	vmul.f32 v29, v29;
	v6 =	vadd.f32 v58, v6;
	v9 =	vadd.f32 v59, v3  }
0x1b4: {  	v29 =	vld [tilespmem:s19+$0x65C0];
	v3 =	vmul.f32 v18, v18;
	v14 =	vadd.f32 v46, v14;
	v5 =	vadd.f32 v21, v5  }
0x1b5: {  	v18 =	vld [tilespmem:s19+$0x2520];
	v58 =	vmul.f32 v30, v30;
	v4 =	vadd.f32 v57, v4;
	v17 =	vadd.f32 v33, v17  }
0x1b6: {  	v59 =	vmul.f32 v34, v34;
	v30 =	vld [tilespmem:s19+$0x25D0];
	v6 =	vadd.f32 v60, v6;
	v10 =	vadd.f32 v61, v3  }
0x1b7: {  	v33 =	vld [tilespmem:s19+$0x65E0];
	v57 =	vmul.f32 v24, v24;
	v16 =	vadd.f32 v16, v9;
	v50 =	vadd.f32 v48, v14  }
0x1b8: {  	v3 =	vld [tilespmem:s19+$0x6520];
	v60 =	vmul.f32 v35, v35;
	v63 =	vadd.f32 v58, v5;
	v61 =	vmul.f32 v2, v34  }
0x1b9: {  	v9 =	vld [tilespmem:s19+$0x6530];
	v2 =	vmul.f32 v2, v2;
	v39 =	vadd.f32 v37, v10;
	v37 =	vmul.f32 v8, v8  }
0x1ba: {  	v35 =	vld [tilespmem:s19+$0x2640];
	v14 =	vadd.f32 v51, v50;
	v50 =	vmul.f32 v7, v42;
	v51 =	vmul.f32 v28, v28  }
0x1bb: {  	v34 =	vld [tilespmem:s19+$0x25C0];
	(xrf2) =	vadd.scan.msk.f32 $0xffff, v6;
	v7 =	vmul.f32 v7, v7;
	v21 =	vadd.f32 v62, v61;
	v6 =	vadd.f32 v40, v39  }
0x1bc: {  	v8 =	vld [tilespmem:s19+$0x6560];
	(xrf2) =	vadd.scan.msk.f32 $0xffff, v16;
	v44 =	vmul.f32 v18, v18;
	v41 =	vadd.f32 v2, v4;
	v13 =	vadd.f32 v52, v37  }
0x1bd: {  	v16 =	vld [tilespmem:s19+$0x2580];
	v62 =	vmul.f32 v38, v38;
	v18 =	vmul.f32 v3, v18;
	v6 =	vadd.f32 v43, v6  }
0x1be: {  	v10 =	vld [tilespmem:s19+$0x6550];
	v13 =	vadd.f32 v55, v13;
	v43 =	vadd.f32 v60, v59;
	v59 =	vmul.f32 v11, v24  }
0x1bf: {  	v2 =	vld [tilespmem:s19+$0x6620];
	v60 =	vadd.f32 v36, v63;
	v63 =	vmul.f32 v12, v32;
	v11 =	vmul.f32 v11, v11  }
0x1c0: {  	v4 =	vld [tilespmem:s19+$0x6630];
	v12 =	vmul.f32 v12, v12;
	v46 =	vadd.f32 v18, v21;
	v6 =	vadd.f32 v45, v6  }
0x1c1: {  	v40 =	vld [tilespmem:s19+$0x65F0];
	v56 =	vmul.f32 v8, v25;
	v8 =	vmul.f32 v8, v8;
	v5 =	vadd.f32 v44, v43  }
0x1c2: {  	v36 =	vld [tilespmem:s19+$0x2630];
	v45 =	vmul.f32 v22, v22;
	v58 =	vmul.f32 v16, v16;
	v6 =	vadd.f32 v47, v6  }
0x1c3: {  	v21 =	vld [tilespmem:s19+$0x25E0];
	v31 =	vadd.f32 v31, v13;
	v44 =	vmul.f32 v27, v27;
	v47 =	vmul.f32 v9, v22  }
0x1c4: {  	v43 =	vld [tilespmem:s19+$0x2620];
	v5 =	vadd.f32 v45, v5;
	v20 =	vadd.f32 v49, v6;
	v49 =	vmul.f32 v42, v42  }
0x1c5: {  	v9 =	vmul.f32 v9, v9;
	v53, _, _ =	vpop (xrf2);
	v6 =	vld [tilespmem:s19+$0x6580];
	v13 =	vadd.f32 v47, v46;
	v42 =	vmul.f32 v32, v32  }
0x1c6: {  	v32 =	vld [tilespmem:s19+$0x26B0];
	v15 =	vbroadcast v53, $0xF;
	v54, _, _ =	vpop (xrf2);
	v53 =	vmul.f32 v10, v28;
	(xrf2) =	vadd.scan.msk.f32 $0xffff, v20;
	v5 =	vadd.f32 v49, v5  }
0x1c7: {  	v7 =	vadd.f32 v7, v41;
	v28 =	vld [tilespmem:s19+$0x2600];
	v10 =	vmul.f32 v10, v10;
	v37 =	vbroadcast v54, $0xF  }
0x1c8: {  	v20 =	vld [tilespmem:s19+$0x65B0];
	v52 =	vadd.f32 v50, v13;
	v54 =	vmul.f32 v25, v25;
	(xrf2) =	vadd.scan.msk.f32 $0xffff, v14;
	v5 =	vadd.f32 v51, v5  }
0x1c9: {  	v13 =	vld [tilespmem:s19+$0x6600];
	v61 =	vadd.f32 v42, v58;
	v42 =	vmul.f32 v3, v3;
	v50 =	vadd.f32 v9, v17  }
0x1ca: {  	v49 =	vmul.f32 v34, v34;
	v14 =	vld [tilespmem:s19+$0x65A0];
	v10 =	vadd.f32 v10, v60;
	v55 =	vadd.f32 v54, v5  }
0x1cb: {  	v3 =	vld [tilespmem:s19+$0x6640];
	v58 =	vmul.f32 v26, v26;
	v25 =	vadd.f32 v62, v61;
	v47 =	vadd.f32 v42, v31  }
0x1cc: {  	v9 =	vld [tilespmem:s19+$0x6650];
	v62 =	vmul.f32 v40, v26;
	v16 =	vmul.f32 v6, v16;
	v18 =	vadd.f32 v57, v55  }
0x1cd: {  	v31 =	vld [tilespmem:s19+$0x2650];
	v11 =	vadd.f32 v11, v50;
	v6 =	vmul.f32 v6, v6;
	v54 =	vmul.f32 v29, v34  }
0x1ce: {  	v42 =	vld [tilespmem:s19+$0x2700];
	v8 =	vadd.f32 v8, v47;
	v47 =	vmul.f32 v28, v28;
	v51 =	vmul.f32 v20, v27;
	(xrf2) =	vadd.scan.msk.f32 $0xffff, v18  }
0x1cf: {  	v10 =	vadd.f32 v12, v10;
	v5 =	vld [tilespmem:s19+$0x6610];
	v46 =	vmul.f32 v14, v38;
	v55 =	vmul.f32 v21, v21  }
0x1d0: {  	v34 =	vld [tilespmem:s19+$0x2670];
	v45 =	vadd.f32 v63, v16;
	v57 =	vmul.f32 v23, v30;
	v21 =	vmul.f32 v33, v21;
	v48, _, _ =	vpop (xrf2)  }
0x1d1: {  	v16 =	vld [tilespmem:s19+$0x6660];
	v6 =	vadd.f32 v6, v7;
	v14 =	vmul.f32 v14, v14;
	v22 =	vbroadcast v48, $0xF  }
0x1d2: {  	v27 =	vld [tilespmem:s19+$0x26A0];
	v23 =	vmul.f32 v23, v23;
	v33 =	vmul.f32 v33, v33;
	v39, _, _ =	vpop (xrf2);
	v48 =	vadd.f32 v44, v25  }
0x1d3: {  	v38 =	vld [tilespmem:s19+$0x2680];
	v39 =	vbroadcast v39, $0xF;
	v22 =	vsel vm0, v15, v22;
	v15 =	vadd.f32 v53, v52  }
0x1d4: {  	v18 =	vld [tilespmem:s19+$0x6690];
	v8 =	vadd.f32 v14, v8;
	v52 =	vadd.f32 v49, v48;
	v53 =	vmul.f32 v30, v30  }
0x1d5: {  	v10 =	vadd.f32 v23, v10;
	v37 =	vsel vm0, v37, v39;
	v39 =	vld [tilespmem:s19+$0x2610];
	v15 =	vadd.f32 v56, v15  }
0x1d6: {  	v23 =	vld [tilespmem:s19+$0x26E0];
	v33 =	vadd.f32 v33, v8;
	v49 =	vmul.f32 v13, v28;
	v17 =	vadd.f32 v53, v52  }
0x1d7: {  	v8 =	vld [tilespmem:s19+$0x6720];
	v52 =	vmul.f32 v2, v43;
	v53 =	vmul.f32 v36, v36;
	v15 =	vadd.f32 v59, v15  }
0x1d8: {  	v25 =	vld [tilespmem:s19+$0x2660];
	v2 =	vmul.f32 v2, v2;
	v19 =	vadd.f32 v55, v17;
	v55 =	vmul.f32 v40, v40;
	v59, _, _ =	vpop (xrf2)  }
0x1d9: {  	v30 =	vld [tilespmem:s19+$0x2690];
	(xrf2) =	vadd.scan.msk.f32 $0xffff, v15;
	v15 =	vadd.f32 v46, v45;
	v60 =	vbroadcast v59, $0xF;
	v45 =	vmul.f32 v20, v20  }
0x1da: {  	v28 =	vld [tilespmem:s19+$0x26D0];
	v2 =	vadd.f32 v2, v33;
	v46 =	vmul.f32 v29, v29;
	v48 =	vmul.f32 v39, v39  }
0x1db: {  	v17 =	vld [tilespmem:s19+$0x6680];
	v19 =	vadd.f32 v58, v19;
	v50 =	vmul.f32 v5, v39;
	v58 =	vmul.f32 v3, v35  }
0x1dc: {  	v40 =	vld [tilespmem:s19+$0x26F0];
	v5 =	vmul.f32 v5, v5;
	v3 =	vmul.f32 v3, v3;
	v15 =	vadd.f32 v51, v15  }
0x1dd: {  	v33 =	vld [tilespmem:s19+$0x2770];
	v63 =	vsel vm1, v22, v60;
	v7 =	vadd.f32 v45, v11;
	v51 =	vmul.f32 v43, v43  }
0x1de: {  	v29 =	vld [tilespmem:s19+$0x26C0];
	v12 =	vadd.f32 v46, v6;
	v60 =	vmul.f32 v31, v31;
	v45 =	vmul.f32 v25, v25  }
0x1df: {  	v20 =	vld [tilespmem:s19+$0x6700];
	v11 =	vadd.f32 v48, v47;
	v46 =	vmul.f32 v16, v25;
	v47 =	vmul.f32 v38, v38  }
0x1e0: {  	(xrf2) =	vadd.scan.msk.f32 $0xffff, v19;
	v19 =	vld [tilespmem:s19+$0x66A0];
	v6 =	vadd.f32 v50, v49;
	v48 =	vmul.f32 v30, v30;
	v49 =	vmul.f32 v34, v34  }
0x1e1: {  	v22 =	vld [tilespmem:s19+$0x66C0];
	v50 =	vmul.f32 v27, v27;
	v30 =	vmul.f32 v18, v30;
	v5 =	vadd.f32 v5, v10  }
0x1e2: {  	v43 =	vld [tilespmem:s19+$0x2720];
	v38 =	vmul.f32 v17, v38;
	v56 =	vadd.f32 v54, v15;
	v11 =	vadd.f32 v51, v11  }
0x1e3: {  	v25 =	vld [tilespmem:s19+$0x2750];
	v6 =	vadd.f32 v52, v6;
	v54 =	vmul.f32 v4, v36;
	v41 =	vadd.f32 v55, v7  }
0x1e4: {  	v15 =	vld [tilespmem:s19+$0x6670];
	v51 =	vmul.f32 v32, v32;
	v4 =	vmul.f32 v4, v4;
	v24 =	vadd.f32 v57, v56  }
0x1e5: {  	v10 =	vld [tilespmem:s19+$0x6750];
	v52 =	vadd.f32 v30, v38;
	v11 =	vadd.f32 v53, v11;
	v57 =	vmul.f32 v35, v35  }
0x1e6: {  	v36 =	vld [tilespmem:s19+$0x66E0];
	v55 =	vmul.f32 v29, v29;
	v6 =	vadd.f32 v54, v6;
	v21 =	vadd.f32 v21, v24  }
0x1e7: {  	v7 =	vld [tilespmem:s19+$0x6710];
	v27 =	vmul.f32 v19, v27;
	v19 =	vmul.f32 v19, v19;
	v59 =	vadd.f32 v57, v11  }
0x1e8: {  	v35 =	vld [tilespmem:s19+$0x66F0];
	v6 =	vadd.f32 v58, v6;
	v57 =	vmul.f32 v28, v28;
	v21 =	vadd.f32 v62, v21  }
0x1e9: {  	v58 =	vmul.f32 v22, v29;
	v29 =	vld [tilespmem:s19+$0x2790];
	v34 =	vmul.f32 v15, v34;
	v11 =	vadd.f32 v60, v59  }
0x1ea: {  	v4 =	vadd.f32 v4, v41;
	v15 =	vmul.f32 v15, v15;
	v61, _, _ =	vpop (xrf2);
	v62 =	vmul.f32 v9, v31;
	v31 =	vld [tilespmem:s19+$0x2780];
	(xrf2) =	vadd.scan.msk.f32 $0xffff, v21  }
0x1eb: {  	v60 =	vmul.f32 v23, v23;
	v44 =	vbroadcast v61, $0xF;
	v21 =	vld [tilespmem:s19+$0x66B0];
	v56, _, _ =	vpop (xrf2);
	v11 =	vadd.f32 v45, v11  }
0x1ec: {  	v4 =	vadd.f32 v15, v4;
	v15 =	vld [tilespmem:s19+$0x6800];
	v6 =	vadd.f32 v62, v6;
	v39 =	vbroadcast v56, $0xF  }
0x1ed: {  	v9 =	vmul.f32 v9, v9;
	v45 =	vld [tilespmem:s19+$0x2740];
	v24 =	vsel vm1, v37, v44;
	v11 =	vadd.f32 v49, v11  }
0x1ee: {  	v37 =	vld [tilespmem:s19+$0x66D0];
	v26 =	vsel vm2, v63, v39;
	v63 =	vmul.f32 v13, v13;
	v13 =	vadd.f32 v46, v6  }
0x1ef: {  	v23 =	vmul.f32 v36, v23;
	v41 =	vmul.f32 v35, v40;
	v39 =	vld [tilespmem:s19+$0x2710];
	(xrf2) =	vadd.scan.msk.f32 $0xffff, v11  }
0x1f0: {  	v44 =	vld [tilespmem:s19+$0x2730];
	v11 =	vadd.f32 v27, v52;
	v34 =	vadd.f32 v34, v13;
	v56 =	vmul.f32 v21, v32  }
0x1f1: {  	v35 =	vmul.f32 v35, v35;
	v6 =	vld [tilespmem:s19+$0x6730];
	v52 =	vmul.f32 v36, v36;
	v53 =	vadd.f32 v63, v12  }
0x1f2: {  	v36 =	vld [tilespmem:s19+$0x27D0];
	v63 =	vmul.f32 v40, v40;
	v49 =	vmul.f32 v21, v21;
	(xrf2) =	vadd.scan.msk.f32 $0xffff, v34;
	v11 =	vadd.f32 v56, v11  }
0x1f3: {  	v13 =	vld [tilespmem:s19+$0x6740];
	v3 =	vadd.f32 v3, v53;
	v34 =	vmul.f32 v16, v16;
	v53 =	vmul.f32 v42, v42  }
0x1f4: {  	v32 =	vld [tilespmem:s19+$0x2760];
	v4 =	vadd.f32 v49, v4;
	v49 =	vmul.f32 v33, v33;
	v56 =	vmul.f32 v7, v39;
	v61, _, _ =	vpop (xrf2)  }
0x1f5: {  	v5 =	vadd.f32 v9, v5;
	v21 =	vld [tilespmem:s19+$0x67E0];
	v7 =	vmul.f32 v7, v7;
	v14 =	vbroadcast v61, $0xF  }
0x1f6: {  	v16 =	vld [tilespmem:s19+$0x6790];
	v11 =	vadd.f32 v58, v11;
	v2 =	vadd.f32 v34, v2;
	v61 =	vmul.f32 v37, v28  }
0x1f7: {  	v58 =	vmul.f32 v43, v43;
	v34 =	vld [tilespmem:s19+$0x27E0];
	v24 =	vsel vm2, v24, v14;
	v14 =	vadd.f32 v48, v47  }
0x1f8: {  	v2 =	vadd.f32 v19, v2;
	v19 =	vld [tilespmem:s19+$0x67C0];
	v27 =	vadd.f32 v61, v11;
	v47 =	vmul.f32 v17, v17  }
0x1f9: {  	v35 =	vadd.f32 v35, v4;
	v11 =	vld [tilespmem:s19+$0x6780];
	v48 =	vmul.f32 v18, v18;
	v38, _, _ =	vpop (xrf2);
	v14 =	vadd.f32 v50, v14  }
0x1fa: {  	v17 =	vld [tilespmem:s19+$0x67A0];
	v23 =	vadd.f32 v23, v27;
	v9 =	vbroadcast v38, $0xF;
	v3 =	vadd.f32 v47, v3  }
0x1fb: {  	v18 =	vld [tilespmem:s19+$0x67B0];
	v5 =	vadd.f32 v48, v5;
	v50 =	vmul.f32 v22, v22;
	v47 =	vmul.f32 v32, v32  }
0x1fc: {  	v27 =	vld [tilespmem:s19+$0x27C0];
	v54 =	vadd.f32 v51, v14;
	v46, _, _ =	vpop (xrf2);
	v23 =	vadd.f32 v41, v23;
	v51 =	vmul.f32 v37, v37  }
0x1fd: {  	v22 =	vld [tilespmem:s19+$0x67F0];
	v9 =	vsel vm3, v26, v9;
	v30 =	vbroadcast v46, $0xF;
	v46 =	vmul.f32 v25, v25  }
0x1fe: {  	v14 =	vld [tilespmem:s19+$0x6760];
	v25 =	vmul.f32 v10, v25;
	v10 =	vmul.f32 v10, v10;
	v12 =	vadd.f32 v55, v54  }
0x1ff: {  	v26 =	vld [tilespmem:s19+$0x27B0];
	v54 =	vmul.f32 v39, v39;
	v55 =	vadd.f32 v50, v3;
	v3 =	vmul.f32 v20, v42  }
0x200: {  	v41 =	vld [tilespmem:s19+$0x2800];
	v38 =	vadd.f32 v51, v5;
	v20 =	vmul.f32 v20, v20;
	v51 =	vmul.f32 v31, v31  }
0x201: {  	v39 =	vld [tilespmem:s19+$0x27F0];
	v31 =	vmul.f32 v11, v31;
	v24 =	vsel vm3, v24, v30;
	v30 =	vadd.f32 v52, v2  }
0x202: {  	v42 =	vld [tilespmem:s19+$0x2810];
	v52 =	vmul.f32 v29, v29;
	v29 =	vmul.f32 v16, v29;
	v59 =	vadd.f32 v57, v12  }
0x203: {  	v16 =	vmul.f32 v16, v16;
	v12 =	vld [tilespmem:s19+$0x6770];
	v57 =	vadd.f32 v54, v53;
	v2 =	vadd.f32 v56, v3  }
0x204: {  	v3 =	vmul.f32 v8, v43;
	v43 =	vld [tilespmem:s19+$0x2820];
	v20 =	vadd.f32 v20, v55;
	v56 =	vmul.f32 v8, v8  }
0x205: {  	v8 =	vld [tilespmem:s19+$0x6850];
	v48 =	vmul.f32 v14, v32;
	v53 =	vadd.f32 v52, v51;
	v62 =	vadd.f32 v60, v59  }
0x206: {  	v55 =	vadd.f32 v29, v31;
	v29 =	vld [tilespmem:s19+$0x2850];
	v14 =	vmul.f32 v14, v14;
	v60 =	vmul.f32 v44, v44  }
0x207: {  	v32 =	vld [tilespmem:s19+$0x28B0];
	v2 =	vadd.f32 v3, v2;
	v3 =	vmul.f32 v6, v44;
	v28 =	vadd.f32 v63, v62  }
0x208: {  	v31 =	vld [tilespmem:s19+$0x2960];
	v5 =	vadd.f32 v58, v57;
	v58 =	vmul.f32 v26, v26;
	v6 =	vmul.f32 v6, v6  }
0x209: {  	v63 =	vmul.f32 v45, v45;
	v2 =	vadd.f32 v3, v2;
	v3 =	vmul.f32 v13, v45;
	v45 =	vld [tilespmem:s19+$0x2840];
	(xrf2) =	vadd.scan.msk.f32 $0xffff, v28  }
0x20a: {  	v26 =	vmul.f32 v18, v26;
	v62 =	vadd.f32 v60, v5;
	v35 =	vadd.f32 v6, v35;
	v6 =	vld [tilespmem:s19+$0x6880]  }
0x20b: {  	v30 =	vadd.f32 v56, v30;
	v18 =	vmul.f32 v18, v18;
	v50 =	vmul.f32 v12, v33;
	v33 =	vld [tilespmem:s19+$0x2830];
	(xrf2) =	vadd.scan.msk.f32 $0xffff, v23  }
0x20c: {  	v56 =	vmul.f32 v41, v41;
	v51 =	vmul.f32 v22, v39;
	v28 =	vld [tilespmem:s19+$0x27A0];
	v4 =	vadd.f32 v63, v62  }
0x20d: {  	v30 =	vadd.f32 v14, v30;
	v12 =	vmul.f32 v12, v12;
	v2 =	vadd.f32 v3, v2;
	v3 =	vld [tilespmem:s19+$0x6810]  }
0x20e: {  	v62 =	vmul.f32 v19, v27;
	v63 =	vmul.f32 v13, v13;
	v13 =	vld [tilespmem:s19+$0x6870];
	v5 =	vadd.f32 v46, v4  }
0x20f: {  	v19 =	vmul.f32 v19, v19;
	v23 =	vld [tilespmem:s19+$0x67D0];
	v12 =	vadd.f32 v12, v35;
	v2 =	vadd.f32 v25, v2  }
0x210: {  	v35 =	vld [tilespmem:s19+$0x28D0];
	v20 =	vadd.f32 v63, v20;
	v5 =	vadd.f32 v47, v5;
	v47 =	vmul.f32 v34, v34  }
0x211: {  	v4 =	vld [tilespmem:s19+$0x6820];
	v25 =	vadd.f32 v48, v2;
	v48 =	vmul.f32 v21, v34;
	v54 =	vmul.f32 v28, v28  }
0x212: {  	v12 =	vadd.f32 v18, v12;
	v2 =	vld [tilespmem:s19+$0x6830];
	v21 =	vmul.f32 v21, v21;
	v28 =	vmul.f32 v17, v28  }
0x213: {  	v34 =	vld [tilespmem:s19+$0x2890];
	v17 =	vmul.f32 v17, v17;
	v25 =	vadd.f32 v50, v25;
	v57 =	vadd.f32 v54, v53;
	v59, _, _ =	vpop (xrf2)  }
0x214: {  	v60 =	vadd.f32 v28, v55;
	v28 =	vld [tilespmem:s19+$0x2860];
	v54 =	vmul.f32 v11, v11;
	v61 =	vbroadcast v59, $0xF  }
0x215: {  	v46 =	vmul.f32 v23, v36;
	v23 =	vmul.f32 v23, v23;
	v11 =	vld [tilespmem:s19+$0x68B0];
	v55 =	vadd.f32 v17, v30;
	v44, _, _ =	vpop (xrf2)  }
0x216: {  	v17 =	vld [tilespmem:s19+$0x68D0];
	v20 =	vadd.f32 v54, v20;
	v40 =	vsel vm4, v9, v61;
	v9 =	vbroadcast v44, $0xF  }
0x217: {  	v63 =	vmul.f32 v4, v43;
	v30 =	vld [tilespmem:s19+$0x2910];
	v59 =	vadd.f32 v7, v38;
	v7 =	vadd.f32 v26, v60  }
0x218: {  	v4 =	vmul.f32 v4, v4;
	v38 =	vld [tilespmem:s19+$0x28C0];
	v24 =	vsel vm4, v24, v9;
	v9 =	vadd.f32 v49, v5  }
0x219: {  	v54 =	vmul.f32 v29, v29;
	v20 =	vadd.f32 v19, v20;
	v19 =	vld [tilespmem:s19+$0x68E0];
	v7 =	vadd.f32 v62, v7  }
0x21a: {  	v61 =	vmul.f32 v27, v27;
	v27 =	vld [tilespmem:s19+$0x2870];
	v44 =	vmul.f32 v36, v36;
	v37 =	vadd.f32 v10, v59;
	(xrf2) =	vadd.scan.msk.f32 $0xffff, v9  }
0x21b: {  	v36 =	vld [tilespmem:s19+$0x2880];
	v59 =	vmul.f32 v3, v42;
	v26 =	vadd.f32 v46, v7;
	(xrf2) =	vadd.scan.msk.f32 $0xffff, v25;
	v25 =	vadd.f32 v58, v57  }
0x21c: {  	v10 =	vld [tilespmem:s19+$0x68A0];
	v3 =	vmul.f32 v3, v3;
	v49 =	vmul.f32 v39, v39;
	v16 =	vadd.f32 v16, v37  }
0x21d: {  	v5 =	vld [tilespmem:s19+$0x6840];
	v46 =	vmul.f32 v22, v22;
	v26 =	vadd.f32 v48, v26;
	v25 =	vadd.f32 v61, v25  }
0x21e: {  	v9 =	vld [tilespmem:s19+$0x6860];
	v57 =	vmul.f32 v42, v42;
	v58 =	vmul.f32 v15, v41;
	v41 =	vadd.f32 v23, v16  }
0x21f: {  	v39 =	vld [tilespmem:s19+$0x28A0];
	v48 =	vmul.f32 v2, v33;
	v42 =	vadd.f32 v21, v55;
	v25 =	vadd.f32 v44, v25  }
0x220: {  	v7 =	vld [tilespmem:s19+$0x6890];
	v55 =	vmul.f32 v8, v29;
	v60 =	vadd.f32 v57, v56;
	v61 =	vmul.f32 v43, v43  }
0x221: {  	v37 =	vld [tilespmem:s19+$0x28F0];
	v62 =	vadd.f32 v59, v58;
	v57 =	vmul.f32 v28, v28;
	v25 =	vadd.f32 v47, v25  }
0x222: {  	v22 =	vld [tilespmem:s19+$0x68F0];
	v58 =	vmul.f32 v15, v15;
	v59 =	vmul.f32 v27, v27;
	v16 =	vadd.f32 v61, v60  }
0x223: {  	v21 =	vld [tilespmem:s19+$0x2900];
	v28 =	vmul.f32 v9, v28;
	v60 =	vmul.f32 v13, v27;
	v25 =	vadd.f32 v49, v25  }
0x224: {  	v29 =	vld [tilespmem:s19+$0x2920];
	v23 =	vadd.f32 v63, v62;
	v61 =	vmul.f32 v39, v39;
	v63 =	vmul.f32 v10, v39  }
0x225: {  	v26 =	vadd.f32 v51, v26;
	v15 =	vld [tilespmem:s19+$0x6930];
	v10 =	vmul.f32 v10, v10;
	v47 =	vmul.f32 v33, v33;
	v50, _, _ =	vpop (xrf2);
	(xrf2) =	vadd.scan.msk.f32 $0xffff, v25  }
0x226: {  	v27 =	vld [tilespmem:s19+$0x2940];
	v33 =	vadd.f32 v46, v12;
	v23 =	vadd.f32 v48, v23;
	v53 =	vbroadcast v50, $0xF  }
0x227: {  	v39 =	vld [tilespmem:s19+$0x2990];
	v46 =	vmul.f32 v36, v36;
	v36 =	vmul.f32 v6, v36;
	v16 =	vadd.f32 v47, v16;
	(xrf2) =	vadd.scan.msk.f32 $0xffff, v26  }
0x228: {  	v12 =	vld [tilespmem:s19+$0x6900];
	v50 =	vmul.f32 v45, v45;
	v25 =	vsel vm5, v40, v53;
	v53 =	vmul.f32 v5, v45  }
0x229: {  	v48 =	vadd.f32 v58, v20;
	v47 =	vmul.f32 v34, v34;
	v34 =	vmul.f32 v7, v34;
	v52, _, _ =	vpop (xrf2);
	v40 =	vld [tilespmem:s19+$0x28E0]  }
0x22a: {  	v14 =	vbroadcast v52, $0xF;
	v18 =	vadd.f32 v50, v16;
	v16 =	vld [tilespmem:s19+$0x6910];
	v23 =	vadd.f32 v53, v23  }
0x22b: {  	v46 =	vadd.f32 v47, v46;
	v47 =	vmul.f32 v11, v32;
	v50 =	vadd.f32 v4, v42;
	v42 =	vld [tilespmem:s19+$0x2980]  }
0x22c: {  	v5 =	vmul.f32 v5, v5;
	v24 =	vsel vm5, v24, v14;
	v14 =	vld [tilespmem:s19+$0x68C0];
	v23 =	vadd.f32 v55, v23  }
0x22d: {  	v11 =	vmul.f32 v11, v11;
	v56 =	vadd.f32 v54, v18;
	v18 =	vld [tilespmem:s19+$0x6920];
	v53 =	vmul.f32 v35, v35  }
0x22e: {  	v35 =	vmul.f32 v17, v35;
	v55 =	vadd.f32 v5, v48;
	v5 =	vld [tilespmem:s19+$0x69B0];
	v28 =	vadd.f32 v28, v23  }
0x22f: {  	v62 =	vadd.f32 v34, v36;
	v54 =	vmul.f32 v40, v40;
	v58 =	vmul.f32 v19, v40;
	v40 =	vld [tilespmem:s19+$0x29A0];
	v49, _, _ =	vpop (xrf2)  }
0x230: {  	v23 =	vld [tilespmem:s19+$0x6940];
	v44 =	vadd.f32 v60, v28;
	v60 =	vmul.f32 v9, v9;
	v51 =	vbroadcast v49, $0xF  }
0x231: {  	v20 =	vadd.f32 v63, v62;
	v28 =	vld [tilespmem:s19+$0x6950];
	v52, _, _ =	vpop (xrf2);
	v49 =	vmul.f32 v38, v38;
	v38 =	vmul.f32 v14, v38  }
0x232: {  	v43 =	vbroadcast v52, $0xF;
	v52 =	vmul.f32 v2, v2;
	v2 =	vld [tilespmem:s19+$0x6980];
	v36 =	vadd.f32 v60, v50  }
0x233: {  	v50 =	vmul.f32 v30, v30;
	v60 =	vmul.f32 v19, v19;
	v45 =	vsel vm6, v25, v51;
	v25 =	vld [tilespmem:s19+$0x2930]  }
0x234: {  	v51 =	vadd.f32 v47, v20;
	v20 =	vld [tilespmem:s19+$0x6970];
	v43 =	vsel vm6, v24, v43;
	v24 =	vadd.f32 v57, v56  }
0x235: {  	v30 =	vmul.f32 v16, v30;
	v16 =	vmul.f32 v16, v16;
	v36 =	vadd.f32 v10, v36;
	v10 =	vld [tilespmem:s19+$0x6A00]  }
0x236: {  	v4 =	vadd.f32 v38, v51;
	v51 =	vmul.f32 v6, v6;
	v6 =	vld [tilespmem:s19+$0x69C0];
	v26 =	vadd.f32 v59, v24  }
0x237: {  	v41 =	vadd.f32 v3, v41;
	v47 =	vmul.f32 v22, v37;
	v56 =	vmul.f32 v8, v8;
	v24 =	vld [tilespmem:s19+$0x2950]  }
0x238: {  	v33 =	vadd.f32 v52, v33;
	v59 =	vmul.f32 v37, v37;
	v37 =	vld [tilespmem:s19+$0x29B0];
	v57 =	vadd.f32 v35, v4;
	(xrf2) =	vadd.scan.msk.f32 $0xffff, v26  }
0x239: {  	v41 =	vadd.f32 v56, v41;
	v4 =	vld [tilespmem:s19+$0x69A0];
	(xrf2) =	vadd.scan.msk.f32 $0xffff, v44;
	v44 =	vadd.f32 v61, v46;
	v46 =	vmul.f32 v32, v32  }
0x23a: {  	v56 =	vmul.f32 v14, v14;
	v26 =	vld [tilespmem:s19+$0x2970];
	v61 =	vmul.f32 v13, v13;
	v8 =	vadd.f32 v58, v57  }
0x23b: {  	v32 =	vld [tilespmem:s19+$0x6960];
	v58 =	vmul.f32 v27, v27;
	v27 =	vmul.f32 v23, v27;
	v3 =	vadd.f32 v46, v44  }
0x23c: {  	v23 =	vmul.f32 v23, v23;
	v8 =	vadd.f32 v47, v8;
	v46 =	vld [tilespmem:s19+$0x29C0];
	v9 =	vadd.f32 v61, v33  }
0x23d: {  	v33 =	vadd.f32 v51, v55;
	v55 =	vmul.f32 v25, v25;
	v61 =	vmul.f32 v22, v22;
	v44 =	vld [tilespmem:s19+$0x2A00]  }
0x23e: {  	v47 =	vld [tilespmem:s19+$0x2A10];
	v3 =	vadd.f32 v49, v3;
	v49 =	vmul.f32 v21, v21;
	v11 =	vadd.f32 v11, v9  }
0x23f: {  	v33 =	vadd.f32 v56, v33;
	v9 =	vld [tilespmem:s19+$0x69F0];
	v21 =	vmul.f32 v12, v21;
	v56 =	vmul.f32 v12, v12  }
0x240: {  	v12 =	vld [tilespmem:s19+$0x6A20];
	v34 =	vadd.f32 v53, v3;
	v52 =	vadd.f32 v50, v49;
	v53 =	vmul.f32 v29, v29  }
0x241: {  	v3 =	vld [tilespmem:s19+$0x6990];
	v19 =	vadd.f32 v61, v11;
	v21 =	vadd.f32 v30, v21;
	v29 =	vmul.f32 v18, v29  }
0x242: {  	v11 =	vld [tilespmem:s19+$0x6A10];
	v18 =	vmul.f32 v18, v18;
	v34 =	vadd.f32 v54, v34;
	v54 =	vmul.f32 v7, v7  }
0x243: {  	v49 =	vld [tilespmem:s19+$0x2A30];
	v61 =	vmul.f32 v28, v28;
	v50 =	vmul.f32 v42, v42;
	v21 =	vadd.f32 v29, v21;
	v62, _, _ =	vpop (xrf2)  }
0x244: {  	v7 =	vld [tilespmem:s19+$0x69D0];
	v34 =	vadd.f32 v59, v34;
	v13 =	vbroadcast v62, $0xF;
	v35 =	vadd.f32 v54, v41  }
0x245: {  	v29 =	vld [tilespmem:s19+$0x2A40];
	v59 =	vmul.f32 v17, v17;
	v62 =	vmul.f32 v24, v24;
	v17 =	vadd.f32 v60, v36  }
0x246: {  	v63, _, _ =	vpop (xrf2);
	v41 =	vld [tilespmem:s19+$0x29F0];
	v54 =	vmul.f32 v26, v26;
	v60 =	vmul.f32 v28, v24;
	(xrf2) =	vadd.scan.msk.f32 $0xffff, v34;
	v34 =	vadd.f32 v53, v52  }
0x247: {  	v28 =	vld [tilespmem:s19+$0x2A60];
	v26 =	vmul.f32 v20, v26;
	v48 =	vbroadcast v63, $0xF;
	v63 =	vadd.f32 v59, v35  }
0x248: {  	v20 =	vmul.f32 v20, v20;
	v13 =	vsel vm7, v45, v13;
	v45 =	vld [tilespmem:s19+$0x29E0];
	(xrf2) =	vadd.scan.msk.f32 $0xffff, v8;
	v57 =	vadd.f32 v55, v34  }
0x249: {  	v18 =	vadd.f32 v18, v17;
	v17 =	vld [tilespmem:s19+$0x6A60];
	v16 =	vadd.f32 v16, v63;
	v63 =	vmul.f32 v32, v32  }
0x24a: {  	v38 =	vsel vm7, v43, v48;
	v43 =	vld [tilespmem:s19+$0x29D0];
	v14 =	vadd.f32 v58, v57;
	v57 =	vmul.f32 v15, v25  }
0x24b: {  	v8 =	vld [tilespmem:s19+$0x69E0];
	v58 =	vadd.f32 v56, v33;
	v15 =	vmul.f32 v15, v15;
	v34 =	vadd.f32 v63, v18  }
0x24c: {  	v52 =	vmul.f32 v31, v31;
	v48 =	vld [tilespmem:s19+$0x2A20];
	v14 =	vadd.f32 v62, v14;
	v21 =	vadd.f32 v57, v21  }
0x24d: {  	v33 =	vld [tilespmem:s19+$0x2A50];
	v56 =	vmul.f32 v4, v40;
	v24 =	vadd.f32 v15, v19;
	v30 =	vadd.f32 v23, v58  }
0x24e: {  	v18 =	vld [tilespmem:s19+$0x6A90];
	v62 =	vmul.f32 v32, v31;
	v31 =	vadd.f32 v61, v16;
	v14 =	vadd.f32 v52, v14  }
0x24f: {  	v15 =	vld [tilespmem:s19+$0x6A50];
	v58 =	vmul.f32 v37, v37;
	v61 =	vmul.f32 v46, v46;
	v59 =	vadd.f32 v27, v21  }
0x250: {  	v32 =	vld [tilespmem:s19+$0x2A70];
	v63 =	vmul.f32 v43, v43;
	v52 =	vmul.f32 v2, v42;
	v14 =	vadd.f32 v54, v14  }
0x251: {  	v19 =	vld [tilespmem:s19+$0x6A70];
	v51, _, _ =	vpop (xrf2);
	v21 =	vadd.f32 v60, v59;
	v54 =	vmul.f32 v40, v40;
	v60 =	vmul.f32 v5, v37  }
0x252: {  	v36 =	vadd.f32 v20, v24;
	v20 =	vld [tilespmem:s19+$0x6AA0];
	v35 =	vbroadcast v51, $0xF;
	v53, _, _ =	vpop (xrf2);
	v51 =	vmul.f32 v39, v39  }
0x253: {  	v42 =	vld [tilespmem:s19+$0x2AB0];
	v55 =	vbroadcast v53, $0xF;
	v53 =	vmul.f32 v3, v39  }
0x254: {  	v37 =	vld [tilespmem:s19+$0x2A90];
	(xrf2) =	vadd.scan.msk.f32 $0xffff, v14;
	v21 =	vadd.f32 v62, v21;
	v62 =	vmul.f32 v6, v46;
	v46 =	vmul.f32 v7, v43  }
0x255: {  	v40 =	vld [tilespmem:s19+$0x2AA0];
	v16 =	vadd.f32 v51, v50;
	v50 =	vmul.f32 v45, v45;
	v51 =	vmul.f32 v44, v44  }
0x256: {  	v14 =	vld [tilespmem:s19+$0x6A40];
	v35 =	vsel vm8, v13, v35;
	v44 =	vmul.f32 v10, v44;
	v45 =	vmul.f32 v8, v45  }
0x257: {  	v25 =	vsel vm8, v38, v55;
	v55 =	vadd.f32 v53, v52;
	v38 =	vld [tilespmem:s19+$0x2A80];
	v52 =	vmul.f32 v47, v47  }
0x258: {  	v39 =	vadd.f32 v26, v21;
	v53 =	vmul.f32 v11, v47;
	v57 =	vadd.f32 v54, v16;
	v16 =	vld [tilespmem:s19+$0x6A80]  }
0x259: {  	v13 =	vld [tilespmem:s19+$0x6A30];
	v54 =	vmul.f32 v48, v48;
	v22 =	vadd.f32 v56, v55;
	v27 =	vadd.f32 v52, v51  }
0x25a: {  	v47 =	vld [tilespmem:s19+$0x2AC0];
	v44 =	vadd.f32 v53, v44;
	v55 =	vmul.f32 v12, v48;
	v21 =	vadd.f32 v58, v57  }
0x25b: {  	v48 =	vld [tilespmem:s19+$0x2AD0];
	v57 =	vmul.f32 v49, v49;
	v22 =	vadd.f32 v60, v22;
	v56 =	vadd.f32 v54, v27  }
0x25c: {  	v52 =	vld [tilespmem:s19+$0x2AF0];
	v58 =	vmul.f32 v41, v41;
	v44 =	vadd.f32 v55, v44;
	v21 =	vadd.f32 v61, v21  }
0x25d: {  	v54 =	vmul.f32 v38, v38;
	v27 =	vadd.f32 v57, v56;
	v56 =	vmul.f32 v16, v38;
	v38 =	vld [tilespmem:s19+$0x2B10]  }
0x25e: {  	v55 =	vmul.f32 v37, v37;
	v57 =	vmul.f32 v17, v28;
	v23 =	vadd.f32 v63, v21;
	v21 =	vld [tilespmem:s19+$0x6AB0];
	v59, _, _ =	vpop (xrf2)  }
0x25f: {  	v22 =	vadd.f32 v62, v22;
	v63 =	vmul.f32 v28, v28;
	v28 =	vld [tilespmem:s19+$0x6B10];
	v26 =	vbroadcast v59, $0xF  }
0x260: {  	v41 =	vmul.f32 v9, v41;
	v43 =	vadd.f32 v55, v54;
	v54 =	vld [tilespmem:s19+$0x2B30];
	v59 =	vmul.f32 v13, v49  }
0x261: {  	v24 =	vadd.f32 v46, v22;
	v22 =	vld [tilespmem:s19+$0x6AC0];
	v35 =	vsel vm9, v35, v26;
	v26 =	vadd.f32 v50, v23  }
0x262: {  	v49 =	vld [tilespmem:s19+$0x2AE0];
	v50 =	vmul.f32 v29, v29;
	v60 =	vadd.f32 v59, v44;
	v29 =	vmul.f32 v14, v29  }
0x263: {  	v37 =	vmul.f32 v18, v37;
	v62 =	vmul.f32 v33, v33;
	v45 =	vadd.f32 v45, v24;
	v24 =	vld [tilespmem:s19+$0x6AE0]  }
0x264: {  	v33 =	vmul.f32 v15, v33;
	v23 =	vld [tilespmem:s19+$0x6AD0];
	v61 =	vadd.f32 v50, v27;
	v29 =	vadd.f32 v29, v60  }
0x265: {  	v59 =	vmul.f32 v20, v40;
	v44 =	vld [tilespmem:s19+$0x2B20];
	v53 =	vadd.f32 v41, v45;
	v51 =	vadd.f32 v58, v26  }
0x266: {  	v45 =	vld [tilespmem:s19+$0x2B00];
	v58 =	vmul.f32 v40, v40;
	v41 =	vadd.f32 v62, v61;
	v29 =	vadd.f32 v33, v29  }
0x267: {  	v27 =	vld [tilespmem:s19+$0x6AF0];
	v33 =	vadd.f32 v37, v56;
	v61 =	vmul.f32 v42, v42;
	v62 =	vmul.f32 v32, v32  }
0x268: {  	v26 =	vld [tilespmem:s19+$0x6B00];
	v43 =	vadd.f32 v58, v43;
	v58 =	vmul.f32 v47, v47;
	v56 =	vmul.f32 v38, v38  }
0x269: {  	v40 =	vld [tilespmem:s19+$0x2B80];
	v41 =	vadd.f32 v63, v41;
	v33 =	vadd.f32 v59, v33;
	v63 =	vmul.f32 v21, v42  }
0x26a: {  	v60 =	vadd.f32 v57, v29;
	v29 =	vld [tilespmem:s19+$0x6B20];
	v57 =	vmul.f32 v19, v32;
	v43 =	vadd.f32 v61, v43  }
0x26b: {  	v38 =	vmul.f32 v28, v38;
	v32 =	vld [tilespmem:s19+$0x6B30];
	v59 =	vmul.f32 v22, v47;
	v37 =	vadd.f32 v63, v33  }
0x26c: {  	v47 =	vld [tilespmem:s19+$0x2B40];
	v61 =	vmul.f32 v48, v48;
	v55 =	vadd.f32 v57, v60;
	v60 =	vadd.f32 v58, v43  }
0x26d: {  	v50 =	vadd.f32 v62, v41;
	v33 =	vld [tilespmem:s19+$0x6B40];
	v62 =	vmul.f32 v23, v48;
	v37 =	vadd.f32 v59, v37  }
0x26e: {  	v63 =	vmul.f32 v49, v49;
	v41 =	vld [tilespmem:s19+$0x2B90];
	v42 =	vadd.f32 v61, v60;
	v60 =	vmul.f32 v45, v45  }
0x26f: {  	(xrf2) =	vadd.scan.msk.f32 $0xffff, v39;
	v39 =	vmul.f32 v40, v40;
	v57 =	vld [tilespmem:s19+$0x2B50];
	v61 =	vmul.f32 v26, v45;
	v46 =	vadd.f32 v62, v37  }
0x270: {  	v45 =	vadd.f32 v63, v42;
	v43 =	vadd.f32 v56, v60;
	v62 =	vmul.f32 v44, v44;
	v42 =	vld [tilespmem:s19+$0x2BA0]  }
0x271: {  	v49 =	vmul.f32 v24, v49;
	v58 =	vmul.f32 v54, v54;
	v59 =	vld [tilespmem:s19+$0x2B60]  }
0x272: {  	v38 =	vadd.f32 v38, v61;
	v44 =	vmul.f32 v29, v44;
	v48 =	vadd.f32 v62, v43;
	v43 =	vld [tilespmem:s19+$0x2BB0]  }
0x273: {  	v56 =	vmul.f32 v52, v52;
	v37 =	vld [tilespmem:s19+$0x6B50];
	v49 =	vadd.f32 v49, v46;
	v46 =	vmul.f32 v41, v41  }
0x274: {  	v54 =	vmul.f32 v32, v54;
	v63 =	vmul.f32 v47, v47;
	v60 =	vadd.f32 v44, v38;
	v44 =	vld [tilespmem:s19+$0x2BC0]  }
0x275: {  	v38 =	vld [tilespmem:s19+$0x6B60];
	v56 =	vadd.f32 v56, v45;
	v39 =	vadd.f32 v46, v39;
	v61 =	vmul.f32 v42, v42  }
0x276: {  	v47 =	vmul.f32 v33, v47;
	v45 =	vld [tilespmem:s19+$0x2BD0];
	v48 =	vadd.f32 v58, v48;
	v54 =	vadd.f32 v54, v60  }
0x277: {  	v4 =	vmul.f32 v4, v4;
	v58 =	vld [tilespmem:s19+$0x2B70];
	v60 =	vadd.f32 v61, v39;
	v61 =	vmul.f32 v43, v43  }
0x278: {  	v46 =	vld [tilespmem:s19+$0x2BE0];
	v48 =	vadd.f32 v63, v48;
	v47 =	vadd.f32 v47, v54;
	v54 =	vmul.f32 v57, v57  }
0x279: {  	v62 =	vmul.f32 v59, v59;
	v39 =	vld [tilespmem:s19+$0x6B70];
	v60 =	vadd.f32 v61, v60;
	v61 =	vmul.f32 v44, v44  }
0x27a: {  	(xrf2) =	vadd.scan.msk.f32 $0xffff, v51;
	v57 =	vmul.f32 v37, v57;
	v63 =	vmul.f32 v38, v59;
	v48 =	vadd.f32 v54, v48;
	v54 =	vld [tilespmem:s19+$0x2BF0]  }
0x27b: {  	(xrf2) =	vadd.scan.msk.f32 $0xffff, v53;
	v52 =	vmul.f32 v27, v52;
	v60 =	vadd.f32 v61, v60;
	v61 =	vmul.f32 v45, v45  }
0x27c: {  	(xrf2) =	vadd.scan.msk.f32 $0xffff, v50;
	v47 =	vadd.f32 v57, v47;
	v48 =	vadd.f32 v62, v48;
	v62 =	vmul.f32 v58, v58  }
0x27d: {  	(xrf2) =	vadd.scan.msk.f32 $0xffff, v55;
	v49 =	vadd.f32 v52, v49;
	v59 =	vmul.f32 v46, v46;
	v57 =	vadd.f32 v61, v60  }
0x27e: {  	(xrf2) =	vadd.scan.msk.f32 $0xffff, v56;
	v47 =	vadd.f32 v63, v47;
	v63, _, _ =	vpop (xrf2);
	v48 =	vadd.f32 v62, v48;
	v61 =	vmul.f32 v39, v58  }
0x27f: {  	(xrf2) =	vadd.scan.msk.f32 $0xffff, v49;
	v60 =	vbroadcast v63, $0xF;
	v63 =	vmul.f32 v54, v54;
	v62 =	vadd.f32 v59, v57  }
0x280: {  	v4 =	vadd.f32 v4, v34;
	v3 =	vmul.f32 v3, v3;
	(xrf2) =	vadd.scan.msk.f32 $0xffff, v48;
	v47 =	vadd.f32 v61, v47  }
0x281: {  	v2 =	vmul.f32 v2, v2;
	v5 =	vmul.f32 v5, v5;
	v52 =	vadd.f32 v63, v62  }
0x282: {  	v7 =	vmul.f32 v7, v7;
	v8 =	vmul.f32 v8, v8;
	v3 =	vadd.f32 v3, v31;
	(xrf2) =	vadd.scan.msk.f32 $0xffff, v47  }
0x283: {  	v2 =	vadd.f32 v2, v30;
	v6 =	vmul.f32 v6, v6;
	v11 =	vmul.f32 v11, v11;
	(xrf2) =	vadd.scan.msk.f32 $0xffff, v52  }
0x284: {  	v4 =	vadd.f32 v8, v4;
	v3 =	vadd.f32 v7, v3;
	v12 =	vmul.f32 v12, v12;
	v53, _, _ =	vpop (xrf2)  }
0x285: {  	v5 =	vadd.f32 v5, v36;
	v36 =	vmul.f32 v17, v17;
	v2 =	vadd.f32 v6, v2;
	v56, _, _ =	vpop (xrf2)  }
0x286: {  	v31 =	vmul.f32 v14, v14;
	v3 =	vadd.f32 v11, v3;
	v4 =	vadd.f32 v12, v4;
	v58, _, _ =	vpop (xrf2)  }
0x287: {  	v18 =	vmul.f32 v18, v18;
	v15 =	vmul.f32 v15, v15;
	v14 =	vld [tilespmem:s19+$0x6B80];
	v25 =	vsel vm9, v25, v60;
	v61, _, _ =	vpop (xrf2)  }
0x288: {  	v4 =	vadd.f32 v36, v4;
	v57 =	vbroadcast v53, $0xF;
	v59 =	vbroadcast v56, $0xF;
	v62, _, _ =	vpop (xrf2)  }
0x289: {  	v3 =	vadd.f32 v15, v3;
	v8 =	vbroadcast v58, $0xF;
	v63 =	vmul.f32 v13, v13;
	v13, _, _ =	vpop (xrf2)  }
0x28a: {  	v7 =	vsel vm10, v35, v57;
	v6 =	vsel vm10, v25, v59;
	v34 =	vbroadcast v62, $0xF;
	v25, _, _ =	vpop (xrf2)  }
0x28b: {  	v11 =	vld [tilespmem:s19+$0x6B90];
	v55 =	vmul.f32 v9, v9;
	v7 =	vsel vm11, v7, v8;
	v35 =	vbroadcast v25, $0xF  }
0x28c: {  	v51 =	vmul.f32 v14, v40;
	v40 =	vmul.f32 v27, v27;
	v7 =	vsel vm12, v7, v34;
	v25, _, _ =	vpop (xrf2)  }
0x28d: {  	v5 =	vadd.f32 v55, v5;
	v60 =	vmul.f32 v10, v10;
	v8 =	vld [tilespmem:s19+$0x6BA0];
	v7 =	vsel vm13, v7, v35;
	v48, _, _ =	vpop (xrf2)  }
0x28e: {  	v53 =	vmul.f32 v16, v16;
	v47 =	vmul.f32 v19, v19;
	v7 =	vsel vm14, v7, v48  }
0x28f: {  	v10 =	vld [tilespmem:s19+$0x6BB0];
	v57 =	vmul.f32 v20, v20;
	v50 =	vshra.s32 v7, $0x1;
	v15 =	vmul.f32 $5.000000000e-01, v7  }
0x290: {  	v59 =	vmul.f32 v21, v21;
	v52 =	vmul.f32 v11, v41;
	v12 =	vsub.s32 $0x5F3759DF, v50  }
0x291: {  	v16 =	vld [tilespmem:s19+$0x6BC0];
	v2 =	vadd.f32 v60, v2;
	v49 =	vbroadcast v61, $0xF;
	v55 =	vmul.f32 v12, v15  }
0x292: {  	v5 =	vadd.f32 v63, v5;
	v17 =	vadd.f32 v52, v51;
	v56 =	vmul.f32 v8, v42  }
0x293: {  	v20 =	vld [tilespmem:s19+$0x6BD0];
	v2 =	vadd.f32 v31, v2;
	v4 =	vadd.f32 v57, v4;
	v30 =	vmul.f32 v12, v55  }
0x294: {  	v11 =	vmul.f32 v11, v11;
	v58 =	vmul.f32 v10, v43;
	v17 =	vadd.f32 v56, v17  }
0x295: {  	v60 =	vld [tilespmem:s19+$0x6BE0];
	v6 =	vsel vm11, v6, v49;
	v62 =	vmul.f32 v22, v22;
	v61 =	vsub.f32 $1.500000000e+00, v30  }
0x296: {  	v63 =	vmul.f32 v16, v44;
	v49 =	vmul.f32 v32, v32;
	v17 =	vadd.f32 v58, v17  }
0x297: {  	v31 =	vld [tilespmem:s19+$0x6BF0];
	v57 =	vmul.f32 v16, v16;
	v5 =	vadd.f32 v47, v5;
	v12 =	vmul.f32 v12, v61  }
0x298: {  	v47 =	vmul.f32 v29, v29;
	v34 =	vmul.f32 v20, v45;
	v17 =	vadd.f32 v63, v17  }
0x299: {  	v3 =	vadd.f32 v18, v3;
	v51 =	vmul.f32 v37, v37;
	v36 =	vmul.f32 v12, v15  }
0x29a: {  	v52 =	vmul.f32 v38, v38;
	v41 =	vmul.f32 v60, v46;
	v17 =	vadd.f32 v34, v17  }
0x29b: {  	v2 =	vadd.f32 v53, v2;
	v53 =	vmul.f32 v39, v39;
	v43 =	vmul.f32 v36, v12  }
0x29c: {  	v45 =	vmul.f32 v26, v26;
	v44 =	vmul.f32 v31, v54;
	v17 =	vadd.f32 v41, v17  }
0x29d: {  	v46 =	vmul.f32 v28, v28;
	v42 =	vbroadcast v13, $0xF;
	v13 =	vsub.f32 $1.500000000e+00, v43  }
0x29e: {  	v60 =	vmul.f32 v60, v60;
	v8 =	vmul.f32 v8, v8;
	v17 =	vadd.f32 v44, v17  }
0x29f: {  	v5 =	vadd.f32 v59, v5;
	v30 =	vmul.f32 v23, v23;
	v48 =	vmul.f32 v13, v12  }
0x2a0: {  	v2 =	vadd.f32 v62, v2;
	v59 =	vmul.f32 v10, v10;
	v35 =	vmul.f32 v24, v24;
	(xrf2) =	vadd.scan.msk.f32 $0xffff, v17  }
0x2a1: {  	v5 =	vadd.f32 v40, v5;
	v3 =	vadd.f32 v30, v3;
	v15 =	vmul.f32 v48, v15  }
0x2a2: {  	v2 =	vadd.f32 v45, v2;
	v4 =	vadd.f32 v35, v4;
	v50 =	vmul.f32 v33, v33  }
0x2a3: {  	v5 =	vadd.f32 v49, v5;
	v3 =	vadd.f32 v46, v3;
	v15 =	vmul.f32 v15, v48  }
0x2a4: {  	v6 =	vsel vm12, v6, v42;
	v4 =	vadd.f32 v47, v4;
	v2 =	vadd.f32 v50, v2  }
0x2a5: {  	v55 =	vmul.f32 v14, v14;
	v3 =	vadd.f32 v51, v3;
	v56 =	vsub.f32 $1.500000000e+00, v15  }
0x2a6: {  	v58 =	vmul.f32 v20, v20;
	v54 =	vbroadcast v25, $0xF;
	v4 =	vadd.f32 v52, v4  }
0x2a7: {  	v2 =	vadd.f32 v55, v2;
	v3 =	vadd.f32 v11, v3;
	v9 =	vmul.f32 v56, v48  }
0x2a8: {  	v5 =	vadd.f32 v53, v5;
	v6 =	vsel vm13, v6, v54;
	v4 =	vadd.f32 v8, v4  }
0x2a9: {  	v2 =	vadd.f32 v57, v2;
	v3 =	vadd.f32 v58, v3;
	v9 =	vmin.f32 v9, $9.999999950e+11  }
0x2aa: {  	v5 =	vadd.f32 v59, v5;
	v61 =	vmul.f32 v31, v31;
	v62, _, _ =	vpop (xrf2);
	v7 =	vmul.f32 v9, v7  }
0x2ab: {  	p0 =	sne.s32 s18, $0x3;
	v4 =	vadd.f32 v60, v4;
	v6 =	vsel vm14, v6, v62;
	v2 =	vadd.f32 v3, v2  }
.Ltmp1:
0x2ac: {  	v3 =	vadd.f32 v61, v5;
	v6 =	vadd.f32 v6, v6;
	v63 =	vmul.f32 v7, v9;
	(pc) =	sbr.rel @p0 .LBB2_5-.Ltmp1, $3  }
0x2ad: {  	v1 =	vadd.f32 v2, v1  }
0x2ae: {  	v2 =	vadd.f32 v3, v4;
	v3 =	vmul.f32 v9, v6;
	v0 =	vadd.f32 v63, v0;
	_ =	sdelay $0x1  }
0x2af: {  	s18 =	sadd.s32 $0x1, s18;
	v1 =	vadd.f32 v2, v1;
	v0 =	vsub.f32 v0, v3  }
0x2b0: {  	s17 =	sadd.s32 $0x1, s17  }
0x2b1: {  	p0 =	sne.s32 s17, $0x4  }
.Ltmp2:
0x2b2: {  	_ = 	snop;
	(pc) =	sbr.rel @p0 .LBB2_2-.Ltmp2, $1  }
0x2b3: {  	_ =	sdelay $0x3  }
0x2b4: {  	v0 =	vadd.f32 v1, v0;
	_ =	sdelay $0x1  }
0x2b5: {  	s16 =	sadd.s32 $0x1, s16;
	v0 =	vmul.f32 $3.051757810e-05, v0  }
0x2b6: {  	p0 =	sne.s32 s16, s14  }
.Ltmp3:
0x2b7: {  	[tilespmem:$0x8400] =	vst v0;
	(pc) =	sbr.rel @p0 .LBB2_1-.Ltmp3, $4  }
0x2b8: {  	[hbm4b:s13+s3] =	stream.linear.scatter [tilespmem:s0], [sflag:$0x6], $0x80, $0x38;
	[tilespmem:$0x8480] =	vst v63  }
0x2b9: {  	_ =	swait.ge [sflag:s15], $0x80  }
0x2ba: {  	[sflag:s15] =	ssyncset.done $0x0  }
0x2bb: {  	[sflag:s15] =	ssyncadd.s32 $0xFFFFFF80  }
0x2bc: {  	_ =	sfence.sel $0x180000  }
0x2bd: {  	[bflag:$0x0] =	sbarrier.arrive $0xFFFF  }
0x2be: {  	_ =	strace $0x90000047  }
0x2bf: {  	s0 =	stileid.u32;
	[bflag:$0x2] =	sbarrier.arrive $0xFFFF  }
0x2c0: {  	p0 =	sne.s32 s0, $0x0;
	s0 =	rddreg [dreg:$0x4]  }
0x2c1: {  	s0 =	sadd.s32 @!p0 $0x100000, s0  }
0x2c2: {  	[sflag:s0] =	ssyncadd.tile.s32 @!p0 $0x1;
	_ =	shalt  }
.Lfunc_end2:
_tile_overlayer_lowered:
.L_overlay_start_2:
0x2c3: {  	(tag) =	ssettag $0x2  }
0x2c4: {  	s0 =	rddreg [dreg:$0x0];
	s2 =	stileid.u32  }
0x2c5: {  	s1 =	rddreg [dreg:$0x1];
	p0 =	sne.s32 s2, $0x0  }
0x2c6: {  	s3 =	rddreg [dreg:$0x2];
	[bflag:$0x3] =	sbarrier.arrive $0xFFFF;
	s2 =	simm.s32 @!p0 $0x1C06  }
0x2c7: {  	[timem:s3], [sflag:s2] =	dma.local @!p0 [hbm:s0], s1  }
0x2c8: {  	s0 =	simm.s32 @!p0 $0x6  }
0x2c9: {  	_ =	swait.ge @!p0 [sflag:s0], s1  }
0x2ca: {  	s1 =	ssub.s32 @!p0 $0x0, s1;
	[sflag:s0] =	ssyncset.done @!p0 $0x0  }
0x2cb: {  	[sflag:s0] =	ssyncadd.s32 @!p0 s1  }
0x2cc: {  	[bflag:$0x3] =	sbarrier.arrive $0xFFFF  }
0x2cd: {  	_ =	shalt  }

</sc_bundles>
